<compile_context>
chip_gen: v7x
topology: tpu7x:2x2x1
jax: 0.10.2.dev20260603
libtpu: 0.0.44.dev20260713+nightly
codegen_flags: <defaults>
</compile_context>

<pallas_src>
import numpy as np
import jax
import jax.numpy as jnp
from jax import lax
from jax.experimental import pallas as pl
from jax.experimental.pallas import tpu as pltpu
from jax.experimental.pallas import tpu_sc as plsc

_B = 4
_N = 16384
_C = 128
_NPOINT = 1024
_NSAMPLE = 64
_RADIUS = np.float32(0.4)
_R2 = np.float32(0.4 * 0.4)

_SIDE = 128

_NW = 32
_SPB = _NW // _B
_SEEDS_PER_W = _NPOINT // _SPB
_NCHUNK = _N // 16
_UNROLL = 16


def _fps_body(xyzt_ref, inds_ref, dists_ref):
    X = xyzt_ref[:, 0, :, :]
    Y = xyzt_ref[:, 1, :, :]
    Z = xyzt_ref[:, 2, :, :]
    row = lax.broadcasted_iota(jnp.int32, (_SIDE, _SIDE), 0)
    col = lax.broadcasted_iota(jnp.int32, (_SIDE, _SIDE), 1)
    iota2 = (row * _SIDE + col)[None]
    cols = lax.broadcasted_iota(jnp.int32, (1, _NPOINT), 1)
    l128 = lax.broadcasted_iota(jnp.int32, (1, _SIDE), 1)
    big = jnp.int32(1 << 30)
    dists_ref[...] = jnp.full((_B, _SIDE, _SIDE), 1e10, dtype=jnp.float32)

    def body(i, state):
        fara, farb, inds = state
        farcat = jnp.concatenate([fara, farb], axis=0).reshape(_B, 1)
        inds = inds + jnp.where(cols == i, farcat, 0)
        new_fars = []
        for g, far in ((0, fara), (1, farb)):
            sl = slice(2 * g, 2 * g + 2)
            Xg = X[sl]
            Yg = Y[sl]
            Zg = Z[sl]
            oh = iota2 == far
            cxyz = jnp.sum(jnp.where(oh[:, None], xyzt_ref[sl], 0.0),
                           axis=(2, 3), keepdims=True)
            cx = cxyz[:, 0]
            cy = cxyz[:, 1]
            cz = cxyz[:, 2]
            dx = Xg - cx
            dy = Yg - cy
            dz = Zg - cz
            d = dx * dx + dy * dy
            d = d + dz * dz
            dists = jnp.minimum(dists_ref[sl], d)
            dists_ref[sl] = dists
            m = jnp.max(dists, axis=(1, 2), keepdims=True)
            fnew = jnp.min(jnp.where(dists == m, iota2, big),
                           axis=(1, 2), keepdims=True)
            new_fars.append(fnew.astype(jnp.int32))
        return (new_fars[0], new_fars[1], inds)

    far0 = jnp.zeros((2, 1, 1), dtype=jnp.int32)
    inds0 = jnp.zeros((_B, _NPOINT), dtype=jnp.int32)
    _, _, inds_final = lax.fori_loop(0, _NPOINT, body, (far0, far0, inds0))
    inds_ref[...] = inds_final


def _sc_group_body(xyzt_hbm, inds_hbm, feat_hbm,
                   newxyz_hbm, gxyz_hbm, gfeat_hbm,
                   xv, yv, zv, indsv, sxv, syv, szv, nxv,
                   grpbuf, gidxa, gidxb, xyza, xyzb, rowa, rowb, sem, osem):
    cid = lax.axis_index("c")
    sid = lax.axis_index("s")
    wid = sid * 2 + cid
    b = wid // _SPB
    s0 = (wid % _SPB) * _SEEDS_PER_W
    bN = b * _N

    pltpu.sync_copy(xyzt_hbm.at[pl.ds((b * 3 + 0) * _N, _N)], xv)
    pltpu.sync_copy(xyzt_hbm.at[pl.ds((b * 3 + 1) * _N, _N)], yv)
    pltpu.sync_copy(xyzt_hbm.at[pl.ds((b * 3 + 2) * _N, _N)], zv)
    pltpu.sync_copy(inds_hbm.at[pl.ds(b * _NPOINT + s0, _SEEDS_PER_W)], indsv)

    iota16 = lax.broadcasted_iota(jnp.int32, (16,), 0)
    c0 = jnp.zeros((16,), jnp.int32)
    c1 = jnp.full((16,), 1, jnp.int32)
    c2 = jnp.full((16,), 2, jnp.int32)

    sxv[pl.ds(_SEEDS_PER_W, 16)] = jnp.zeros((16,), jnp.float32)
    syv[pl.ds(_SEEDS_PER_W, 16)] = jnp.zeros((16,), jnp.float32)
    szv[pl.ds(_SEEDS_PER_W, 16)] = jnp.zeros((16,), jnp.float32)

    for q in range(_SEEDS_PER_W // 16):
        iv = indsv[pl.ds(q * 16, 16)]
        sx = plsc.load_gather(xv, [iv])
        sy = plsc.load_gather(yv, [iv])
        sz = plsc.load_gather(zv, [iv])
        sxv[pl.ds(q * 16, 16)] = sx
        syv[pl.ds(q * 16, 16)] = sy
        szv[pl.ds(q * 16, 16)] = sz
        kvec3 = (iota16 + q * 16) * 3
        plsc.store_scatter(nxv, [kvec3 + c0], sx)
        plsc.store_scatter(nxv, [kvec3 + c1], sy)
        plsc.store_scatter(nxv, [kvec3 + c2], sz)
    pltpu.sync_copy(nxv, newxyz_hbm.at[pl.ds((b * _NPOINT + s0) * 3, _SEEDS_PER_W * 3)])

    def build(t, gidx_ref, xyzb_ref):
        qb = (t // 16) * 16
        lane = t - qb
        lm = iota16 == lane
        sxt = jnp.sum(jnp.where(lm, sxv[pl.ds(qb, 16)], 0.0))
        syt = jnp.sum(jnp.where(lm, syv[pl.ds(qb, 16)], 0.0))
        szt = jnp.sum(jnp.where(lm, szv[pl.ds(qb, 16)], 0.0))

        def cond(st):
            j, offv = st
            return jnp.logical_and(j < _NCHUNK,
                                   jnp.all(offv < _NSAMPLE))

        def sbody(st):
            j, offv = st
            acc = offv - 1
            for u in range(_UNROLL):
                base = (j + u) * 16
                xs = xv[pl.ds(base, 16)]
                ys = yv[pl.ds(base, 16)]
                zs = zv[pl.ds(base, 16)]
                dx = xs - sxt
                dy = ys - syt
                dz = zs - szt
                d = dx * dx + dy * dy
                d = d + dz * dz
                m = d <= _R2
                pos = plsc.cumsum(m.astype(jnp.int32)) + acc
                plsc.store_scatter(grpbuf, [pos], iota16 + base, mask=m)
                acc = acc + plsc.all_reduce_population_count(m)
            return (j + _UNROLL, acc + 1)

        _, offv = lax.while_loop(
            cond, sbody, (jnp.int32(0), jnp.zeros((16,), jnp.int32)))
        total = jnp.max(offv)

        f16 = grpbuf[pl.ds(0, 16)]
        first = jnp.sum(jnp.where(iota16 == 0, f16, 0))

        for c in range(_NSAMPLE // 16):
            kvec = iota16 + c * 16
            g = grpbuf[pl.ds(c * 16, 16)]
            g = jnp.where(kvec < total, g, first)
            gx = plsc.load_gather(xv, [g])
            gy = plsc.load_gather(yv, [g])
            gz = plsc.load_gather(zv, [g])
            kvec3 = kvec * 3
            plsc.store_scatter(xyzb_ref, [kvec3 + c0], (gx - sxt) / _RADIUS)
            plsc.store_scatter(xyzb_ref, [kvec3 + c1], (gy - syt) / _RADIUS)
            plsc.store_scatter(xyzb_ref, [kvec3 + c2], (gz - szt) / _RADIUS)
            gidx_ref[pl.ds(c * 16, 16)] = g + bN

    def feat_dst(t):
        s = b * _NPOINT + s0 + t
        return gfeat_hbm.at[pl.ds(s * _NSAMPLE, _NSAMPLE), :]

    def xyz_out(t, xyzb_ref):
        s = b * _NPOINT + s0 + t
        pltpu.sync_copy(xyzb_ref, gxyz_hbm.at[pl.ds(s * _NSAMPLE * 3, _NSAMPLE * 3)])

    build(0, gidxa, xyza)
    pltpu.async_copy(feat_hbm.at[gidxa], rowa, sem)
    pltpu.async_copy(feat_hbm.at[pl.ds(0, _NSAMPLE), :], rowb, osem)

    def pair(i, carry):
        t0 = 2 * i
        build(t0 + 1, gidxb, xyzb)
        pltpu.make_async_copy(feat_hbm.at[gidxa], rowa, sem).wait()
        pltpu.make_async_copy(rowb, feat_dst(t0 + 1), osem).wait()
        pltpu.async_copy(feat_hbm.at[gidxb], rowb, sem)
        pltpu.async_copy(rowa, feat_dst(t0), osem)
        xyz_out(t0, xyza)
        build(t0 + 2, gidxa, xyza)
        pltpu.make_async_copy(feat_hbm.at[gidxb], rowb, sem).wait()
        pltpu.make_async_copy(rowa, feat_dst(t0), osem).wait()
        pltpu.async_copy(feat_hbm.at[gidxa], rowa, sem)
        pltpu.async_copy(rowb, feat_dst(t0 + 1), osem)
        xyz_out(t0 + 1, xyzb)
        return carry

    lax.fori_loop(0, _SEEDS_PER_W // 2, pair, jnp.int32(0))
    pltpu.make_async_copy(rowb, feat_dst(_SEEDS_PER_W - 1), osem).wait()
    pltpu.make_async_copy(feat_hbm.at[gidxa], rowa, sem).wait()


def kernel(xyz, isPainted, features):
    xyzt = xyz.transpose(0, 2, 1).reshape(_B, 3, _SIDE, _SIDE)

    inds = pl.pallas_call(
        _fps_body,
        out_shape=jax.ShapeDtypeStruct((_B, _NPOINT), jnp.int32),
        scratch_shapes=[pltpu.VMEM((_B, _SIDE, _SIDE), jnp.float32)],
    )(xyzt)

    xyztflat = xyzt.reshape(_B * 3 * _N)
    indsflat = inds.reshape(_B * _NPOINT)
    featflat = features.reshape(_B * _N, _C)

    mesh = plsc.VectorSubcoreMesh(core_axis_name="c", subcore_axis_name="s")
    newxyz, gxyz, gfeat = pl.kernel(
        _sc_group_body,
        out_type=[
            jax.ShapeDtypeStruct((_B * _NPOINT * 3,), jnp.float32),
            jax.ShapeDtypeStruct((_B * _NPOINT * _NSAMPLE * 3,), jnp.float32),
            jax.ShapeDtypeStruct((_B * _NPOINT * _NSAMPLE, _C), jnp.float32),
        ],
        mesh=mesh,
        compiler_params=pltpu.CompilerParams(needs_layout_passes=False),
        scratch_types=[
            pltpu.VMEM((_N,), jnp.float32),
            pltpu.VMEM((_N,), jnp.float32),
            pltpu.VMEM((_N,), jnp.float32),
            pltpu.VMEM((_SEEDS_PER_W,), jnp.int32),
            pltpu.VMEM((_SEEDS_PER_W + 16,), jnp.float32),
            pltpu.VMEM((_SEEDS_PER_W + 16,), jnp.float32),
            pltpu.VMEM((_SEEDS_PER_W + 16,), jnp.float32),
            pltpu.VMEM((_SEEDS_PER_W * 3,), jnp.float32),
            pltpu.VMEM((320,), jnp.int32),
            pltpu.VMEM((_NSAMPLE,), jnp.int32),
            pltpu.VMEM((_NSAMPLE,), jnp.int32),
            pltpu.VMEM((_NSAMPLE * 3,), jnp.float32),
            pltpu.VMEM((_NSAMPLE * 3,), jnp.float32),
            pltpu.VMEM((_NSAMPLE, _C), jnp.float32),
            pltpu.VMEM((_NSAMPLE, _C), jnp.float32),
            pltpu.SemaphoreType.DMA,
            pltpu.SemaphoreType.DMA,
        ],
    )(xyztflat, indsflat, featflat)

    newxyz = newxyz.reshape(_B, _NPOINT, 3)
    gxyz = gxyz.reshape(_B, _NPOINT, _NSAMPLE, 3)
    gfeat = gfeat.reshape(_B, _NPOINT, _NSAMPLE, _C)
    grouped = jnp.concatenate([gxyz, gfeat], axis=-1)
    return (newxyz, inds, grouped, isPainted)

# --- scband reference (transcript-rebuilt; emitter-appended) ---
"""Pipeline reference for scband-sampling-and-grouping-68195490726012 (READ-ONLY COPY).

The authoritative reference and input builder live on the scoring server;
editing this copy changes nothing except your own understanding.
"""

import jax, jax.numpy as jnp
import numpy as np

NPOINT = 1024
RADIUS = 0.4
NSAMPLE = 64
USE_XYZ = True
NORMALIZE_XYZ = True


def _gather(points, idx):
    # points: (B, N, D); idx: (B, ...) int -> (B, ..., D)
    return jax.vmap(lambda p, i: p[i])(points, idx)


def _farthest_point_sample(xyz, npoint):
    B, N, _ = xyz.shape
    inds0 = jnp.zeros((B, npoint), dtype=jnp.int32)
    dists0 = jnp.full((B, N), 1e10, dtype=xyz.dtype)
    far0 = jnp.zeros((B,), dtype=jnp.int32)

    def body(i, state):
        dists, inds, far = state
        inds = inds.at[:, i].set(far)
        centroid = _gather(xyz, far[:, None])  # (B, 1, 3)
        d = jnp.sum((xyz - centroid) ** 2, axis=-1)  # (B, N)
        dists = jnp.minimum(dists, d)
        far = jnp.argmax(dists, axis=-1).astype(jnp.int32)
        return (dists, inds, far)

    _, inds, _ = jax.lax.fori_loop(0, npoint, body, (dists0, inds0, far0))
    return inds


def _ball_query(radius, nsample, xyz, new_xyz):
    B, N, _ = xyz.shape
    S = new_xyz.shape[1]
    sqrdists = jnp.sum((new_xyz[:, :, None, :] - xyz[:, None, :, :]) ** 2, axis=-1)  # (B, S, N)
    grp = jnp.broadcast_to(jnp.arange(N, dtype=jnp.int32), (B, S, N))
    grp = jnp.where(sqrdists > radius * radius, N, grp)
    grp = jnp.sort(grp, axis=-1)[:, :, :nsample]
    first = grp[:, :, :1]
    grp = jnp.where(grp == N, first, grp)
    return grp.astype(jnp.int32)


def setup_inputs(seed: int = 0) -> dict:
    key = jax.random.key(seed)
    k1, k2, k3 = jax.random.split(key, 3)
    xyz = jax.random.uniform(k1, (4, 16384, 3), dtype=jnp.float32) * 2.0 - 1.0
    isPainted = jax.random.randint(k2, (4, 16384), 0, 2, dtype=jnp.int32)
    features = jax.random.normal(k3, (4, 16384, 128), dtype=jnp.float32)
    return {"xyz": xyz, "isPainted": isPainted, "features": features}


def reference(xyz, isPainted, features):
    # 1) Farthest point sampling -> seed indices
    inds = _farthest_point_sample(xyz, NPOINT)  # (B, npoint)
    # 2) Gather seed coordinates
    new_xyz = _gather(xyz, inds)  # (B, npoint, 3)
    # 3) Ball query around each seed
    grp_idx = _ball_query(RADIUS, NSAMPLE, xyz, new_xyz)  # (B, npoint, nsample)
    # 4) Group xyz (recentered, optionally normalized) and features
    grouped_xyz = _gather(xyz, grp_idx) - new_xyz[:, :, None, :]
    if NORMALIZE_XYZ:
        grouped_xyz = grouped_xyz / RADIUS
    grouped_features = _gather(features, grp_idx)  # (B, npoint, nsample, C)
    if USE_XYZ:
        grouped_features = jnp.concatenate([grouped_xyz, grouped_features], axis=-1)
    return (new_xyz, inds, grouped_features, isPainted)

if __name__ == "__main__":
    import jax
    _d = setup_inputs()
    print(jax.jit(kernel)(*tuple(_d.values())))

</pallas_src>

<mosaic_0001>
#map = affine_map<(d0, d1) -> (0)>
#map1 = affine_map<(d0, d1) -> (0, 0)>
module attributes {stable_mosaic.version = 14 : i64} {
  func.func @_sc_group_body(%arg0: i32, %arg1: i32, %arg2: memref<196608xf32, #tpu.memory_space<hbm>>, %arg3: memref<4096xi32, #tpu.memory_space<hbm>>, %arg4: memref<65536x128xf32, #tpu.memory_space<hbm>>, %arg5: memref<12288xf32, #tpu.memory_space<hbm>>, %arg6: memref<786432xf32, #tpu.memory_space<hbm>>, %arg7: memref<262144x128xf32, #tpu.memory_space<hbm>>, %arg8: memref<16384xf32, #tpu.memory_space<vmem>>, %arg9: memref<16384xf32, #tpu.memory_space<vmem>>, %arg10: memref<16384xf32, #tpu.memory_space<vmem>>, %arg11: memref<128xi32, #tpu.memory_space<vmem>>, %arg12: memref<144xf32, #tpu.memory_space<vmem>>, %arg13: memref<144xf32, #tpu.memory_space<vmem>>, %arg14: memref<144xf32, #tpu.memory_space<vmem>>, %arg15: memref<384xf32, #tpu.memory_space<vmem>>, %arg16: memref<320xi32, #tpu.memory_space<vmem>>, %arg17: memref<64xi32, #tpu.memory_space<vmem>>, %arg18: memref<64xi32, #tpu.memory_space<vmem>>, %arg19: memref<192xf32, #tpu.memory_space<vmem>>, %arg20: memref<192xf32, #tpu.memory_space<vmem>>, %arg21: memref<64x128xf32, #tpu.memory_space<vmem>>, %arg22: memref<64x128xf32, #tpu.memory_space<vmem>>, %arg23: memref<!tpu.dma_semaphore, #tpu.memory_space<semaphore_mem>>, %arg24: memref<!tpu.dma_semaphore, #tpu.memory_space<semaphore_mem>>) attributes {dimension_semantics = [#tpu.dimension_semantics<core_parallel>, #tpu.dimension_semantics<subcore_parallel>], iteration_bounds = array<i64: 2, 16>, scalar_prefetch = 0 : i64, scratch_operands = 17 : i64, tpu.core_type = #tpu.core_type<sc_vector_subcore>, window_params = [{transform_indices = #map}, {transform_indices = #map}, {transform_indices = #map1}, {transform_indices = #map}, {transform_indices = #map}, {transform_indices = #map1}]} {
    %mul3A = arith.constant 2 : i32
    %mul3A_0 = arith.muli %arg1, %mul3A : i32
    %add3A = arith.addi %mul3A_0, %arg0 : i32
    %jit3A = arith.constant 8 : i32
    %div3A = arith.divsi %add3A, %jit3A : i32
    %sign3A = arith.constant 0 : i32
    %sign3A_1 = arith.cmpi sgt, %add3A, %sign3A : i32
    %sign3A_2 = arith.extui %sign3A_1 : i1 to i32
    %sign3A_3 = arith.constant 0 : i32
    %sign3A_4 = arith.cmpi slt, %add3A, %sign3A_3 : i32
    %sign3A_5 = arith.extui %sign3A_4 : i1 to i32
    %sign3A_6 = arith.subi %sign3A_2, %sign3A_5 : i32
    %sign3A_7 = arith.constant 0 : i32
    %sign3A_8 = arith.cmpi sgt, %jit3A, %sign3A_7 : i32
    %sign3A_9 = arith.extui %sign3A_8 : i1 to i32
    %sign3A_10 = arith.constant 0 : i32
    %sign3A_11 = arith.cmpi slt, %jit3A, %sign3A_10 : i32
    %sign3A_12 = arith.extui %sign3A_11 : i1 to i32
    %sign3A_13 = arith.subi %sign3A_9, %sign3A_12 : i32
    %ne3A = arith.cmpi ne, %sign3A_6, %sign3A_13 : i32
    %rem3A = arith.remsi %add3A, %jit3A : i32
    %ne3A_14 = arith.constant 0 : i32
    %ne3A_15 = arith.cmpi ne, %rem3A, %ne3A_14 : i32
    %and3A = arith.andi %ne3A, %ne3A_15 : i1
    %sub3A = arith.constant 1 : i32
    %sub3A_16 = arith.subi %div3A, %sub3A : i32
    %select_n3A = arith.select %and3A, %sub3A_16, %div3A : i32
    %jit3A_17 = arith.constant 8 : i32
    %eq3A = arith.constant 0 : i32
    %eq3A_18 = arith.cmpi eq, %jit3A_17, %eq3A : i32
    %jit3A_19 = arith.constant 1 : i32
    %select_n3A_20 = arith.select %eq3A_18, %jit3A_19, %jit3A_17 : i32
    %rem3A_21 = arith.remsi %add3A, %select_n3A_20 : i32
    %ne3A_22 = arith.constant 0 : i32
    %ne3A_23 = arith.cmpi ne, %rem3A_21, %ne3A_22 : i32
    %lt3A = arith.constant 0 : i32
    %lt3A_24 = arith.cmpi slt, %rem3A_21, %lt3A : i32
    %lt3A_25 = arith.constant 0 : i32
    %lt3A_26 = arith.cmpi slt, %select_n3A_20, %lt3A_25 : i32
    %ne3A_27 = arith.xori %lt3A_24, %lt3A_26 : i1
    %and3A_28 = arith.andi %ne3A_27, %ne3A_23 : i1
    %add3A_29 = arith.addi %rem3A_21, %select_n3A_20 : i32
    %select_n3A_30 = arith.select %and3A_28, %add3A_29, %rem3A_21 : i32
    %mul3A_31 = arith.constant 128 : i32
    %mul3A_32 = arith.muli %select_n3A_30, %mul3A_31 : i32
    %mul3A_33 = arith.constant 16384 : i32
    %mul3A_34 = arith.muli %select_n3A, %mul3A_33 : i32
    %mul3A_35 = arith.constant 3 : i32
    %mul3A_36 = arith.muli %select_n3A, %mul3A_35 : i32
    %add3A_37 = arith.constant 0 : i32
    %add3A_38 = arith.addi %mul3A_36, %add3A_37 : i32
    %mul3A_39 = arith.constant 16384 : i32
    %mul3A_40 = arith.muli %add3A_38, %mul3A_39 : i32
    "tpu.region"() ({
      %run_scoped3A = tpu.sem_alloc : memref<!tpu.dma_semaphore, #tpu.memory_space<semaphore_mem>>
      %dma_start3A_460 = tpu.memref_slice %arg2[%mul3A_40] : memref<196608xf32, #tpu.memory_space<hbm>> -> memref<16384xf32, #tpu.memory_space<hbm>>
      %dma_start3A_461 = tpu.memref_slice %arg2[%mul3A_40] : memref<196608xf32, #tpu.memory_space<hbm>> -> memref<16384xf32, #tpu.memory_space<hbm>>
      tpu.enqueue_dma source(%dma_start3A_461 : memref<16384xf32, #tpu.memory_space<hbm>>) target(%arg8 : memref<16384xf32, #tpu.memory_space<vmem>>) target_semaphore(%run_scoped3A : memref<!tpu.dma_semaphore, #tpu.memory_space<semaphore_mem>>)
      %dma_wait3A_462 = tpu.memref_slice %arg2[%mul3A_40] : memref<196608xf32, #tpu.memory_space<hbm>> -> memref<16384xf32, #tpu.memory_space<hbm>>
      %dma_wait3A_463 = tpu.memref_slice %arg2[%mul3A_40] : memref<196608xf32, #tpu.memory_space<hbm>> -> memref<16384xf32, #tpu.memory_space<hbm>>
      tpu.wait_dma2 semaphore(%run_scoped3A : memref<!tpu.dma_semaphore, #tpu.memory_space<semaphore_mem>>) src(%dma_wait3A_463 : memref<16384xf32, #tpu.memory_space<hbm>>) dst(%arg8 : memref<16384xf32, #tpu.memory_space<vmem>>)
      tpu.yield
    }) : () -> ()
    %mul3A_41 = arith.constant 3 : i32
    %mul3A_42 = arith.muli %select_n3A, %mul3A_41 : i32
    %add3A_43 = arith.constant 1 : i32
    %add3A_44 = arith.addi %mul3A_42, %add3A_43 : i32
    %mul3A_45 = arith.constant 16384 : i32
    %mul3A_46 = arith.muli %add3A_44, %mul3A_45 : i32
    "tpu.region"() ({
      %run_scoped3A = tpu.sem_alloc : memref<!tpu.dma_semaphore, #tpu.memory_space<semaphore_mem>>
      %dma_start3A_460 = tpu.memref_slice %arg2[%mul3A_46] : memref<196608xf32, #tpu.memory_space<hbm>> -> memref<16384xf32, #tpu.memory_space<hbm>>
      %dma_start3A_461 = tpu.memref_slice %arg2[%mul3A_46] : memref<196608xf32, #tpu.memory_space<hbm>> -> memref<16384xf32, #tpu.memory_space<hbm>>
      tpu.enqueue_dma source(%dma_start3A_461 : memref<16384xf32, #tpu.memory_space<hbm>>) target(%arg9 : memref<16384xf32, #tpu.memory_space<vmem>>) target_semaphore(%run_scoped3A : memref<!tpu.dma_semaphore, #tpu.memory_space<semaphore_mem>>)
      %dma_wait3A_462 = tpu.memref_slice %arg2[%mul3A_46] : memref<196608xf32, #tpu.memory_space<hbm>> -> memref<16384xf32, #tpu.memory_space<hbm>>
      %dma_wait3A_463 = tpu.memref_slice %arg2[%mul3A_46] : memref<196608xf32, #tpu.memory_space<hbm>> -> memref<16384xf32, #tpu.memory_space<hbm>>
      tpu.wait_dma2 semaphore(%run_scoped3A : memref<!tpu.dma_semaphore, #tpu.memory_space<semaphore_mem>>) src(%dma_wait3A_463 : memref<16384xf32, #tpu.memory_space<hbm>>) dst(%arg9 : memref<16384xf32, #tpu.memory_space<vmem>>)
      tpu.yield
    }) : () -> ()
    %mul3A_47 = arith.constant 3 : i32
    %mul3A_48 = arith.muli %select_n3A, %mul3A_47 : i32
    %add3A_49 = arith.constant 2 : i32
    %add3A_50 = arith.addi %mul3A_48, %add3A_49 : i32
    %mul3A_51 = arith.constant 16384 : i32
    %mul3A_52 = arith.muli %add3A_50, %mul3A_51 : i32
    "tpu.region"() ({
      %run_scoped3A = tpu.sem_alloc : memref<!tpu.dma_semaphore, #tpu.memory_space<semaphore_mem>>
      %dma_start3A_460 = tpu.memref_slice %arg2[%mul3A_52] : memref<196608xf32, #tpu.memory_space<hbm>> -> memref<16384xf32, #tpu.memory_space<hbm>>
      %dma_start3A_461 = tpu.memref_slice %arg2[%mul3A_52] : memref<196608xf32, #tpu.memory_space<hbm>> -> memref<16384xf32, #tpu.memory_space<hbm>>
      tpu.enqueue_dma source(%dma_start3A_461 : memref<16384xf32, #tpu.memory_space<hbm>>) target(%arg10 : memref<16384xf32, #tpu.memory_space<vmem>>) target_semaphore(%run_scoped3A : memref<!tpu.dma_semaphore, #tpu.memory_space<semaphore_mem>>)
      %dma_wait3A_462 = tpu.memref_slice %arg2[%mul3A_52] : memref<196608xf32, #tpu.memory_space<hbm>> -> memref<16384xf32, #tpu.memory_space<hbm>>
      %dma_wait3A_463 = tpu.memref_slice %arg2[%mul3A_52] : memref<196608xf32, #tpu.memory_space<hbm>> -> memref<16384xf32, #tpu.memory_space<hbm>>
      tpu.wait_dma2 semaphore(%run_scoped3A : memref<!tpu.dma_semaphore, #tpu.memory_space<semaphore_mem>>) src(%dma_wait3A_463 : memref<16384xf32, #tpu.memory_space<hbm>>) dst(%arg10 : memref<16384xf32, #tpu.memory_space<vmem>>)
      tpu.yield
    }) : () -> ()
    %mul3A_53 = arith.constant 1024 : i32
    %mul3A_54 = arith.muli %select_n3A, %mul3A_53 : i32
    %add3A_55 = arith.addi %mul3A_54, %mul3A_32 : i32
    "tpu.region"() ({
      %run_scoped3A = tpu.sem_alloc : memref<!tpu.dma_semaphore, #tpu.memory_space<semaphore_mem>>
      %dma_start3A_460 = tpu.memref_slice %arg3[%add3A_55] : memref<4096xi32, #tpu.memory_space<hbm>> -> memref<128xi32, #tpu.memory_space<hbm>>
      %dma_start3A_461 = tpu.memref_slice %arg3[%add3A_55] : memref<4096xi32, #tpu.memory_space<hbm>> -> memref<128xi32, #tpu.memory_space<hbm>>
      tpu.enqueue_dma source(%dma_start3A_461 : memref<128xi32, #tpu.memory_space<hbm>>) target(%arg11 : memref<128xi32, #tpu.memory_space<vmem>>) target_semaphore(%run_scoped3A : memref<!tpu.dma_semaphore, #tpu.memory_space<semaphore_mem>>)
      %dma_wait3A_462 = tpu.memref_slice %arg3[%add3A_55] : memref<4096xi32, #tpu.memory_space<hbm>> -> memref<128xi32, #tpu.memory_space<hbm>>
      %dma_wait3A_463 = tpu.memref_slice %arg3[%add3A_55] : memref<4096xi32, #tpu.memory_space<hbm>> -> memref<128xi32, #tpu.memory_space<hbm>>
      tpu.wait_dma2 semaphore(%run_scoped3A : memref<!tpu.dma_semaphore, #tpu.memory_space<semaphore_mem>>) src(%dma_wait3A_463 : memref<128xi32, #tpu.memory_space<hbm>>) dst(%arg11 : memref<128xi32, #tpu.memory_space<vmem>>)
      tpu.yield
    }) : () -> ()
    %iota3A = tpu.iota {dimensions = array<i32: 0>} : vector<16xi32>
    %broadcast_in_dim3A = arith.constant 0 : i32
    %broadcast_in_dim3A_56 = vector.broadcast %broadcast_in_dim3A : i32 to vector<16xi32>
    %broadcast_in_dim3A_57 = arith.constant 1 : i32
    %broadcast_in_dim3A_58 = vector.broadcast %broadcast_in_dim3A_57 : i32 to vector<16xi32>
    %broadcast_in_dim3A_59 = arith.constant 2 : i32
    %broadcast_in_dim3A_60 = vector.broadcast %broadcast_in_dim3A_59 : i32 to vector<16xi32>
    %broadcast_in_dim3A_61 = arith.constant 0.000000e+00 : f32
    %broadcast_in_dim3A_62 = vector.broadcast %broadcast_in_dim3A_61 : f32 to vector<16xf32>
    %swap3A = arith.constant 128 : index
    %swap3A_63 = tpu.vector_load %arg12[%swap3A] {strides = array<i32>} : memref<144xf32, #tpu.memory_space<vmem>>, vector<16xf32>,
    tpu.vector_store %arg12[%swap3A], %broadcast_in_dim3A_62 {strides = array<i32>} : memref<144xf32, #tpu.memory_space<vmem>>, vector<16xf32>,
    %broadcast_in_dim3A_64 = arith.constant 0.000000e+00 : f32
    %broadcast_in_dim3A_65 = vector.broadcast %broadcast_in_dim3A_64 : f32 to vector<16xf32>
    %swap3A_66 = arith.constant 128 : index
    %swap3A_67 = tpu.vector_load %arg13[%swap3A_66] {strides = array<i32>} : memref<144xf32, #tpu.memory_space<vmem>>, vector<16xf32>,
    tpu.vector_store %arg13[%swap3A_66], %broadcast_in_dim3A_65 {strides = array<i32>} : memref<144xf32, #tpu.memory_space<vmem>>, vector<16xf32>,
    %broadcast_in_dim3A_68 = arith.constant 0.000000e+00 : f32
    %broadcast_in_dim3A_69 = vector.broadcast %broadcast_in_dim3A_68 : f32 to vector<16xf32>
    %swap3A_70 = arith.constant 128 : index
    %swap3A_71 = tpu.vector_load %arg14[%swap3A_70] {strides = array<i32>} : memref<144xf32, #tpu.memory_space<vmem>>, vector<16xf32>,
    tpu.vector_store %arg14[%swap3A_70], %broadcast_in_dim3A_69 {strides = array<i32>} : memref<144xf32, #tpu.memory_space<vmem>>, vector<16xf32>,
    %get3A = arith.constant 0 : index
    %get3A_72 = tpu.vector_load %arg11[%get3A] {strides = array<i32>} : memref<128xi32, #tpu.memory_space<vmem>>, vector<16xi32>,
    %gather3A = tpu.vector_load_idx %arg8[%get3A_72] : memref<16384xf32, #tpu.memory_space<vmem>>[vector<16xi32>], vector<16xf32>,
    %gather3A_73 = tpu.vector_load_idx %arg9[%get3A_72] : memref<16384xf32, #tpu.memory_space<vmem>>[vector<16xi32>], vector<16xf32>,
    %gather3A_74 = tpu.vector_load_idx %arg10[%get3A_72] : memref<16384xf32, #tpu.memory_space<vmem>>[vector<16xi32>], vector<16xf32>,
    %swap3A_75 = arith.constant 0 : index
    %swap3A_76 = tpu.vector_load %arg12[%swap3A_75] {strides = array<i32>} : memref<144xf32, #tpu.memory_space<vmem>>, vector<16xf32>,
    tpu.vector_store %arg12[%swap3A_75], %gather3A {strides = array<i32>} : memref<144xf32, #tpu.memory_space<vmem>>, vector<16xf32>,
    %swap3A_77 = arith.constant 0 : index
    %swap3A_78 = tpu.vector_load %arg13[%swap3A_77] {strides = array<i32>} : memref<144xf32, #tpu.memory_space<vmem>>, vector<16xf32>,
    tpu.vector_store %arg13[%swap3A_77], %gather3A_73 {strides = array<i32>} : memref<144xf32, #tpu.memory_space<vmem>>, vector<16xf32>,
    %swap3A_79 = arith.constant 0 : index
    %swap3A_80 = tpu.vector_load %arg14[%swap3A_79] {strides = array<i32>} : memref<144xf32, #tpu.memory_space<vmem>>, vector<16xf32>,
    tpu.vector_store %arg14[%swap3A_79], %gather3A_74 {strides = array<i32>} : memref<144xf32, #tpu.memory_space<vmem>>, vector<16xf32>,
    %add3A_81 = arith.constant 0 : i32
    %add3A_82 = vector.broadcast %add3A_81 : i32 to vector<16xi32>
    %add3A_83 = arith.addi %iota3A, %add3A_82 : vector<16xi32>
    %mul3A_84 = arith.constant 3 : i32
    %mul3A_85 = vector.broadcast %mul3A_84 : i32 to vector<16xi32>
    %mul3A_86 = arith.muli %add3A_83, %mul3A_85 : vector<16xi32>
    %add3A_87 = arith.addi %mul3A_86, %broadcast_in_dim3A_56 : vector<16xi32>
    tpu.vector_store_idx %arg15[%add3A_87], %gather3A : memref<384xf32, #tpu.memory_space<vmem>>[vector<16xi32>], vector<16xf32>,
    %add3A_88 = arith.addi %mul3A_86, %broadcast_in_dim3A_58 : vector<16xi32>
    tpu.vector_store_idx %arg15[%add3A_88], %gather3A_73 : memref<384xf32, #tpu.memory_space<vmem>>[vector<16xi32>], vector<16xf32>,
    %add3A_89 = arith.addi %mul3A_86, %broadcast_in_dim3A_60 : vector<16xi32>
    tpu.vector_store_idx %arg15[%add3A_89], %gather3A_74 : memref<384xf32, #tpu.memory_space<vmem>>[vector<16xi32>], vector<16xf32>,
    %get3A_90 = arith.constant 16 : index
    %get3A_91 = tpu.vector_load %arg11[%get3A_90] {strides = array<i32>} : memref<128xi32, #tpu.memory_space<vmem>>, vector<16xi32>,
    %gather3A_92 = tpu.vector_load_idx %arg8[%get3A_91] : memref<16384xf32, #tpu.memory_space<vmem>>[vector<16xi32>], vector<16xf32>,
    %gather3A_93 = tpu.vector_load_idx %arg9[%get3A_91] : memref<16384xf32, #tpu.memory_space<vmem>>[vector<16xi32>], vector<16xf32>,
    %gather3A_94 = tpu.vector_load_idx %arg10[%get3A_91] : memref<16384xf32, #tpu.memory_space<vmem>>[vector<16xi32>], vector<16xf32>,
    %swap3A_95 = arith.constant 16 : index
    %swap3A_96 = tpu.vector_load %arg12[%swap3A_95] {strides = array<i32>} : memref<144xf32, #tpu.memory_space<vmem>>, vector<16xf32>,
    tpu.vector_store %arg12[%swap3A_95], %gather3A_92 {strides = array<i32>} : memref<144xf32, #tpu.memory_space<vmem>>, vector<16xf32>,
    %swap3A_97 = arith.constant 16 : index
    %swap3A_98 = tpu.vector_load %arg13[%swap3A_97] {strides = array<i32>} : memref<144xf32, #tpu.memory_space<vmem>>, vector<16xf32>,
    tpu.vector_store %arg13[%swap3A_97], %gather3A_93 {strides = array<i32>} : memref<144xf32, #tpu.memory_space<vmem>>, vector<16xf32>,
    %swap3A_99 = arith.constant 16 : index
    %swap3A_100 = tpu.vector_load %arg14[%swap3A_99] {strides = array<i32>} : memref<144xf32, #tpu.memory_space<vmem>>, vector<16xf32>,
    tpu.vector_store %arg14[%swap3A_99], %gather3A_94 {strides = array<i32>} : memref<144xf32, #tpu.memory_space<vmem>>, vector<16xf32>,
    %add3A_101 = arith.constant 16 : i32
    %add3A_102 = vector.broadcast %add3A_101 : i32 to vector<16xi32>
    %add3A_103 = arith.addi %iota3A, %add3A_102 : vector<16xi32>
    %mul3A_104 = arith.constant 3 : i32
    %mul3A_105 = vector.broadcast %mul3A_104 : i32 to vector<16xi32>
    %mul3A_106 = arith.muli %add3A_103, %mul3A_105 : vector<16xi32>
    %add3A_107 = arith.addi %mul3A_106, %broadcast_in_dim3A_56 : vector<16xi32>
    tpu.vector_store_idx %arg15[%add3A_107], %gather3A_92 : memref<384xf32, #tpu.memory_space<vmem>>[vector<16xi32>], vector<16xf32>,
    %add3A_108 = arith.addi %mul3A_106, %broadcast_in_dim3A_58 : vector<16xi32>
    tpu.vector_store_idx %arg15[%add3A_108], %gather3A_93 : memref<384xf32, #tpu.memory_space<vmem>>[vector<16xi32>], vector<16xf32>,
    %add3A_109 = arith.addi %mul3A_106, %broadcast_in_dim3A_60 : vector<16xi32>
    tpu.vector_store_idx %arg15[%add3A_109], %gather3A_94 : memref<384xf32, #tpu.memory_space<vmem>>[vector<16xi32>], vector<16xf32>,
    %get3A_110 = arith.constant 32 : index
    %get3A_111 = tpu.vector_load %arg11[%get3A_110] {strides = array<i32>} : memref<128xi32, #tpu.memory_space<vmem>>, vector<16xi32>,
    %gather3A_112 = tpu.vector_load_idx %arg8[%get3A_111] : memref<16384xf32, #tpu.memory_space<vmem>>[vector<16xi32>], vector<16xf32>,
    %gather3A_113 = tpu.vector_load_idx %arg9[%get3A_111] : memref<16384xf32, #tpu.memory_space<vmem>>[vector<16xi32>], vector<16xf32>,
    %gather3A_114 = tpu.vector_load_idx %arg10[%get3A_111] : memref<16384xf32, #tpu.memory_space<vmem>>[vector<16xi32>], vector<16xf32>,
    %swap3A_115 = arith.constant 32 : index
    %swap3A_116 = tpu.vector_load %arg12[%swap3A_115] {strides = array<i32>} : memref<144xf32, #tpu.memory_space<vmem>>, vector<16xf32>,
    tpu.vector_store %arg12[%swap3A_115], %gather3A_112 {strides = array<i32>} : memref<144xf32, #tpu.memory_space<vmem>>, vector<16xf32>,
    %swap3A_117 = arith.constant 32 : index
    %swap3A_118 = tpu.vector_load %arg13[%swap3A_117] {strides = array<i32>} : memref<144xf32, #tpu.memory_space<vmem>>, vector<16xf32>,
    tpu.vector_store %arg13[%swap3A_117], %gather3A_113 {strides = array<i32>} : memref<144xf32, #tpu.memory_space<vmem>>, vector<16xf32>,
    %swap3A_119 = arith.constant 32 : index
    %swap3A_120 = tpu.vector_load %arg14[%swap3A_119] {strides = array<i32>} : memref<144xf32, #tpu.memory_space<vmem>>, vector<16xf32>,
    tpu.vector_store %arg14[%swap3A_119], %gather3A_114 {strides = array<i32>} : memref<144xf32, #tpu.memory_space<vmem>>, vector<16xf32>,
    %add3A_121 = arith.constant 32 : i32
    %add3A_122 = vector.broadcast %add3A_121 : i32 to vector<16xi32>
    %add3A_123 = arith.addi %iota3A, %add3A_122 : vector<16xi32>
    %mul3A_124 = arith.constant 3 : i32
    %mul3A_125 = vector.broadcast %mul3A_124 : i32 to vector<16xi32>
    %mul3A_126 = arith.muli %add3A_123, %mul3A_125 : vector<16xi32>
    %add3A_127 = arith.addi %mul3A_126, %broadcast_in_dim3A_56 : vector<16xi32>
    tpu.vector_store_idx %arg15[%add3A_127], %gather3A_112 : memref<384xf32, #tpu.memory_space<vmem>>[vector<16xi32>], vector<16xf32>,
    %add3A_128 = arith.addi %mul3A_126, %broadcast_in_dim3A_58 : vector<16xi32>
    tpu.vector_store_idx %arg15[%add3A_128], %gather3A_113 : memref<384xf32, #tpu.memory_space<vmem>>[vector<16xi32>], vector<16xf32>,
    %add3A_129 = arith.addi %mul3A_126, %broadcast_in_dim3A_60 : vector<16xi32>
    tpu.vector_store_idx %arg15[%add3A_129], %gather3A_114 : memref<384xf32, #tpu.memory_space<vmem>>[vector<16xi32>], vector<16xf32>,
    %get3A_130 = arith.constant 48 : index
    %get3A_131 = tpu.vector_load %arg11[%get3A_130] {strides = array<i32>} : memref<128xi32, #tpu.memory_space<vmem>>, vector<16xi32>,
    %gather3A_132 = tpu.vector_load_idx %arg8[%get3A_131] : memref<16384xf32, #tpu.memory_space<vmem>>[vector<16xi32>], vector<16xf32>,
    %gather3A_133 = tpu.vector_load_idx %arg9[%get3A_131] : memref<16384xf32, #tpu.memory_space<vmem>>[vector<16xi32>], vector<16xf32>,
    %gather3A_134 = tpu.vector_load_idx %arg10[%get3A_131] : memref<16384xf32, #tpu.memory_space<vmem>>[vector<16xi32>], vector<16xf32>,
    %swap3A_135 = arith.constant 48 : index
    %swap3A_136 = tpu.vector_load %arg12[%swap3A_135] {strides = array<i32>} : memref<144xf32, #tpu.memory_space<vmem>>, vector<16xf32>,
    tpu.vector_store %arg12[%swap3A_135], %gather3A_132 {strides = array<i32>} : memref<144xf32, #tpu.memory_space<vmem>>, vector<16xf32>,
    %swap3A_137 = arith.constant 48 : index
    %swap3A_138 = tpu.vector_load %arg13[%swap3A_137] {strides = array<i32>} : memref<144xf32, #tpu.memory_space<vmem>>, vector<16xf32>,
    tpu.vector_store %arg13[%swap3A_137], %gather3A_133 {strides = array<i32>} : memref<144xf32, #tpu.memory_space<vmem>>, vector<16xf32>,
    %swap3A_139 = arith.constant 48 : index
    %swap3A_140 = tpu.vector_load %arg14[%swap3A_139] {strides = array<i32>} : memref<144xf32, #tpu.memory_space<vmem>>, vector<16xf32>,
    tpu.vector_store %arg14[%swap3A_139], %gather3A_134 {strides = array<i32>} : memref<144xf32, #tpu.memory_space<vmem>>, vector<16xf32>,
    %add3A_141 = arith.constant 48 : i32
    %add3A_142 = vector.broadcast %add3A_141 : i32 to vector<16xi32>
    %add3A_143 = arith.addi %iota3A, %add3A_142 : vector<16xi32>
    %mul3A_144 = arith.constant 3 : i32
    %mul3A_145 = vector.broadcast %mul3A_144 : i32 to vector<16xi32>
    %mul3A_146 = arith.muli %add3A_143, %mul3A_145 : vector<16xi32>
    %add3A_147 = arith.addi %mul3A_146, %broadcast_in_dim3A_56 : vector<16xi32>
    tpu.vector_store_idx %arg15[%add3A_147], %gather3A_132 : memref<384xf32, #tpu.memory_space<vmem>>[vector<16xi32>], vector<16xf32>,
    %add3A_148 = arith.addi %mul3A_146, %broadcast_in_dim3A_58 : vector<16xi32>
    tpu.vector_store_idx %arg15[%add3A_148], %gather3A_133 : memref<384xf32, #tpu.memory_space<vmem>>[vector<16xi32>], vector<16xf32>,
    %add3A_149 = arith.addi %mul3A_146, %broadcast_in_dim3A_60 : vector<16xi32>
    tpu.vector_store_idx %arg15[%add3A_149], %gather3A_134 : memref<384xf32, #tpu.memory_space<vmem>>[vector<16xi32>], vector<16xf32>,
    %get3A_150 = arith.constant 64 : index
    %get3A_151 = tpu.vector_load %arg11[%get3A_150] {strides = array<i32>} : memref<128xi32, #tpu.memory_space<vmem>>, vector<16xi32>,
    %gather3A_152 = tpu.vector_load_idx %arg8[%get3A_151] : memref<16384xf32, #tpu.memory_space<vmem>>[vector<16xi32>], vector<16xf32>,
    %gather3A_153 = tpu.vector_load_idx %arg9[%get3A_151] : memref<16384xf32, #tpu.memory_space<vmem>>[vector<16xi32>], vector<16xf32>,
    %gather3A_154 = tpu.vector_load_idx %arg10[%get3A_151] : memref<16384xf32, #tpu.memory_space<vmem>>[vector<16xi32>], vector<16xf32>,
    %swap3A_155 = arith.constant 64 : index
    %swap3A_156 = tpu.vector_load %arg12[%swap3A_155] {strides = array<i32>} : memref<144xf32, #tpu.memory_space<vmem>>, vector<16xf32>,
    tpu.vector_store %arg12[%swap3A_155], %gather3A_152 {strides = array<i32>} : memref<144xf32, #tpu.memory_space<vmem>>, vector<16xf32>,
    %swap3A_157 = arith.constant 64 : index
    %swap3A_158 = tpu.vector_load %arg13[%swap3A_157] {strides = array<i32>} : memref<144xf32, #tpu.memory_space<vmem>>, vector<16xf32>,
    tpu.vector_store %arg13[%swap3A_157], %gather3A_153 {strides = array<i32>} : memref<144xf32, #tpu.memory_space<vmem>>, vector<16xf32>,
    %swap3A_159 = arith.constant 64 : index
    %swap3A_160 = tpu.vector_load %arg14[%swap3A_159] {strides = array<i32>} : memref<144xf32, #tpu.memory_space<vmem>>, vector<16xf32>,
    tpu.vector_store %arg14[%swap3A_159], %gather3A_154 {strides = array<i32>} : memref<144xf32, #tpu.memory_space<vmem>>, vector<16xf32>,
    %add3A_161 = arith.constant 64 : i32
    %add3A_162 = vector.broadcast %add3A_161 : i32 to vector<16xi32>
    %add3A_163 = arith.addi %iota3A, %add3A_162 : vector<16xi32>
    %mul3A_164 = arith.constant 3 : i32
    %mul3A_165 = vector.broadcast %mul3A_164 : i32 to vector<16xi32>
    %mul3A_166 = arith.muli %add3A_163, %mul3A_165 : vector<16xi32>
    %add3A_167 = arith.addi %mul3A_166, %broadcast_in_dim3A_56 : vector<16xi32>
    tpu.vector_store_idx %arg15[%add3A_167], %gather3A_152 : memref<384xf32, #tpu.memory_space<vmem>>[vector<16xi32>], vector<16xf32>,
    %add3A_168 = arith.addi %mul3A_166, %broadcast_in_dim3A_58 : vector<16xi32>
    tpu.vector_store_idx %arg15[%add3A_168], %gather3A_153 : memref<384xf32, #tpu.memory_space<vmem>>[vector<16xi32>], vector<16xf32>,
    %add3A_169 = arith.addi %mul3A_166, %broadcast_in_dim3A_60 : vector<16xi32>
    tpu.vector_store_idx %arg15[%add3A_169], %gather3A_154 : memref<384xf32, #tpu.memory_space<vmem>>[vector<16xi32>], vector<16xf32>,
    %get3A_170 = arith.constant 80 : index
    %get3A_171 = tpu.vector_load %arg11[%get3A_170] {strides = array<i32>} : memref<128xi32, #tpu.memory_space<vmem>>, vector<16xi32>,
    %gather3A_172 = tpu.vector_load_idx %arg8[%get3A_171] : memref<16384xf32, #tpu.memory_space<vmem>>[vector<16xi32>], vector<16xf32>,
    %gather3A_173 = tpu.vector_load_idx %arg9[%get3A_171] : memref<16384xf32, #tpu.memory_space<vmem>>[vector<16xi32>], vector<16xf32>,
    %gather3A_174 = tpu.vector_load_idx %arg10[%get3A_171] : memref<16384xf32, #tpu.memory_space<vmem>>[vector<16xi32>], vector<16xf32>,
    %swap3A_175 = arith.constant 80 : index
    %swap3A_176 = tpu.vector_load %arg12[%swap3A_175] {strides = array<i32>} : memref<144xf32, #tpu.memory_space<vmem>>, vector<16xf32>,
    tpu.vector_store %arg12[%swap3A_175], %gather3A_172 {strides = array<i32>} : memref<144xf32, #tpu.memory_space<vmem>>, vector<16xf32>,
    %swap3A_177 = arith.constant 80 : index
    %swap3A_178 = tpu.vector_load %arg13[%swap3A_177] {strides = array<i32>} : memref<144xf32, #tpu.memory_space<vmem>>, vector<16xf32>,
    tpu.vector_store %arg13[%swap3A_177], %gather3A_173 {strides = array<i32>} : memref<144xf32, #tpu.memory_space<vmem>>, vector<16xf32>,
    %swap3A_179 = arith.constant 80 : index
    %swap3A_180 = tpu.vector_load %arg14[%swap3A_179] {strides = array<i32>} : memref<144xf32, #tpu.memory_space<vmem>>, vector<16xf32>,
    tpu.vector_store %arg14[%swap3A_179], %gather3A_174 {strides = array<i32>} : memref<144xf32, #tpu.memory_space<vmem>>, vector<16xf32>,
    %add3A_181 = arith.constant 80 : i32
    %add3A_182 = vector.broadcast %add3A_181 : i32 to vector<16xi32>
    %add3A_183 = arith.addi %iota3A, %add3A_182 : vector<16xi32>
    %mul3A_184 = arith.constant 3 : i32
    %mul3A_185 = vector.broadcast %mul3A_184 : i32 to vector<16xi32>
    %mul3A_186 = arith.muli %add3A_183, %mul3A_185 : vector<16xi32>
    %add3A_187 = arith.addi %mul3A_186, %broadcast_in_dim3A_56 : vector<16xi32>
    tpu.vector_store_idx %arg15[%add3A_187], %gather3A_172 : memref<384xf32, #tpu.memory_space<vmem>>[vector<16xi32>], vector<16xf32>,
    %add3A_188 = arith.addi %mul3A_186, %broadcast_in_dim3A_58 : vector<16xi32>
    tpu.vector_store_idx %arg15[%add3A_188], %gather3A_173 : memref<384xf32, #tpu.memory_space<vmem>>[vector<16xi32>], vector<16xf32>,
    %add3A_189 = arith.addi %mul3A_186, %broadcast_in_dim3A_60 : vector<16xi32>
    tpu.vector_store_idx %arg15[%add3A_189], %gather3A_174 : memref<384xf32, #tpu.memory_space<vmem>>[vector<16xi32>], vector<16xf32>,
    %get3A_190 = arith.constant 96 : index
    %get3A_191 = tpu.vector_load %arg11[%get3A_190] {strides = array<i32>} : memref<128xi32, #tpu.memory_space<vmem>>, vector<16xi32>,
    %gather3A_192 = tpu.vector_load_idx %arg8[%get3A_191] : memref<16384xf32, #tpu.memory_space<vmem>>[vector<16xi32>], vector<16xf32>,
    %gather3A_193 = tpu.vector_load_idx %arg9[%get3A_191] : memref<16384xf32, #tpu.memory_space<vmem>>[vector<16xi32>], vector<16xf32>,
    %gather3A_194 = tpu.vector_load_idx %arg10[%get3A_191] : memref<16384xf32, #tpu.memory_space<vmem>>[vector<16xi32>], vector<16xf32>,
    %swap3A_195 = arith.constant 96 : index
    %swap3A_196 = tpu.vector_load %arg12[%swap3A_195] {strides = array<i32>} : memref<144xf32, #tpu.memory_space<vmem>>, vector<16xf32>,
    tpu.vector_store %arg12[%swap3A_195], %gather3A_192 {strides = array<i32>} : memref<144xf32, #tpu.memory_space<vmem>>, vector<16xf32>,
    %swap3A_197 = arith.constant 96 : index
    %swap3A_198 = tpu.vector_load %arg13[%swap3A_197] {strides = array<i32>} : memref<144xf32, #tpu.memory_space<vmem>>, vector<16xf32>,
    tpu.vector_store %arg13[%swap3A_197], %gather3A_193 {strides = array<i32>} : memref<144xf32, #tpu.memory_space<vmem>>, vector<16xf32>,
    %swap3A_199 = arith.constant 96 : index
    %swap3A_200 = tpu.vector_load %arg14[%swap3A_199] {strides = array<i32>} : memref<144xf32, #tpu.memory_space<vmem>>, vector<16xf32>,
    tpu.vector_store %arg14[%swap3A_199], %gather3A_194 {strides = array<i32>} : memref<144xf32, #tpu.memory_space<vmem>>, vector<16xf32>,
    %add3A_201 = arith.constant 96 : i32
    %add3A_202 = vector.broadcast %add3A_201 : i32 to vector<16xi32>
    %add3A_203 = arith.addi %iota3A, %add3A_202 : vector<16xi32>
    %mul3A_204 = arith.constant 3 : i32
    %mul3A_205 = vector.broadcast %mul3A_204 : i32 to vector<16xi32>
    %mul3A_206 = arith.muli %add3A_203, %mul3A_205 : vector<16xi32>
    %add3A_207 = arith.addi %mul3A_206, %broadcast_in_dim3A_56 : vector<16xi32>
    tpu.vector_store_idx %arg15[%add3A_207], %gather3A_192 : memref<384xf32, #tpu.memory_space<vmem>>[vector<16xi32>], vector<16xf32>,
    %add3A_208 = arith.addi %mul3A_206, %broadcast_in_dim3A_58 : vector<16xi32>
    tpu.vector_store_idx %arg15[%add3A_208], %gather3A_193 : memref<384xf32, #tpu.memory_space<vmem>>[vector<16xi32>], vector<16xf32>,
    %add3A_209 = arith.addi %mul3A_206, %broadcast_in_dim3A_60 : vector<16xi32>
    tpu.vector_store_idx %arg15[%add3A_209], %gather3A_194 : memref<384xf32, #tpu.memory_space<vmem>>[vector<16xi32>], vector<16xf32>,
    %get3A_210 = arith.constant 112 : index
    %get3A_211 = tpu.vector_load %arg11[%get3A_210] {strides = array<i32>} : memref<128xi32, #tpu.memory_space<vmem>>, vector<16xi32>,
    %gather3A_212 = tpu.vector_load_idx %arg8[%get3A_211] : memref<16384xf32, #tpu.memory_space<vmem>>[vector<16xi32>], vector<16xf32>,
    %gather3A_213 = tpu.vector_load_idx %arg9[%get3A_211] : memref<16384xf32, #tpu.memory_space<vmem>>[vector<16xi32>], vector<16xf32>,
    %gather3A_214 = tpu.vector_load_idx %arg10[%get3A_211] : memref<16384xf32, #tpu.memory_space<vmem>>[vector<16xi32>], vector<16xf32>,
    %swap3A_215 = arith.constant 112 : index
    %swap3A_216 = tpu.vector_load %arg12[%swap3A_215] {strides = array<i32>} : memref<144xf32, #tpu.memory_space<vmem>>, vector<16xf32>,
    tpu.vector_store %arg12[%swap3A_215], %gather3A_212 {strides = array<i32>} : memref<144xf32, #tpu.memory_space<vmem>>, vector<16xf32>,
    %swap3A_217 = arith.constant 112 : index
    %swap3A_218 = tpu.vector_load %arg13[%swap3A_217] {strides = array<i32>} : memref<144xf32, #tpu.memory_space<vmem>>, vector<16xf32>,
    tpu.vector_store %arg13[%swap3A_217], %gather3A_213 {strides = array<i32>} : memref<144xf32, #tpu.memory_space<vmem>>, vector<16xf32>,
    %swap3A_219 = arith.constant 112 : index
    %swap3A_220 = tpu.vector_load %arg14[%swap3A_219] {strides = array<i32>} : memref<144xf32, #tpu.memory_space<vmem>>, vector<16xf32>,
    tpu.vector_store %arg14[%swap3A_219], %gather3A_214 {strides = array<i32>} : memref<144xf32, #tpu.memory_space<vmem>>, vector<16xf32>,
    %add3A_221 = arith.constant 112 : i32
    %add3A_222 = vector.broadcast %add3A_221 : i32 to vector<16xi32>
    %add3A_223 = arith.addi %iota3A, %add3A_222 : vector<16xi32>
    %mul3A_224 = arith.constant 3 : i32
    %mul3A_225 = vector.broadcast %mul3A_224 : i32 to vector<16xi32>
    %mul3A_226 = arith.muli %add3A_223, %mul3A_225 : vector<16xi32>
    %add3A_227 = arith.addi %mul3A_226, %broadcast_in_dim3A_56 : vector<16xi32>
    tpu.vector_store_idx %arg15[%add3A_227], %gather3A_212 : memref<384xf32, #tpu.memory_space<vmem>>[vector<16xi32>], vector<16xf32>,
    %add3A_228 = arith.addi %mul3A_226, %broadcast_in_dim3A_58 : vector<16xi32>
    tpu.vector_store_idx %arg15[%add3A_228], %gather3A_213 : memref<384xf32, #tpu.memory_space<vmem>>[vector<16xi32>], vector<16xf32>,
    %add3A_229 = arith.addi %mul3A_226, %broadcast_in_dim3A_60 : vector<16xi32>
    tpu.vector_store_idx %arg15[%add3A_229], %gather3A_214 : memref<384xf32, #tpu.memory_space<vmem>>[vector<16xi32>], vector<16xf32>,
    %mul3A_230 = arith.constant 1024 : i32
    %mul3A_231 = arith.muli %select_n3A, %mul3A_230 : i32
    %add3A_232 = arith.addi %mul3A_231, %mul3A_32 : i32
    %mul3A_233 = arith.constant 3 : i32
    %mul3A_234 = arith.muli %add3A_232, %mul3A_233 : i32
    "tpu.region"() ({
      %run_scoped3A = tpu.sem_alloc : memref<!tpu.dma_semaphore, #tpu.memory_space<semaphore_mem>>
      %dma_start3A_460 = tpu.memref_slice %arg5[%mul3A_234] : memref<12288xf32, #tpu.memory_space<hbm>> -> memref<384xf32, #tpu.memory_space<hbm>>
      %dma_start3A_461 = tpu.memref_slice %arg5[%mul3A_234] : memref<12288xf32, #tpu.memory_space<hbm>> -> memref<384xf32, #tpu.memory_space<hbm>>
      tpu.enqueue_dma source(%arg15 : memref<384xf32, #tpu.memory_space<vmem>>) target(%dma_start3A_461 : memref<384xf32, #tpu.memory_space<hbm>>) target_semaphore(%run_scoped3A : memref<!tpu.dma_semaphore, #tpu.memory_space<semaphore_mem>>)
      %dma_wait3A_462 = tpu.memref_slice %arg5[%mul3A_234] : memref<12288xf32, #tpu.memory_space<hbm>> -> memref<384xf32, #tpu.memory_space<hbm>>
      %dma_wait3A_463 = tpu.memref_slice %arg5[%mul3A_234] : memref<12288xf32, #tpu.memory_space<hbm>> -> memref<384xf32, #tpu.memory_space<hbm>>
      tpu.wait_dma2 semaphore(%run_scoped3A : memref<!tpu.dma_semaphore, #tpu.memory_space<semaphore_mem>>) src(%arg15 : memref<384xf32, #tpu.memory_space<vmem>>) dst(%dma_wait3A_463 : memref<384xf32, #tpu.memory_space<hbm>>)
      tpu.yield
    }) : () -> ()
    %eq3A_235 = arith.constant 0 : i32
    %eq3A_236 = vector.broadcast %eq3A_235 : i32 to vector<16xi32>
    %eq3A_237 = arith.cmpi eq, %iota3A, %eq3A_236 : vector<16xi32>
    %get3A_238 = arith.constant 0 : index
    %get3A_239 = tpu.vector_load %arg12[%get3A_238] {strides = array<i32>} : memref<144xf32, #tpu.memory_space<vmem>>, vector<16xf32>,
    %jit3A_240 = arith.constant 0.000000e+00 : f32
    %broadcast_in_dim3A_241 = vector.broadcast %jit3A_240 : f32 to vector<16xf32>
    %select_n3A_242 = arith.select %eq3A_237, %get3A_239, %broadcast_in_dim3A_241 : vector<16xi1>, vector<16xf32>
    %reduce_sum3A = arith.constant true
    %reduce_sum3A_243 = vector.broadcast %reduce_sum3A : i1 to vector<16xi1>
    %reduce_sum3A_244 = tpu.scan <sum>, %select_n3A_242 masked %reduce_sum3A_243 : vector<16xf32>, vector<16xi1> -> vector<16xf32>
    %reduce_sum3A_245 = vector.extract %reduce_sum3A_244[15] : f32 from vector<16xf32>
    %get3A_246 = arith.constant 0 : index
    %get3A_247 = tpu.vector_load %arg13[%get3A_246] {strides = array<i32>} : memref<144xf32, #tpu.memory_space<vmem>>, vector<16xf32>,
    %jit3A_248 = arith.constant 0.000000e+00 : f32
    %broadcast_in_dim3A_249 = vector.broadcast %jit3A_248 : f32 to vector<16xf32>
    %select_n3A_250 = arith.select %eq3A_237, %get3A_247, %broadcast_in_dim3A_249 : vector<16xi1>, vector<16xf32>
    %reduce_sum3A_251 = arith.constant true
    %reduce_sum3A_252 = vector.broadcast %reduce_sum3A_251 : i1 to vector<16xi1>
    %reduce_sum3A_253 = tpu.scan <sum>, %select_n3A_250 masked %reduce_sum3A_252 : vector<16xf32>, vector<16xi1> -> vector<16xf32>
    %reduce_sum3A_254 = vector.extract %reduce_sum3A_253[15] : f32 from vector<16xf32>
    %get3A_255 = arith.constant 0 : index
    %get3A_256 = tpu.vector_load %arg14[%get3A_255] {strides = array<i32>} : memref<144xf32, #tpu.memory_space<vmem>>, vector<16xf32>,
    %jit3A_257 = arith.constant 0.000000e+00 : f32
    %broadcast_in_dim3A_258 = vector.broadcast %jit3A_257 : f32 to vector<16xf32>
    %select_n3A_259 = arith.select %eq3A_237, %get3A_256, %broadcast_in_dim3A_258 : vector<16xi1>, vector<16xf32>
    %reduce_sum3A_260 = arith.constant true
    %reduce_sum3A_261 = vector.broadcast %reduce_sum3A_260 : i1 to vector<16xi1>
    %reduce_sum3A_262 = tpu.scan <sum>, %select_n3A_259 masked %reduce_sum3A_261 : vector<16xf32>, vector<16xi1> -> vector<16xf32>
    %reduce_sum3A_263 = vector.extract %reduce_sum3A_262[15] : f32 from vector<16xf32>
    %broadcast_in_dim3A_264 = arith.constant 0 : i32
    %broadcast_in_dim3A_265 = vector.broadcast %broadcast_in_dim3A_264 : i32 to vector<16xi32>
    %while3A = arith.constant 0 : i32
    %while3A_266:2 = scf.while (%while3A_460 = %while3A, %while3A_461 = %broadcast_in_dim3A_265) : (i32, vector<16xi32>) -> (i32, vector<16xi32>) {
      %lt3A_462 = arith.constant 1024 : i32
      %lt3A_463 = arith.cmpi slt, %while3A_460, %lt3A_462 : i32
      %lt3A_464 = arith.constant 64 : i32
      %lt3A_465 = vector.broadcast %lt3A_464 : i32 to vector<16xi32>
      %lt3A_466 = arith.cmpi slt, %while3A_461, %lt3A_465 : vector<16xi32>
      %reduce_and3A = arith.constant 1.000000e+00 : f32
      %reduce_and3A_467 = arith.constant 0.000000e+00 : f32
      %reduce_and3A_468 = vector.broadcast %reduce_and3A : f32 to vector<16xf32>
      %reduce_and3A_469 = vector.broadcast %reduce_and3A_467 : f32 to vector<16xf32>
      %reduce_and3A_470 = arith.select %lt3A_466, %reduce_and3A_468, %reduce_and3A_469 : vector<16xi1>, vector<16xf32>
      %reduce_and3A_471 = arith.constant true
      %reduce_and3A_472 = vector.broadcast %reduce_and3A_471 : i1 to vector<16xi1>
      %reduce_and3A_473 = tpu.scan <min>, %reduce_and3A_470 masked %reduce_and3A_472 : vector<16xf32>, vector<16xi1> -> vector<16xf32>
      %reduce_and3A_474 = vector.extract %reduce_and3A_473[15] : f32 from vector<16xf32>
      %reduce_and3A_475 = arith.constant 0.000000e+00 : f32
      %reduce_and3A_476 = arith.cmpf ogt, %reduce_and3A_474, %reduce_and3A_475 : f32
      %and3A_477 = arith.andi %lt3A_463, %reduce_and3A_476 : i1
      scf.condition(%and3A_477) %while3A_460, %while3A_461 : i32, vector<16xi32>
    } do {
    ^bb0(%while3A_460: i32, %while3A_461: vector<16xi32>):
      %sub3A_462 = arith.constant 1 : i32
      %sub3A_463 = vector.broadcast %sub3A_462 : i32 to vector<16xi32>
      %sub3A_464 = arith.subi %while3A_461, %sub3A_463 : vector<16xi32>
      %add3A_465 = arith.constant 0 : i32
      %add3A_466 = arith.addi %while3A_460, %add3A_465 : i32
      %mul3A_467 = arith.constant 16 : i32
      %mul3A_468 = arith.muli %add3A_466, %mul3A_467 : i32
      %get3A_469 = arith.index_cast %mul3A_468 : i32 to index
      %get3A_470 = tpu.vector_load %arg8[%get3A_469] {strides = array<i32>} : memref<16384xf32, #tpu.memory_space<vmem>>, vector<16xf32>,
      %get3A_471 = arith.index_cast %mul3A_468 : i32 to index
      %get3A_472 = tpu.vector_load %arg9[%get3A_471] {strides = array<i32>} : memref<16384xf32, #tpu.memory_space<vmem>>, vector<16xf32>,
      %get3A_473 = arith.index_cast %mul3A_468 : i32 to index
      %get3A_474 = tpu.vector_load %arg10[%get3A_473] {strides = array<i32>} : memref<16384xf32, #tpu.memory_space<vmem>>, vector<16xf32>,
      %sub3A_475 = vector.broadcast %reduce_sum3A_245 : f32 to vector<16xf32>
      %sub3A_476 = arith.subf %get3A_470, %sub3A_475 : vector<16xf32>
      %sub3A_477 = vector.broadcast %reduce_sum3A_254 : f32 to vector<16xf32>
      %sub3A_478 = arith.subf %get3A_472, %sub3A_477 : vector<16xf32>
      %sub3A_479 = vector.broadcast %reduce_sum3A_263 : f32 to vector<16xf32>
      %sub3A_480 = arith.subf %get3A_474, %sub3A_479 : vector<16xf32>
      %mul3A_481 = arith.mulf %sub3A_476, %sub3A_476 : vector<16xf32>
      %mul3A_482 = arith.mulf %sub3A_478, %sub3A_478 : vector<16xf32>
      %add3A_483 = arith.addf %mul3A_481, %mul3A_482 : vector<16xf32>
      %mul3A_484 = arith.mulf %sub3A_480, %sub3A_480 : vector<16xf32>
      %add3A_485 = arith.addf %add3A_483, %mul3A_484 : vector<16xf32>
      %le3A = arith.constant 1.600000e-01 : f32
      %le3A_486 = vector.broadcast %le3A : f32 to vector<16xf32>
      %le3A_487 = arith.cmpf ole, %add3A_485, %le3A_486 : vector<16xf32>
      %convert_element_type3A = arith.extui %le3A_487 : vector<16xi1> to vector<16xi32>
      %broadcast_in_dim3A_488 = arith.constant true
      %broadcast_in_dim3A_489 = vector.broadcast %broadcast_in_dim3A_488 : i1 to vector<16xi1>
      %masked_cumsum3A = tpu.scan <sum>, %convert_element_type3A masked %broadcast_in_dim3A_489 : vector<16xi32>, vector<16xi1> -> vector<16xi32>
      %add3A_490 = arith.addi %masked_cumsum3A, %sub3A_464 : vector<16xi32>
      %add3A_491 = vector.broadcast %mul3A_468 : i32 to vector<16xi32>
      %add3A_492 = arith.addi %iota3A, %add3A_491 : vector<16xi32>
      tpu.vector_store_idx %arg16[%add3A_490], %add3A_492 masked %le3A_487 : memref<320xi32, #tpu.memory_space<vmem>>[vector<16xi32>], vector<16xi32>, vector<16xi1>
      %all_reduce_population_count3A = tpu.all_reduce %le3A_487 {dim = 0 : i64, kind = #tpu.reduction_kind<sum>} : vector<16xi1> -> vector<16xi32>
      %add3A_493 = arith.addi %sub3A_464, %all_reduce_population_count3A : vector<16xi32>
      %add3A_494 = arith.constant 1 : i32
      %add3A_495 = arith.addi %while3A_460, %add3A_494 : i32
      %mul3A_496 = arith.constant 16 : i32
      %mul3A_497 = arith.muli %add3A_495, %mul3A_496 : i32
      %get3A_498 = arith.index_cast %mul3A_497 : i32 to index
      %get3A_499 = tpu.vector_load %arg8[%get3A_498] {strides = array<i32>} : memref<16384xf32, #tpu.memory_space<vmem>>, vector<16xf32>,
      %get3A_500 = arith.index_cast %mul3A_497 : i32 to index
      %get3A_501 = tpu.vector_load %arg9[%get3A_500] {strides = array<i32>} : memref<16384xf32, #tpu.memory_space<vmem>>, vector<16xf32>,
      %get3A_502 = arith.index_cast %mul3A_497 : i32 to index
      %get3A_503 = tpu.vector_load %arg10[%get3A_502] {strides = array<i32>} : memref<16384xf32, #tpu.memory_space<vmem>>, vector<16xf32>,
      %sub3A_504 = vector.broadcast %reduce_sum3A_245 : f32 to vector<16xf32>
      %sub3A_505 = arith.subf %get3A_499, %sub3A_504 : vector<16xf32>
      %sub3A_506 = vector.broadcast %reduce_sum3A_254 : f32 to vector<16xf32>
      %sub3A_507 = arith.subf %get3A_501, %sub3A_506 : vector<16xf32>
      %sub3A_508 = vector.broadcast %reduce_sum3A_263 : f32 to vector<16xf32>
      %sub3A_509 = arith.subf %get3A_503, %sub3A_508 : vector<16xf32>
      %mul3A_510 = arith.mulf %sub3A_505, %sub3A_505 : vector<16xf32>
      %mul3A_511 = arith.mulf %sub3A_507, %sub3A_507 : vector<16xf32>
      %add3A_512 = arith.addf %mul3A_510, %mul3A_511 : vector<16xf32>
      %mul3A_513 = arith.mulf %sub3A_509, %sub3A_509 : vector<16xf32>
      %add3A_514 = arith.addf %add3A_512, %mul3A_513 : vector<16xf32>
      %le3A_515 = arith.constant 1.600000e-01 : f32
      %le3A_516 = vector.broadcast %le3A_515 : f32 to vector<16xf32>
      %le3A_517 = arith.cmpf ole, %add3A_514, %le3A_516 : vector<16xf32>
      %convert_element_type3A_518 = arith.extui %le3A_517 : vector<16xi1> to vector<16xi32>
      %broadcast_in_dim3A_519 = arith.constant true
      %broadcast_in_dim3A_520 = vector.broadcast %broadcast_in_dim3A_519 : i1 to vector<16xi1>
      %masked_cumsum3A_521 = tpu.scan <sum>, %convert_element_type3A_518 masked %broadcast_in_dim3A_520 : vector<16xi32>, vector<16xi1> -> vector<16xi32>
      %add3A_522 = arith.addi %masked_cumsum3A_521, %add3A_493 : vector<16xi32>
      %add3A_523 = vector.broadcast %mul3A_497 : i32 to vector<16xi32>
      %add3A_524 = arith.addi %iota3A, %add3A_523 : vector<16xi32>
      tpu.vector_store_idx %arg16[%add3A_522], %add3A_524 masked %le3A_517 : memref<320xi32, #tpu.memory_space<vmem>>[vector<16xi32>], vector<16xi32>, vector<16xi1>
      %all_reduce_population_count3A_525 = tpu.all_reduce %le3A_517 {dim = 0 : i64, kind = #tpu.reduction_kind<sum>} : vector<16xi1> -> vector<16xi32>
      %add3A_526 = arith.addi %add3A_493, %all_reduce_population_count3A_525 : vector<16xi32>
      %add3A_527 = arith.constant 2 : i32
      %add3A_528 = arith.addi %while3A_460, %add3A_527 : i32
      %mul3A_529 = arith.constant 16 : i32
      %mul3A_530 = arith.muli %add3A_528, %mul3A_529 : i32
      %get3A_531 = arith.index_cast %mul3A_530 : i32 to index
      %get3A_532 = tpu.vector_load %arg8[%get3A_531] {strides = array<i32>} : memref<16384xf32, #tpu.memory_space<vmem>>, vector<16xf32>,
      %get3A_533 = arith.index_cast %mul3A_530 : i32 to index
      %get3A_534 = tpu.vector_load %arg9[%get3A_533] {strides = array<i32>} : memref<16384xf32, #tpu.memory_space<vmem>>, vector<16xf32>,
      %get3A_535 = arith.index_cast %mul3A_530 : i32 to index
      %get3A_536 = tpu.vector_load %arg10[%get3A_535] {strides = array<i32>} : memref<16384xf32, #tpu.memory_space<vmem>>, vector<16xf32>,
      %sub3A_537 = vector.broadcast %reduce_sum3A_245 : f32 to vector<16xf32>
      %sub3A_538 = arith.subf %get3A_532, %sub3A_537 : vector<16xf32>
      %sub3A_539 = vector.broadcast %reduce_sum3A_254 : f32 to vector<16xf32>
      %sub3A_540 = arith.subf %get3A_534, %sub3A_539 : vector<16xf32>
      %sub3A_541 = vector.broadcast %reduce_sum3A_263 : f32 to vector<16xf32>
      %sub3A_542 = arith.subf %get3A_536, %sub3A_541 : vector<16xf32>
      %mul3A_543 = arith.mulf %sub3A_538, %sub3A_538 : vector<16xf32>
      %mul3A_544 = arith.mulf %sub3A_540, %sub3A_540 : vector<16xf32>
      %add3A_545 = arith.addf %mul3A_543, %mul3A_544 : vector<16xf32>
      %mul3A_546 = arith.mulf %sub3A_542, %sub3A_542 : vector<16xf32>
      %add3A_547 = arith.addf %add3A_545, %mul3A_546 : vector<16xf32>
      %le3A_548 = arith.constant 1.600000e-01 : f32
      %le3A_549 = vector.broadcast %le3A_548 : f32 to vector<16xf32>
      %le3A_550 = arith.cmpf ole, %add3A_547, %le3A_549 : vector<16xf32>
      %convert_element_type3A_551 = arith.extui %le3A_550 : vector<16xi1> to vector<16xi32>
      %broadcast_in_dim3A_552 = arith.constant true
      %broadcast_in_dim3A_553 = vector.broadcast %broadcast_in_dim3A_552 : i1 to vector<16xi1>
      %masked_cumsum3A_554 = tpu.scan <sum>, %convert_element_type3A_551 masked %broadcast_in_dim3A_553 : vector<16xi32>, vector<16xi1> -> vector<16xi32>
      %add3A_555 = arith.addi %masked_cumsum3A_554, %add3A_526 : vector<16xi32>
      %add3A_556 = vector.broadcast %mul3A_530 : i32 to vector<16xi32>
      %add3A_557 = arith.addi %iota3A, %add3A_556 : vector<16xi32>
      tpu.vector_store_idx %arg16[%add3A_555], %add3A_557 masked %le3A_550 : memref<320xi32, #tpu.memory_space<vmem>>[vector<16xi32>], vector<16xi32>, vector<16xi1>
      %all_reduce_population_count3A_558 = tpu.all_reduce %le3A_550 {dim = 0 : i64, kind = #tpu.reduction_kind<sum>} : vector<16xi1> -> vector<16xi32>
      %add3A_559 = arith.addi %add3A_526, %all_reduce_population_count3A_558 : vector<16xi32>
      %add3A_560 = arith.constant 3 : i32
      %add3A_561 = arith.addi %while3A_460, %add3A_560 : i32
      %mul3A_562 = arith.constant 16 : i32
      %mul3A_563 = arith.muli %add3A_561, %mul3A_562 : i32
      %get3A_564 = arith.index_cast %mul3A_563 : i32 to index
      %get3A_565 = tpu.vector_load %arg8[%get3A_564] {strides = array<i32>} : memref<16384xf32, #tpu.memory_space<vmem>>, vector<16xf32>,
      %get3A_566 = arith.index_cast %mul3A_563 : i32 to index
      %get3A_567 = tpu.vector_load %arg9[%get3A_566] {strides = array<i32>} : memref<16384xf32, #tpu.memory_space<vmem>>, vector<16xf32>,
      %get3A_568 = arith.index_cast %mul3A_563 : i32 to index
      %get3A_569 = tpu.vector_load %arg10[%get3A_568] {strides = array<i32>} : memref<16384xf32, #tpu.memory_space<vmem>>, vector<16xf32>,
      %sub3A_570 = vector.broadcast %reduce_sum3A_245 : f32 to vector<16xf32>
      %sub3A_571 = arith.subf %get3A_565, %sub3A_570 : vector<16xf32>
      %sub3A_572 = vector.broadcast %reduce_sum3A_254 : f32 to vector<16xf32>
      %sub3A_573 = arith.subf %get3A_567, %sub3A_572 : vector<16xf32>
      %sub3A_574 = vector.broadcast %reduce_sum3A_263 : f32 to vector<16xf32>
      %sub3A_575 = arith.subf %get3A_569, %sub3A_574 : vector<16xf32>
      %mul3A_576 = arith.mulf %sub3A_571, %sub3A_571 : vector<16xf32>
      %mul3A_577 = arith.mulf %sub3A_573, %sub3A_573 : vector<16xf32>
      %add3A_578 = arith.addf %mul3A_576, %mul3A_577 : vector<16xf32>
      %mul3A_579 = arith.mulf %sub3A_575, %sub3A_575 : vector<16xf32>
      %add3A_580 = arith.addf %add3A_578, %mul3A_579 : vector<16xf32>
      %le3A_581 = arith.constant 1.600000e-01 : f32
      %le3A_582 = vector.broadcast %le3A_581 : f32 to vector<16xf32>
      %le3A_583 = arith.cmpf ole, %add3A_580, %le3A_582 : vector<16xf32>
      %convert_element_type3A_584 = arith.extui %le3A_583 : vector<16xi1> to vector<16xi32>
      %broadcast_in_dim3A_585 = arith.constant true
      %broadcast_in_dim3A_586 = vector.broadcast %broadcast_in_dim3A_585 : i1 to vector<16xi1>
      %masked_cumsum3A_587 = tpu.scan <sum>, %convert_element_type3A_584 masked %broadcast_in_dim3A_586 : vector<16xi32>, vector<16xi1> -> vector<16xi32>
      %add3A_588 = arith.addi %masked_cumsum3A_587, %add3A_559 : vector<16xi32>
      %add3A_589 = vector.broadcast %mul3A_563 : i32 to vector<16xi32>
      %add3A_590 = arith.addi %iota3A, %add3A_589 : vector<16xi32>
      tpu.vector_store_idx %arg16[%add3A_588], %add3A_590 masked %le3A_583 : memref<320xi32, #tpu.memory_space<vmem>>[vector<16xi32>], vector<16xi32>, vector<16xi1>
      %all_reduce_population_count3A_591 = tpu.all_reduce %le3A_583 {dim = 0 : i64, kind = #tpu.reduction_kind<sum>} : vector<16xi1> -> vector<16xi32>
      %add3A_592 = arith.addi %add3A_559, %all_reduce_population_count3A_591 : vector<16xi32>
      %add3A_593 = arith.constant 4 : i32
      %add3A_594 = arith.addi %while3A_460, %add3A_593 : i32
      %mul3A_595 = arith.constant 16 : i32
      %mul3A_596 = arith.muli %add3A_594, %mul3A_595 : i32
      %get3A_597 = arith.index_cast %mul3A_596 : i32 to index
      %get3A_598 = tpu.vector_load %arg8[%get3A_597] {strides = array<i32>} : memref<16384xf32, #tpu.memory_space<vmem>>, vector<16xf32>,
      %get3A_599 = arith.index_cast %mul3A_596 : i32 to index
      %get3A_600 = tpu.vector_load %arg9[%get3A_599] {strides = array<i32>} : memref<16384xf32, #tpu.memory_space<vmem>>, vector<16xf32>,
      %get3A_601 = arith.index_cast %mul3A_596 : i32 to index
      %get3A_602 = tpu.vector_load %arg10[%get3A_601] {strides = array<i32>} : memref<16384xf32, #tpu.memory_space<vmem>>, vector<16xf32>,
      %sub3A_603 = vector.broadcast %reduce_sum3A_245 : f32 to vector<16xf32>
      %sub3A_604 = arith.subf %get3A_598, %sub3A_603 : vector<16xf32>
      %sub3A_605 = vector.broadcast %reduce_sum3A_254 : f32 to vector<16xf32>
      %sub3A_606 = arith.subf %get3A_600, %sub3A_605 : vector<16xf32>
      %sub3A_607 = vector.broadcast %reduce_sum3A_263 : f32 to vector<16xf32>
      %sub3A_608 = arith.subf %get3A_602, %sub3A_607 : vector<16xf32>
      %mul3A_609 = arith.mulf %sub3A_604, %sub3A_604 : vector<16xf32>
      %mul3A_610 = arith.mulf %sub3A_606, %sub3A_606 : vector<16xf32>
      %add3A_611 = arith.addf %mul3A_609, %mul3A_610 : vector<16xf32>
      %mul3A_612 = arith.mulf %sub3A_608, %sub3A_608 : vector<16xf32>
      %add3A_613 = arith.addf %add3A_611, %mul3A_612 : vector<16xf32>
      %le3A_614 = arith.constant 1.600000e-01 : f32
      %le3A_615 = vector.broadcast %le3A_614 : f32 to vector<16xf32>
      %le3A_616 = arith.cmpf ole, %add3A_613, %le3A_615 : vector<16xf32>
      %convert_element_type3A_617 = arith.extui %le3A_616 : vector<16xi1> to vector<16xi32>
      %broadcast_in_dim3A_618 = arith.constant true
      %broadcast_in_dim3A_619 = vector.broadcast %broadcast_in_dim3A_618 : i1 to vector<16xi1>
      %masked_cumsum3A_620 = tpu.scan <sum>, %convert_element_type3A_617 masked %broadcast_in_dim3A_619 : vector<16xi32>, vector<16xi1> -> vector<16xi32>
      %add3A_621 = arith.addi %masked_cumsum3A_620, %add3A_592 : vector<16xi32>
      %add3A_622 = vector.broadcast %mul3A_596 : i32 to vector<16xi32>
      %add3A_623 = arith.addi %iota3A, %add3A_622 : vector<16xi32>
      tpu.vector_store_idx %arg16[%add3A_621], %add3A_623 masked %le3A_616 : memref<320xi32, #tpu.memory_space<vmem>>[vector<16xi32>], vector<16xi32>, vector<16xi1>
      %all_reduce_population_count3A_624 = tpu.all_reduce %le3A_616 {dim = 0 : i64, kind = #tpu.reduction_kind<sum>} : vector<16xi1> -> vector<16xi32>
      %add3A_625 = arith.addi %add3A_592, %all_reduce_population_count3A_624 : vector<16xi32>
      %add3A_626 = arith.constant 5 : i32
      %add3A_627 = arith.addi %while3A_460, %add3A_626 : i32
      %mul3A_628 = arith.constant 16 : i32
      %mul3A_629 = arith.muli %add3A_627, %mul3A_628 : i32
      %get3A_630 = arith.index_cast %mul3A_629 : i32 to index
      %get3A_631 = tpu.vector_load %arg8[%get3A_630] {strides = array<i32>} : memref<16384xf32, #tpu.memory_space<vmem>>, vector<16xf32>,
      %get3A_632 = arith.index_cast %mul3A_629 : i32 to index
      %get3A_633 = tpu.vector_load %arg9[%get3A_632] {strides = array<i32>} : memref<16384xf32, #tpu.memory_space<vmem>>, vector<16xf32>,
      %get3A_634 = arith.index_cast %mul3A_629 : i32 to index
      %get3A_635 = tpu.vector_load %arg10[%get3A_634] {strides = array<i32>} : memref<16384xf32, #tpu.memory_space<vmem>>, vector<16xf32>,
      %sub3A_636 = vector.broadcast %reduce_sum3A_245 : f32 to vector<16xf32>
      %sub3A_637 = arith.subf %get3A_631, %sub3A_636 : vector<16xf32>
      %sub3A_638 = vector.broadcast %reduce_sum3A_254 : f32 to vector<16xf32>
      %sub3A_639 = arith.subf %get3A_633, %sub3A_638 : vector<16xf32>
      %sub3A_640 = vector.broadcast %reduce_sum3A_263 : f32 to vector<16xf32>
      %sub3A_641 = arith.subf %get3A_635, %sub3A_640 : vector<16xf32>
      %mul3A_642 = arith.mulf %sub3A_637, %sub3A_637 : vector<16xf32>
      %mul3A_643 = arith.mulf %sub3A_639, %sub3A_639 : vector<16xf32>
      %add3A_644 = arith.addf %mul3A_642, %mul3A_643 : vector<16xf32>
      %mul3A_645 = arith.mulf %sub3A_641, %sub3A_641 : vector<16xf32>
      %add3A_646 = arith.addf %add3A_644, %mul3A_645 : vector<16xf32>
      %le3A_647 = arith.constant 1.600000e-01 : f32
      %le3A_648 = vector.broadcast %le3A_647 : f32 to vector<16xf32>
      %le3A_649 = arith.cmpf ole, %add3A_646, %le3A_648 : vector<16xf32>
      %convert_element_type3A_650 = arith.extui %le3A_649 : vector<16xi1> to vector<16xi32>
      %broadcast_in_dim3A_651 = arith.constant true
      %broadcast_in_dim3A_652 = vector.broadcast %broadcast_in_dim3A_651 : i1 to vector<16xi1>
      %masked_cumsum3A_653 = tpu.scan <sum>, %convert_element_type3A_650 masked %broadcast_in_dim3A_652 : vector<16xi32>, vector<16xi1> -> vector<16xi32>
      %add3A_654 = arith.addi %masked_cumsum3A_653, %add3A_625 : vector<16xi32>
      %add3A_655 = vector.broadcast %mul3A_629 : i32 to vector<16xi32>
      %add3A_656 = arith.addi %iota3A, %add3A_655 : vector<16xi32>
      tpu.vector_store_idx %arg16[%add3A_654], %add3A_656 masked %le3A_649 : memref<320xi32, #tpu.memory_space<vmem>>[vector<16xi32>], vector<16xi32>, vector<16xi1>
      %all_reduce_population_count3A_657 = tpu.all_reduce %le3A_649 {dim = 0 : i64, kind = #tpu.reduction_kind<sum>} : vector<16xi1> -> vector<16xi32>
      %add3A_658 = arith.addi %add3A_625, %all_reduce_population_count3A_657 : vector<16xi32>
      %add3A_659 = arith.constant 6 : i32
      %add3A_660 = arith.addi %while3A_460, %add3A_659 : i32
      %mul3A_661 = arith.constant 16 : i32
      %mul3A_662 = arith.muli %add3A_660, %mul3A_661 : i32
      %get3A_663 = arith.index_cast %mul3A_662 : i32 to index
      %get3A_664 = tpu.vector_load %arg8[%get3A_663] {strides = array<i32>} : memref<16384xf32, #tpu.memory_space<vmem>>, vector<16xf32>,
      %get3A_665 = arith.index_cast %mul3A_662 : i32 to index
      %get3A_666 = tpu.vector_load %arg9[%get3A_665] {strides = array<i32>} : memref<16384xf32, #tpu.memory_space<vmem>>, vector<16xf32>,
      %get3A_667 = arith.index_cast %mul3A_662 : i32 to index
      %get3A_668 = tpu.vector_load %arg10[%get3A_667] {strides = array<i32>} : memref<16384xf32, #tpu.memory_space<vmem>>, vector<16xf32>,
      %sub3A_669 = vector.broadcast %reduce_sum3A_245 : f32 to vector<16xf32>
      %sub3A_670 = arith.subf %get3A_664, %sub3A_669 : vector<16xf32>
      %sub3A_671 = vector.broadcast %reduce_sum3A_254 : f32 to vector<16xf32>
      %sub3A_672 = arith.subf %get3A_666, %sub3A_671 : vector<16xf32>
      %sub3A_673 = vector.broadcast %reduce_sum3A_263 : f32 to vector<16xf32>
      %sub3A_674 = arith.subf %get3A_668, %sub3A_673 : vector<16xf32>
      %mul3A_675 = arith.mulf %sub3A_670, %sub3A_670 : vector<16xf32>
      %mul3A_676 = arith.mulf %sub3A_672, %sub3A_672 : vector<16xf32>
      %add3A_677 = arith.addf %mul3A_675, %mul3A_676 : vector<16xf32>
      %mul3A_678 = arith.mulf %sub3A_674, %sub3A_674 : vector<16xf32>
      %add3A_679 = arith.addf %add3A_677, %mul3A_678 : vector<16xf32>
      %le3A_680 = arith.constant 1.600000e-01 : f32
      %le3A_681 = vector.broadcast %le3A_680 : f32 to vector<16xf32>
      %le3A_682 = arith.cmpf ole, %add3A_679, %le3A_681 : vector<16xf32>
      %convert_element_type3A_683 = arith.extui %le3A_682 : vector<16xi1> to vector<16xi32>
      %broadcast_in_dim3A_684 = arith.constant true
      %broadcast_in_dim3A_685 = vector.broadcast %broadcast_in_dim3A_684 : i1 to vector<16xi1>
      %masked_cumsum3A_686 = tpu.scan <sum>, %convert_element_type3A_683 masked %broadcast_in_dim3A_685 : vector<16xi32>, vector<16xi1> -> vector<16xi32>
      %add3A_687 = arith.addi %masked_cumsum3A_686, %add3A_658 : vector<16xi32>
      %add3A_688 = vector.broadcast %mul3A_662 : i32 to vector<16xi32>
      %add3A_689 = arith.addi %iota3A, %add3A_688 : vector<16xi32>
      tpu.vector_store_idx %arg16[%add3A_687], %add3A_689 masked %le3A_682 : memref<320xi32, #tpu.memory_space<vmem>>[vector<16xi32>], vector<16xi32>, vector<16xi1>
      %all_reduce_population_count3A_690 = tpu.all_reduce %le3A_682 {dim = 0 : i64, kind = #tpu.reduction_kind<sum>} : vector<16xi1> -> vector<16xi32>
      %add3A_691 = arith.addi %add3A_658, %all_reduce_population_count3A_690 : vector<16xi32>
      %add3A_692 = arith.constant 7 : i32
      %add3A_693 = arith.addi %while3A_460, %add3A_692 : i32
      %mul3A_694 = arith.constant 16 : i32
      %mul3A_695 = arith.muli %add3A_693, %mul3A_694 : i32
      %get3A_696 = arith.index_cast %mul3A_695 : i32 to index
      %get3A_697 = tpu.vector_load %arg8[%get3A_696] {strides = array<i32>} : memref<16384xf32, #tpu.memory_space<vmem>>, vector<16xf32>,
      %get3A_698 = arith.index_cast %mul3A_695 : i32 to index
      %get3A_699 = tpu.vector_load %arg9[%get3A_698] {strides = array<i32>} : memref<16384xf32, #tpu.memory_space<vmem>>, vector<16xf32>,
      %get3A_700 = arith.index_cast %mul3A_695 : i32 to index
      %get3A_701 = tpu.vector_load %arg10[%get3A_700] {strides = array<i32>} : memref<16384xf32, #tpu.memory_space<vmem>>, vector<16xf32>,
      %sub3A_702 = vector.broadcast %reduce_sum3A_245 : f32 to vector<16xf32>
      %sub3A_703 = arith.subf %get3A_697, %sub3A_702 : vector<16xf32>
      %sub3A_704 = vector.broadcast %reduce_sum3A_254 : f32 to vector<16xf32>
      %sub3A_705 = arith.subf %get3A_699, %sub3A_704 : vector<16xf32>
      %sub3A_706 = vector.broadcast %reduce_sum3A_263 : f32 to vector<16xf32>
      %sub3A_707 = arith.subf %get3A_701, %sub3A_706 : vector<16xf32>
      %mul3A_708 = arith.mulf %sub3A_703, %sub3A_703 : vector<16xf32>
      %mul3A_709 = arith.mulf %sub3A_705, %sub3A_705 : vector<16xf32>
      %add3A_710 = arith.addf %mul3A_708, %mul3A_709 : vector<16xf32>
      %mul3A_711 = arith.mulf %sub3A_707, %sub3A_707 : vector<16xf32>
      %add3A_712 = arith.addf %add3A_710, %mul3A_711 : vector<16xf32>
      %le3A_713 = arith.constant 1.600000e-01 : f32
      %le3A_714 = vector.broadcast %le3A_713 : f32 to vector<16xf32>
      %le3A_715 = arith.cmpf ole, %add3A_712, %le3A_714 : vector<16xf32>
      %convert_element_type3A_716 = arith.extui %le3A_715 : vector<16xi1> to vector<16xi32>
      %broadcast_in_dim3A_717 = arith.constant true
      %broadcast_in_dim3A_718 = vector.broadcast %broadcast_in_dim3A_717 : i1 to vector<16xi1>
      %masked_cumsum3A_719 = tpu.scan <sum>, %convert_element_type3A_716 masked %broadcast_in_dim3A_718 : vector<16xi32>, vector<16xi1> -> vector<16xi32>
      %add3A_720 = arith.addi %masked_cumsum3A_719, %add3A_691 : vector<16xi32>
      %add3A_721 = vector.broadcast %mul3A_695 : i32 to vector<16xi32>
      %add3A_722 = arith.addi %iota3A, %add3A_721 : vector<16xi32>
      tpu.vector_store_idx %arg16[%add3A_720], %add3A_722 masked %le3A_715 : memref<320xi32, #tpu.memory_space<vmem>>[vector<16xi32>], vector<16xi32>, vector<16xi1>
      %all_reduce_population_count3A_723 = tpu.all_reduce %le3A_715 {dim = 0 : i64, kind = #tpu.reduction_kind<sum>} : vector<16xi1> -> vector<16xi32>
      %add3A_724 = arith.addi %add3A_691, %all_reduce_population_count3A_723 : vector<16xi32>
      %add3A_725 = arith.constant 8 : i32
      %add3A_726 = arith.addi %while3A_460, %add3A_725 : i32
      %mul3A_727 = arith.constant 16 : i32
      %mul3A_728 = arith.muli %add3A_726, %mul3A_727 : i32
      %get3A_729 = arith.index_cast %mul3A_728 : i32 to index
      %get3A_730 = tpu.vector_load %arg8[%get3A_729] {strides = array<i32>} : memref<16384xf32, #tpu.memory_space<vmem>>, vector<16xf32>,
      %get3A_731 = arith.index_cast %mul3A_728 : i32 to index
      %get3A_732 = tpu.vector_load %arg9[%get3A_731] {strides = array<i32>} : memref<16384xf32, #tpu.memory_space<vmem>>, vector<16xf32>,
      %get3A_733 = arith.index_cast %mul3A_728 : i32 to index
      %get3A_734 = tpu.vector_load %arg10[%get3A_733] {strides = array<i32>} : memref<16384xf32, #tpu.memory_space<vmem>>, vector<16xf32>,
      %sub3A_735 = vector.broadcast %reduce_sum3A_245 : f32 to vector<16xf32>
      %sub3A_736 = arith.subf %get3A_730, %sub3A_735 : vector<16xf32>
      %sub3A_737 = vector.broadcast %reduce_sum3A_254 : f32 to vector<16xf32>
      %sub3A_738 = arith.subf %get3A_732, %sub3A_737 : vector<16xf32>
      %sub3A_739 = vector.broadcast %reduce_sum3A_263 : f32 to vector<16xf32>
      %sub3A_740 = arith.subf %get3A_734, %sub3A_739 : vector<16xf32>
      %mul3A_741 = arith.mulf %sub3A_736, %sub3A_736 : vector<16xf32>
      %mul3A_742 = arith.mulf %sub3A_738, %sub3A_738 : vector<16xf32>
      %add3A_743 = arith.addf %mul3A_741, %mul3A_742 : vector<16xf32>
      %mul3A_744 = arith.mulf %sub3A_740, %sub3A_740 : vector<16xf32>
      %add3A_745 = arith.addf %add3A_743, %mul3A_744 : vector<16xf32>
      %le3A_746 = arith.constant 1.600000e-01 : f32
      %le3A_747 = vector.broadcast %le3A_746 : f32 to vector<16xf32>
      %le3A_748 = arith.cmpf ole, %add3A_745, %le3A_747 : vector<16xf32>
      %convert_element_type3A_749 = arith.extui %le3A_748 : vector<16xi1> to vector<16xi32>
      %broadcast_in_dim3A_750 = arith.constant true
      %broadcast_in_dim3A_751 = vector.broadcast %broadcast_in_dim3A_750 : i1 to vector<16xi1>
      %masked_cumsum3A_752 = tpu.scan <sum>, %convert_element_type3A_749 masked %broadcast_in_dim3A_751 : vector<16xi32>, vector<16xi1> -> vector<16xi32>
      %add3A_753 = arith.addi %masked_cumsum3A_752, %add3A_724 : vector<16xi32>
      %add3A_754 = vector.broadcast %mul3A_728 : i32 to vector<16xi32>
      %add3A_755 = arith.addi %iota3A, %add3A_754 : vector<16xi32>
      tpu.vector_store_idx %arg16[%add3A_753], %add3A_755 masked %le3A_748 : memref<320xi32, #tpu.memory_space<vmem>>[vector<16xi32>], vector<16xi32>, vector<16xi1>
      %all_reduce_population_count3A_756 = tpu.all_reduce %le3A_748 {dim = 0 : i64, kind = #tpu.reduction_kind<sum>} : vector<16xi1> -> vector<16xi32>
      %add3A_757 = arith.addi %add3A_724, %all_reduce_population_count3A_756 : vector<16xi32>
      %add3A_758 = arith.constant 9 : i32
      %add3A_759 = arith.addi %while3A_460, %add3A_758 : i32
      %mul3A_760 = arith.constant 16 : i32
      %mul3A_761 = arith.muli %add3A_759, %mul3A_760 : i32
      %get3A_762 = arith.index_cast %mul3A_761 : i32 to index
      %get3A_763 = tpu.vector_load %arg8[%get3A_762] {strides = array<i32>} : memref<16384xf32, #tpu.memory_space<vmem>>, vector<16xf32>,
      %get3A_764 = arith.index_cast %mul3A_761 : i32 to index
      %get3A_765 = tpu.vector_load %arg9[%get3A_764] {strides = array<i32>} : memref<16384xf32, #tpu.memory_space<vmem>>, vector<16xf32>,
      %get3A_766 = arith.index_cast %mul3A_761 : i32 to index
      %get3A_767 = tpu.vector_load %arg10[%get3A_766] {strides = array<i32>} : memref<16384xf32, #tpu.memory_space<vmem>>, vector<16xf32>,
      %sub3A_768 = vector.broadcast %reduce_sum3A_245 : f32 to vector<16xf32>
      %sub3A_769 = arith.subf %get3A_763, %sub3A_768 : vector<16xf32>
      %sub3A_770 = vector.broadcast %reduce_sum3A_254 : f32 to vector<16xf32>
      %sub3A_771 = arith.subf %get3A_765, %sub3A_770 : vector<16xf32>
      %sub3A_772 = vector.broadcast %reduce_sum3A_263 : f32 to vector<16xf32>
      %sub3A_773 = arith.subf %get3A_767, %sub3A_772 : vector<16xf32>
      %mul3A_774 = arith.mulf %sub3A_769, %sub3A_769 : vector<16xf32>
      %mul3A_775 = arith.mulf %sub3A_771, %sub3A_771 : vector<16xf32>
      %add3A_776 = arith.addf %mul3A_774, %mul3A_775 : vector<16xf32>
      %mul3A_777 = arith.mulf %sub3A_773, %sub3A_773 : vector<16xf32>
      %add3A_778 = arith.addf %add3A_776, %mul3A_777 : vector<16xf32>
      %le3A_779 = arith.constant 1.600000e-01 : f32
      %le3A_780 = vector.broadcast %le3A_779 : f32 to vector<16xf32>
      %le3A_781 = arith.cmpf ole, %add3A_778, %le3A_780 : vector<16xf32>
      %convert_element_type3A_782 = arith.extui %le3A_781 : vector<16xi1> to vector<16xi32>
      %broadcast_in_dim3A_783 = arith.constant true
      %broadcast_in_dim3A_784 = vector.broadcast %broadcast_in_dim3A_783 : i1 to vector<16xi1>
      %masked_cumsum3A_785 = tpu.scan <sum>, %convert_element_type3A_782 masked %broadcast_in_dim3A_784 : vector<16xi32>, vector<16xi1> -> vector<16xi32>
      %add3A_786 = arith.addi %masked_cumsum3A_785, %add3A_757 : vector<16xi32>
      %add3A_787 = vector.broadcast %mul3A_761 : i32 to vector<16xi32>
      %add3A_788 = arith.addi %iota3A, %add3A_787 : vector<16xi32>
      tpu.vector_store_idx %arg16[%add3A_786], %add3A_788 masked %le3A_781 : memref<320xi32, #tpu.memory_space<vmem>>[vector<16xi32>], vector<16xi32>, vector<16xi1>
      %all_reduce_population_count3A_789 = tpu.all_reduce %le3A_781 {dim = 0 : i64, kind = #tpu.reduction_kind<sum>} : vector<16xi1> -> vector<16xi32>
      %add3A_790 = arith.addi %add3A_757, %all_reduce_population_count3A_789 : vector<16xi32>
      %add3A_791 = arith.constant 10 : i32
      %add3A_792 = arith.addi %while3A_460, %add3A_791 : i32
      %mul3A_793 = arith.constant 16 : i32
      %mul3A_794 = arith.muli %add3A_792, %mul3A_793 : i32
      %get3A_795 = arith.index_cast %mul3A_794 : i32 to index
      %get3A_796 = tpu.vector_load %arg8[%get3A_795] {strides = array<i32>} : memref<16384xf32, #tpu.memory_space<vmem>>, vector<16xf32>,
      %get3A_797 = arith.index_cast %mul3A_794 : i32 to index
      %get3A_798 = tpu.vector_load %arg9[%get3A_797] {strides = array<i32>} : memref<16384xf32, #tpu.memory_space<vmem>>, vector<16xf32>,
      %get3A_799 = arith.index_cast %mul3A_794 : i32 to index
      %get3A_800 = tpu.vector_load %arg10[%get3A_799] {strides = array<i32>} : memref<16384xf32, #tpu.memory_space<vmem>>, vector<16xf32>,
      %sub3A_801 = vector.broadcast %reduce_sum3A_245 : f32 to vector<16xf32>
      %sub3A_802 = arith.subf %get3A_796, %sub3A_801 : vector<16xf32>
      %sub3A_803 = vector.broadcast %reduce_sum3A_254 : f32 to vector<16xf32>
      %sub3A_804 = arith.subf %get3A_798, %sub3A_803 : vector<16xf32>
      %sub3A_805 = vector.broadcast %reduce_sum3A_263 : f32 to vector<16xf32>
      %sub3A_806 = arith.subf %get3A_800, %sub3A_805 : vector<16xf32>
      %mul3A_807 = arith.mulf %sub3A_802, %sub3A_802 : vector<16xf32>
      %mul3A_808 = arith.mulf %sub3A_804, %sub3A_804 : vector<16xf32>
      %add3A_809 = arith.addf %mul3A_807, %mul3A_808 : vector<16xf32>
      %mul3A_810 = arith.mulf %sub3A_806, %sub3A_806 : vector<16xf32>
      %add3A_811 = arith.addf %add3A_809, %mul3A_810 : vector<16xf32>
      %le3A_812 = arith.constant 1.600000e-01 : f32
      %le3A_813 = vector.broadcast %le3A_812 : f32 to vector<16xf32>
      %le3A_814 = arith.cmpf ole, %add3A_811, %le3A_813 : vector<16xf32>
      %convert_element_type3A_815 = arith.extui %le3A_814 : vector<16xi1> to vector<16xi32>
      %broadcast_in_dim3A_816 = arith.constant true
      %broadcast_in_dim3A_817 = vector.broadcast %broadcast_in_dim3A_816 : i1 to vector<16xi1>
      %masked_cumsum3A_818 = tpu.scan <sum>, %convert_element_type3A_815 masked %broadcast_in_dim3A_817 : vector<16xi32>, vector<16xi1> -> vector<16xi32>
      %add3A_819 = arith.addi %masked_cumsum3A_818, %add3A_790 : vector<16xi32>
      %add3A_820 = vector.broadcast %mul3A_794 : i32 to vector<16xi32>
      %add3A_821 = arith.addi %iota3A, %add3A_820 : vector<16xi32>
      tpu.vector_store_idx %arg16[%add3A_819], %add3A_821 masked %le3A_814 : memref<320xi32, #tpu.memory_space<vmem>>[vector<16xi32>], vector<16xi32>, vector<16xi1>
      %all_reduce_population_count3A_822 = tpu.all_reduce %le3A_814 {dim = 0 : i64, kind = #tpu.reduction_kind<sum>} : vector<16xi1> -> vector<16xi32>
      %add3A_823 = arith.addi %add3A_790, %all_reduce_population_count3A_822 : vector<16xi32>
      %add3A_824 = arith.constant 11 : i32
      %add3A_825 = arith.addi %while3A_460, %add3A_824 : i32
      %mul3A_826 = arith.constant 16 : i32
      %mul3A_827 = arith.muli %add3A_825, %mul3A_826 : i32
      %get3A_828 = arith.index_cast %mul3A_827 : i32 to index
      %get3A_829 = tpu.vector_load %arg8[%get3A_828] {strides = array<i32>} : memref<16384xf32, #tpu.memory_space<vmem>>, vector<16xf32>,
      %get3A_830 = arith.index_cast %mul3A_827 : i32 to index
      %get3A_831 = tpu.vector_load %arg9[%get3A_830] {strides = array<i32>} : memref<16384xf32, #tpu.memory_space<vmem>>, vector<16xf32>,
      %get3A_832 = arith.index_cast %mul3A_827 : i32 to index
      %get3A_833 = tpu.vector_load %arg10[%get3A_832] {strides = array<i32>} : memref<16384xf32, #tpu.memory_space<vmem>>, vector<16xf32>,
      %sub3A_834 = vector.broadcast %reduce_sum3A_245 : f32 to vector<16xf32>
      %sub3A_835 = arith.subf %get3A_829, %sub3A_834 : vector<16xf32>
      %sub3A_836 = vector.broadcast %reduce_sum3A_254 : f32 to vector<16xf32>
      %sub3A_837 = arith.subf %get3A_831, %sub3A_836 : vector<16xf32>
      %sub3A_838 = vector.broadcast %reduce_sum3A_263 : f32 to vector<16xf32>
      %sub3A_839 = arith.subf %get3A_833, %sub3A_838 : vector<16xf32>
      %mul3A_840 = arith.mulf %sub3A_835, %sub3A_835 : vector<16xf32>
      %mul3A_841 = arith.mulf %sub3A_837, %sub3A_837 : vector<16xf32>
      %add3A_842 = arith.addf %mul3A_840, %mul3A_841 : vector<16xf32>
      %mul3A_843 = arith.mulf %sub3A_839, %sub3A_839 : vector<16xf32>
      %add3A_844 = arith.addf %add3A_842, %mul3A_843 : vector<16xf32>
      %le3A_845 = arith.constant 1.600000e-01 : f32
      %le3A_846 = vector.broadcast %le3A_845 : f32 to vector<16xf32>
      %le3A_847 = arith.cmpf ole, %add3A_844, %le3A_846 : vector<16xf32>
      %convert_element_type3A_848 = arith.extui %le3A_847 : vector<16xi1> to vector<16xi32>
      %broadcast_in_dim3A_849 = arith.constant true
      %broadcast_in_dim3A_850 = vector.broadcast %broadcast_in_dim3A_849 : i1 to vector<16xi1>
      %masked_cumsum3A_851 = tpu.scan <sum>, %convert_element_type3A_848 masked %broadcast_in_dim3A_850 : vector<16xi32>, vector<16xi1> -> vector<16xi32>
      %add3A_852 = arith.addi %masked_cumsum3A_851, %add3A_823 : vector<16xi32>
      %add3A_853 = vector.broadcast %mul3A_827 : i32 to vector<16xi32>
      %add3A_854 = arith.addi %iota3A, %add3A_853 : vector<16xi32>
      tpu.vector_store_idx %arg16[%add3A_852], %add3A_854 masked %le3A_847 : memref<320xi32, #tpu.memory_space<vmem>>[vector<16xi32>], vector<16xi32>, vector<16xi1>
      %all_reduce_population_count3A_855 = tpu.all_reduce %le3A_847 {dim = 0 : i64, kind = #tpu.reduction_kind<sum>} : vector<16xi1> -> vector<16xi32>
      %add3A_856 = arith.addi %add3A_823, %all_reduce_population_count3A_855 : vector<16xi32>
      %add3A_857 = arith.constant 12 : i32
      %add3A_858 = arith.addi %while3A_460, %add3A_857 : i32
      %mul3A_859 = arith.constant 16 : i32
      %mul3A_860 = arith.muli %add3A_858, %mul3A_859 : i32
      %get3A_861 = arith.index_cast %mul3A_860 : i32 to index
      %get3A_862 = tpu.vector_load %arg8[%get3A_861] {strides = array<i32>} : memref<16384xf32, #tpu.memory_space<vmem>>, vector<16xf32>,
      %get3A_863 = arith.index_cast %mul3A_860 : i32 to index
      %get3A_864 = tpu.vector_load %arg9[%get3A_863] {strides = array<i32>} : memref<16384xf32, #tpu.memory_space<vmem>>, vector<16xf32>,
      %get3A_865 = arith.index_cast %mul3A_860 : i32 to index
      %get3A_866 = tpu.vector_load %arg10[%get3A_865] {strides = array<i32>} : memref<16384xf32, #tpu.memory_space<vmem>>, vector<16xf32>,
      %sub3A_867 = vector.broadcast %reduce_sum3A_245 : f32 to vector<16xf32>
      %sub3A_868 = arith.subf %get3A_862, %sub3A_867 : vector<16xf32>
      %sub3A_869 = vector.broadcast %reduce_sum3A_254 : f32 to vector<16xf32>
      %sub3A_870 = arith.subf %get3A_864, %sub3A_869 : vector<16xf32>
      %sub3A_871 = vector.broadcast %reduce_sum3A_263 : f32 to vector<16xf32>
      %sub3A_872 = arith.subf %get3A_866, %sub3A_871 : vector<16xf32>
      %mul3A_873 = arith.mulf %sub3A_868, %sub3A_868 : vector<16xf32>
      %mul3A_874 = arith.mulf %sub3A_870, %sub3A_870 : vector<16xf32>
      %add3A_875 = arith.addf %mul3A_873, %mul3A_874 : vector<16xf32>
      %mul3A_876 = arith.mulf %sub3A_872, %sub3A_872 : vector<16xf32>
      %add3A_877 = arith.addf %add3A_875, %mul3A_876 : vector<16xf32>
      %le3A_878 = arith.constant 1.600000e-01 : f32
      %le3A_879 = vector.broadcast %le3A_878 : f32 to vector<16xf32>
      %le3A_880 = arith.cmpf ole, %add3A_877, %le3A_879 : vector<16xf32>
      %convert_element_type3A_881 = arith.extui %le3A_880 : vector<16xi1> to vector<16xi32>
      %broadcast_in_dim3A_882 = arith.constant true
      %broadcast_in_dim3A_883 = vector.broadcast %broadcast_in_dim3A_882 : i1 to vector<16xi1>
      %masked_cumsum3A_884 = tpu.scan <sum>, %convert_element_type3A_881 masked %broadcast_in_dim3A_883 : vector<16xi32>, vector<16xi1> -> vector<16xi32>
      %add3A_885 = arith.addi %masked_cumsum3A_884, %add3A_856 : vector<16xi32>
      %add3A_886 = vector.broadcast %mul3A_860 : i32 to vector<16xi32>
      %add3A_887 = arith.addi %iota3A, %add3A_886 : vector<16xi32>
      tpu.vector_store_idx %arg16[%add3A_885], %add3A_887 masked %le3A_880 : memref<320xi32, #tpu.memory_space<vmem>>[vector<16xi32>], vector<16xi32>, vector<16xi1>
      %all_reduce_population_count3A_888 = tpu.all_reduce %le3A_880 {dim = 0 : i64, kind = #tpu.reduction_kind<sum>} : vector<16xi1> -> vector<16xi32>
      %add3A_889 = arith.addi %add3A_856, %all_reduce_population_count3A_888 : vector<16xi32>
      %add3A_890 = arith.constant 13 : i32
      %add3A_891 = arith.addi %while3A_460, %add3A_890 : i32
      %mul3A_892 = arith.constant 16 : i32
      %mul3A_893 = arith.muli %add3A_891, %mul3A_892 : i32
      %get3A_894 = arith.index_cast %mul3A_893 : i32 to index
      %get3A_895 = tpu.vector_load %arg8[%get3A_894] {strides = array<i32>} : memref<16384xf32, #tpu.memory_space<vmem>>, vector<16xf32>,
      %get3A_896 = arith.index_cast %mul3A_893 : i32 to index
      %get3A_897 = tpu.vector_load %arg9[%get3A_896] {strides = array<i32>} : memref<16384xf32, #tpu.memory_space<vmem>>, vector<16xf32>,
      %get3A_898 = arith.index_cast %mul3A_893 : i32 to index
      %get3A_899 = tpu.vector_load %arg10[%get3A_898] {strides = array<i32>} : memref<16384xf32, #tpu.memory_space<vmem>>, vector<16xf32>,
      %sub3A_900 = vector.broadcast %reduce_sum3A_245 : f32 to vector<16xf32>
      %sub3A_901 = arith.subf %get3A_895, %sub3A_900 : vector<16xf32>
      %sub3A_902 = vector.broadcast %reduce_sum3A_254 : f32 to vector<16xf32>
      %sub3A_903 = arith.subf %get3A_897, %sub3A_902 : vector<16xf32>
      %sub3A_904 = vector.broadcast %reduce_sum3A_263 : f32 to vector<16xf32>
      %sub3A_905 = arith.subf %get3A_899, %sub3A_904 : vector<16xf32>
      %mul3A_906 = arith.mulf %sub3A_901, %sub3A_901 : vector<16xf32>
      %mul3A_907 = arith.mulf %sub3A_903, %sub3A_903 : vector<16xf32>
      %add3A_908 = arith.addf %mul3A_906, %mul3A_907 : vector<16xf32>
      %mul3A_909 = arith.mulf %sub3A_905, %sub3A_905 : vector<16xf32>
      %add3A_910 = arith.addf %add3A_908, %mul3A_909 : vector<16xf32>
      %le3A_911 = arith.constant 1.600000e-01 : f32
      %le3A_912 = vector.broadcast %le3A_911 : f32 to vector<16xf32>
      %le3A_913 = arith.cmpf ole, %add3A_910, %le3A_912 : vector<16xf32>
      %convert_element_type3A_914 = arith.extui %le3A_913 : vector<16xi1> to vector<16xi32>
      %broadcast_in_dim3A_915 = arith.constant true
      %broadcast_in_dim3A_916 = vector.broadcast %broadcast_in_dim3A_915 : i1 to vector<16xi1>
      %masked_cumsum3A_917 = tpu.scan <sum>, %convert_element_type3A_914 masked %broadcast_in_dim3A_916 : vector<16xi32>, vector<16xi1> -> vector<16xi32>
      %add3A_918 = arith.addi %masked_cumsum3A_917, %add3A_889 : vector<16xi32>
      %add3A_919 = vector.broadcast %mul3A_893 : i32 to vector<16xi32>
      %add3A_920 = arith.addi %iota3A, %add3A_919 : vector<16xi32>
      tpu.vector_store_idx %arg16[%add3A_918], %add3A_920 masked %le3A_913 : memref<320xi32, #tpu.memory_space<vmem>>[vector<16xi32>], vector<16xi32>, vector<16xi1>
      %all_reduce_population_count3A_921 = tpu.all_reduce %le3A_913 {dim = 0 : i64, kind = #tpu.reduction_kind<sum>} : vector<16xi1> -> vector<16xi32>
      %add3A_922 = arith.addi %add3A_889, %all_reduce_population_count3A_921 : vector<16xi32>
      %add3A_923 = arith.constant 14 : i32
      %add3A_924 = arith.addi %while3A_460, %add3A_923 : i32
      %mul3A_925 = arith.constant 16 : i32
      %mul3A_926 = arith.muli %add3A_924, %mul3A_925 : i32
      %get3A_927 = arith.index_cast %mul3A_926 : i32 to index
      %get3A_928 = tpu.vector_load %arg8[%get3A_927] {strides = array<i32>} : memref<16384xf32, #tpu.memory_space<vmem>>, vector<16xf32>,
      %get3A_929 = arith.index_cast %mul3A_926 : i32 to index
      %get3A_930 = tpu.vector_load %arg9[%get3A_929] {strides = array<i32>} : memref<16384xf32, #tpu.memory_space<vmem>>, vector<16xf32>,
      %get3A_931 = arith.index_cast %mul3A_926 : i32 to index
      %get3A_932 = tpu.vector_load %arg10[%get3A_931] {strides = array<i32>} : memref<16384xf32, #tpu.memory_space<vmem>>, vector<16xf32>,
      %sub3A_933 = vector.broadcast %reduce_sum3A_245 : f32 to vector<16xf32>
      %sub3A_934 = arith.subf %get3A_928, %sub3A_933 : vector<16xf32>
      %sub3A_935 = vector.broadcast %reduce_sum3A_254 : f32 to vector<16xf32>
      %sub3A_936 = arith.subf %get3A_930, %sub3A_935 : vector<16xf32>
      %sub3A_937 = vector.broadcast %reduce_sum3A_263 : f32 to vector<16xf32>
      %sub3A_938 = arith.subf %get3A_932, %sub3A_937 : vector<16xf32>
      %mul3A_939 = arith.mulf %sub3A_934, %sub3A_934 : vector<16xf32>
      %mul3A_940 = arith.mulf %sub3A_936, %sub3A_936 : vector<16xf32>
      %add3A_941 = arith.addf %mul3A_939, %mul3A_940 : vector<16xf32>
      %mul3A_942 = arith.mulf %sub3A_938, %sub3A_938 : vector<16xf32>
      %add3A_943 = arith.addf %add3A_941, %mul3A_942 : vector<16xf32>
      %le3A_944 = arith.constant 1.600000e-01 : f32
      %le3A_945 = vector.broadcast %le3A_944 : f32 to vector<16xf32>
      %le3A_946 = arith.cmpf ole, %add3A_943, %le3A_945 : vector<16xf32>
      %convert_element_type3A_947 = arith.extui %le3A_946 : vector<16xi1> to vector<16xi32>
      %broadcast_in_dim3A_948 = arith.constant true
      %broadcast_in_dim3A_949 = vector.broadcast %broadcast_in_dim3A_948 : i1 to vector<16xi1>
      %masked_cumsum3A_950 = tpu.scan <sum>, %convert_element_type3A_947 masked %broadcast_in_dim3A_949 : vector<16xi32>, vector<16xi1> -> vector<16xi32>
      %add3A_951 = arith.addi %masked_cumsum3A_950, %add3A_922 : vector<16xi32>
      %add3A_952 = vector.broadcast %mul3A_926 : i32 to vector<16xi32>
      %add3A_953 = arith.addi %iota3A, %add3A_952 : vector<16xi32>
      tpu.vector_store_idx %arg16[%add3A_951], %add3A_953 masked %le3A_946 : memref<320xi32, #tpu.memory_space<vmem>>[vector<16xi32>], vector<16xi32>, vector<16xi1>
      %all_reduce_population_count3A_954 = tpu.all_reduce %le3A_946 {dim = 0 : i64, kind = #tpu.reduction_kind<sum>} : vector<16xi1> -> vector<16xi32>
      %add3A_955 = arith.addi %add3A_922, %all_reduce_population_count3A_954 : vector<16xi32>
      %add3A_956 = arith.constant 15 : i32
      %add3A_957 = arith.addi %while3A_460, %add3A_956 : i32
      %mul3A_958 = arith.constant 16 : i32
      %mul3A_959 = arith.muli %add3A_957, %mul3A_958 : i32
      %get3A_960 = arith.index_cast %mul3A_959 : i32 to index
      %get3A_961 = tpu.vector_load %arg8[%get3A_960] {strides = array<i32>} : memref<16384xf32, #tpu.memory_space<vmem>>, vector<16xf32>,
      %get3A_962 = arith.index_cast %mul3A_959 : i32 to index
      %get3A_963 = tpu.vector_load %arg9[%get3A_962] {strides = array<i32>} : memref<16384xf32, #tpu.memory_space<vmem>>, vector<16xf32>,
      %get3A_964 = arith.index_cast %mul3A_959 : i32 to index
      %get3A_965 = tpu.vector_load %arg10[%get3A_964] {strides = array<i32>} : memref<16384xf32, #tpu.memory_space<vmem>>, vector<16xf32>,
      %sub3A_966 = vector.broadcast %reduce_sum3A_245 : f32 to vector<16xf32>
      %sub3A_967 = arith.subf %get3A_961, %sub3A_966 : vector<16xf32>
      %sub3A_968 = vector.broadcast %reduce_sum3A_254 : f32 to vector<16xf32>
      %sub3A_969 = arith.subf %get3A_963, %sub3A_968 : vector<16xf32>
      %sub3A_970 = vector.broadcast %reduce_sum3A_263 : f32 to vector<16xf32>
      %sub3A_971 = arith.subf %get3A_965, %sub3A_970 : vector<16xf32>
      %mul3A_972 = arith.mulf %sub3A_967, %sub3A_967 : vector<16xf32>
      %mul3A_973 = arith.mulf %sub3A_969, %sub3A_969 : vector<16xf32>
      %add3A_974 = arith.addf %mul3A_972, %mul3A_973 : vector<16xf32>
      %mul3A_975 = arith.mulf %sub3A_971, %sub3A_971 : vector<16xf32>
      %add3A_976 = arith.addf %add3A_974, %mul3A_975 : vector<16xf32>
      %le3A_977 = arith.constant 1.600000e-01 : f32
      %le3A_978 = vector.broadcast %le3A_977 : f32 to vector<16xf32>
      %le3A_979 = arith.cmpf ole, %add3A_976, %le3A_978 : vector<16xf32>
      %convert_element_type3A_980 = arith.extui %le3A_979 : vector<16xi1> to vector<16xi32>
      %broadcast_in_dim3A_981 = arith.constant true
      %broadcast_in_dim3A_982 = vector.broadcast %broadcast_in_dim3A_981 : i1 to vector<16xi1>
      %masked_cumsum3A_983 = tpu.scan <sum>, %convert_element_type3A_980 masked %broadcast_in_dim3A_982 : vector<16xi32>, vector<16xi1> -> vector<16xi32>
      %add3A_984 = arith.addi %masked_cumsum3A_983, %add3A_955 : vector<16xi32>
      %add3A_985 = vector.broadcast %mul3A_959 : i32 to vector<16xi32>
      %add3A_986 = arith.addi %iota3A, %add3A_985 : vector<16xi32>
      tpu.vector_store_idx %arg16[%add3A_984], %add3A_986 masked %le3A_979 : memref<320xi32, #tpu.memory_space<vmem>>[vector<16xi32>], vector<16xi32>, vector<16xi1>
      %all_reduce_population_count3A_987 = tpu.all_reduce %le3A_979 {dim = 0 : i64, kind = #tpu.reduction_kind<sum>} : vector<16xi1> -> vector<16xi32>
      %add3A_988 = arith.addi %add3A_955, %all_reduce_population_count3A_987 : vector<16xi32>
      %add3A_989 = arith.constant 16 : i32
      %add3A_990 = arith.addi %while3A_460, %add3A_989 : i32
      %add3A_991 = arith.constant 1 : i32
      %add3A_992 = vector.broadcast %add3A_991 : i32 to vector<16xi32>
      %add3A_993 = arith.addi %add3A_988, %add3A_992 : vector<16xi32>
      scf.yield %add3A_990, %add3A_993 : i32, vector<16xi32>
    }
    %reduce_max3A = arith.constant true
    %reduce_max3A_267 = vector.broadcast %reduce_max3A : i1 to vector<16xi1>
    %reduce_max3A_268 = arith.constant -2147483648 : i32
    %reduce_max3A_269 = vector.broadcast %reduce_max3A_268 : i32 to vector<16xi32>
    %reduce_max3A_270 = arith.xori %while3A_266#1, %reduce_max3A_269 : vector<16xi32>
    %reduce_max3A_271 = tpu.scan <max>, %reduce_max3A_270 masked %reduce_max3A_267 : vector<16xi32>, vector<16xi1> -> vector<16xi32>
    %reduce_max3A_272 = arith.xori %reduce_max3A_271, %reduce_max3A_269 : vector<16xi32>
    %reduce_max3A_273 = vector.extract %reduce_max3A_272[15] : i32 from vector<16xi32>
    %get3A_274 = arith.constant 0 : index
    %get3A_275 = tpu.vector_load %arg16[%get3A_274] {strides = array<i32>} : memref<320xi32, #tpu.memory_space<vmem>>, vector<16xi32>,
    %eq3A_276 = arith.constant 0 : i32
    %eq3A_277 = vector.broadcast %eq3A_276 : i32 to vector<16xi32>
    %eq3A_278 = arith.cmpi eq, %iota3A, %eq3A_277 : vector<16xi32>
    %jit3A_279 = arith.constant 0 : i32
    %broadcast_in_dim3A_280 = vector.broadcast %jit3A_279 : i32 to vector<16xi32>
    %select_n3A_281 = arith.select %eq3A_278, %get3A_275, %broadcast_in_dim3A_280 : vector<16xi1>, vector<16xi32>
    %reduce_sum3A_282 = arith.constant true
    %reduce_sum3A_283 = vector.broadcast %reduce_sum3A_282 : i1 to vector<16xi1>
    %reduce_sum3A_284 = tpu.scan <sum>, %select_n3A_281 masked %reduce_sum3A_283 : vector<16xi32>, vector<16xi1> -> vector<16xi32>
    %reduce_sum3A_285 = vector.extract %reduce_sum3A_284[15] : i32 from vector<16xi32>
    %add3A_286 = arith.constant 0 : i32
    %add3A_287 = vector.broadcast %add3A_286 : i32 to vector<16xi32>
    %add3A_288 = arith.addi %iota3A, %add3A_287 : vector<16xi32>
    %get3A_289 = arith.constant 0 : index
    %get3A_290 = tpu.vector_load %arg16[%get3A_289] {strides = array<i32>} : memref<320xi32, #tpu.memory_space<vmem>>, vector<16xi32>,
    %lt3A_291 = vector.broadcast %reduce_max3A_273 : i32 to vector<16xi32>
    %lt3A_292 = arith.cmpi slt, %add3A_288, %lt3A_291 : vector<16xi32>
    %broadcast_in_dim3A_293 = vector.broadcast %reduce_sum3A_285 : i32 to vector<16xi32>
    %select_n3A_294 = arith.select %lt3A_292, %get3A_290, %broadcast_in_dim3A_293 : vector<16xi1>, vector<16xi32>
    %gather3A_295 = tpu.vector_load_idx %arg8[%select_n3A_294] : memref<16384xf32, #tpu.memory_space<vmem>>[vector<16xi32>], vector<16xf32>,
    %gather3A_296 = tpu.vector_load_idx %arg9[%select_n3A_294] : memref<16384xf32, #tpu.memory_space<vmem>>[vector<16xi32>], vector<16xf32>,
    %gather3A_297 = tpu.vector_load_idx %arg10[%select_n3A_294] : memref<16384xf32, #tpu.memory_space<vmem>>[vector<16xi32>], vector<16xf32>,
    %mul3A_298 = arith.constant 3 : i32
    %mul3A_299 = vector.broadcast %mul3A_298 : i32 to vector<16xi32>
    %mul3A_300 = arith.muli %add3A_288, %mul3A_299 : vector<16xi32>
    %add3A_301 = arith.addi %mul3A_300, %broadcast_in_dim3A_56 : vector<16xi32>
    %sub3A_302 = vector.broadcast %reduce_sum3A_245 : f32 to vector<16xf32>
    %sub3A_303 = arith.subf %gather3A_295, %sub3A_302 : vector<16xf32>
    %div3A_304 = arith.constant 4.000000e-01 : f32
    %div3A_305 = vector.broadcast %div3A_304 : f32 to vector<16xf32>
    %div3A_306 = arith.divf %sub3A_303, %div3A_305 : vector<16xf32>
    tpu.vector_store_idx %arg19[%add3A_301], %div3A_306 : memref<192xf32, #tpu.memory_space<vmem>>[vector<16xi32>], vector<16xf32>,
    %add3A_307 = arith.addi %mul3A_300, %broadcast_in_dim3A_58 : vector<16xi32>
    %sub3A_308 = vector.broadcast %reduce_sum3A_254 : f32 to vector<16xf32>
    %sub3A_309 = arith.subf %gather3A_296, %sub3A_308 : vector<16xf32>
    %div3A_310 = arith.constant 4.000000e-01 : f32
    %div3A_311 = vector.broadcast %div3A_310 : f32 to vector<16xf32>
    %div3A_312 = arith.divf %sub3A_309, %div3A_311 : vector<16xf32>
    tpu.vector_store_idx %arg19[%add3A_307], %div3A_312 : memref<192xf32, #tpu.memory_space<vmem>>[vector<16xi32>], vector<16xf32>,
    %add3A_313 = arith.addi %mul3A_300, %broadcast_in_dim3A_60 : vector<16xi32>
    %sub3A_314 = vector.broadcast %reduce_sum3A_263 : f32 to vector<16xf32>
    %sub3A_315 = arith.subf %gather3A_297, %sub3A_314 : vector<16xf32>
    %div3A_316 = arith.constant 4.000000e-01 : f32
    %div3A_317 = vector.broadcast %div3A_316 : f32 to vector<16xf32>
    %div3A_318 = arith.divf %sub3A_315, %div3A_317 : vector<16xf32>
    tpu.vector_store_idx %arg19[%add3A_313], %div3A_318 : memref<192xf32, #tpu.memory_space<vmem>>[vector<16xi32>], vector<16xf32>,
    %add3A_319 = vector.broadcast %mul3A_34 : i32 to vector<16xi32>
    %add3A_320 = arith.addi %select_n3A_294, %add3A_319 : vector<16xi32>
    %swap3A_321 = arith.constant 0 : index
    %swap3A_322 = tpu.vector_load %arg17[%swap3A_321] {strides = array<i32>} : memref<64xi32, #tpu.memory_space<vmem>>, vector<16xi32>,
    tpu.vector_store %arg17[%swap3A_321], %add3A_320 {strides = array<i32>} : memref<64xi32, #tpu.memory_space<vmem>>, vector<16xi32>,
    %add3A_323 = arith.constant 16 : i32
    %add3A_324 = vector.broadcast %add3A_323 : i32 to vector<16xi32>
    %add3A_325 = arith.addi %iota3A, %add3A_324 : vector<16xi32>
    %get3A_326 = arith.constant 16 : index
    %get3A_327 = tpu.vector_load %arg16[%get3A_326] {strides = array<i32>} : memref<320xi32, #tpu.memory_space<vmem>>, vector<16xi32>,
    %lt3A_328 = vector.broadcast %reduce_max3A_273 : i32 to vector<16xi32>
    %lt3A_329 = arith.cmpi slt, %add3A_325, %lt3A_328 : vector<16xi32>
    %broadcast_in_dim3A_330 = vector.broadcast %reduce_sum3A_285 : i32 to vector<16xi32>
    %select_n3A_331 = arith.select %lt3A_329, %get3A_327, %broadcast_in_dim3A_330 : vector<16xi1>, vector<16xi32>
    %gather3A_332 = tpu.vector_load_idx %arg8[%select_n3A_331] : memref<16384xf32, #tpu.memory_space<vmem>>[vector<16xi32>], vector<16xf32>,
    %gather3A_333 = tpu.vector_load_idx %arg9[%select_n3A_331] : memref<16384xf32, #tpu.memory_space<vmem>>[vector<16xi32>], vector<16xf32>,
    %gather3A_334 = tpu.vector_load_idx %arg10[%select_n3A_331] : memref<16384xf32, #tpu.memory_space<vmem>>[vector<16xi32>], vector<16xf32>,
    %mul3A_335 = arith.constant 3 : i32
    %mul3A_336 = vector.broadcast %mul3A_335 : i32 to vector<16xi32>
    %mul3A_337 = arith.muli %add3A_325, %mul3A_336 : vector<16xi32>
    %add3A_338 = arith.addi %mul3A_337, %broadcast_in_dim3A_56 : vector<16xi32>
    %sub3A_339 = vector.broadcast %reduce_sum3A_245 : f32 to vector<16xf32>
    %sub3A_340 = arith.subf %gather3A_332, %sub3A_339 : vector<16xf32>
    %div3A_341 = arith.constant 4.000000e-01 : f32
    %div3A_342 = vector.broadcast %div3A_341 : f32 to vector<16xf32>
    %div3A_343 = arith.divf %sub3A_340, %div3A_342 : vector<16xf32>
    tpu.vector_store_idx %arg19[%add3A_338], %div3A_343 : memref<192xf32, #tpu.memory_space<vmem>>[vector<16xi32>], vector<16xf32>,
    %add3A_344 = arith.addi %mul3A_337, %broadcast_in_dim3A_58 : vector<16xi32>
    %sub3A_345 = vector.broadcast %reduce_sum3A_254 : f32 to vector<16xf32>
    %sub3A_346 = arith.subf %gather3A_333, %sub3A_345 : vector<16xf32>
    %div3A_347 = arith.constant 4.000000e-01 : f32
    %div3A_348 = vector.broadcast %div3A_347 : f32 to vector<16xf32>
    %div3A_349 = arith.divf %sub3A_346, %div3A_348 : vector<16xf32>
    tpu.vector_store_idx %arg19[%add3A_344], %div3A_349 : memref<192xf32, #tpu.memory_space<vmem>>[vector<16xi32>], vector<16xf32>,
    %add3A_350 = arith.addi %mul3A_337, %broadcast_in_dim3A_60 : vector<16xi32>
    %sub3A_351 = vector.broadcast %reduce_sum3A_263 : f32 to vector<16xf32>
    %sub3A_352 = arith.subf %gather3A_334, %sub3A_351 : vector<16xf32>
    %div3A_353 = arith.constant 4.000000e-01 : f32
    %div3A_354 = vector.broadcast %div3A_353 : f32 to vector<16xf32>
    %div3A_355 = arith.divf %sub3A_352, %div3A_354 : vector<16xf32>
    tpu.vector_store_idx %arg19[%add3A_350], %div3A_355 : memref<192xf32, #tpu.memory_space<vmem>>[vector<16xi32>], vector<16xf32>,
    %add3A_356 = vector.broadcast %mul3A_34 : i32 to vector<16xi32>
    %add3A_357 = arith.addi %select_n3A_331, %add3A_356 : vector<16xi32>
    %swap3A_358 = arith.constant 16 : index
    %swap3A_359 = tpu.vector_load %arg17[%swap3A_358] {strides = array<i32>} : memref<64xi32, #tpu.memory_space<vmem>>, vector<16xi32>,
    tpu.vector_store %arg17[%swap3A_358], %add3A_357 {strides = array<i32>} : memref<64xi32, #tpu.memory_space<vmem>>, vector<16xi32>,
    %add3A_360 = arith.constant 32 : i32
    %add3A_361 = vector.broadcast %add3A_360 : i32 to vector<16xi32>
    %add3A_362 = arith.addi %iota3A, %add3A_361 : vector<16xi32>
    %get3A_363 = arith.constant 32 : index
    %get3A_364 = tpu.vector_load %arg16[%get3A_363] {strides = array<i32>} : memref<320xi32, #tpu.memory_space<vmem>>, vector<16xi32>,
    %lt3A_365 = vector.broadcast %reduce_max3A_273 : i32 to vector<16xi32>
    %lt3A_366 = arith.cmpi slt, %add3A_362, %lt3A_365 : vector<16xi32>
    %broadcast_in_dim3A_367 = vector.broadcast %reduce_sum3A_285 : i32 to vector<16xi32>
    %select_n3A_368 = arith.select %lt3A_366, %get3A_364, %broadcast_in_dim3A_367 : vector<16xi1>, vector<16xi32>
    %gather3A_369 = tpu.vector_load_idx %arg8[%select_n3A_368] : memref<16384xf32, #tpu.memory_space<vmem>>[vector<16xi32>], vector<16xf32>,
    %gather3A_370 = tpu.vector_load_idx %arg9[%select_n3A_368] : memref<16384xf32, #tpu.memory_space<vmem>>[vector<16xi32>], vector<16xf32>,
    %gather3A_371 = tpu.vector_load_idx %arg10[%select_n3A_368] : memref<16384xf32, #tpu.memory_space<vmem>>[vector<16xi32>], vector<16xf32>,
    %mul3A_372 = arith.constant 3 : i32
    %mul3A_373 = vector.broadcast %mul3A_372 : i32 to vector<16xi32>
    %mul3A_374 = arith.muli %add3A_362, %mul3A_373 : vector<16xi32>
    %add3A_375 = arith.addi %mul3A_374, %broadcast_in_dim3A_56 : vector<16xi32>
    %sub3A_376 = vector.broadcast %reduce_sum3A_245 : f32 to vector<16xf32>
    %sub3A_377 = arith.subf %gather3A_369, %sub3A_376 : vector<16xf32>
    %div3A_378 = arith.constant 4.000000e-01 : f32
    %div3A_379 = vector.broadcast %div3A_378 : f32 to vector<16xf32>
    %div3A_380 = arith.divf %sub3A_377, %div3A_379 : vector<16xf32>
    tpu.vector_store_idx %arg19[%add3A_375], %div3A_380 : memref<192xf32, #tpu.memory_space<vmem>>[vector<16xi32>], vector<16xf32>,
    %add3A_381 = arith.addi %mul3A_374, %broadcast_in_dim3A_58 : vector<16xi32>
    %sub3A_382 = vector.broadcast %reduce_sum3A_254 : f32 to vector<16xf32>
    %sub3A_383 = arith.subf %gather3A_370, %sub3A_382 : vector<16xf32>
    %div3A_384 = arith.constant 4.000000e-01 : f32
    %div3A_385 = vector.broadcast %div3A_384 : f32 to vector<16xf32>
    %div3A_386 = arith.divf %sub3A_383, %div3A_385 : vector<16xf32>
    tpu.vector_store_idx %arg19[%add3A_381], %div3A_386 : memref<192xf32, #tpu.memory_space<vmem>>[vector<16xi32>], vector<16xf32>,
    %add3A_387 = arith.addi %mul3A_374, %broadcast_in_dim3A_60 : vector<16xi32>
    %sub3A_388 = vector.broadcast %reduce_sum3A_263 : f32 to vector<16xf32>
    %sub3A_389 = arith.subf %gather3A_371, %sub3A_388 : vector<16xf32>
    %div3A_390 = arith.constant 4.000000e-01 : f32
    %div3A_391 = vector.broadcast %div3A_390 : f32 to vector<16xf32>
    %div3A_392 = arith.divf %sub3A_389, %div3A_391 : vector<16xf32>
    tpu.vector_store_idx %arg19[%add3A_387], %div3A_392 : memref<192xf32, #tpu.memory_space<vmem>>[vector<16xi32>], vector<16xf32>,
    %add3A_393 = vector.broadcast %mul3A_34 : i32 to vector<16xi32>
    %add3A_394 = arith.addi %select_n3A_368, %add3A_393 : vector<16xi32>
    %swap3A_395 = arith.constant 32 : index
    %swap3A_396 = tpu.vector_load %arg17[%swap3A_395] {strides = array<i32>} : memref<64xi32, #tpu.memory_space<vmem>>, vector<16xi32>,
    tpu.vector_store %arg17[%swap3A_395], %add3A_394 {strides = array<i32>} : memref<64xi32, #tpu.memory_space<vmem>>, vector<16xi32>,
    %add3A_397 = arith.constant 48 : i32
    %add3A_398 = vector.broadcast %add3A_397 : i32 to vector<16xi32>
    %add3A_399 = arith.addi %iota3A, %add3A_398 : vector<16xi32>
    %get3A_400 = arith.constant 48 : index
    %get3A_401 = tpu.vector_load %arg16[%get3A_400] {strides = array<i32>} : memref<320xi32, #tpu.memory_space<vmem>>, vector<16xi32>,
    %lt3A_402 = vector.broadcast %reduce_max3A_273 : i32 to vector<16xi32>
    %lt3A_403 = arith.cmpi slt, %add3A_399, %lt3A_402 : vector<16xi32>
    %broadcast_in_dim3A_404 = vector.broadcast %reduce_sum3A_285 : i32 to vector<16xi32>
    %select_n3A_405 = arith.select %lt3A_403, %get3A_401, %broadcast_in_dim3A_404 : vector<16xi1>, vector<16xi32>
    %gather3A_406 = tpu.vector_load_idx %arg8[%select_n3A_405] : memref<16384xf32, #tpu.memory_space<vmem>>[vector<16xi32>], vector<16xf32>,
    %gather3A_407 = tpu.vector_load_idx %arg9[%select_n3A_405] : memref<16384xf32, #tpu.memory_space<vmem>>[vector<16xi32>], vector<16xf32>,
    %gather3A_408 = tpu.vector_load_idx %arg10[%select_n3A_405] : memref<16384xf32, #tpu.memory_space<vmem>>[vector<16xi32>], vector<16xf32>,
    %mul3A_409 = arith.constant 3 : i32
    %mul3A_410 = vector.broadcast %mul3A_409 : i32 to vector<16xi32>
    %mul3A_411 = arith.muli %add3A_399, %mul3A_410 : vector<16xi32>
    %add3A_412 = arith.addi %mul3A_411, %broadcast_in_dim3A_56 : vector<16xi32>
    %sub3A_413 = vector.broadcast %reduce_sum3A_245 : f32 to vector<16xf32>
    %sub3A_414 = arith.subf %gather3A_406, %sub3A_413 : vector<16xf32>
    %div3A_415 = arith.constant 4.000000e-01 : f32
    %div3A_416 = vector.broadcast %div3A_415 : f32 to vector<16xf32>
    %div3A_417 = arith.divf %sub3A_414, %div3A_416 : vector<16xf32>
    tpu.vector_store_idx %arg19[%add3A_412], %div3A_417 : memref<192xf32, #tpu.memory_space<vmem>>[vector<16xi32>], vector<16xf32>,
    %add3A_418 = arith.addi %mul3A_411, %broadcast_in_dim3A_58 : vector<16xi32>
    %sub3A_419 = vector.broadcast %reduce_sum3A_254 : f32 to vector<16xf32>
    %sub3A_420 = arith.subf %gather3A_407, %sub3A_419 : vector<16xf32>
    %div3A_421 = arith.constant 4.000000e-01 : f32
    %div3A_422 = vector.broadcast %div3A_421 : f32 to vector<16xf32>
    %div3A_423 = arith.divf %sub3A_420, %div3A_422 : vector<16xf32>
    tpu.vector_store_idx %arg19[%add3A_418], %div3A_423 : memref<192xf32, #tpu.memory_space<vmem>>[vector<16xi32>], vector<16xf32>,
    %add3A_424 = arith.addi %mul3A_411, %broadcast_in_dim3A_60 : vector<16xi32>
    %sub3A_425 = vector.broadcast %reduce_sum3A_263 : f32 to vector<16xf32>
    %sub3A_426 = arith.subf %gather3A_408, %sub3A_425 : vector<16xf32>
    %div3A_427 = arith.constant 4.000000e-01 : f32
    %div3A_428 = vector.broadcast %div3A_427 : f32 to vector<16xf32>
    %div3A_429 = arith.divf %sub3A_426, %div3A_428 : vector<16xf32>
    tpu.vector_store_idx %arg19[%add3A_424], %div3A_429 : memref<192xf32, #tpu.memory_space<vmem>>[vector<16xi32>], vector<16xf32>,
    %add3A_430 = vector.broadcast %mul3A_34 : i32 to vector<16xi32>
    %add3A_431 = arith.addi %select_n3A_405, %add3A_430 : vector<16xi32>
    %swap3A_432 = arith.constant 48 : index
    %swap3A_433 = tpu.vector_load %arg17[%swap3A_432] {strides = array<i32>} : memref<64xi32, #tpu.memory_space<vmem>>, vector<16xi32>,
    tpu.vector_store %arg17[%swap3A_432], %add3A_431 {strides = array<i32>} : memref<64xi32, #tpu.memory_space<vmem>>, vector<16xi32>,
    %dma_start3A = arith.constant 0 : i32
    %dma_start3A_434 = arith.constant 0 : i32
    %dma_start3A_435 = tpu.memref_slice %arg4[%dma_start3A, %dma_start3A_434] : memref<65536x128xf32, #tpu.memory_space<hbm>> -> memref<65536x128xf32, #tpu.memory_space<hbm>>
    tpu.enqueue_indirect_dma source(%dma_start3A_435 : memref<65536x128xf32, #tpu.memory_space<hbm>>) target(%arg21 : memref<64x128xf32, #tpu.memory_space<vmem>>) offsets(%arg17 : memref<64xi32, #tpu.memory_space<vmem>>) semaphore(%arg23 : memref<!tpu.dma_semaphore, #tpu.memory_space<semaphore_mem>>)
    %dma_start3A_436 = arith.constant 0 : i32
    %dma_start3A_437 = arith.constant 0 : i32
    %dma_start3A_438 = tpu.memref_slice %arg4[%dma_start3A_436, %dma_start3A_437] : memref<65536x128xf32, #tpu.memory_space<hbm>> -> memref<64x128xf32, #tpu.memory_space<hbm>>
    %dma_start3A_439 = arith.constant 0 : i32
    %dma_start3A_440 = arith.constant 0 : i32
    %dma_start3A_441 = tpu.memref_slice %arg4[%dma_start3A_439, %dma_start3A_440] : memref<65536x128xf32, #tpu.memory_space<hbm>> -> memref<64x128xf32, #tpu.memory_space<hbm>>
    tpu.enqueue_dma source(%dma_start3A_441 : memref<64x128xf32, #tpu.memory_space<hbm>>) target(%arg22 : memref<64x128xf32, #tpu.memory_space<vmem>>) target_semaphore(%arg24 : memref<!tpu.dma_semaphore, #tpu.memory_space<semaphore_mem>>)
    %scan3A = arith.constant 0 : i32
    %scan3A_442 = arith.constant 0 : i32
    %scan3A_443 = arith.constant 64 : i32
    %scan3A_444 = arith.addi %scan3A_442, %scan3A_443 : i32
    %scan3A_445 = arith.constant 1 : i32
    scf.for %scan3A_460 = %scan3A_442 to %scan3A_444 step %scan3A_445  : i32 {
      %mul3A_461 = arith.constant 2 : i32
      %mul3A_462 = arith.muli %mul3A_461, %scan3A_460 : i32
      %add3A_463 = arith.constant 1 : i32
      %add3A_464 = arith.addi %mul3A_462, %add3A_463 : i32
      %jit3A_465 = arith.constant 16 : i32
      %div3A_466 = arith.divsi %add3A_464, %jit3A_465 : i32
      %sign3A_467 = arith.constant 0 : i32
      %sign3A_468 = arith.cmpi sgt, %add3A_464, %sign3A_467 : i32
      %sign3A_469 = arith.extui %sign3A_468 : i1 to i32
      %sign3A_470 = arith.constant 0 : i32
      %sign3A_471 = arith.cmpi slt, %add3A_464, %sign3A_470 : i32
      %sign3A_472 = arith.extui %sign3A_471 : i1 to i32
      %sign3A_473 = arith.subi %sign3A_469, %sign3A_472 : i32
      %sign3A_474 = arith.constant 0 : i32
      %sign3A_475 = arith.cmpi sgt, %jit3A_465, %sign3A_474 : i32
      %sign3A_476 = arith.extui %sign3A_475 : i1 to i32
      %sign3A_477 = arith.constant 0 : i32
      %sign3A_478 = arith.cmpi slt, %jit3A_465, %sign3A_477 : i32
      %sign3A_479 = arith.extui %sign3A_478 : i1 to i32
      %sign3A_480 = arith.subi %sign3A_476, %sign3A_479 : i32
      %ne3A_481 = arith.cmpi ne, %sign3A_473, %sign3A_480 : i32
      %rem3A_482 = arith.remsi %add3A_464, %jit3A_465 : i32
      %ne3A_483 = arith.constant 0 : i32
      %ne3A_484 = arith.cmpi ne, %rem3A_482, %ne3A_483 : i32
      %and3A_485 = arith.andi %ne3A_481, %ne3A_484 : i1
      %sub3A_486 = arith.constant 1 : i32
      %sub3A_487 = arith.subi %div3A_466, %sub3A_486 : i32
      %select_n3A_488 = arith.select %and3A_485, %sub3A_487, %div3A_466 : i32
      %mul3A_489 = arith.constant 16 : i32
      %mul3A_490 = arith.muli %select_n3A_488, %mul3A_489 : i32
      %sub3A_491 = arith.subi %add3A_464, %mul3A_490 : i32
      %eq3A_492 = vector.broadcast %sub3A_491 : i32 to vector<16xi32>
      %eq3A_493 = arith.cmpi eq, %iota3A, %eq3A_492 : vector<16xi32>
      %get3A_494 = arith.index_cast %mul3A_490 : i32 to index
      %get3A_495 = tpu.vector_load %arg12[%get3A_494] {strides = array<i32>} : memref<144xf32, #tpu.memory_space<vmem>>, vector<16xf32>,
      %jit3A_496 = arith.constant 0.000000e+00 : f32
      %broadcast_in_dim3A_497 = vector.broadcast %jit3A_496 : f32 to vector<16xf32>
      %select_n3A_498 = arith.select %eq3A_493, %get3A_495, %broadcast_in_dim3A_497 : vector<16xi1>, vector<16xf32>
      %reduce_sum3A_499 = arith.constant true
      %reduce_sum3A_500 = vector.broadcast %reduce_sum3A_499 : i1 to vector<16xi1>
      %reduce_sum3A_501 = tpu.scan <sum>, %select_n3A_498 masked %reduce_sum3A_500 : vector<16xf32>, vector<16xi1> -> vector<16xf32>
      %reduce_sum3A_502 = vector.extract %reduce_sum3A_501[15] : f32 from vector<16xf32>
      %get3A_503 = arith.index_cast %mul3A_490 : i32 to index
      %get3A_504 = tpu.vector_load %arg13[%get3A_503] {strides = array<i32>} : memref<144xf32, #tpu.memory_space<vmem>>, vector<16xf32>,
      %jit3A_505 = arith.constant 0.000000e+00 : f32
      %broadcast_in_dim3A_506 = vector.broadcast %jit3A_505 : f32 to vector<16xf32>
      %select_n3A_507 = arith.select %eq3A_493, %get3A_504, %broadcast_in_dim3A_506 : vector<16xi1>, vector<16xf32>
      %reduce_sum3A_508 = arith.constant true
      %reduce_sum3A_509 = vector.broadcast %reduce_sum3A_508 : i1 to vector<16xi1>
      %reduce_sum3A_510 = tpu.scan <sum>, %select_n3A_507 masked %reduce_sum3A_509 : vector<16xf32>, vector<16xi1> -> vector<16xf32>
      %reduce_sum3A_511 = vector.extract %reduce_sum3A_510[15] : f32 from vector<16xf32>
      %get3A_512 = arith.index_cast %mul3A_490 : i32 to index
      %get3A_513 = tpu.vector_load %arg14[%get3A_512] {strides = array<i32>} : memref<144xf32, #tpu.memory_space<vmem>>, vector<16xf32>,
      %jit3A_514 = arith.constant 0.000000e+00 : f32
      %broadcast_in_dim3A_515 = vector.broadcast %jit3A_514 : f32 to vector<16xf32>
      %select_n3A_516 = arith.select %eq3A_493, %get3A_513, %broadcast_in_dim3A_515 : vector<16xi1>, vector<16xf32>
      %reduce_sum3A_517 = arith.constant true
      %reduce_sum3A_518 = vector.broadcast %reduce_sum3A_517 : i1 to vector<16xi1>
      %reduce_sum3A_519 = tpu.scan <sum>, %select_n3A_516 masked %reduce_sum3A_518 : vector<16xf32>, vector<16xi1> -> vector<16xf32>
      %reduce_sum3A_520 = vector.extract %reduce_sum3A_519[15] : f32 from vector<16xf32>
      %broadcast_in_dim3A_521 = arith.constant 0 : i32
      %broadcast_in_dim3A_522 = vector.broadcast %broadcast_in_dim3A_521 : i32 to vector<16xi32>
      %while3A_523 = arith.constant 0 : i32
      %while3A_524:2 = scf.while (%while3A_997 = %while3A_523, %while3A_998 = %broadcast_in_dim3A_522) : (i32, vector<16xi32>) -> (i32, vector<16xi32>) {
        %lt3A_999 = arith.constant 1024 : i32
        %lt3A_1000 = arith.cmpi slt, %while3A_997, %lt3A_999 : i32
        %lt3A_1001 = arith.constant 64 : i32
        %lt3A_1002 = vector.broadcast %lt3A_1001 : i32 to vector<16xi32>
        %lt3A_1003 = arith.cmpi slt, %while3A_998, %lt3A_1002 : vector<16xi32>
        %reduce_and3A = arith.constant 1.000000e+00 : f32
        %reduce_and3A_1004 = arith.constant 0.000000e+00 : f32
        %reduce_and3A_1005 = vector.broadcast %reduce_and3A : f32 to vector<16xf32>
        %reduce_and3A_1006 = vector.broadcast %reduce_and3A_1004 : f32 to vector<16xf32>
        %reduce_and3A_1007 = arith.select %lt3A_1003, %reduce_and3A_1005, %reduce_and3A_1006 : vector<16xi1>, vector<16xf32>
        %reduce_and3A_1008 = arith.constant true
        %reduce_and3A_1009 = vector.broadcast %reduce_and3A_1008 : i1 to vector<16xi1>
        %reduce_and3A_1010 = tpu.scan <min>, %reduce_and3A_1007 masked %reduce_and3A_1009 : vector<16xf32>, vector<16xi1> -> vector<16xf32>
        %reduce_and3A_1011 = vector.extract %reduce_and3A_1010[15] : f32 from vector<16xf32>
        %reduce_and3A_1012 = arith.constant 0.000000e+00 : f32
        %reduce_and3A_1013 = arith.cmpf ogt, %reduce_and3A_1011, %reduce_and3A_1012 : f32
        %and3A_1014 = arith.andi %lt3A_1000, %reduce_and3A_1013 : i1
        scf.condition(%and3A_1014) %while3A_997, %while3A_998 : i32, vector<16xi32>
      } do {
      ^bb0(%while3A_997: i32, %while3A_998: vector<16xi32>):
        %sub3A_999 = arith.constant 1 : i32
        %sub3A_1000 = vector.broadcast %sub3A_999 : i32 to vector<16xi32>
        %sub3A_1001 = arith.subi %while3A_998, %sub3A_1000 : vector<16xi32>
        %add3A_1002 = arith.constant 0 : i32
        %add3A_1003 = arith.addi %while3A_997, %add3A_1002 : i32
        %mul3A_1004 = arith.constant 16 : i32
        %mul3A_1005 = arith.muli %add3A_1003, %mul3A_1004 : i32
        %get3A_1006 = arith.index_cast %mul3A_1005 : i32 to index
        %get3A_1007 = tpu.vector_load %arg8[%get3A_1006] {strides = array<i32>} : memref<16384xf32, #tpu.memory_space<vmem>>, vector<16xf32>,
        %get3A_1008 = arith.index_cast %mul3A_1005 : i32 to index
        %get3A_1009 = tpu.vector_load %arg9[%get3A_1008] {strides = array<i32>} : memref<16384xf32, #tpu.memory_space<vmem>>, vector<16xf32>,
        %get3A_1010 = arith.index_cast %mul3A_1005 : i32 to index
        %get3A_1011 = tpu.vector_load %arg10[%get3A_1010] {strides = array<i32>} : memref<16384xf32, #tpu.memory_space<vmem>>, vector<16xf32>,
        %sub3A_1012 = vector.broadcast %reduce_sum3A_502 : f32 to vector<16xf32>
        %sub3A_1013 = arith.subf %get3A_1007, %sub3A_1012 : vector<16xf32>
        %sub3A_1014 = vector.broadcast %reduce_sum3A_511 : f32 to vector<16xf32>
        %sub3A_1015 = arith.subf %get3A_1009, %sub3A_1014 : vector<16xf32>
        %sub3A_1016 = vector.broadcast %reduce_sum3A_520 : f32 to vector<16xf32>
        %sub3A_1017 = arith.subf %get3A_1011, %sub3A_1016 : vector<16xf32>
        %mul3A_1018 = arith.mulf %sub3A_1013, %sub3A_1013 : vector<16xf32>
        %mul3A_1019 = arith.mulf %sub3A_1015, %sub3A_1015 : vector<16xf32>
        %add3A_1020 = arith.addf %mul3A_1018, %mul3A_1019 : vector<16xf32>
        %mul3A_1021 = arith.mulf %sub3A_1017, %sub3A_1017 : vector<16xf32>
        %add3A_1022 = arith.addf %add3A_1020, %mul3A_1021 : vector<16xf32>
        %le3A = arith.constant 1.600000e-01 : f32
        %le3A_1023 = vector.broadcast %le3A : f32 to vector<16xf32>
        %le3A_1024 = arith.cmpf ole, %add3A_1022, %le3A_1023 : vector<16xf32>
        %convert_element_type3A = arith.extui %le3A_1024 : vector<16xi1> to vector<16xi32>
        %broadcast_in_dim3A_1025 = arith.constant true
        %broadcast_in_dim3A_1026 = vector.broadcast %broadcast_in_dim3A_1025 : i1 to vector<16xi1>
        %masked_cumsum3A = tpu.scan <sum>, %convert_element_type3A masked %broadcast_in_dim3A_1026 : vector<16xi32>, vector<16xi1> -> vector<16xi32>
        %add3A_1027 = arith.addi %masked_cumsum3A, %sub3A_1001 : vector<16xi32>
        %add3A_1028 = vector.broadcast %mul3A_1005 : i32 to vector<16xi32>
        %add3A_1029 = arith.addi %iota3A, %add3A_1028 : vector<16xi32>
        tpu.vector_store_idx %arg16[%add3A_1027], %add3A_1029 masked %le3A_1024 : memref<320xi32, #tpu.memory_space<vmem>>[vector<16xi32>], vector<16xi32>, vector<16xi1>
        %all_reduce_population_count3A = tpu.all_reduce %le3A_1024 {dim = 0 : i64, kind = #tpu.reduction_kind<sum>} : vector<16xi1> -> vector<16xi32>
        %add3A_1030 = arith.addi %sub3A_1001, %all_reduce_population_count3A : vector<16xi32>
        %add3A_1031 = arith.constant 1 : i32
        %add3A_1032 = arith.addi %while3A_997, %add3A_1031 : i32
        %mul3A_1033 = arith.constant 16 : i32
        %mul3A_1034 = arith.muli %add3A_1032, %mul3A_1033 : i32
        %get3A_1035 = arith.index_cast %mul3A_1034 : i32 to index
        %get3A_1036 = tpu.vector_load %arg8[%get3A_1035] {strides = array<i32>} : memref<16384xf32, #tpu.memory_space<vmem>>, vector<16xf32>,
        %get3A_1037 = arith.index_cast %mul3A_1034 : i32 to index
        %get3A_1038 = tpu.vector_load %arg9[%get3A_1037] {strides = array<i32>} : memref<16384xf32, #tpu.memory_space<vmem>>, vector<16xf32>,
        %get3A_1039 = arith.index_cast %mul3A_1034 : i32 to index
        %get3A_1040 = tpu.vector_load %arg10[%get3A_1039] {strides = array<i32>} : memref<16384xf32, #tpu.memory_space<vmem>>, vector<16xf32>,
        %sub3A_1041 = vector.broadcast %reduce_sum3A_502 : f32 to vector<16xf32>
        %sub3A_1042 = arith.subf %get3A_1036, %sub3A_1041 : vector<16xf32>
        %sub3A_1043 = vector.broadcast %reduce_sum3A_511 : f32 to vector<16xf32>
        %sub3A_1044 = arith.subf %get3A_1038, %sub3A_1043 : vector<16xf32>
        %sub3A_1045 = vector.broadcast %reduce_sum3A_520 : f32 to vector<16xf32>
        %sub3A_1046 = arith.subf %get3A_1040, %sub3A_1045 : vector<16xf32>
        %mul3A_1047 = arith.mulf %sub3A_1042, %sub3A_1042 : vector<16xf32>
        %mul3A_1048 = arith.mulf %sub3A_1044, %sub3A_1044 : vector<16xf32>
        %add3A_1049 = arith.addf %mul3A_1047, %mul3A_1048 : vector<16xf32>
        %mul3A_1050 = arith.mulf %sub3A_1046, %sub3A_1046 : vector<16xf32>
        %add3A_1051 = arith.addf %add3A_1049, %mul3A_1050 : vector<16xf32>
        %le3A_1052 = arith.constant 1.600000e-01 : f32
        %le3A_1053 = vector.broadcast %le3A_1052 : f32 to vector<16xf32>
        %le3A_1054 = arith.cmpf ole, %add3A_1051, %le3A_1053 : vector<16xf32>
        %convert_element_type3A_1055 = arith.extui %le3A_1054 : vector<16xi1> to vector<16xi32>
        %broadcast_in_dim3A_1056 = arith.constant true
        %broadcast_in_dim3A_1057 = vector.broadcast %broadcast_in_dim3A_1056 : i1 to vector<16xi1>
        %masked_cumsum3A_1058 = tpu.scan <sum>, %convert_element_type3A_1055 masked %broadcast_in_dim3A_1057 : vector<16xi32>, vector<16xi1> -> vector<16xi32>
        %add3A_1059 = arith.addi %masked_cumsum3A_1058, %add3A_1030 : vector<16xi32>
        %add3A_1060 = vector.broadcast %mul3A_1034 : i32 to vector<16xi32>
        %add3A_1061 = arith.addi %iota3A, %add3A_1060 : vector<16xi32>
        tpu.vector_store_idx %arg16[%add3A_1059], %add3A_1061 masked %le3A_1054 : memref<320xi32, #tpu.memory_space<vmem>>[vector<16xi32>], vector<16xi32>, vector<16xi1>
        %all_reduce_population_count3A_1062 = tpu.all_reduce %le3A_1054 {dim = 0 : i64, kind = #tpu.reduction_kind<sum>} : vector<16xi1> -> vector<16xi32>
        %add3A_1063 = arith.addi %add3A_1030, %all_reduce_population_count3A_1062 : vector<16xi32>
        %add3A_1064 = arith.constant 2 : i32
        %add3A_1065 = arith.addi %while3A_997, %add3A_1064 : i32
        %mul3A_1066 = arith.constant 16 : i32
        %mul3A_1067 = arith.muli %add3A_1065, %mul3A_1066 : i32
        %get3A_1068 = arith.index_cast %mul3A_1067 : i32 to index
        %get3A_1069 = tpu.vector_load %arg8[%get3A_1068] {strides = array<i32>} : memref<16384xf32, #tpu.memory_space<vmem>>, vector<16xf32>,
        %get3A_1070 = arith.index_cast %mul3A_1067 : i32 to index
        %get3A_1071 = tpu.vector_load %arg9[%get3A_1070] {strides = array<i32>} : memref<16384xf32, #tpu.memory_space<vmem>>, vector<16xf32>,
        %get3A_1072 = arith.index_cast %mul3A_1067 : i32 to index
        %get3A_1073 = tpu.vector_load %arg10[%get3A_1072] {strides = array<i32>} : memref<16384xf32, #tpu.memory_space<vmem>>, vector<16xf32>,
        %sub3A_1074 = vector.broadcast %reduce_sum3A_502 : f32 to vector<16xf32>
        %sub3A_1075 = arith.subf %get3A_1069, %sub3A_1074 : vector<16xf32>
        %sub3A_1076 = vector.broadcast %reduce_sum3A_511 : f32 to vector<16xf32>
        %sub3A_1077 = arith.subf %get3A_1071, %sub3A_1076 : vector<16xf32>
        %sub3A_1078 = vector.broadcast %reduce_sum3A_520 : f32 to vector<16xf32>
        %sub3A_1079 = arith.subf %get3A_1073, %sub3A_1078 : vector<16xf32>
        %mul3A_1080 = arith.mulf %sub3A_1075, %sub3A_1075 : vector<16xf32>
        %mul3A_1081 = arith.mulf %sub3A_1077, %sub3A_1077 : vector<16xf32>
        %add3A_1082 = arith.addf %mul3A_1080, %mul3A_1081 : vector<16xf32>
        %mul3A_1083 = arith.mulf %sub3A_1079, %sub3A_1079 : vector<16xf32>
        %add3A_1084 = arith.addf %add3A_1082, %mul3A_1083 : vector<16xf32>
        %le3A_1085 = arith.constant 1.600000e-01 : f32
        %le3A_1086 = vector.broadcast %le3A_1085 : f32 to vector<16xf32>
        %le3A_1087 = arith.cmpf ole, %add3A_1084, %le3A_1086 : vector<16xf32>
        %convert_element_type3A_1088 = arith.extui %le3A_1087 : vector<16xi1> to vector<16xi32>
        %broadcast_in_dim3A_1089 = arith.constant true
        %broadcast_in_dim3A_1090 = vector.broadcast %broadcast_in_dim3A_1089 : i1 to vector<16xi1>
        %masked_cumsum3A_1091 = tpu.scan <sum>, %convert_element_type3A_1088 masked %broadcast_in_dim3A_1090 : vector<16xi32>, vector<16xi1> -> vector<16xi32>
        %add3A_1092 = arith.addi %masked_cumsum3A_1091, %add3A_1063 : vector<16xi32>
        %add3A_1093 = vector.broadcast %mul3A_1067 : i32 to vector<16xi32>
        %add3A_1094 = arith.addi %iota3A, %add3A_1093 : vector<16xi32>
        tpu.vector_store_idx %arg16[%add3A_1092], %add3A_1094 masked %le3A_1087 : memref<320xi32, #tpu.memory_space<vmem>>[vector<16xi32>], vector<16xi32>, vector<16xi1>
        %all_reduce_population_count3A_1095 = tpu.all_reduce %le3A_1087 {dim = 0 : i64, kind = #tpu.reduction_kind<sum>} : vector<16xi1> -> vector<16xi32>
        %add3A_1096 = arith.addi %add3A_1063, %all_reduce_population_count3A_1095 : vector<16xi32>
        %add3A_1097 = arith.constant 3 : i32
        %add3A_1098 = arith.addi %while3A_997, %add3A_1097 : i32
        %mul3A_1099 = arith.constant 16 : i32
        %mul3A_1100 = arith.muli %add3A_1098, %mul3A_1099 : i32
        %get3A_1101 = arith.index_cast %mul3A_1100 : i32 to index
        %get3A_1102 = tpu.vector_load %arg8[%get3A_1101] {strides = array<i32>} : memref<16384xf32, #tpu.memory_space<vmem>>, vector<16xf32>,
        %get3A_1103 = arith.index_cast %mul3A_1100 : i32 to index
        %get3A_1104 = tpu.vector_load %arg9[%get3A_1103] {strides = array<i32>} : memref<16384xf32, #tpu.memory_space<vmem>>, vector<16xf32>,
        %get3A_1105 = arith.index_cast %mul3A_1100 : i32 to index
        %get3A_1106 = tpu.vector_load %arg10[%get3A_1105] {strides = array<i32>} : memref<16384xf32, #tpu.memory_space<vmem>>, vector<16xf32>,
        %sub3A_1107 = vector.broadcast %reduce_sum3A_502 : f32 to vector<16xf32>
        %sub3A_1108 = arith.subf %get3A_1102, %sub3A_1107 : vector<16xf32>
        %sub3A_1109 = vector.broadcast %reduce_sum3A_511 : f32 to vector<16xf32>
        %sub3A_1110 = arith.subf %get3A_1104, %sub3A_1109 : vector<16xf32>
        %sub3A_1111 = vector.broadcast %reduce_sum3A_520 : f32 to vector<16xf32>
        %sub3A_1112 = arith.subf %get3A_1106, %sub3A_1111 : vector<16xf32>
        %mul3A_1113 = arith.mulf %sub3A_1108, %sub3A_1108 : vector<16xf32>
        %mul3A_1114 = arith.mulf %sub3A_1110, %sub3A_1110 : vector<16xf32>
        %add3A_1115 = arith.addf %mul3A_1113, %mul3A_1114 : vector<16xf32>
        %mul3A_1116 = arith.mulf %sub3A_1112, %sub3A_1112 : vector<16xf32>
        %add3A_1117 = arith.addf %add3A_1115, %mul3A_1116 : vector<16xf32>
        %le3A_1118 = arith.constant 1.600000e-01 : f32
        %le3A_1119 = vector.broadcast %le3A_1118 : f32 to vector<16xf32>
        %le3A_1120 = arith.cmpf ole, %add3A_1117, %le3A_1119 : vector<16xf32>
        %convert_element_type3A_1121 = arith.extui %le3A_1120 : vector<16xi1> to vector<16xi32>
        %broadcast_in_dim3A_1122 = arith.constant true
        %broadcast_in_dim3A_1123 = vector.broadcast %broadcast_in_dim3A_1122 : i1 to vector<16xi1>
        %masked_cumsum3A_1124 = tpu.scan <sum>, %convert_element_type3A_1121 masked %broadcast_in_dim3A_1123 : vector<16xi32>, vector<16xi1> -> vector<16xi32>
        %add3A_1125 = arith.addi %masked_cumsum3A_1124, %add3A_1096 : vector<16xi32>
        %add3A_1126 = vector.broadcast %mul3A_1100 : i32 to vector<16xi32>
        %add3A_1127 = arith.addi %iota3A, %add3A_1126 : vector<16xi32>
        tpu.vector_store_idx %arg16[%add3A_1125], %add3A_1127 masked %le3A_1120 : memref<320xi32, #tpu.memory_space<vmem>>[vector<16xi32>], vector<16xi32>, vector<16xi1>
        %all_reduce_population_count3A_1128 = tpu.all_reduce %le3A_1120 {dim = 0 : i64, kind = #tpu.reduction_kind<sum>} : vector<16xi1> -> vector<16xi32>
        %add3A_1129 = arith.addi %add3A_1096, %all_reduce_population_count3A_1128 : vector<16xi32>
        %add3A_1130 = arith.constant 4 : i32
        %add3A_1131 = arith.addi %while3A_997, %add3A_1130 : i32
        %mul3A_1132 = arith.constant 16 : i32
        %mul3A_1133 = arith.muli %add3A_1131, %mul3A_1132 : i32
        %get3A_1134 = arith.index_cast %mul3A_1133 : i32 to index
        %get3A_1135 = tpu.vector_load %arg8[%get3A_1134] {strides = array<i32>} : memref<16384xf32, #tpu.memory_space<vmem>>, vector<16xf32>,
        %get3A_1136 = arith.index_cast %mul3A_1133 : i32 to index
        %get3A_1137 = tpu.vector_load %arg9[%get3A_1136] {strides = array<i32>} : memref<16384xf32, #tpu.memory_space<vmem>>, vector<16xf32>,
        %get3A_1138 = arith.index_cast %mul3A_1133 : i32 to index
        %get3A_1139 = tpu.vector_load %arg10[%get3A_1138] {strides = array<i32>} : memref<16384xf32, #tpu.memory_space<vmem>>, vector<16xf32>,
        %sub3A_1140 = vector.broadcast %reduce_sum3A_502 : f32 to vector<16xf32>
        %sub3A_1141 = arith.subf %get3A_1135, %sub3A_1140 : vector<16xf32>
        %sub3A_1142 = vector.broadcast %reduce_sum3A_511 : f32 to vector<16xf32>
        %sub3A_1143 = arith.subf %get3A_1137, %sub3A_1142 : vector<16xf32>
        %sub3A_1144 = vector.broadcast %reduce_sum3A_520 : f32 to vector<16xf32>
        %sub3A_1145 = arith.subf %get3A_1139, %sub3A_1144 : vector<16xf32>
        %mul3A_1146 = arith.mulf %sub3A_1141, %sub3A_1141 : vector<16xf32>
        %mul3A_1147 = arith.mulf %sub3A_1143, %sub3A_1143 : vector<16xf32>
        %add3A_1148 = arith.addf %mul3A_1146, %mul3A_1147 : vector<16xf32>
        %mul3A_1149 = arith.mulf %sub3A_1145, %sub3A_1145 : vector<16xf32>
        %add3A_1150 = arith.addf %add3A_1148, %mul3A_1149 : vector<16xf32>
        %le3A_1151 = arith.constant 1.600000e-01 : f32
        %le3A_1152 = vector.broadcast %le3A_1151 : f32 to vector<16xf32>
        %le3A_1153 = arith.cmpf ole, %add3A_1150, %le3A_1152 : vector<16xf32>
        %convert_element_type3A_1154 = arith.extui %le3A_1153 : vector<16xi1> to vector<16xi32>
        %broadcast_in_dim3A_1155 = arith.constant true
        %broadcast_in_dim3A_1156 = vector.broadcast %broadcast_in_dim3A_1155 : i1 to vector<16xi1>
        %masked_cumsum3A_1157 = tpu.scan <sum>, %convert_element_type3A_1154 masked %broadcast_in_dim3A_1156 : vector<16xi32>, vector<16xi1> -> vector<16xi32>
        %add3A_1158 = arith.addi %masked_cumsum3A_1157, %add3A_1129 : vector<16xi32>
        %add3A_1159 = vector.broadcast %mul3A_1133 : i32 to vector<16xi32>
        %add3A_1160 = arith.addi %iota3A, %add3A_1159 : vector<16xi32>
        tpu.vector_store_idx %arg16[%add3A_1158], %add3A_1160 masked %le3A_1153 : memref<320xi32, #tpu.memory_space<vmem>>[vector<16xi32>], vector<16xi32>, vector<16xi1>
        %all_reduce_population_count3A_1161 = tpu.all_reduce %le3A_1153 {dim = 0 : i64, kind = #tpu.reduction_kind<sum>} : vector<16xi1> -> vector<16xi32>
        %add3A_1162 = arith.addi %add3A_1129, %all_reduce_population_count3A_1161 : vector<16xi32>
        %add3A_1163 = arith.constant 5 : i32
        %add3A_1164 = arith.addi %while3A_997, %add3A_1163 : i32
        %mul3A_1165 = arith.constant 16 : i32
        %mul3A_1166 = arith.muli %add3A_1164, %mul3A_1165 : i32
        %get3A_1167 = arith.index_cast %mul3A_1166 : i32 to index
        %get3A_1168 = tpu.vector_load %arg8[%get3A_1167] {strides = array<i32>} : memref<16384xf32, #tpu.memory_space<vmem>>, vector<16xf32>,
        %get3A_1169 = arith.index_cast %mul3A_1166 : i32 to index
        %get3A_1170 = tpu.vector_load %arg9[%get3A_1169] {strides = array<i32>} : memref<16384xf32, #tpu.memory_space<vmem>>, vector<16xf32>,
        %get3A_1171 = arith.index_cast %mul3A_1166 : i32 to index
        %get3A_1172 = tpu.vector_load %arg10[%get3A_1171] {strides = array<i32>} : memref<16384xf32, #tpu.memory_space<vmem>>, vector<16xf32>,
        %sub3A_1173 = vector.broadcast %reduce_sum3A_502 : f32 to vector<16xf32>
        %sub3A_1174 = arith.subf %get3A_1168, %sub3A_1173 : vector<16xf32>
        %sub3A_1175 = vector.broadcast %reduce_sum3A_511 : f32 to vector<16xf32>
        %sub3A_1176 = arith.subf %get3A_1170, %sub3A_1175 : vector<16xf32>
        %sub3A_1177 = vector.broadcast %reduce_sum3A_520 : f32 to vector<16xf32>
        %sub3A_1178 = arith.subf %get3A_1172, %sub3A_1177 : vector<16xf32>
        %mul3A_1179 = arith.mulf %sub3A_1174, %sub3A_1174 : vector<16xf32>
        %mul3A_1180 = arith.mulf %sub3A_1176, %sub3A_1176 : vector<16xf32>
        %add3A_1181 = arith.addf %mul3A_1179, %mul3A_1180 : vector<16xf32>
        %mul3A_1182 = arith.mulf %sub3A_1178, %sub3A_1178 : vector<16xf32>
        %add3A_1183 = arith.addf %add3A_1181, %mul3A_1182 : vector<16xf32>
        %le3A_1184 = arith.constant 1.600000e-01 : f32
        %le3A_1185 = vector.broadcast %le3A_1184 : f32 to vector<16xf32>
        %le3A_1186 = arith.cmpf ole, %add3A_1183, %le3A_1185 : vector<16xf32>
        %convert_element_type3A_1187 = arith.extui %le3A_1186 : vector<16xi1> to vector<16xi32>
        %broadcast_in_dim3A_1188 = arith.constant true
        %broadcast_in_dim3A_1189 = vector.broadcast %broadcast_in_dim3A_1188 : i1 to vector<16xi1>
        %masked_cumsum3A_1190 = tpu.scan <sum>, %convert_element_type3A_1187 masked %broadcast_in_dim3A_1189 : vector<16xi32>, vector<16xi1> -> vector<16xi32>
        %add3A_1191 = arith.addi %masked_cumsum3A_1190, %add3A_1162 : vector<16xi32>
        %add3A_1192 = vector.broadcast %mul3A_1166 : i32 to vector<16xi32>
        %add3A_1193 = arith.addi %iota3A, %add3A_1192 : vector<16xi32>
        tpu.vector_store_idx %arg16[%add3A_1191], %add3A_1193 masked %le3A_1186 : memref<320xi32, #tpu.memory_space<vmem>>[vector<16xi32>], vector<16xi32>, vector<16xi1>
        %all_reduce_population_count3A_1194 = tpu.all_reduce %le3A_1186 {dim = 0 : i64, kind = #tpu.reduction_kind<sum>} : vector<16xi1> -> vector<16xi32>
        %add3A_1195 = arith.addi %add3A_1162, %all_reduce_population_count3A_1194 : vector<16xi32>
        %add3A_1196 = arith.constant 6 : i32
        %add3A_1197 = arith.addi %while3A_997, %add3A_1196 : i32
        %mul3A_1198 = arith.constant 16 : i32
        %mul3A_1199 = arith.muli %add3A_1197, %mul3A_1198 : i32
        %get3A_1200 = arith.index_cast %mul3A_1199 : i32 to index
        %get3A_1201 = tpu.vector_load %arg8[%get3A_1200] {strides = array<i32>} : memref<16384xf32, #tpu.memory_space<vmem>>, vector<16xf32>,
        %get3A_1202 = arith.index_cast %mul3A_1199 : i32 to index
        %get3A_1203 = tpu.vector_load %arg9[%get3A_1202] {strides = array<i32>} : memref<16384xf32, #tpu.memory_space<vmem>>, vector<16xf32>,
        %get3A_1204 = arith.index_cast %mul3A_1199 : i32 to index
        %get3A_1205 = tpu.vector_load %arg10[%get3A_1204] {strides = array<i32>} : memref<16384xf32, #tpu.memory_space<vmem>>, vector<16xf32>,
        %sub3A_1206 = vector.broadcast %reduce_sum3A_502 : f32 to vector<16xf32>
        %sub3A_1207 = arith.subf %get3A_1201, %sub3A_1206 : vector<16xf32>
        %sub3A_1208 = vector.broadcast %reduce_sum3A_511 : f32 to vector<16xf32>
        %sub3A_1209 = arith.subf %get3A_1203, %sub3A_1208 : vector<16xf32>
        %sub3A_1210 = vector.broadcast %reduce_sum3A_520 : f32 to vector<16xf32>
        %sub3A_1211 = arith.subf %get3A_1205, %sub3A_1210 : vector<16xf32>
        %mul3A_1212 = arith.mulf %sub3A_1207, %sub3A_1207 : vector<16xf32>
        %mul3A_1213 = arith.mulf %sub3A_1209, %sub3A_1209 : vector<16xf32>
        %add3A_1214 = arith.addf %mul3A_1212, %mul3A_1213 : vector<16xf32>
        %mul3A_1215 = arith.mulf %sub3A_1211, %sub3A_1211 : vector<16xf32>
        %add3A_1216 = arith.addf %add3A_1214, %mul3A_1215 : vector<16xf32>
        %le3A_1217 = arith.constant 1.600000e-01 : f32
        %le3A_1218 = vector.broadcast %le3A_1217 : f32 to vector<16xf32>
        %le3A_1219 = arith.cmpf ole, %add3A_1216, %le3A_1218 : vector<16xf32>
        %convert_element_type3A_1220 = arith.extui %le3A_1219 : vector<16xi1> to vector<16xi32>
        %broadcast_in_dim3A_1221 = arith.constant true
        %broadcast_in_dim3A_1222 = vector.broadcast %broadcast_in_dim3A_1221 : i1 to vector<16xi1>
        %masked_cumsum3A_1223 = tpu.scan <sum>, %convert_element_type3A_1220 masked %broadcast_in_dim3A_1222 : vector<16xi32>, vector<16xi1> -> vector<16xi32>
        %add3A_1224 = arith.addi %masked_cumsum3A_1223, %add3A_1195 : vector<16xi32>
        %add3A_1225 = vector.broadcast %mul3A_1199 : i32 to vector<16xi32>
        %add3A_1226 = arith.addi %iota3A, %add3A_1225 : vector<16xi32>
        tpu.vector_store_idx %arg16[%add3A_1224], %add3A_1226 masked %le3A_1219 : memref<320xi32, #tpu.memory_space<vmem>>[vector<16xi32>], vector<16xi32>, vector<16xi1>
        %all_reduce_population_count3A_1227 = tpu.all_reduce %le3A_1219 {dim = 0 : i64, kind = #tpu.reduction_kind<sum>} : vector<16xi1> -> vector<16xi32>
        %add3A_1228 = arith.addi %add3A_1195, %all_reduce_population_count3A_1227 : vector<16xi32>
        %add3A_1229 = arith.constant 7 : i32
        %add3A_1230 = arith.addi %while3A_997, %add3A_1229 : i32
        %mul3A_1231 = arith.constant 16 : i32
        %mul3A_1232 = arith.muli %add3A_1230, %mul3A_1231 : i32
        %get3A_1233 = arith.index_cast %mul3A_1232 : i32 to index
        %get3A_1234 = tpu.vector_load %arg8[%get3A_1233] {strides = array<i32>} : memref<16384xf32, #tpu.memory_space<vmem>>, vector<16xf32>,
        %get3A_1235 = arith.index_cast %mul3A_1232 : i32 to index
        %get3A_1236 = tpu.vector_load %arg9[%get3A_1235] {strides = array<i32>} : memref<16384xf32, #tpu.memory_space<vmem>>, vector<16xf32>,
        %get3A_1237 = arith.index_cast %mul3A_1232 : i32 to index
        %get3A_1238 = tpu.vector_load %arg10[%get3A_1237] {strides = array<i32>} : memref<16384xf32, #tpu.memory_space<vmem>>, vector<16xf32>,
        %sub3A_1239 = vector.broadcast %reduce_sum3A_502 : f32 to vector<16xf32>
        %sub3A_1240 = arith.subf %get3A_1234, %sub3A_1239 : vector<16xf32>
        %sub3A_1241 = vector.broadcast %reduce_sum3A_511 : f32 to vector<16xf32>
        %sub3A_1242 = arith.subf %get3A_1236, %sub3A_1241 : vector<16xf32>
        %sub3A_1243 = vector.broadcast %reduce_sum3A_520 : f32 to vector<16xf32>
        %sub3A_1244 = arith.subf %get3A_1238, %sub3A_1243 : vector<16xf32>
        %mul3A_1245 = arith.mulf %sub3A_1240, %sub3A_1240 : vector<16xf32>
        %mul3A_1246 = arith.mulf %sub3A_1242, %sub3A_1242 : vector<16xf32>
        %add3A_1247 = arith.addf %mul3A_1245, %mul3A_1246 : vector<16xf32>
        %mul3A_1248 = arith.mulf %sub3A_1244, %sub3A_1244 : vector<16xf32>
        %add3A_1249 = arith.addf %add3A_1247, %mul3A_1248 : vector<16xf32>
        %le3A_1250 = arith.constant 1.600000e-01 : f32
        %le3A_1251 = vector.broadcast %le3A_1250 : f32 to vector<16xf32>
        %le3A_1252 = arith.cmpf ole, %add3A_1249, %le3A_1251 : vector<16xf32>
        %convert_element_type3A_1253 = arith.extui %le3A_1252 : vector<16xi1> to vector<16xi32>
        %broadcast_in_dim3A_1254 = arith.constant true
        %broadcast_in_dim3A_1255 = vector.broadcast %broadcast_in_dim3A_1254 : i1 to vector<16xi1>
        %masked_cumsum3A_1256 = tpu.scan <sum>, %convert_element_type3A_1253 masked %broadcast_in_dim3A_1255 : vector<16xi32>, vector<16xi1> -> vector<16xi32>
        %add3A_1257 = arith.addi %masked_cumsum3A_1256, %add3A_1228 : vector<16xi32>
        %add3A_1258 = vector.broadcast %mul3A_1232 : i32 to vector<16xi32>
        %add3A_1259 = arith.addi %iota3A, %add3A_1258 : vector<16xi32>
        tpu.vector_store_idx %arg16[%add3A_1257], %add3A_1259 masked %le3A_1252 : memref<320xi32, #tpu.memory_space<vmem>>[vector<16xi32>], vector<16xi32>, vector<16xi1>
        %all_reduce_population_count3A_1260 = tpu.all_reduce %le3A_1252 {dim = 0 : i64, kind = #tpu.reduction_kind<sum>} : vector<16xi1> -> vector<16xi32>
        %add3A_1261 = arith.addi %add3A_1228, %all_reduce_population_count3A_1260 : vector<16xi32>
        %add3A_1262 = arith.constant 8 : i32
        %add3A_1263 = arith.addi %while3A_997, %add3A_1262 : i32
        %mul3A_1264 = arith.constant 16 : i32
        %mul3A_1265 = arith.muli %add3A_1263, %mul3A_1264 : i32
        %get3A_1266 = arith.index_cast %mul3A_1265 : i32 to index
        %get3A_1267 = tpu.vector_load %arg8[%get3A_1266] {strides = array<i32>} : memref<16384xf32, #tpu.memory_space<vmem>>, vector<16xf32>,
        %get3A_1268 = arith.index_cast %mul3A_1265 : i32 to index
        %get3A_1269 = tpu.vector_load %arg9[%get3A_1268] {strides = array<i32>} : memref<16384xf32, #tpu.memory_space<vmem>>, vector<16xf32>,
        %get3A_1270 = arith.index_cast %mul3A_1265 : i32 to index
        %get3A_1271 = tpu.vector_load %arg10[%get3A_1270] {strides = array<i32>} : memref<16384xf32, #tpu.memory_space<vmem>>, vector<16xf32>,
        %sub3A_1272 = vector.broadcast %reduce_sum3A_502 : f32 to vector<16xf32>
        %sub3A_1273 = arith.subf %get3A_1267, %sub3A_1272 : vector<16xf32>
        %sub3A_1274 = vector.broadcast %reduce_sum3A_511 : f32 to vector<16xf32>
        %sub3A_1275 = arith.subf %get3A_1269, %sub3A_1274 : vector<16xf32>
        %sub3A_1276 = vector.broadcast %reduce_sum3A_520 : f32 to vector<16xf32>
        %sub3A_1277 = arith.subf %get3A_1271, %sub3A_1276 : vector<16xf32>
        %mul3A_1278 = arith.mulf %sub3A_1273, %sub3A_1273 : vector<16xf32>
        %mul3A_1279 = arith.mulf %sub3A_1275, %sub3A_1275 : vector<16xf32>
        %add3A_1280 = arith.addf %mul3A_1278, %mul3A_1279 : vector<16xf32>
        %mul3A_1281 = arith.mulf %sub3A_1277, %sub3A_1277 : vector<16xf32>
        %add3A_1282 = arith.addf %add3A_1280, %mul3A_1281 : vector<16xf32>
        %le3A_1283 = arith.constant 1.600000e-01 : f32
        %le3A_1284 = vector.broadcast %le3A_1283 : f32 to vector<16xf32>
        %le3A_1285 = arith.cmpf ole, %add3A_1282, %le3A_1284 : vector<16xf32>
        %convert_element_type3A_1286 = arith.extui %le3A_1285 : vector<16xi1> to vector<16xi32>
        %broadcast_in_dim3A_1287 = arith.constant true
        %broadcast_in_dim3A_1288 = vector.broadcast %broadcast_in_dim3A_1287 : i1 to vector<16xi1>
        %masked_cumsum3A_1289 = tpu.scan <sum>, %convert_element_type3A_1286 masked %broadcast_in_dim3A_1288 : vector<16xi32>, vector<16xi1> -> vector<16xi32>
        %add3A_1290 = arith.addi %masked_cumsum3A_1289, %add3A_1261 : vector<16xi32>
        %add3A_1291 = vector.broadcast %mul3A_1265 : i32 to vector<16xi32>
        %add3A_1292 = arith.addi %iota3A, %add3A_1291 : vector<16xi32>
        tpu.vector_store_idx %arg16[%add3A_1290], %add3A_1292 masked %le3A_1285 : memref<320xi32, #tpu.memory_space<vmem>>[vector<16xi32>], vector<16xi32>, vector<16xi1>
        %all_reduce_population_count3A_1293 = tpu.all_reduce %le3A_1285 {dim = 0 : i64, kind = #tpu.reduction_kind<sum>} : vector<16xi1> -> vector<16xi32>
        %add3A_1294 = arith.addi %add3A_1261, %all_reduce_population_count3A_1293 : vector<16xi32>
        %add3A_1295 = arith.constant 9 : i32
        %add3A_1296 = arith.addi %while3A_997, %add3A_1295 : i32
        %mul3A_1297 = arith.constant 16 : i32
        %mul3A_1298 = arith.muli %add3A_1296, %mul3A_1297 : i32
        %get3A_1299 = arith.index_cast %mul3A_1298 : i32 to index
        %get3A_1300 = tpu.vector_load %arg8[%get3A_1299] {strides = array<i32>} : memref<16384xf32, #tpu.memory_space<vmem>>, vector<16xf32>,
        %get3A_1301 = arith.index_cast %mul3A_1298 : i32 to index
        %get3A_1302 = tpu.vector_load %arg9[%get3A_1301] {strides = array<i32>} : memref<16384xf32, #tpu.memory_space<vmem>>, vector<16xf32>,
        %get3A_1303 = arith.index_cast %mul3A_1298 : i32 to index
        %get3A_1304 = tpu.vector_load %arg10[%get3A_1303] {strides = array<i32>} : memref<16384xf32, #tpu.memory_space<vmem>>, vector<16xf32>,
        %sub3A_1305 = vector.broadcast %reduce_sum3A_502 : f32 to vector<16xf32>
        %sub3A_1306 = arith.subf %get3A_1300, %sub3A_1305 : vector<16xf32>
        %sub3A_1307 = vector.broadcast %reduce_sum3A_511 : f32 to vector<16xf32>
        %sub3A_1308 = arith.subf %get3A_1302, %sub3A_1307 : vector<16xf32>
        %sub3A_1309 = vector.broadcast %reduce_sum3A_520 : f32 to vector<16xf32>
        %sub3A_1310 = arith.subf %get3A_1304, %sub3A_1309 : vector<16xf32>
        %mul3A_1311 = arith.mulf %sub3A_1306, %sub3A_1306 : vector<16xf32>
        %mul3A_1312 = arith.mulf %sub3A_1308, %sub3A_1308 : vector<16xf32>
        %add3A_1313 = arith.addf %mul3A_1311, %mul3A_1312 : vector<16xf32>
        %mul3A_1314 = arith.mulf %sub3A_1310, %sub3A_1310 : vector<16xf32>
        %add3A_1315 = arith.addf %add3A_1313, %mul3A_1314 : vector<16xf32>
        %le3A_1316 = arith.constant 1.600000e-01 : f32
        %le3A_1317 = vector.broadcast %le3A_1316 : f32 to vector<16xf32>
        %le3A_1318 = arith.cmpf ole, %add3A_1315, %le3A_1317 : vector<16xf32>
        %convert_element_type3A_1319 = arith.extui %le3A_1318 : vector<16xi1> to vector<16xi32>
        %broadcast_in_dim3A_1320 = arith.constant true
        %broadcast_in_dim3A_1321 = vector.broadcast %broadcast_in_dim3A_1320 : i1 to vector<16xi1>
        %masked_cumsum3A_1322 = tpu.scan <sum>, %convert_element_type3A_1319 masked %broadcast_in_dim3A_1321 : vector<16xi32>, vector<16xi1> -> vector<16xi32>
        %add3A_1323 = arith.addi %masked_cumsum3A_1322, %add3A_1294 : vector<16xi32>
        %add3A_1324 = vector.broadcast %mul3A_1298 : i32 to vector<16xi32>
        %add3A_1325 = arith.addi %iota3A, %add3A_1324 : vector<16xi32>
        tpu.vector_store_idx %arg16[%add3A_1323], %add3A_1325 masked %le3A_1318 : memref<320xi32, #tpu.memory_space<vmem>>[vector<16xi32>], vector<16xi32>, vector<16xi1>
        %all_reduce_population_count3A_1326 = tpu.all_reduce %le3A_1318 {dim = 0 : i64, kind = #tpu.reduction_kind<sum>} : vector<16xi1> -> vector<16xi32>
        %add3A_1327 = arith.addi %add3A_1294, %all_reduce_population_count3A_1326 : vector<16xi32>
        %add3A_1328 = arith.constant 10 : i32
        %add3A_1329 = arith.addi %while3A_997, %add3A_1328 : i32
        %mul3A_1330 = arith.constant 16 : i32
        %mul3A_1331 = arith.muli %add3A_1329, %mul3A_1330 : i32
        %get3A_1332 = arith.index_cast %mul3A_1331 : i32 to index
        %get3A_1333 = tpu.vector_load %arg8[%get3A_1332] {strides = array<i32>} : memref<16384xf32, #tpu.memory_space<vmem>>, vector<16xf32>,
        %get3A_1334 = arith.index_cast %mul3A_1331 : i32 to index
        %get3A_1335 = tpu.vector_load %arg9[%get3A_1334] {strides = array<i32>} : memref<16384xf32, #tpu.memory_space<vmem>>, vector<16xf32>,
        %get3A_1336 = arith.index_cast %mul3A_1331 : i32 to index
        %get3A_1337 = tpu.vector_load %arg10[%get3A_1336] {strides = array<i32>} : memref<16384xf32, #tpu.memory_space<vmem>>, vector<16xf32>,
        %sub3A_1338 = vector.broadcast %reduce_sum3A_502 : f32 to vector<16xf32>
        %sub3A_1339 = arith.subf %get3A_1333, %sub3A_1338 : vector<16xf32>
        %sub3A_1340 = vector.broadcast %reduce_sum3A_511 : f32 to vector<16xf32>
        %sub3A_1341 = arith.subf %get3A_1335, %sub3A_1340 : vector<16xf32>
        %sub3A_1342 = vector.broadcast %reduce_sum3A_520 : f32 to vector<16xf32>
        %sub3A_1343 = arith.subf %get3A_1337, %sub3A_1342 : vector<16xf32>
        %mul3A_1344 = arith.mulf %sub3A_1339, %sub3A_1339 : vector<16xf32>
        %mul3A_1345 = arith.mulf %sub3A_1341, %sub3A_1341 : vector<16xf32>
        %add3A_1346 = arith.addf %mul3A_1344, %mul3A_1345 : vector<16xf32>
        %mul3A_1347 = arith.mulf %sub3A_1343, %sub3A_1343 : vector<16xf32>
        %add3A_1348 = arith.addf %add3A_1346, %mul3A_1347 : vector<16xf32>
        %le3A_1349 = arith.constant 1.600000e-01 : f32
        %le3A_1350 = vector.broadcast %le3A_1349 : f32 to vector<16xf32>
        %le3A_1351 = arith.cmpf ole, %add3A_1348, %le3A_1350 : vector<16xf32>
        %convert_element_type3A_1352 = arith.extui %le3A_1351 : vector<16xi1> to vector<16xi32>
        %broadcast_in_dim3A_1353 = arith.constant true
        %broadcast_in_dim3A_1354 = vector.broadcast %broadcast_in_dim3A_1353 : i1 to vector<16xi1>
        %masked_cumsum3A_1355 = tpu.scan <sum>, %convert_element_type3A_1352 masked %broadcast_in_dim3A_1354 : vector<16xi32>, vector<16xi1> -> vector<16xi32>
        %add3A_1356 = arith.addi %masked_cumsum3A_1355, %add3A_1327 : vector<16xi32>
        %add3A_1357 = vector.broadcast %mul3A_1331 : i32 to vector<16xi32>
        %add3A_1358 = arith.addi %iota3A, %add3A_1357 : vector<16xi32>
        tpu.vector_store_idx %arg16[%add3A_1356], %add3A_1358 masked %le3A_1351 : memref<320xi32, #tpu.memory_space<vmem>>[vector<16xi32>], vector<16xi32>, vector<16xi1>
        %all_reduce_population_count3A_1359 = tpu.all_reduce %le3A_1351 {dim = 0 : i64, kind = #tpu.reduction_kind<sum>} : vector<16xi1> -> vector<16xi32>
        %add3A_1360 = arith.addi %add3A_1327, %all_reduce_population_count3A_1359 : vector<16xi32>
        %add3A_1361 = arith.constant 11 : i32
        %add3A_1362 = arith.addi %while3A_997, %add3A_1361 : i32
        %mul3A_1363 = arith.constant 16 : i32
        %mul3A_1364 = arith.muli %add3A_1362, %mul3A_1363 : i32
        %get3A_1365 = arith.index_cast %mul3A_1364 : i32 to index
        %get3A_1366 = tpu.vector_load %arg8[%get3A_1365] {strides = array<i32>} : memref<16384xf32, #tpu.memory_space<vmem>>, vector<16xf32>,
        %get3A_1367 = arith.index_cast %mul3A_1364 : i32 to index
        %get3A_1368 = tpu.vector_load %arg9[%get3A_1367] {strides = array<i32>} : memref<16384xf32, #tpu.memory_space<vmem>>, vector<16xf32>,
        %get3A_1369 = arith.index_cast %mul3A_1364 : i32 to index
        %get3A_1370 = tpu.vector_load %arg10[%get3A_1369] {strides = array<i32>} : memref<16384xf32, #tpu.memory_space<vmem>>, vector<16xf32>,
        %sub3A_1371 = vector.broadcast %reduce_sum3A_502 : f32 to vector<16xf32>
        %sub3A_1372 = arith.subf %get3A_1366, %sub3A_1371 : vector<16xf32>
        %sub3A_1373 = vector.broadcast %reduce_sum3A_511 : f32 to vector<16xf32>
        %sub3A_1374 = arith.subf %get3A_1368, %sub3A_1373 : vector<16xf32>
        %sub3A_1375 = vector.broadcast %reduce_sum3A_520 : f32 to vector<16xf32>
        %sub3A_1376 = arith.subf %get3A_1370, %sub3A_1375 : vector<16xf32>
        %mul3A_1377 = arith.mulf %sub3A_1372, %sub3A_1372 : vector<16xf32>
        %mul3A_1378 = arith.mulf %sub3A_1374, %sub3A_1374 : vector<16xf32>
        %add3A_1379 = arith.addf %mul3A_1377, %mul3A_1378 : vector<16xf32>
        %mul3A_1380 = arith.mulf %sub3A_1376, %sub3A_1376 : vector<16xf32>
        %add3A_1381 = arith.addf %add3A_1379, %mul3A_1380 : vector<16xf32>
        %le3A_1382 = arith.constant 1.600000e-01 : f32
        %le3A_1383 = vector.broadcast %le3A_1382 : f32 to vector<16xf32>
        %le3A_1384 = arith.cmpf ole, %add3A_1381, %le3A_1383 : vector<16xf32>
        %convert_element_type3A_1385 = arith.extui %le3A_1384 : vector<16xi1> to vector<16xi32>
        %broadcast_in_dim3A_1386 = arith.constant true
        %broadcast_in_dim3A_1387 = vector.broadcast %broadcast_in_dim3A_1386 : i1 to vector<16xi1>
        %masked_cumsum3A_1388 = tpu.scan <sum>, %convert_element_type3A_1385 masked %broadcast_in_dim3A_1387 : vector<16xi32>, vector<16xi1> -> vector<16xi32>
        %add3A_1389 = arith.addi %masked_cumsum3A_1388, %add3A_1360 : vector<16xi32>
        %add3A_1390 = vector.broadcast %mul3A_1364 : i32 to vector<16xi32>
        %add3A_1391 = arith.addi %iota3A, %add3A_1390 : vector<16xi32>
        tpu.vector_store_idx %arg16[%add3A_1389], %add3A_1391 masked %le3A_1384 : memref<320xi32, #tpu.memory_space<vmem>>[vector<16xi32>], vector<16xi32>, vector<16xi1>
        %all_reduce_population_count3A_1392 = tpu.all_reduce %le3A_1384 {dim = 0 : i64, kind = #tpu.reduction_kind<sum>} : vector<16xi1> -> vector<16xi32>
        %add3A_1393 = arith.addi %add3A_1360, %all_reduce_population_count3A_1392 : vector<16xi32>
        %add3A_1394 = arith.constant 12 : i32
        %add3A_1395 = arith.addi %while3A_997, %add3A_1394 : i32
        %mul3A_1396 = arith.constant 16 : i32
        %mul3A_1397 = arith.muli %add3A_1395, %mul3A_1396 : i32
        %get3A_1398 = arith.index_cast %mul3A_1397 : i32 to index
        %get3A_1399 = tpu.vector_load %arg8[%get3A_1398] {strides = array<i32>} : memref<16384xf32, #tpu.memory_space<vmem>>, vector<16xf32>,
        %get3A_1400 = arith.index_cast %mul3A_1397 : i32 to index
        %get3A_1401 = tpu.vector_load %arg9[%get3A_1400] {strides = array<i32>} : memref<16384xf32, #tpu.memory_space<vmem>>, vector<16xf32>,
        %get3A_1402 = arith.index_cast %mul3A_1397 : i32 to index
        %get3A_1403 = tpu.vector_load %arg10[%get3A_1402] {strides = array<i32>} : memref<16384xf32, #tpu.memory_space<vmem>>, vector<16xf32>,
        %sub3A_1404 = vector.broadcast %reduce_sum3A_502 : f32 to vector<16xf32>
        %sub3A_1405 = arith.subf %get3A_1399, %sub3A_1404 : vector<16xf32>
        %sub3A_1406 = vector.broadcast %reduce_sum3A_511 : f32 to vector<16xf32>
        %sub3A_1407 = arith.subf %get3A_1401, %sub3A_1406 : vector<16xf32>
        %sub3A_1408 = vector.broadcast %reduce_sum3A_520 : f32 to vector<16xf32>
        %sub3A_1409 = arith.subf %get3A_1403, %sub3A_1408 : vector<16xf32>
        %mul3A_1410 = arith.mulf %sub3A_1405, %sub3A_1405 : vector<16xf32>
        %mul3A_1411 = arith.mulf %sub3A_1407, %sub3A_1407 : vector<16xf32>
        %add3A_1412 = arith.addf %mul3A_1410, %mul3A_1411 : vector<16xf32>
        %mul3A_1413 = arith.mulf %sub3A_1409, %sub3A_1409 : vector<16xf32>
        %add3A_1414 = arith.addf %add3A_1412, %mul3A_1413 : vector<16xf32>
        %le3A_1415 = arith.constant 1.600000e-01 : f32
        %le3A_1416 = vector.broadcast %le3A_1415 : f32 to vector<16xf32>
        %le3A_1417 = arith.cmpf ole, %add3A_1414, %le3A_1416 : vector<16xf32>
        %convert_element_type3A_1418 = arith.extui %le3A_1417 : vector<16xi1> to vector<16xi32>
        %broadcast_in_dim3A_1419 = arith.constant true
        %broadcast_in_dim3A_1420 = vector.broadcast %broadcast_in_dim3A_1419 : i1 to vector<16xi1>
        %masked_cumsum3A_1421 = tpu.scan <sum>, %convert_element_type3A_1418 masked %broadcast_in_dim3A_1420 : vector<16xi32>, vector<16xi1> -> vector<16xi32>
        %add3A_1422 = arith.addi %masked_cumsum3A_1421, %add3A_1393 : vector<16xi32>
        %add3A_1423 = vector.broadcast %mul3A_1397 : i32 to vector<16xi32>
        %add3A_1424 = arith.addi %iota3A, %add3A_1423 : vector<16xi32>
        tpu.vector_store_idx %arg16[%add3A_1422], %add3A_1424 masked %le3A_1417 : memref<320xi32, #tpu.memory_space<vmem>>[vector<16xi32>], vector<16xi32>, vector<16xi1>
        %all_reduce_population_count3A_1425 = tpu.all_reduce %le3A_1417 {dim = 0 : i64, kind = #tpu.reduction_kind<sum>} : vector<16xi1> -> vector<16xi32>
        %add3A_1426 = arith.addi %add3A_1393, %all_reduce_population_count3A_1425 : vector<16xi32>
        %add3A_1427 = arith.constant 13 : i32
        %add3A_1428 = arith.addi %while3A_997, %add3A_1427 : i32
        %mul3A_1429 = arith.constant 16 : i32
        %mul3A_1430 = arith.muli %add3A_1428, %mul3A_1429 : i32
        %get3A_1431 = arith.index_cast %mul3A_1430 : i32 to index
        %get3A_1432 = tpu.vector_load %arg8[%get3A_1431] {strides = array<i32>} : memref<16384xf32, #tpu.memory_space<vmem>>, vector<16xf32>,
        %get3A_1433 = arith.index_cast %mul3A_1430 : i32 to index
        %get3A_1434 = tpu.vector_load %arg9[%get3A_1433] {strides = array<i32>} : memref<16384xf32, #tpu.memory_space<vmem>>, vector<16xf32>,
        %get3A_1435 = arith.index_cast %mul3A_1430 : i32 to index
        %get3A_1436 = tpu.vector_load %arg10[%get3A_1435] {strides = array<i32>} : memref<16384xf32, #tpu.memory_space<vmem>>, vector<16xf32>,
        %sub3A_1437 = vector.broadcast %reduce_sum3A_502 : f32 to vector<16xf32>
        %sub3A_1438 = arith.subf %get3A_1432, %sub3A_1437 : vector<16xf32>
        %sub3A_1439 = vector.broadcast %reduce_sum3A_511 : f32 to vector<16xf32>
        %sub3A_1440 = arith.subf %get3A_1434, %sub3A_1439 : vector<16xf32>
        %sub3A_1441 = vector.broadcast %reduce_sum3A_520 : f32 to vector<16xf32>
        %sub3A_1442 = arith.subf %get3A_1436, %sub3A_1441 : vector<16xf32>
        %mul3A_1443 = arith.mulf %sub3A_1438, %sub3A_1438 : vector<16xf32>
        %mul3A_1444 = arith.mulf %sub3A_1440, %sub3A_1440 : vector<16xf32>
        %add3A_1445 = arith.addf %mul3A_1443, %mul3A_1444 : vector<16xf32>
        %mul3A_1446 = arith.mulf %sub3A_1442, %sub3A_1442 : vector<16xf32>
        %add3A_1447 = arith.addf %add3A_1445, %mul3A_1446 : vector<16xf32>
        %le3A_1448 = arith.constant 1.600000e-01 : f32
        %le3A_1449 = vector.broadcast %le3A_1448 : f32 to vector<16xf32>
        %le3A_1450 = arith.cmpf ole, %add3A_1447, %le3A_1449 : vector<16xf32>
        %convert_element_type3A_1451 = arith.extui %le3A_1450 : vector<16xi1> to vector<16xi32>
        %broadcast_in_dim3A_1452 = arith.constant true
        %broadcast_in_dim3A_1453 = vector.broadcast %broadcast_in_dim3A_1452 : i1 to vector<16xi1>
        %masked_cumsum3A_1454 = tpu.scan <sum>, %convert_element_type3A_1451 masked %broadcast_in_dim3A_1453 : vector<16xi32>, vector<16xi1> -> vector<16xi32>
        %add3A_1455 = arith.addi %masked_cumsum3A_1454, %add3A_1426 : vector<16xi32>
        %add3A_1456 = vector.broadcast %mul3A_1430 : i32 to vector<16xi32>
        %add3A_1457 = arith.addi %iota3A, %add3A_1456 : vector<16xi32>
        tpu.vector_store_idx %arg16[%add3A_1455], %add3A_1457 masked %le3A_1450 : memref<320xi32, #tpu.memory_space<vmem>>[vector<16xi32>], vector<16xi32>, vector<16xi1>
        %all_reduce_population_count3A_1458 = tpu.all_reduce %le3A_1450 {dim = 0 : i64, kind = #tpu.reduction_kind<sum>} : vector<16xi1> -> vector<16xi32>
        %add3A_1459 = arith.addi %add3A_1426, %all_reduce_population_count3A_1458 : vector<16xi32>
        %add3A_1460 = arith.constant 14 : i32
        %add3A_1461 = arith.addi %while3A_997, %add3A_1460 : i32
        %mul3A_1462 = arith.constant 16 : i32
        %mul3A_1463 = arith.muli %add3A_1461, %mul3A_1462 : i32
        %get3A_1464 = arith.index_cast %mul3A_1463 : i32 to index
        %get3A_1465 = tpu.vector_load %arg8[%get3A_1464] {strides = array<i32>} : memref<16384xf32, #tpu.memory_space<vmem>>, vector<16xf32>,
        %get3A_1466 = arith.index_cast %mul3A_1463 : i32 to index
        %get3A_1467 = tpu.vector_load %arg9[%get3A_1466] {strides = array<i32>} : memref<16384xf32, #tpu.memory_space<vmem>>, vector<16xf32>,
        %get3A_1468 = arith.index_cast %mul3A_1463 : i32 to index
        %get3A_1469 = tpu.vector_load %arg10[%get3A_1468] {strides = array<i32>} : memref<16384xf32, #tpu.memory_space<vmem>>, vector<16xf32>,
        %sub3A_1470 = vector.broadcast %reduce_sum3A_502 : f32 to vector<16xf32>
        %sub3A_1471 = arith.subf %get3A_1465, %sub3A_1470 : vector<16xf32>
        %sub3A_1472 = vector.broadcast %reduce_sum3A_511 : f32 to vector<16xf32>
        %sub3A_1473 = arith.subf %get3A_1467, %sub3A_1472 : vector<16xf32>
        %sub3A_1474 = vector.broadcast %reduce_sum3A_520 : f32 to vector<16xf32>
        %sub3A_1475 = arith.subf %get3A_1469, %sub3A_1474 : vector<16xf32>
        %mul3A_1476 = arith.mulf %sub3A_1471, %sub3A_1471 : vector<16xf32>
        %mul3A_1477 = arith.mulf %sub3A_1473, %sub3A_1473 : vector<16xf32>
        %add3A_1478 = arith.addf %mul3A_1476, %mul3A_1477 : vector<16xf32>
        %mul3A_1479 = arith.mulf %sub3A_1475, %sub3A_1475 : vector<16xf32>
        %add3A_1480 = arith.addf %add3A_1478, %mul3A_1479 : vector<16xf32>
        %le3A_1481 = arith.constant 1.600000e-01 : f32
        %le3A_1482 = vector.broadcast %le3A_1481 : f32 to vector<16xf32>
        %le3A_1483 = arith.cmpf ole, %add3A_1480, %le3A_1482 : vector<16xf32>
        %convert_element_type3A_1484 = arith.extui %le3A_1483 : vector<16xi1> to vector<16xi32>
        %broadcast_in_dim3A_1485 = arith.constant true
        %broadcast_in_dim3A_1486 = vector.broadcast %broadcast_in_dim3A_1485 : i1 to vector<16xi1>
        %masked_cumsum3A_1487 = tpu.scan <sum>, %convert_element_type3A_1484 masked %broadcast_in_dim3A_1486 : vector<16xi32>, vector<16xi1> -> vector<16xi32>
        %add3A_1488 = arith.addi %masked_cumsum3A_1487, %add3A_1459 : vector<16xi32>
        %add3A_1489 = vector.broadcast %mul3A_1463 : i32 to vector<16xi32>
        %add3A_1490 = arith.addi %iota3A, %add3A_1489 : vector<16xi32>
        tpu.vector_store_idx %arg16[%add3A_1488], %add3A_1490 masked %le3A_1483 : memref<320xi32, #tpu.memory_space<vmem>>[vector<16xi32>], vector<16xi32>, vector<16xi1>
        %all_reduce_population_count3A_1491 = tpu.all_reduce %le3A_1483 {dim = 0 : i64, kind = #tpu.reduction_kind<sum>} : vector<16xi1> -> vector<16xi32>
        %add3A_1492 = arith.addi %add3A_1459, %all_reduce_population_count3A_1491 : vector<16xi32>
        %add3A_1493 = arith.constant 15 : i32
        %add3A_1494 = arith.addi %while3A_997, %add3A_1493 : i32
        %mul3A_1495 = arith.constant 16 : i32
        %mul3A_1496 = arith.muli %add3A_1494, %mul3A_1495 : i32
        %get3A_1497 = arith.index_cast %mul3A_1496 : i32 to index
        %get3A_1498 = tpu.vector_load %arg8[%get3A_1497] {strides = array<i32>} : memref<16384xf32, #tpu.memory_space<vmem>>, vector<16xf32>,
        %get3A_1499 = arith.index_cast %mul3A_1496 : i32 to index
        %get3A_1500 = tpu.vector_load %arg9[%get3A_1499] {strides = array<i32>} : memref<16384xf32, #tpu.memory_space<vmem>>, vector<16xf32>,
        %get3A_1501 = arith.index_cast %mul3A_1496 : i32 to index
        %get3A_1502 = tpu.vector_load %arg10[%get3A_1501] {strides = array<i32>} : memref<16384xf32, #tpu.memory_space<vmem>>, vector<16xf32>,
        %sub3A_1503 = vector.broadcast %reduce_sum3A_502 : f32 to vector<16xf32>
        %sub3A_1504 = arith.subf %get3A_1498, %sub3A_1503 : vector<16xf32>
        %sub3A_1505 = vector.broadcast %reduce_sum3A_511 : f32 to vector<16xf32>
        %sub3A_1506 = arith.subf %get3A_1500, %sub3A_1505 : vector<16xf32>
        %sub3A_1507 = vector.broadcast %reduce_sum3A_520 : f32 to vector<16xf32>
        %sub3A_1508 = arith.subf %get3A_1502, %sub3A_1507 : vector<16xf32>
        %mul3A_1509 = arith.mulf %sub3A_1504, %sub3A_1504 : vector<16xf32>
        %mul3A_1510 = arith.mulf %sub3A_1506, %sub3A_1506 : vector<16xf32>
        %add3A_1511 = arith.addf %mul3A_1509, %mul3A_1510 : vector<16xf32>
        %mul3A_1512 = arith.mulf %sub3A_1508, %sub3A_1508 : vector<16xf32>
        %add3A_1513 = arith.addf %add3A_1511, %mul3A_1512 : vector<16xf32>
        %le3A_1514 = arith.constant 1.600000e-01 : f32
        %le3A_1515 = vector.broadcast %le3A_1514 : f32 to vector<16xf32>
        %le3A_1516 = arith.cmpf ole, %add3A_1513, %le3A_1515 : vector<16xf32>
        %convert_element_type3A_1517 = arith.extui %le3A_1516 : vector<16xi1> to vector<16xi32>
        %broadcast_in_dim3A_1518 = arith.constant true
        %broadcast_in_dim3A_1519 = vector.broadcast %broadcast_in_dim3A_1518 : i1 to vector<16xi1>
        %masked_cumsum3A_1520 = tpu.scan <sum>, %convert_element_type3A_1517 masked %broadcast_in_dim3A_1519 : vector<16xi32>, vector<16xi1> -> vector<16xi32>
        %add3A_1521 = arith.addi %masked_cumsum3A_1520, %add3A_1492 : vector<16xi32>
        %add3A_1522 = vector.broadcast %mul3A_1496 : i32 to vector<16xi32>
        %add3A_1523 = arith.addi %iota3A, %add3A_1522 : vector<16xi32>
        tpu.vector_store_idx %arg16[%add3A_1521], %add3A_1523 masked %le3A_1516 : memref<320xi32, #tpu.memory_space<vmem>>[vector<16xi32>], vector<16xi32>, vector<16xi1>
        %all_reduce_population_count3A_1524 = tpu.all_reduce %le3A_1516 {dim = 0 : i64, kind = #tpu.reduction_kind<sum>} : vector<16xi1> -> vector<16xi32>
        %add3A_1525 = arith.addi %add3A_1492, %all_reduce_population_count3A_1524 : vector<16xi32>
        %add3A_1526 = arith.constant 16 : i32
        %add3A_1527 = arith.addi %while3A_997, %add3A_1526 : i32
        %add3A_1528 = arith.constant 1 : i32
        %add3A_1529 = vector.broadcast %add3A_1528 : i32 to vector<16xi32>
        %add3A_1530 = arith.addi %add3A_1525, %add3A_1529 : vector<16xi32>
        scf.yield %add3A_1527, %add3A_1530 : i32, vector<16xi32>
      }
      %reduce_max3A_525 = arith.constant true
      %reduce_max3A_526 = vector.broadcast %reduce_max3A_525 : i1 to vector<16xi1>
      %reduce_max3A_527 = arith.constant -2147483648 : i32
      %reduce_max3A_528 = vector.broadcast %reduce_max3A_527 : i32 to vector<16xi32>
      %reduce_max3A_529 = arith.xori %while3A_524#1, %reduce_max3A_528 : vector<16xi32>
      %reduce_max3A_530 = tpu.scan <max>, %reduce_max3A_529 masked %reduce_max3A_526 : vector<16xi32>, vector<16xi1> -> vector<16xi32>
      %reduce_max3A_531 = arith.xori %reduce_max3A_530, %reduce_max3A_528 : vector<16xi32>
      %reduce_max3A_532 = vector.extract %reduce_max3A_531[15] : i32 from vector<16xi32>
      %get3A_533 = arith.constant 0 : index
      %get3A_534 = tpu.vector_load %arg16[%get3A_533] {strides = array<i32>} : memref<320xi32, #tpu.memory_space<vmem>>, vector<16xi32>,
      %eq3A_535 = arith.constant 0 : i32
      %eq3A_536 = vector.broadcast %eq3A_535 : i32 to vector<16xi32>
      %eq3A_537 = arith.cmpi eq, %iota3A, %eq3A_536 : vector<16xi32>
      %jit3A_538 = arith.constant 0 : i32
      %broadcast_in_dim3A_539 = vector.broadcast %jit3A_538 : i32 to vector<16xi32>
      %select_n3A_540 = arith.select %eq3A_537, %get3A_534, %broadcast_in_dim3A_539 : vector<16xi1>, vector<16xi32>
      %reduce_sum3A_541 = arith.constant true
      %reduce_sum3A_542 = vector.broadcast %reduce_sum3A_541 : i1 to vector<16xi1>
      %reduce_sum3A_543 = tpu.scan <sum>, %select_n3A_540 masked %reduce_sum3A_542 : vector<16xi32>, vector<16xi1> -> vector<16xi32>
      %reduce_sum3A_544 = vector.extract %reduce_sum3A_543[15] : i32 from vector<16xi32>
      %add3A_545 = arith.constant 0 : i32
      %add3A_546 = vector.broadcast %add3A_545 : i32 to vector<16xi32>
      %add3A_547 = arith.addi %iota3A, %add3A_546 : vector<16xi32>
      %get3A_548 = arith.constant 0 : index
      %get3A_549 = tpu.vector_load %arg16[%get3A_548] {strides = array<i32>} : memref<320xi32, #tpu.memory_space<vmem>>, vector<16xi32>,
      %lt3A_550 = vector.broadcast %reduce_max3A_532 : i32 to vector<16xi32>
      %lt3A_551 = arith.cmpi slt, %add3A_547, %lt3A_550 : vector<16xi32>
      %broadcast_in_dim3A_552 = vector.broadcast %reduce_sum3A_544 : i32 to vector<16xi32>
      %select_n3A_553 = arith.select %lt3A_551, %get3A_549, %broadcast_in_dim3A_552 : vector<16xi1>, vector<16xi32>
      %gather3A_554 = tpu.vector_load_idx %arg8[%select_n3A_553] : memref<16384xf32, #tpu.memory_space<vmem>>[vector<16xi32>], vector<16xf32>,
      %gather3A_555 = tpu.vector_load_idx %arg9[%select_n3A_553] : memref<16384xf32, #tpu.memory_space<vmem>>[vector<16xi32>], vector<16xf32>,
      %gather3A_556 = tpu.vector_load_idx %arg10[%select_n3A_553] : memref<16384xf32, #tpu.memory_space<vmem>>[vector<16xi32>], vector<16xf32>,
      %mul3A_557 = arith.constant 3 : i32
      %mul3A_558 = vector.broadcast %mul3A_557 : i32 to vector<16xi32>
      %mul3A_559 = arith.muli %add3A_547, %mul3A_558 : vector<16xi32>
      %add3A_560 = arith.addi %mul3A_559, %broadcast_in_dim3A_56 : vector<16xi32>
      %sub3A_561 = vector.broadcast %reduce_sum3A_502 : f32 to vector<16xf32>
      %sub3A_562 = arith.subf %gather3A_554, %sub3A_561 : vector<16xf32>
      %div3A_563 = arith.constant 4.000000e-01 : f32
      %div3A_564 = vector.broadcast %div3A_563 : f32 to vector<16xf32>
      %div3A_565 = arith.divf %sub3A_562, %div3A_564 : vector<16xf32>
      tpu.vector_store_idx %arg20[%add3A_560], %div3A_565 : memref<192xf32, #tpu.memory_space<vmem>>[vector<16xi32>], vector<16xf32>,
      %add3A_566 = arith.addi %mul3A_559, %broadcast_in_dim3A_58 : vector<16xi32>
      %sub3A_567 = vector.broadcast %reduce_sum3A_511 : f32 to vector<16xf32>
      %sub3A_568 = arith.subf %gather3A_555, %sub3A_567 : vector<16xf32>
      %div3A_569 = arith.constant 4.000000e-01 : f32
      %div3A_570 = vector.broadcast %div3A_569 : f32 to vector<16xf32>
      %div3A_571 = arith.divf %sub3A_568, %div3A_570 : vector<16xf32>
      tpu.vector_store_idx %arg20[%add3A_566], %div3A_571 : memref<192xf32, #tpu.memory_space<vmem>>[vector<16xi32>], vector<16xf32>,
      %add3A_572 = arith.addi %mul3A_559, %broadcast_in_dim3A_60 : vector<16xi32>
      %sub3A_573 = vector.broadcast %reduce_sum3A_520 : f32 to vector<16xf32>
      %sub3A_574 = arith.subf %gather3A_556, %sub3A_573 : vector<16xf32>
      %div3A_575 = arith.constant 4.000000e-01 : f32
      %div3A_576 = vector.broadcast %div3A_575 : f32 to vector<16xf32>
      %div3A_577 = arith.divf %sub3A_574, %div3A_576 : vector<16xf32>
      tpu.vector_store_idx %arg20[%add3A_572], %div3A_577 : memref<192xf32, #tpu.memory_space<vmem>>[vector<16xi32>], vector<16xf32>,
      %add3A_578 = vector.broadcast %mul3A_34 : i32 to vector<16xi32>
      %add3A_579 = arith.addi %select_n3A_553, %add3A_578 : vector<16xi32>
      %swap3A_580 = arith.constant 0 : index
      %swap3A_581 = tpu.vector_load %arg18[%swap3A_580] {strides = array<i32>} : memref<64xi32, #tpu.memory_space<vmem>>, vector<16xi32>,
      tpu.vector_store %arg18[%swap3A_580], %add3A_579 {strides = array<i32>} : memref<64xi32, #tpu.memory_space<vmem>>, vector<16xi32>,
      %add3A_582 = arith.constant 16 : i32
      %add3A_583 = vector.broadcast %add3A_582 : i32 to vector<16xi32>
      %add3A_584 = arith.addi %iota3A, %add3A_583 : vector<16xi32>
      %get3A_585 = arith.constant 16 : index
      %get3A_586 = tpu.vector_load %arg16[%get3A_585] {strides = array<i32>} : memref<320xi32, #tpu.memory_space<vmem>>, vector<16xi32>,
      %lt3A_587 = vector.broadcast %reduce_max3A_532 : i32 to vector<16xi32>
      %lt3A_588 = arith.cmpi slt, %add3A_584, %lt3A_587 : vector<16xi32>
      %broadcast_in_dim3A_589 = vector.broadcast %reduce_sum3A_544 : i32 to vector<16xi32>
      %select_n3A_590 = arith.select %lt3A_588, %get3A_586, %broadcast_in_dim3A_589 : vector<16xi1>, vector<16xi32>
      %gather3A_591 = tpu.vector_load_idx %arg8[%select_n3A_590] : memref<16384xf32, #tpu.memory_space<vmem>>[vector<16xi32>], vector<16xf32>,
      %gather3A_592 = tpu.vector_load_idx %arg9[%select_n3A_590] : memref<16384xf32, #tpu.memory_space<vmem>>[vector<16xi32>], vector<16xf32>,
      %gather3A_593 = tpu.vector_load_idx %arg10[%select_n3A_590] : memref<16384xf32, #tpu.memory_space<vmem>>[vector<16xi32>], vector<16xf32>,
      %mul3A_594 = arith.constant 3 : i32
      %mul3A_595 = vector.broadcast %mul3A_594 : i32 to vector<16xi32>
      %mul3A_596 = arith.muli %add3A_584, %mul3A_595 : vector<16xi32>
      %add3A_597 = arith.addi %mul3A_596, %broadcast_in_dim3A_56 : vector<16xi32>
      %sub3A_598 = vector.broadcast %reduce_sum3A_502 : f32 to vector<16xf32>
      %sub3A_599 = arith.subf %gather3A_591, %sub3A_598 : vector<16xf32>
      %div3A_600 = arith.constant 4.000000e-01 : f32
      %div3A_601 = vector.broadcast %div3A_600 : f32 to vector<16xf32>
      %div3A_602 = arith.divf %sub3A_599, %div3A_601 : vector<16xf32>
      tpu.vector_store_idx %arg20[%add3A_597], %div3A_602 : memref<192xf32, #tpu.memory_space<vmem>>[vector<16xi32>], vector<16xf32>,
      %add3A_603 = arith.addi %mul3A_596, %broadcast_in_dim3A_58 : vector<16xi32>
      %sub3A_604 = vector.broadcast %reduce_sum3A_511 : f32 to vector<16xf32>
      %sub3A_605 = arith.subf %gather3A_592, %sub3A_604 : vector<16xf32>
      %div3A_606 = arith.constant 4.000000e-01 : f32
      %div3A_607 = vector.broadcast %div3A_606 : f32 to vector<16xf32>
      %div3A_608 = arith.divf %sub3A_605, %div3A_607 : vector<16xf32>
      tpu.vector_store_idx %arg20[%add3A_603], %div3A_608 : memref<192xf32, #tpu.memory_space<vmem>>[vector<16xi32>], vector<16xf32>,
      %add3A_609 = arith.addi %mul3A_596, %broadcast_in_dim3A_60 : vector<16xi32>
      %sub3A_610 = vector.broadcast %reduce_sum3A_520 : f32 to vector<16xf32>
      %sub3A_611 = arith.subf %gather3A_593, %sub3A_610 : vector<16xf32>
      %div3A_612 = arith.constant 4.000000e-01 : f32
      %div3A_613 = vector.broadcast %div3A_612 : f32 to vector<16xf32>
      %div3A_614 = arith.divf %sub3A_611, %div3A_613 : vector<16xf32>
      tpu.vector_store_idx %arg20[%add3A_609], %div3A_614 : memref<192xf32, #tpu.memory_space<vmem>>[vector<16xi32>], vector<16xf32>,
      %add3A_615 = vector.broadcast %mul3A_34 : i32 to vector<16xi32>
      %add3A_616 = arith.addi %select_n3A_590, %add3A_615 : vector<16xi32>
      %swap3A_617 = arith.constant 16 : index
      %swap3A_618 = tpu.vector_load %arg18[%swap3A_617] {strides = array<i32>} : memref<64xi32, #tpu.memory_space<vmem>>, vector<16xi32>,
      tpu.vector_store %arg18[%swap3A_617], %add3A_616 {strides = array<i32>} : memref<64xi32, #tpu.memory_space<vmem>>, vector<16xi32>,
      %add3A_619 = arith.constant 32 : i32
      %add3A_620 = vector.broadcast %add3A_619 : i32 to vector<16xi32>
      %add3A_621 = arith.addi %iota3A, %add3A_620 : vector<16xi32>
      %get3A_622 = arith.constant 32 : index
      %get3A_623 = tpu.vector_load %arg16[%get3A_622] {strides = array<i32>} : memref<320xi32, #tpu.memory_space<vmem>>, vector<16xi32>,
      %lt3A_624 = vector.broadcast %reduce_max3A_532 : i32 to vector<16xi32>
      %lt3A_625 = arith.cmpi slt, %add3A_621, %lt3A_624 : vector<16xi32>
      %broadcast_in_dim3A_626 = vector.broadcast %reduce_sum3A_544 : i32 to vector<16xi32>
      %select_n3A_627 = arith.select %lt3A_625, %get3A_623, %broadcast_in_dim3A_626 : vector<16xi1>, vector<16xi32>
      %gather3A_628 = tpu.vector_load_idx %arg8[%select_n3A_627] : memref<16384xf32, #tpu.memory_space<vmem>>[vector<16xi32>], vector<16xf32>,
      %gather3A_629 = tpu.vector_load_idx %arg9[%select_n3A_627] : memref<16384xf32, #tpu.memory_space<vmem>>[vector<16xi32>], vector<16xf32>,
      %gather3A_630 = tpu.vector_load_idx %arg10[%select_n3A_627] : memref<16384xf32, #tpu.memory_space<vmem>>[vector<16xi32>], vector<16xf32>,
      %mul3A_631 = arith.constant 3 : i32
      %mul3A_632 = vector.broadcast %mul3A_631 : i32 to vector<16xi32>
      %mul3A_633 = arith.muli %add3A_621, %mul3A_632 : vector<16xi32>
      %add3A_634 = arith.addi %mul3A_633, %broadcast_in_dim3A_56 : vector<16xi32>
      %sub3A_635 = vector.broadcast %reduce_sum3A_502 : f32 to vector<16xf32>
      %sub3A_636 = arith.subf %gather3A_628, %sub3A_635 : vector<16xf32>
      %div3A_637 = arith.constant 4.000000e-01 : f32
      %div3A_638 = vector.broadcast %div3A_637 : f32 to vector<16xf32>
      %div3A_639 = arith.divf %sub3A_636, %div3A_638 : vector<16xf32>
      tpu.vector_store_idx %arg20[%add3A_634], %div3A_639 : memref<192xf32, #tpu.memory_space<vmem>>[vector<16xi32>], vector<16xf32>,
      %add3A_640 = arith.addi %mul3A_633, %broadcast_in_dim3A_58 : vector<16xi32>
      %sub3A_641 = vector.broadcast %reduce_sum3A_511 : f32 to vector<16xf32>
      %sub3A_642 = arith.subf %gather3A_629, %sub3A_641 : vector<16xf32>
      %div3A_643 = arith.constant 4.000000e-01 : f32
      %div3A_644 = vector.broadcast %div3A_643 : f32 to vector<16xf32>
      %div3A_645 = arith.divf %sub3A_642, %div3A_644 : vector<16xf32>
      tpu.vector_store_idx %arg20[%add3A_640], %div3A_645 : memref<192xf32, #tpu.memory_space<vmem>>[vector<16xi32>], vector<16xf32>,
      %add3A_646 = arith.addi %mul3A_633, %broadcast_in_dim3A_60 : vector<16xi32>
      %sub3A_647 = vector.broadcast %reduce_sum3A_520 : f32 to vector<16xf32>
      %sub3A_648 = arith.subf %gather3A_630, %sub3A_647 : vector<16xf32>
      %div3A_649 = arith.constant 4.000000e-01 : f32
      %div3A_650 = vector.broadcast %div3A_649 : f32 to vector<16xf32>
      %div3A_651 = arith.divf %sub3A_648, %div3A_650 : vector<16xf32>
      tpu.vector_store_idx %arg20[%add3A_646], %div3A_651 : memref<192xf32, #tpu.memory_space<vmem>>[vector<16xi32>], vector<16xf32>,
      %add3A_652 = vector.broadcast %mul3A_34 : i32 to vector<16xi32>
      %add3A_653 = arith.addi %select_n3A_627, %add3A_652 : vector<16xi32>
      %swap3A_654 = arith.constant 32 : index
      %swap3A_655 = tpu.vector_load %arg18[%swap3A_654] {strides = array<i32>} : memref<64xi32, #tpu.memory_space<vmem>>, vector<16xi32>,
      tpu.vector_store %arg18[%swap3A_654], %add3A_653 {strides = array<i32>} : memref<64xi32, #tpu.memory_space<vmem>>, vector<16xi32>,
      %add3A_656 = arith.constant 48 : i32
      %add3A_657 = vector.broadcast %add3A_656 : i32 to vector<16xi32>
      %add3A_658 = arith.addi %iota3A, %add3A_657 : vector<16xi32>
      %get3A_659 = arith.constant 48 : index
      %get3A_660 = tpu.vector_load %arg16[%get3A_659] {strides = array<i32>} : memref<320xi32, #tpu.memory_space<vmem>>, vector<16xi32>,
      %lt3A_661 = vector.broadcast %reduce_max3A_532 : i32 to vector<16xi32>
      %lt3A_662 = arith.cmpi slt, %add3A_658, %lt3A_661 : vector<16xi32>
      %broadcast_in_dim3A_663 = vector.broadcast %reduce_sum3A_544 : i32 to vector<16xi32>
      %select_n3A_664 = arith.select %lt3A_662, %get3A_660, %broadcast_in_dim3A_663 : vector<16xi1>, vector<16xi32>
      %gather3A_665 = tpu.vector_load_idx %arg8[%select_n3A_664] : memref<16384xf32, #tpu.memory_space<vmem>>[vector<16xi32>], vector<16xf32>,
      %gather3A_666 = tpu.vector_load_idx %arg9[%select_n3A_664] : memref<16384xf32, #tpu.memory_space<vmem>>[vector<16xi32>], vector<16xf32>,
      %gather3A_667 = tpu.vector_load_idx %arg10[%select_n3A_664] : memref<16384xf32, #tpu.memory_space<vmem>>[vector<16xi32>], vector<16xf32>,
      %mul3A_668 = arith.constant 3 : i32
      %mul3A_669 = vector.broadcast %mul3A_668 : i32 to vector<16xi32>
      %mul3A_670 = arith.muli %add3A_658, %mul3A_669 : vector<16xi32>
      %add3A_671 = arith.addi %mul3A_670, %broadcast_in_dim3A_56 : vector<16xi32>
      %sub3A_672 = vector.broadcast %reduce_sum3A_502 : f32 to vector<16xf32>
      %sub3A_673 = arith.subf %gather3A_665, %sub3A_672 : vector<16xf32>
      %div3A_674 = arith.constant 4.000000e-01 : f32
      %div3A_675 = vector.broadcast %div3A_674 : f32 to vector<16xf32>
      %div3A_676 = arith.divf %sub3A_673, %div3A_675 : vector<16xf32>
      tpu.vector_store_idx %arg20[%add3A_671], %div3A_676 : memref<192xf32, #tpu.memory_space<vmem>>[vector<16xi32>], vector<16xf32>,
      %add3A_677 = arith.addi %mul3A_670, %broadcast_in_dim3A_58 : vector<16xi32>
      %sub3A_678 = vector.broadcast %reduce_sum3A_511 : f32 to vector<16xf32>
      %sub3A_679 = arith.subf %gather3A_666, %sub3A_678 : vector<16xf32>
      %div3A_680 = arith.constant 4.000000e-01 : f32
      %div3A_681 = vector.broadcast %div3A_680 : f32 to vector<16xf32>
      %div3A_682 = arith.divf %sub3A_679, %div3A_681 : vector<16xf32>
      tpu.vector_store_idx %arg20[%add3A_677], %div3A_682 : memref<192xf32, #tpu.memory_space<vmem>>[vector<16xi32>], vector<16xf32>,
      %add3A_683 = arith.addi %mul3A_670, %broadcast_in_dim3A_60 : vector<16xi32>
      %sub3A_684 = vector.broadcast %reduce_sum3A_520 : f32 to vector<16xf32>
      %sub3A_685 = arith.subf %gather3A_667, %sub3A_684 : vector<16xf32>
      %div3A_686 = arith.constant 4.000000e-01 : f32
      %div3A_687 = vector.broadcast %div3A_686 : f32 to vector<16xf32>
      %div3A_688 = arith.divf %sub3A_685, %div3A_687 : vector<16xf32>
      tpu.vector_store_idx %arg20[%add3A_683], %div3A_688 : memref<192xf32, #tpu.memory_space<vmem>>[vector<16xi32>], vector<16xf32>,
      %add3A_689 = vector.broadcast %mul3A_34 : i32 to vector<16xi32>
      %add3A_690 = arith.addi %select_n3A_664, %add3A_689 : vector<16xi32>
      %swap3A_691 = arith.constant 48 : index
      %swap3A_692 = tpu.vector_load %arg18[%swap3A_691] {strides = array<i32>} : memref<64xi32, #tpu.memory_space<vmem>>, vector<16xi32>,
      tpu.vector_store %arg18[%swap3A_691], %add3A_690 {strides = array<i32>} : memref<64xi32, #tpu.memory_space<vmem>>, vector<16xi32>,
      %dma_wait3A_693 = arith.constant 0 : i32
      %dma_wait3A_694 = arith.constant 0 : i32
      %dma_wait3A_695 = tpu.memref_slice %arg4[%dma_wait3A_693, %dma_wait3A_694] : memref<65536x128xf32, #tpu.memory_space<hbm>> -> memref<65536x128xf32, #tpu.memory_space<hbm>>
      tpu.wait_indirect_dma semaphore(%arg23 : memref<!tpu.dma_semaphore, #tpu.memory_space<semaphore_mem>>) src(%dma_wait3A_695 : memref<65536x128xf32, #tpu.memory_space<hbm>>) dst(%arg21 : memref<64x128xf32, #tpu.memory_space<vmem>>)
      %add3A_696 = arith.constant 1 : i32
      %add3A_697 = arith.addi %mul3A_462, %add3A_696 : i32
      %mul3A_698 = arith.constant 1024 : i32
      %mul3A_699 = arith.muli %select_n3A, %mul3A_698 : i32
      %add3A_700 = arith.addi %mul3A_699, %mul3A_32 : i32
      %add3A_701 = arith.addi %add3A_700, %add3A_697 : i32
      %mul3A_702 = arith.constant 64 : i32
      %mul3A_703 = arith.muli %add3A_701, %mul3A_702 : i32
      %dma_wait3A_704 = arith.constant 0 : i32
      %dma_wait3A_705 = tpu.memref_slice %arg7[%mul3A_703, %dma_wait3A_704] : memref<262144x128xf32, #tpu.memory_space<hbm>> -> memref<64x128xf32, #tpu.memory_space<hbm>>
      %dma_wait3A_706 = arith.constant 0 : i32
      %dma_wait3A_707 = tpu.memref_slice %arg7[%mul3A_703, %dma_wait3A_706] : memref<262144x128xf32, #tpu.memory_space<hbm>> -> memref<64x128xf32, #tpu.memory_space<hbm>>
      tpu.wait_dma2 semaphore(%arg24 : memref<!tpu.dma_semaphore, #tpu.memory_space<semaphore_mem>>) src(%arg22 : memref<64x128xf32, #tpu.memory_space<vmem>>) dst(%dma_wait3A_707 : memref<64x128xf32, #tpu.memory_space<hbm>>)
      %dma_start3A_708 = arith.constant 0 : i32
      %dma_start3A_709 = arith.constant 0 : i32
      %dma_start3A_710 = tpu.memref_slice %arg4[%dma_start3A_708, %dma_start3A_709] : memref<65536x128xf32, #tpu.memory_space<hbm>> -> memref<65536x128xf32, #tpu.memory_space<hbm>>
      tpu.enqueue_indirect_dma source(%dma_start3A_710 : memref<65536x128xf32, #tpu.memory_space<hbm>>) target(%arg22 : memref<64x128xf32, #tpu.memory_space<vmem>>) offsets(%arg18 : memref<64xi32, #tpu.memory_space<vmem>>) semaphore(%arg23 : memref<!tpu.dma_semaphore, #tpu.memory_space<semaphore_mem>>)
      %mul3A_711 = arith.constant 1024 : i32
      %mul3A_712 = arith.muli %select_n3A, %mul3A_711 : i32
      %add3A_713 = arith.addi %mul3A_712, %mul3A_32 : i32
      %add3A_714 = arith.addi %add3A_713, %mul3A_462 : i32
      %mul3A_715 = arith.constant 64 : i32
      %mul3A_716 = arith.muli %add3A_714, %mul3A_715 : i32
      %dma_start3A_717 = arith.constant 0 : i32
      %dma_start3A_718 = tpu.memref_slice %arg7[%mul3A_716, %dma_start3A_717] : memref<262144x128xf32, #tpu.memory_space<hbm>> -> memref<64x128xf32, #tpu.memory_space<hbm>>
      %dma_start3A_719 = arith.constant 0 : i32
      %dma_start3A_720 = tpu.memref_slice %arg7[%mul3A_716, %dma_start3A_719] : memref<262144x128xf32, #tpu.memory_space<hbm>> -> memref<64x128xf32, #tpu.memory_space<hbm>>
      tpu.enqueue_dma source(%arg21 : memref<64x128xf32, #tpu.memory_space<vmem>>) target(%dma_start3A_720 : memref<64x128xf32, #tpu.memory_space<hbm>>) target_semaphore(%arg24 : memref<!tpu.dma_semaphore, #tpu.memory_space<semaphore_mem>>)
      %mul3A_721 = arith.constant 1024 : i32
      %mul3A_722 = arith.muli %select_n3A, %mul3A_721 : i32
      %add3A_723 = arith.addi %mul3A_722, %mul3A_32 : i32
      %add3A_724 = arith.addi %add3A_723, %mul3A_462 : i32
      %mul3A_725 = arith.constant 64 : i32
      %mul3A_726 = arith.muli %add3A_724, %mul3A_725 : i32
      %mul3A_727 = arith.constant 3 : i32
      %mul3A_728 = arith.muli %mul3A_726, %mul3A_727 : i32
      "tpu.region"() ({
        %run_scoped3A = tpu.sem_alloc : memref<!tpu.dma_semaphore, #tpu.memory_space<semaphore_mem>>
        %dma_start3A_997 = tpu.memref_slice %arg6[%mul3A_728] : memref<786432xf32, #tpu.memory_space<hbm>> -> memref<192xf32, #tpu.memory_space<hbm>>
        %dma_start3A_998 = tpu.memref_slice %arg6[%mul3A_728] : memref<786432xf32, #tpu.memory_space<hbm>> -> memref<192xf32, #tpu.memory_space<hbm>>
        tpu.enqueue_dma source(%arg19 : memref<192xf32, #tpu.memory_space<vmem>>) target(%dma_start3A_998 : memref<192xf32, #tpu.memory_space<hbm>>) target_semaphore(%run_scoped3A : memref<!tpu.dma_semaphore, #tpu.memory_space<semaphore_mem>>)
        %dma_wait3A_999 = tpu.memref_slice %arg6[%mul3A_728] : memref<786432xf32, #tpu.memory_space<hbm>> -> memref<192xf32, #tpu.memory_space<hbm>>
        %dma_wait3A_1000 = tpu.memref_slice %arg6[%mul3A_728] : memref<786432xf32, #tpu.memory_space<hbm>> -> memref<192xf32, #tpu.memory_space<hbm>>
        tpu.wait_dma2 semaphore(%run_scoped3A : memref<!tpu.dma_semaphore, #tpu.memory_space<semaphore_mem>>) src(%arg19 : memref<192xf32, #tpu.memory_space<vmem>>) dst(%dma_wait3A_1000 : memref<192xf32, #tpu.memory_space<hbm>>)
        tpu.yield
      }) : () -> ()
      %add3A_729 = arith.constant 2 : i32
      %add3A_730 = arith.addi %mul3A_462, %add3A_729 : i32
      %jit3A_731 = arith.constant 16 : i32
      %div3A_732 = arith.divsi %add3A_730, %jit3A_731 : i32
      %sign3A_733 = arith.constant 0 : i32
      %sign3A_734 = arith.cmpi sgt, %add3A_730, %sign3A_733 : i32
      %sign3A_735 = arith.extui %sign3A_734 : i1 to i32
      %sign3A_736 = arith.constant 0 : i32
      %sign3A_737 = arith.cmpi slt, %add3A_730, %sign3A_736 : i32
      %sign3A_738 = arith.extui %sign3A_737 : i1 to i32
      %sign3A_739 = arith.subi %sign3A_735, %sign3A_738 : i32
      %sign3A_740 = arith.constant 0 : i32
      %sign3A_741 = arith.cmpi sgt, %jit3A_731, %sign3A_740 : i32
      %sign3A_742 = arith.extui %sign3A_741 : i1 to i32
      %sign3A_743 = arith.constant 0 : i32
      %sign3A_744 = arith.cmpi slt, %jit3A_731, %sign3A_743 : i32
      %sign3A_745 = arith.extui %sign3A_744 : i1 to i32
      %sign3A_746 = arith.subi %sign3A_742, %sign3A_745 : i32
      %ne3A_747 = arith.cmpi ne, %sign3A_739, %sign3A_746 : i32
      %rem3A_748 = arith.remsi %add3A_730, %jit3A_731 : i32
      %ne3A_749 = arith.constant 0 : i32
      %ne3A_750 = arith.cmpi ne, %rem3A_748, %ne3A_749 : i32
      %and3A_751 = arith.andi %ne3A_747, %ne3A_750 : i1
      %sub3A_752 = arith.constant 1 : i32
      %sub3A_753 = arith.subi %div3A_732, %sub3A_752 : i32
      %select_n3A_754 = arith.select %and3A_751, %sub3A_753, %div3A_732 : i32
      %mul3A_755 = arith.constant 16 : i32
      %mul3A_756 = arith.muli %select_n3A_754, %mul3A_755 : i32
      %sub3A_757 = arith.subi %add3A_730, %mul3A_756 : i32
      %eq3A_758 = vector.broadcast %sub3A_757 : i32 to vector<16xi32>
      %eq3A_759 = arith.cmpi eq, %iota3A, %eq3A_758 : vector<16xi32>
      %get3A_760 = arith.index_cast %mul3A_756 : i32 to index
      %get3A_761 = tpu.vector_load %arg12[%get3A_760] {strides = array<i32>} : memref<144xf32, #tpu.memory_space<vmem>>, vector<16xf32>,
      %jit3A_762 = arith.constant 0.000000e+00 : f32
      %broadcast_in_dim3A_763 = vector.broadcast %jit3A_762 : f32 to vector<16xf32>
      %select_n3A_764 = arith.select %eq3A_759, %get3A_761, %broadcast_in_dim3A_763 : vector<16xi1>, vector<16xf32>
      %reduce_sum3A_765 = arith.constant true
      %reduce_sum3A_766 = vector.broadcast %reduce_sum3A_765 : i1 to vector<16xi1>
      %reduce_sum3A_767 = tpu.scan <sum>, %select_n3A_764 masked %reduce_sum3A_766 : vector<16xf32>, vector<16xi1> -> vector<16xf32>
      %reduce_sum3A_768 = vector.extract %reduce_sum3A_767[15] : f32 from vector<16xf32>
      %get3A_769 = arith.index_cast %mul3A_756 : i32 to index
      %get3A_770 = tpu.vector_load %arg13[%get3A_769] {strides = array<i32>} : memref<144xf32, #tpu.memory_space<vmem>>, vector<16xf32>,
      %jit3A_771 = arith.constant 0.000000e+00 : f32
      %broadcast_in_dim3A_772 = vector.broadcast %jit3A_771 : f32 to vector<16xf32>
      %select_n3A_773 = arith.select %eq3A_759, %get3A_770, %broadcast_in_dim3A_772 : vector<16xi1>, vector<16xf32>
      %reduce_sum3A_774 = arith.constant true
      %reduce_sum3A_775 = vector.broadcast %reduce_sum3A_774 : i1 to vector<16xi1>
      %reduce_sum3A_776 = tpu.scan <sum>, %select_n3A_773 masked %reduce_sum3A_775 : vector<16xf32>, vector<16xi1> -> vector<16xf32>
      %reduce_sum3A_777 = vector.extract %reduce_sum3A_776[15] : f32 from vector<16xf32>
      %get3A_778 = arith.index_cast %mul3A_756 : i32 to index
      %get3A_779 = tpu.vector_load %arg14[%get3A_778] {strides = array<i32>} : memref<144xf32, #tpu.memory_space<vmem>>, vector<16xf32>,
      %jit3A_780 = arith.constant 0.000000e+00 : f32
      %broadcast_in_dim3A_781 = vector.broadcast %jit3A_780 : f32 to vector<16xf32>
      %select_n3A_782 = arith.select %eq3A_759, %get3A_779, %broadcast_in_dim3A_781 : vector<16xi1>, vector<16xf32>
      %reduce_sum3A_783 = arith.constant true
      %reduce_sum3A_784 = vector.broadcast %reduce_sum3A_783 : i1 to vector<16xi1>
      %reduce_sum3A_785 = tpu.scan <sum>, %select_n3A_782 masked %reduce_sum3A_784 : vector<16xf32>, vector<16xi1> -> vector<16xf32>
      %reduce_sum3A_786 = vector.extract %reduce_sum3A_785[15] : f32 from vector<16xf32>
      %broadcast_in_dim3A_787 = arith.constant 0 : i32
      %broadcast_in_dim3A_788 = vector.broadcast %broadcast_in_dim3A_787 : i32 to vector<16xi32>
      %while3A_789 = arith.constant 0 : i32
      %while3A_790:2 = scf.while (%while3A_997 = %while3A_789, %while3A_998 = %broadcast_in_dim3A_788) : (i32, vector<16xi32>) -> (i32, vector<16xi32>) {
        %lt3A_999 = arith.constant 1024 : i32
        %lt3A_1000 = arith.cmpi slt, %while3A_997, %lt3A_999 : i32
        %lt3A_1001 = arith.constant 64 : i32
        %lt3A_1002 = vector.broadcast %lt3A_1001 : i32 to vector<16xi32>
        %lt3A_1003 = arith.cmpi slt, %while3A_998, %lt3A_1002 : vector<16xi32>
        %reduce_and3A = arith.constant 1.000000e+00 : f32
        %reduce_and3A_1004 = arith.constant 0.000000e+00 : f32
        %reduce_and3A_1005 = vector.broadcast %reduce_and3A : f32 to vector<16xf32>
        %reduce_and3A_1006 = vector.broadcast %reduce_and3A_1004 : f32 to vector<16xf32>
        %reduce_and3A_1007 = arith.select %lt3A_1003, %reduce_and3A_1005, %reduce_and3A_1006 : vector<16xi1>, vector<16xf32>
        %reduce_and3A_1008 = arith.constant true
        %reduce_and3A_1009 = vector.broadcast %reduce_and3A_1008 : i1 to vector<16xi1>
        %reduce_and3A_1010 = tpu.scan <min>, %reduce_and3A_1007 masked %reduce_and3A_1009 : vector<16xf32>, vector<16xi1> -> vector<16xf32>
        %reduce_and3A_1011 = vector.extract %reduce_and3A_1010[15] : f32 from vector<16xf32>
        %reduce_and3A_1012 = arith.constant 0.000000e+00 : f32
        %reduce_and3A_1013 = arith.cmpf ogt, %reduce_and3A_1011, %reduce_and3A_1012 : f32
        %and3A_1014 = arith.andi %lt3A_1000, %reduce_and3A_1013 : i1
        scf.condition(%and3A_1014) %while3A_997, %while3A_998 : i32, vector<16xi32>
      } do {
      ^bb0(%while3A_997: i32, %while3A_998: vector<16xi32>):
        %sub3A_999 = arith.constant 1 : i32
        %sub3A_1000 = vector.broadcast %sub3A_999 : i32 to vector<16xi32>
        %sub3A_1001 = arith.subi %while3A_998, %sub3A_1000 : vector<16xi32>
        %add3A_1002 = arith.constant 0 : i32
        %add3A_1003 = arith.addi %while3A_997, %add3A_1002 : i32
        %mul3A_1004 = arith.constant 16 : i32
        %mul3A_1005 = arith.muli %add3A_1003, %mul3A_1004 : i32
        %get3A_1006 = arith.index_cast %mul3A_1005 : i32 to index
        %get3A_1007 = tpu.vector_load %arg8[%get3A_1006] {strides = array<i32>} : memref<16384xf32, #tpu.memory_space<vmem>>, vector<16xf32>,
        %get3A_1008 = arith.index_cast %mul3A_1005 : i32 to index
        %get3A_1009 = tpu.vector_load %arg9[%get3A_1008] {strides = array<i32>} : memref<16384xf32, #tpu.memory_space<vmem>>, vector<16xf32>,
        %get3A_1010 = arith.index_cast %mul3A_1005 : i32 to index
        %get3A_1011 = tpu.vector_load %arg10[%get3A_1010] {strides = array<i32>} : memref<16384xf32, #tpu.memory_space<vmem>>, vector<16xf32>,
        %sub3A_1012 = vector.broadcast %reduce_sum3A_768 : f32 to vector<16xf32>
        %sub3A_1013 = arith.subf %get3A_1007, %sub3A_1012 : vector<16xf32>
        %sub3A_1014 = vector.broadcast %reduce_sum3A_777 : f32 to vector<16xf32>
        %sub3A_1015 = arith.subf %get3A_1009, %sub3A_1014 : vector<16xf32>
        %sub3A_1016 = vector.broadcast %reduce_sum3A_786 : f32 to vector<16xf32>
        %sub3A_1017 = arith.subf %get3A_1011, %sub3A_1016 : vector<16xf32>
        %mul3A_1018 = arith.mulf %sub3A_1013, %sub3A_1013 : vector<16xf32>
        %mul3A_1019 = arith.mulf %sub3A_1015, %sub3A_1015 : vector<16xf32>
        %add3A_1020 = arith.addf %mul3A_1018, %mul3A_1019 : vector<16xf32>
        %mul3A_1021 = arith.mulf %sub3A_1017, %sub3A_1017 : vector<16xf32>
        %add3A_1022 = arith.addf %add3A_1020, %mul3A_1021 : vector<16xf32>
        %le3A = arith.constant 1.600000e-01 : f32
        %le3A_1023 = vector.broadcast %le3A : f32 to vector<16xf32>
        %le3A_1024 = arith.cmpf ole, %add3A_1022, %le3A_1023 : vector<16xf32>
        %convert_element_type3A = arith.extui %le3A_1024 : vector<16xi1> to vector<16xi32>
        %broadcast_in_dim3A_1025 = arith.constant true
        %broadcast_in_dim3A_1026 = vector.broadcast %broadcast_in_dim3A_1025 : i1 to vector<16xi1>
        %masked_cumsum3A = tpu.scan <sum>, %convert_element_type3A masked %broadcast_in_dim3A_1026 : vector<16xi32>, vector<16xi1> -> vector<16xi32>
        %add3A_1027 = arith.addi %masked_cumsum3A, %sub3A_1001 : vector<16xi32>
        %add3A_1028 = vector.broadcast %mul3A_1005 : i32 to vector<16xi32>
        %add3A_1029 = arith.addi %iota3A, %add3A_1028 : vector<16xi32>
        tpu.vector_store_idx %arg16[%add3A_1027], %add3A_1029 masked %le3A_1024 : memref<320xi32, #tpu.memory_space<vmem>>[vector<16xi32>], vector<16xi32>, vector<16xi1>
        %all_reduce_population_count3A = tpu.all_reduce %le3A_1024 {dim = 0 : i64, kind = #tpu.reduction_kind<sum>} : vector<16xi1> -> vector<16xi32>
        %add3A_1030 = arith.addi %sub3A_1001, %all_reduce_population_count3A : vector<16xi32>
        %add3A_1031 = arith.constant 1 : i32
        %add3A_1032 = arith.addi %while3A_997, %add3A_1031 : i32
        %mul3A_1033 = arith.constant 16 : i32
        %mul3A_1034 = arith.muli %add3A_1032, %mul3A_1033 : i32
        %get3A_1035 = arith.index_cast %mul3A_1034 : i32 to index
        %get3A_1036 = tpu.vector_load %arg8[%get3A_1035] {strides = array<i32>} : memref<16384xf32, #tpu.memory_space<vmem>>, vector<16xf32>,
        %get3A_1037 = arith.index_cast %mul3A_1034 : i32 to index
        %get3A_1038 = tpu.vector_load %arg9[%get3A_1037] {strides = array<i32>} : memref<16384xf32, #tpu.memory_space<vmem>>, vector<16xf32>,
        %get3A_1039 = arith.index_cast %mul3A_1034 : i32 to index
        %get3A_1040 = tpu.vector_load %arg10[%get3A_1039] {strides = array<i32>} : memref<16384xf32, #tpu.memory_space<vmem>>, vector<16xf32>,
        %sub3A_1041 = vector.broadcast %reduce_sum3A_768 : f32 to vector<16xf32>
        %sub3A_1042 = arith.subf %get3A_1036, %sub3A_1041 : vector<16xf32>
        %sub3A_1043 = vector.broadcast %reduce_sum3A_777 : f32 to vector<16xf32>
        %sub3A_1044 = arith.subf %get3A_1038, %sub3A_1043 : vector<16xf32>
        %sub3A_1045 = vector.broadcast %reduce_sum3A_786 : f32 to vector<16xf32>
        %sub3A_1046 = arith.subf %get3A_1040, %sub3A_1045 : vector<16xf32>
        %mul3A_1047 = arith.mulf %sub3A_1042, %sub3A_1042 : vector<16xf32>
        %mul3A_1048 = arith.mulf %sub3A_1044, %sub3A_1044 : vector<16xf32>
        %add3A_1049 = arith.addf %mul3A_1047, %mul3A_1048 : vector<16xf32>
        %mul3A_1050 = arith.mulf %sub3A_1046, %sub3A_1046 : vector<16xf32>
        %add3A_1051 = arith.addf %add3A_1049, %mul3A_1050 : vector<16xf32>
        %le3A_1052 = arith.constant 1.600000e-01 : f32
        %le3A_1053 = vector.broadcast %le3A_1052 : f32 to vector<16xf32>
        %le3A_1054 = arith.cmpf ole, %add3A_1051, %le3A_1053 : vector<16xf32>
        %convert_element_type3A_1055 = arith.extui %le3A_1054 : vector<16xi1> to vector<16xi32>
        %broadcast_in_dim3A_1056 = arith.constant true
        %broadcast_in_dim3A_1057 = vector.broadcast %broadcast_in_dim3A_1056 : i1 to vector<16xi1>
        %masked_cumsum3A_1058 = tpu.scan <sum>, %convert_element_type3A_1055 masked %broadcast_in_dim3A_1057 : vector<16xi32>, vector<16xi1> -> vector<16xi32>
        %add3A_1059 = arith.addi %masked_cumsum3A_1058, %add3A_1030 : vector<16xi32>
        %add3A_1060 = vector.broadcast %mul3A_1034 : i32 to vector<16xi32>
        %add3A_1061 = arith.addi %iota3A, %add3A_1060 : vector<16xi32>
        tpu.vector_store_idx %arg16[%add3A_1059], %add3A_1061 masked %le3A_1054 : memref<320xi32, #tpu.memory_space<vmem>>[vector<16xi32>], vector<16xi32>, vector<16xi1>
        %all_reduce_population_count3A_1062 = tpu.all_reduce %le3A_1054 {dim = 0 : i64, kind = #tpu.reduction_kind<sum>} : vector<16xi1> -> vector<16xi32>
        %add3A_1063 = arith.addi %add3A_1030, %all_reduce_population_count3A_1062 : vector<16xi32>
        %add3A_1064 = arith.constant 2 : i32
        %add3A_1065 = arith.addi %while3A_997, %add3A_1064 : i32
        %mul3A_1066 = arith.constant 16 : i32
        %mul3A_1067 = arith.muli %add3A_1065, %mul3A_1066 : i32
        %get3A_1068 = arith.index_cast %mul3A_1067 : i32 to index
        %get3A_1069 = tpu.vector_load %arg8[%get3A_1068] {strides = array<i32>} : memref<16384xf32, #tpu.memory_space<vmem>>, vector<16xf32>,
        %get3A_1070 = arith.index_cast %mul3A_1067 : i32 to index
        %get3A_1071 = tpu.vector_load %arg9[%get3A_1070] {strides = array<i32>} : memref<16384xf32, #tpu.memory_space<vmem>>, vector<16xf32>,
        %get3A_1072 = arith.index_cast %mul3A_1067 : i32 to index
        %get3A_1073 = tpu.vector_load %arg10[%get3A_1072] {strides = array<i32>} : memref<16384xf32, #tpu.memory_space<vmem>>, vector<16xf32>,
        %sub3A_1074 = vector.broadcast %reduce_sum3A_768 : f32 to vector<16xf32>
        %sub3A_1075 = arith.subf %get3A_1069, %sub3A_1074 : vector<16xf32>
        %sub3A_1076 = vector.broadcast %reduce_sum3A_777 : f32 to vector<16xf32>
        %sub3A_1077 = arith.subf %get3A_1071, %sub3A_1076 : vector<16xf32>
        %sub3A_1078 = vector.broadcast %reduce_sum3A_786 : f32 to vector<16xf32>
        %sub3A_1079 = arith.subf %get3A_1073, %sub3A_1078 : vector<16xf32>
        %mul3A_1080 = arith.mulf %sub3A_1075, %sub3A_1075 : vector<16xf32>
        %mul3A_1081 = arith.mulf %sub3A_1077, %sub3A_1077 : vector<16xf32>
        %add3A_1082 = arith.addf %mul3A_1080, %mul3A_1081 : vector<16xf32>
        %mul3A_1083 = arith.mulf %sub3A_1079, %sub3A_1079 : vector<16xf32>
        %add3A_1084 = arith.addf %add3A_1082, %mul3A_1083 : vector<16xf32>
        %le3A_1085 = arith.constant 1.600000e-01 : f32
        %le3A_1086 = vector.broadcast %le3A_1085 : f32 to vector<16xf32>
        %le3A_1087 = arith.cmpf ole, %add3A_1084, %le3A_1086 : vector<16xf32>
        %convert_element_type3A_1088 = arith.extui %le3A_1087 : vector<16xi1> to vector<16xi32>
        %broadcast_in_dim3A_1089 = arith.constant true
        %broadcast_in_dim3A_1090 = vector.broadcast %broadcast_in_dim3A_1089 : i1 to vector<16xi1>
        %masked_cumsum3A_1091 = tpu.scan <sum>, %convert_element_type3A_1088 masked %broadcast_in_dim3A_1090 : vector<16xi32>, vector<16xi1> -> vector<16xi32>
        %add3A_1092 = arith.addi %masked_cumsum3A_1091, %add3A_1063 : vector<16xi32>
        %add3A_1093 = vector.broadcast %mul3A_1067 : i32 to vector<16xi32>
        %add3A_1094 = arith.addi %iota3A, %add3A_1093 : vector<16xi32>
        tpu.vector_store_idx %arg16[%add3A_1092], %add3A_1094 masked %le3A_1087 : memref<320xi32, #tpu.memory_space<vmem>>[vector<16xi32>], vector<16xi32>, vector<16xi1>
        %all_reduce_population_count3A_1095 = tpu.all_reduce %le3A_1087 {dim = 0 : i64, kind = #tpu.reduction_kind<sum>} : vector<16xi1> -> vector<16xi32>
        %add3A_1096 = arith.addi %add3A_1063, %all_reduce_population_count3A_1095 : vector<16xi32>
        %add3A_1097 = arith.constant 3 : i32
        %add3A_1098 = arith.addi %while3A_997, %add3A_1097 : i32
        %mul3A_1099 = arith.constant 16 : i32
        %mul3A_1100 = arith.muli %add3A_1098, %mul3A_1099 : i32
        %get3A_1101 = arith.index_cast %mul3A_1100 : i32 to index
        %get3A_1102 = tpu.vector_load %arg8[%get3A_1101] {strides = array<i32>} : memref<16384xf32, #tpu.memory_space<vmem>>, vector<16xf32>,
        %get3A_1103 = arith.index_cast %mul3A_1100 : i32 to index
        %get3A_1104 = tpu.vector_load %arg9[%get3A_1103] {strides = array<i32>} : memref<16384xf32, #tpu.memory_space<vmem>>, vector<16xf32>,
        %get3A_1105 = arith.index_cast %mul3A_1100 : i32 to index
        %get3A_1106 = tpu.vector_load %arg10[%get3A_1105] {strides = array<i32>} : memref<16384xf32, #tpu.memory_space<vmem>>, vector<16xf32>,
        %sub3A_1107 = vector.broadcast %reduce_sum3A_768 : f32 to vector<16xf32>
        %sub3A_1108 = arith.subf %get3A_1102, %sub3A_1107 : vector<16xf32>
        %sub3A_1109 = vector.broadcast %reduce_sum3A_777 : f32 to vector<16xf32>
        %sub3A_1110 = arith.subf %get3A_1104, %sub3A_1109 : vector<16xf32>
        %sub3A_1111 = vector.broadcast %reduce_sum3A_786 : f32 to vector<16xf32>
        %sub3A_1112 = arith.subf %get3A_1106, %sub3A_1111 : vector<16xf32>
        %mul3A_1113 = arith.mulf %sub3A_1108, %sub3A_1108 : vector<16xf32>
        %mul3A_1114 = arith.mulf %sub3A_1110, %sub3A_1110 : vector<16xf32>
        %add3A_1115 = arith.addf %mul3A_1113, %mul3A_1114 : vector<16xf32>
        %mul3A_1116 = arith.mulf %sub3A_1112, %sub3A_1112 : vector<16xf32>
        %add3A_1117 = arith.addf %add3A_1115, %mul3A_1116 : vector<16xf32>
        %le3A_1118 = arith.constant 1.600000e-01 : f32
        %le3A_1119 = vector.broadcast %le3A_1118 : f32 to vector<16xf32>
        %le3A_1120 = arith.cmpf ole, %add3A_1117, %le3A_1119 : vector<16xf32>
        %convert_element_type3A_1121 = arith.extui %le3A_1120 : vector<16xi1> to vector<16xi32>
        %broadcast_in_dim3A_1122 = arith.constant true
        %broadcast_in_dim3A_1123 = vector.broadcast %broadcast_in_dim3A_1122 : i1 to vector<16xi1>
        %masked_cumsum3A_1124 = tpu.scan <sum>, %convert_element_type3A_1121 masked %broadcast_in_dim3A_1123 : vector<16xi32>, vector<16xi1> -> vector<16xi32>
        %add3A_1125 = arith.addi %masked_cumsum3A_1124, %add3A_1096 : vector<16xi32>
        %add3A_1126 = vector.broadcast %mul3A_1100 : i32 to vector<16xi32>
        %add3A_1127 = arith.addi %iota3A, %add3A_1126 : vector<16xi32>
        tpu.vector_store_idx %arg16[%add3A_1125], %add3A_1127 masked %le3A_1120 : memref<320xi32, #tpu.memory_space<vmem>>[vector<16xi32>], vector<16xi32>, vector<16xi1>
        %all_reduce_population_count3A_1128 = tpu.all_reduce %le3A_1120 {dim = 0 : i64, kind = #tpu.reduction_kind<sum>} : vector<16xi1> -> vector<16xi32>
        %add3A_1129 = arith.addi %add3A_1096, %all_reduce_population_count3A_1128 : vector<16xi32>
        %add3A_1130 = arith.constant 4 : i32
        %add3A_1131 = arith.addi %while3A_997, %add3A_1130 : i32
        %mul3A_1132 = arith.constant 16 : i32
        %mul3A_1133 = arith.muli %add3A_1131, %mul3A_1132 : i32
        %get3A_1134 = arith.index_cast %mul3A_1133 : i32 to index
        %get3A_1135 = tpu.vector_load %arg8[%get3A_1134] {strides = array<i32>} : memref<16384xf32, #tpu.memory_space<vmem>>, vector<16xf32>,
        %get3A_1136 = arith.index_cast %mul3A_1133 : i32 to index
        %get3A_1137 = tpu.vector_load %arg9[%get3A_1136] {strides = array<i32>} : memref<16384xf32, #tpu.memory_space<vmem>>, vector<16xf32>,
        %get3A_1138 = arith.index_cast %mul3A_1133 : i32 to index
        %get3A_1139 = tpu.vector_load %arg10[%get3A_1138] {strides = array<i32>} : memref<16384xf32, #tpu.memory_space<vmem>>, vector<16xf32>,
        %sub3A_1140 = vector.broadcast %reduce_sum3A_768 : f32 to vector<16xf32>
        %sub3A_1141 = arith.subf %get3A_1135, %sub3A_1140 : vector<16xf32>
        %sub3A_1142 = vector.broadcast %reduce_sum3A_777 : f32 to vector<16xf32>
        %sub3A_1143 = arith.subf %get3A_1137, %sub3A_1142 : vector<16xf32>
        %sub3A_1144 = vector.broadcast %reduce_sum3A_786 : f32 to vector<16xf32>
        %sub3A_1145 = arith.subf %get3A_1139, %sub3A_1144 : vector<16xf32>
        %mul3A_1146 = arith.mulf %sub3A_1141, %sub3A_1141 : vector<16xf32>
        %mul3A_1147 = arith.mulf %sub3A_1143, %sub3A_1143 : vector<16xf32>
        %add3A_1148 = arith.addf %mul3A_1146, %mul3A_1147 : vector<16xf32>
        %mul3A_1149 = arith.mulf %sub3A_1145, %sub3A_1145 : vector<16xf32>
        %add3A_1150 = arith.addf %add3A_1148, %mul3A_1149 : vector<16xf32>
        %le3A_1151 = arith.constant 1.600000e-01 : f32
        %le3A_1152 = vector.broadcast %le3A_1151 : f32 to vector<16xf32>
        %le3A_1153 = arith.cmpf ole, %add3A_1150, %le3A_1152 : vector<16xf32>
        %convert_element_type3A_1154 = arith.extui %le3A_1153 : vector<16xi1> to vector<16xi32>
        %broadcast_in_dim3A_1155 = arith.constant true
        %broadcast_in_dim3A_1156 = vector.broadcast %broadcast_in_dim3A_1155 : i1 to vector<16xi1>
        %masked_cumsum3A_1157 = tpu.scan <sum>, %convert_element_type3A_1154 masked %broadcast_in_dim3A_1156 : vector<16xi32>, vector<16xi1> -> vector<16xi32>
        %add3A_1158 = arith.addi %masked_cumsum3A_1157, %add3A_1129 : vector<16xi32>
        %add3A_1159 = vector.broadcast %mul3A_1133 : i32 to vector<16xi32>
        %add3A_1160 = arith.addi %iota3A, %add3A_1159 : vector<16xi32>
        tpu.vector_store_idx %arg16[%add3A_1158], %add3A_1160 masked %le3A_1153 : memref<320xi32, #tpu.memory_space<vmem>>[vector<16xi32>], vector<16xi32>, vector<16xi1>
        %all_reduce_population_count3A_1161 = tpu.all_reduce %le3A_1153 {dim = 0 : i64, kind = #tpu.reduction_kind<sum>} : vector<16xi1> -> vector<16xi32>
        %add3A_1162 = arith.addi %add3A_1129, %all_reduce_population_count3A_1161 : vector<16xi32>
        %add3A_1163 = arith.constant 5 : i32
        %add3A_1164 = arith.addi %while3A_997, %add3A_1163 : i32
        %mul3A_1165 = arith.constant 16 : i32
        %mul3A_1166 = arith.muli %add3A_1164, %mul3A_1165 : i32
        %get3A_1167 = arith.index_cast %mul3A_1166 : i32 to index
        %get3A_1168 = tpu.vector_load %arg8[%get3A_1167] {strides = array<i32>} : memref<16384xf32, #tpu.memory_space<vmem>>, vector<16xf32>,
        %get3A_1169 = arith.index_cast %mul3A_1166 : i32 to index
        %get3A_1170 = tpu.vector_load %arg9[%get3A_1169] {strides = array<i32>} : memref<16384xf32, #tpu.memory_space<vmem>>, vector<16xf32>,
        %get3A_1171 = arith.index_cast %mul3A_1166 : i32 to index
        %get3A_1172 = tpu.vector_load %arg10[%get3A_1171] {strides = array<i32>} : memref<16384xf32, #tpu.memory_space<vmem>>, vector<16xf32>,
        %sub3A_1173 = vector.broadcast %reduce_sum3A_768 : f32 to vector<16xf32>
        %sub3A_1174 = arith.subf %get3A_1168, %sub3A_1173 : vector<16xf32>
        %sub3A_1175 = vector.broadcast %reduce_sum3A_777 : f32 to vector<16xf32>
        %sub3A_1176 = arith.subf %get3A_1170, %sub3A_1175 : vector<16xf32>
        %sub3A_1177 = vector.broadcast %reduce_sum3A_786 : f32 to vector<16xf32>
        %sub3A_1178 = arith.subf %get3A_1172, %sub3A_1177 : vector<16xf32>
        %mul3A_1179 = arith.mulf %sub3A_1174, %sub3A_1174 : vector<16xf32>
        %mul3A_1180 = arith.mulf %sub3A_1176, %sub3A_1176 : vector<16xf32>
        %add3A_1181 = arith.addf %mul3A_1179, %mul3A_1180 : vector<16xf32>
        %mul3A_1182 = arith.mulf %sub3A_1178, %sub3A_1178 : vector<16xf32>
        %add3A_1183 = arith.addf %add3A_1181, %mul3A_1182 : vector<16xf32>
        %le3A_1184 = arith.constant 1.600000e-01 : f32
        %le3A_1185 = vector.broadcast %le3A_1184 : f32 to vector<16xf32>
        %le3A_1186 = arith.cmpf ole, %add3A_1183, %le3A_1185 : vector<16xf32>
        %convert_element_type3A_1187 = arith.extui %le3A_1186 : vector<16xi1> to vector<16xi32>
        %broadcast_in_dim3A_1188 = arith.constant true
        %broadcast_in_dim3A_1189 = vector.broadcast %broadcast_in_dim3A_1188 : i1 to vector<16xi1>
        %masked_cumsum3A_1190 = tpu.scan <sum>, %convert_element_type3A_1187 masked %broadcast_in_dim3A_1189 : vector<16xi32>, vector<16xi1> -> vector<16xi32>
        %add3A_1191 = arith.addi %masked_cumsum3A_1190, %add3A_1162 : vector<16xi32>
        %add3A_1192 = vector.broadcast %mul3A_1166 : i32 to vector<16xi32>
        %add3A_1193 = arith.addi %iota3A, %add3A_1192 : vector<16xi32>
        tpu.vector_store_idx %arg16[%add3A_1191], %add3A_1193 masked %le3A_1186 : memref<320xi32, #tpu.memory_space<vmem>>[vector<16xi32>], vector<16xi32>, vector<16xi1>
        %all_reduce_population_count3A_1194 = tpu.all_reduce %le3A_1186 {dim = 0 : i64, kind = #tpu.reduction_kind<sum>} : vector<16xi1> -> vector<16xi32>
        %add3A_1195 = arith.addi %add3A_1162, %all_reduce_population_count3A_1194 : vector<16xi32>
        %add3A_1196 = arith.constant 6 : i32
        %add3A_1197 = arith.addi %while3A_997, %add3A_1196 : i32
        %mul3A_1198 = arith.constant 16 : i32
        %mul3A_1199 = arith.muli %add3A_1197, %mul3A_1198 : i32
        %get3A_1200 = arith.index_cast %mul3A_1199 : i32 to index
        %get3A_1201 = tpu.vector_load %arg8[%get3A_1200] {strides = array<i32>} : memref<16384xf32, #tpu.memory_space<vmem>>, vector<16xf32>,
        %get3A_1202 = arith.index_cast %mul3A_1199 : i32 to index
        %get3A_1203 = tpu.vector_load %arg9[%get3A_1202] {strides = array<i32>} : memref<16384xf32, #tpu.memory_space<vmem>>, vector<16xf32>,
        %get3A_1204 = arith.index_cast %mul3A_1199 : i32 to index
        %get3A_1205 = tpu.vector_load %arg10[%get3A_1204] {strides = array<i32>} : memref<16384xf32, #tpu.memory_space<vmem>>, vector<16xf32>,
        %sub3A_1206 = vector.broadcast %reduce_sum3A_768 : f32 to vector<16xf32>
        %sub3A_1207 = arith.subf %get3A_1201, %sub3A_1206 : vector<16xf32>
        %sub3A_1208 = vector.broadcast %reduce_sum3A_777 : f32 to vector<16xf32>
        %sub3A_1209 = arith.subf %get3A_1203, %sub3A_1208 : vector<16xf32>
        %sub3A_1210 = vector.broadcast %reduce_sum3A_786 : f32 to vector<16xf32>
        %sub3A_1211 = arith.subf %get3A_1205, %sub3A_1210 : vector<16xf32>
        %mul3A_1212 = arith.mulf %sub3A_1207, %sub3A_1207 : vector<16xf32>
        %mul3A_1213 = arith.mulf %sub3A_1209, %sub3A_1209 : vector<16xf32>
        %add3A_1214 = arith.addf %mul3A_1212, %mul3A_1213 : vector<16xf32>
        %mul3A_1215 = arith.mulf %sub3A_1211, %sub3A_1211 : vector<16xf32>
        %add3A_1216 = arith.addf %add3A_1214, %mul3A_1215 : vector<16xf32>
        %le3A_1217 = arith.constant 1.600000e-01 : f32
        %le3A_1218 = vector.broadcast %le3A_1217 : f32 to vector<16xf32>
        %le3A_1219 = arith.cmpf ole, %add3A_1216, %le3A_1218 : vector<16xf32>
        %convert_element_type3A_1220 = arith.extui %le3A_1219 : vector<16xi1> to vector<16xi32>
        %broadcast_in_dim3A_1221 = arith.constant true
        %broadcast_in_dim3A_1222 = vector.broadcast %broadcast_in_dim3A_1221 : i1 to vector<16xi1>
        %masked_cumsum3A_1223 = tpu.scan <sum>, %convert_element_type3A_1220 masked %broadcast_in_dim3A_1222 : vector<16xi32>, vector<16xi1> -> vector<16xi32>
        %add3A_1224 = arith.addi %masked_cumsum3A_1223, %add3A_1195 : vector<16xi32>
        %add3A_1225 = vector.broadcast %mul3A_1199 : i32 to vector<16xi32>
        %add3A_1226 = arith.addi %iota3A, %add3A_1225 : vector<16xi32>
        tpu.vector_store_idx %arg16[%add3A_1224], %add3A_1226 masked %le3A_1219 : memref<320xi32, #tpu.memory_space<vmem>>[vector<16xi32>], vector<16xi32>, vector<16xi1>
        %all_reduce_population_count3A_1227 = tpu.all_reduce %le3A_1219 {dim = 0 : i64, kind = #tpu.reduction_kind<sum>} : vector<16xi1> -> vector<16xi32>
        %add3A_1228 = arith.addi %add3A_1195, %all_reduce_population_count3A_1227 : vector<16xi32>
        %add3A_1229 = arith.constant 7 : i32
        %add3A_1230 = arith.addi %while3A_997, %add3A_1229 : i32
        %mul3A_1231 = arith.constant 16 : i32
        %mul3A_1232 = arith.muli %add3A_1230, %mul3A_1231 : i32
        %get3A_1233 = arith.index_cast %mul3A_1232 : i32 to index
        %get3A_1234 = tpu.vector_load %arg8[%get3A_1233] {strides = array<i32>} : memref<16384xf32, #tpu.memory_space<vmem>>, vector<16xf32>,
        %get3A_1235 = arith.index_cast %mul3A_1232 : i32 to index
        %get3A_1236 = tpu.vector_load %arg9[%get3A_1235] {strides = array<i32>} : memref<16384xf32, #tpu.memory_space<vmem>>, vector<16xf32>,
        %get3A_1237 = arith.index_cast %mul3A_1232 : i32 to index
        %get3A_1238 = tpu.vector_load %arg10[%get3A_1237] {strides = array<i32>} : memref<16384xf32, #tpu.memory_space<vmem>>, vector<16xf32>,
        %sub3A_1239 = vector.broadcast %reduce_sum3A_768 : f32 to vector<16xf32>
        %sub3A_1240 = arith.subf %get3A_1234, %sub3A_1239 : vector<16xf32>
        %sub3A_1241 = vector.broadcast %reduce_sum3A_777 : f32 to vector<16xf32>
        %sub3A_1242 = arith.subf %get3A_1236, %sub3A_1241 : vector<16xf32>
        %sub3A_1243 = vector.broadcast %reduce_sum3A_786 : f32 to vector<16xf32>
        %sub3A_1244 = arith.subf %get3A_1238, %sub3A_1243 : vector<16xf32>
        %mul3A_1245 = arith.mulf %sub3A_1240, %sub3A_1240 : vector<16xf32>
        %mul3A_1246 = arith.mulf %sub3A_1242, %sub3A_1242 : vector<16xf32>
        %add3A_1247 = arith.addf %mul3A_1245, %mul3A_1246 : vector<16xf32>
        %mul3A_1248 = arith.mulf %sub3A_1244, %sub3A_1244 : vector<16xf32>
        %add3A_1249 = arith.addf %add3A_1247, %mul3A_1248 : vector<16xf32>
        %le3A_1250 = arith.constant 1.600000e-01 : f32
        %le3A_1251 = vector.broadcast %le3A_1250 : f32 to vector<16xf32>
        %le3A_1252 = arith.cmpf ole, %add3A_1249, %le3A_1251 : vector<16xf32>
        %convert_element_type3A_1253 = arith.extui %le3A_1252 : vector<16xi1> to vector<16xi32>
        %broadcast_in_dim3A_1254 = arith.constant true
        %broadcast_in_dim3A_1255 = vector.broadcast %broadcast_in_dim3A_1254 : i1 to vector<16xi1>
        %masked_cumsum3A_1256 = tpu.scan <sum>, %convert_element_type3A_1253 masked %broadcast_in_dim3A_1255 : vector<16xi32>, vector<16xi1> -> vector<16xi32>
        %add3A_1257 = arith.addi %masked_cumsum3A_1256, %add3A_1228 : vector<16xi32>
        %add3A_1258 = vector.broadcast %mul3A_1232 : i32 to vector<16xi32>
        %add3A_1259 = arith.addi %iota3A, %add3A_1258 : vector<16xi32>
        tpu.vector_store_idx %arg16[%add3A_1257], %add3A_1259 masked %le3A_1252 : memref<320xi32, #tpu.memory_space<vmem>>[vector<16xi32>], vector<16xi32>, vector<16xi1>
        %all_reduce_population_count3A_1260 = tpu.all_reduce %le3A_1252 {dim = 0 : i64, kind = #tpu.reduction_kind<sum>} : vector<16xi1> -> vector<16xi32>
        %add3A_1261 = arith.addi %add3A_1228, %all_reduce_population_count3A_1260 : vector<16xi32>
        %add3A_1262 = arith.constant 8 : i32
        %add3A_1263 = arith.addi %while3A_997, %add3A_1262 : i32
        %mul3A_1264 = arith.constant 16 : i32
        %mul3A_1265 = arith.muli %add3A_1263, %mul3A_1264 : i32
        %get3A_1266 = arith.index_cast %mul3A_1265 : i32 to index
        %get3A_1267 = tpu.vector_load %arg8[%get3A_1266] {strides = array<i32>} : memref<16384xf32, #tpu.memory_space<vmem>>, vector<16xf32>,
        %get3A_1268 = arith.index_cast %mul3A_1265 : i32 to index
        %get3A_1269 = tpu.vector_load %arg9[%get3A_1268] {strides = array<i32>} : memref<16384xf32, #tpu.memory_space<vmem>>, vector<16xf32>,
        %get3A_1270 = arith.index_cast %mul3A_1265 : i32 to index
        %get3A_1271 = tpu.vector_load %arg10[%get3A_1270] {strides = array<i32>} : memref<16384xf32, #tpu.memory_space<vmem>>, vector<16xf32>,
        %sub3A_1272 = vector.broadcast %reduce_sum3A_768 : f32 to vector<16xf32>
        %sub3A_1273 = arith.subf %get3A_1267, %sub3A_1272 : vector<16xf32>
        %sub3A_1274 = vector.broadcast %reduce_sum3A_777 : f32 to vector<16xf32>
        %sub3A_1275 = arith.subf %get3A_1269, %sub3A_1274 : vector<16xf32>
        %sub3A_1276 = vector.broadcast %reduce_sum3A_786 : f32 to vector<16xf32>
        %sub3A_1277 = arith.subf %get3A_1271, %sub3A_1276 : vector<16xf32>
        %mul3A_1278 = arith.mulf %sub3A_1273, %sub3A_1273 : vector<16xf32>
        %mul3A_1279 = arith.mulf %sub3A_1275, %sub3A_1275 : vector<16xf32>
        %add3A_1280 = arith.addf %mul3A_1278, %mul3A_1279 : vector<16xf32>
        %mul3A_1281 = arith.mulf %sub3A_1277, %sub3A_1277 : vector<16xf32>
        %add3A_1282 = arith.addf %add3A_1280, %mul3A_1281 : vector<16xf32>
        %le3A_1283 = arith.constant 1.600000e-01 : f32
        %le3A_1284 = vector.broadcast %le3A_1283 : f32 to vector<16xf32>
        %le3A_1285 = arith.cmpf ole, %add3A_1282, %le3A_1284 : vector<16xf32>
        %convert_element_type3A_1286 = arith.extui %le3A_1285 : vector<16xi1> to vector<16xi32>
        %broadcast_in_dim3A_1287 = arith.constant true
        %broadcast_in_dim3A_1288 = vector.broadcast %broadcast_in_dim3A_1287 : i1 to vector<16xi1>
        %masked_cumsum3A_1289 = tpu.scan <sum>, %convert_element_type3A_1286 masked %broadcast_in_dim3A_1288 : vector<16xi32>, vector<16xi1> -> vector<16xi32>
        %add3A_1290 = arith.addi %masked_cumsum3A_1289, %add3A_1261 : vector<16xi32>
        %add3A_1291 = vector.broadcast %mul3A_1265 : i32 to vector<16xi32>
        %add3A_1292 = arith.addi %iota3A, %add3A_1291 : vector<16xi32>
        tpu.vector_store_idx %arg16[%add3A_1290], %add3A_1292 masked %le3A_1285 : memref<320xi32, #tpu.memory_space<vmem>>[vector<16xi32>], vector<16xi32>, vector<16xi1>
        %all_reduce_population_count3A_1293 = tpu.all_reduce %le3A_1285 {dim = 0 : i64, kind = #tpu.reduction_kind<sum>} : vector<16xi1> -> vector<16xi32>
        %add3A_1294 = arith.addi %add3A_1261, %all_reduce_population_count3A_1293 : vector<16xi32>
        %add3A_1295 = arith.constant 9 : i32
        %add3A_1296 = arith.addi %while3A_997, %add3A_1295 : i32
        %mul3A_1297 = arith.constant 16 : i32
        %mul3A_1298 = arith.muli %add3A_1296, %mul3A_1297 : i32
        %get3A_1299 = arith.index_cast %mul3A_1298 : i32 to index
        %get3A_1300 = tpu.vector_load %arg8[%get3A_1299] {strides = array<i32>} : memref<16384xf32, #tpu.memory_space<vmem>>, vector<16xf32>,
        %get3A_1301 = arith.index_cast %mul3A_1298 : i32 to index
        %get3A_1302 = tpu.vector_load %arg9[%get3A_1301] {strides = array<i32>} : memref<16384xf32, #tpu.memory_space<vmem>>, vector<16xf32>,
        %get3A_1303 = arith.index_cast %mul3A_1298 : i32 to index
        %get3A_1304 = tpu.vector_load %arg10[%get3A_1303] {strides = array<i32>} : memref<16384xf32, #tpu.memory_space<vmem>>, vector<16xf32>,
        %sub3A_1305 = vector.broadcast %reduce_sum3A_768 : f32 to vector<16xf32>
        %sub3A_1306 = arith.subf %get3A_1300, %sub3A_1305 : vector<16xf32>
        %sub3A_1307 = vector.broadcast %reduce_sum3A_777 : f32 to vector<16xf32>
        %sub3A_1308 = arith.subf %get3A_1302, %sub3A_1307 : vector<16xf32>
        %sub3A_1309 = vector.broadcast %reduce_sum3A_786 : f32 to vector<16xf32>
        %sub3A_1310 = arith.subf %get3A_1304, %sub3A_1309 : vector<16xf32>
        %mul3A_1311 = arith.mulf %sub3A_1306, %sub3A_1306 : vector<16xf32>
        %mul3A_1312 = arith.mulf %sub3A_1308, %sub3A_1308 : vector<16xf32>
        %add3A_1313 = arith.addf %mul3A_1311, %mul3A_1312 : vector<16xf32>
        %mul3A_1314 = arith.mulf %sub3A_1310, %sub3A_1310 : vector<16xf32>
        %add3A_1315 = arith.addf %add3A_1313, %mul3A_1314 : vector<16xf32>
        %le3A_1316 = arith.constant 1.600000e-01 : f32
        %le3A_1317 = vector.broadcast %le3A_1316 : f32 to vector<16xf32>
        %le3A_1318 = arith.cmpf ole, %add3A_1315, %le3A_1317 : vector<16xf32>
        %convert_element_type3A_1319 = arith.extui %le3A_1318 : vector<16xi1> to vector<16xi32>
        %broadcast_in_dim3A_1320 = arith.constant true
        %broadcast_in_dim3A_1321 = vector.broadcast %broadcast_in_dim3A_1320 : i1 to vector<16xi1>
        %masked_cumsum3A_1322 = tpu.scan <sum>, %convert_element_type3A_1319 masked %broadcast_in_dim3A_1321 : vector<16xi32>, vector<16xi1> -> vector<16xi32>
        %add3A_1323 = arith.addi %masked_cumsum3A_1322, %add3A_1294 : vector<16xi32>
        %add3A_1324 = vector.broadcast %mul3A_1298 : i32 to vector<16xi32>
        %add3A_1325 = arith.addi %iota3A, %add3A_1324 : vector<16xi32>
        tpu.vector_store_idx %arg16[%add3A_1323], %add3A_1325 masked %le3A_1318 : memref<320xi32, #tpu.memory_space<vmem>>[vector<16xi32>], vector<16xi32>, vector<16xi1>
        %all_reduce_population_count3A_1326 = tpu.all_reduce %le3A_1318 {dim = 0 : i64, kind = #tpu.reduction_kind<sum>} : vector<16xi1> -> vector<16xi32>
        %add3A_1327 = arith.addi %add3A_1294, %all_reduce_population_count3A_1326 : vector<16xi32>
        %add3A_1328 = arith.constant 10 : i32
        %add3A_1329 = arith.addi %while3A_997, %add3A_1328 : i32
        %mul3A_1330 = arith.constant 16 : i32
        %mul3A_1331 = arith.muli %add3A_1329, %mul3A_1330 : i32
        %get3A_1332 = arith.index_cast %mul3A_1331 : i32 to index
        %get3A_1333 = tpu.vector_load %arg8[%get3A_1332] {strides = array<i32>} : memref<16384xf32, #tpu.memory_space<vmem>>, vector<16xf32>,
        %get3A_1334 = arith.index_cast %mul3A_1331 : i32 to index
        %get3A_1335 = tpu.vector_load %arg9[%get3A_1334] {strides = array<i32>} : memref<16384xf32, #tpu.memory_space<vmem>>, vector<16xf32>,
        %get3A_1336 = arith.index_cast %mul3A_1331 : i32 to index
        %get3A_1337 = tpu.vector_load %arg10[%get3A_1336] {strides = array<i32>} : memref<16384xf32, #tpu.memory_space<vmem>>, vector<16xf32>,
        %sub3A_1338 = vector.broadcast %reduce_sum3A_768 : f32 to vector<16xf32>
        %sub3A_1339 = arith.subf %get3A_1333, %sub3A_1338 : vector<16xf32>
        %sub3A_1340 = vector.broadcast %reduce_sum3A_777 : f32 to vector<16xf32>
        %sub3A_1341 = arith.subf %get3A_1335, %sub3A_1340 : vector<16xf32>
        %sub3A_1342 = vector.broadcast %reduce_sum3A_786 : f32 to vector<16xf32>
        %sub3A_1343 = arith.subf %get3A_1337, %sub3A_1342 : vector<16xf32>
        %mul3A_1344 = arith.mulf %sub3A_1339, %sub3A_1339 : vector<16xf32>
        %mul3A_1345 = arith.mulf %sub3A_1341, %sub3A_1341 : vector<16xf32>
        %add3A_1346 = arith.addf %mul3A_1344, %mul3A_1345 : vector<16xf32>
        %mul3A_1347 = arith.mulf %sub3A_1343, %sub3A_1343 : vector<16xf32>
        %add3A_1348 = arith.addf %add3A_1346, %mul3A_1347 : vector<16xf32>
        %le3A_1349 = arith.constant 1.600000e-01 : f32
        %le3A_1350 = vector.broadcast %le3A_1349 : f32 to vector<16xf32>
        %le3A_1351 = arith.cmpf ole, %add3A_1348, %le3A_1350 : vector<16xf32>
        %convert_element_type3A_1352 = arith.extui %le3A_1351 : vector<16xi1> to vector<16xi32>
        %broadcast_in_dim3A_1353 = arith.constant true
        %broadcast_in_dim3A_1354 = vector.broadcast %broadcast_in_dim3A_1353 : i1 to vector<16xi1>
        %masked_cumsum3A_1355 = tpu.scan <sum>, %convert_element_type3A_1352 masked %broadcast_in_dim3A_1354 : vector<16xi32>, vector<16xi1> -> vector<16xi32>
        %add3A_1356 = arith.addi %masked_cumsum3A_1355, %add3A_1327 : vector<16xi32>
        %add3A_1357 = vector.broadcast %mul3A_1331 : i32 to vector<16xi32>
        %add3A_1358 = arith.addi %iota3A, %add3A_1357 : vector<16xi32>
        tpu.vector_store_idx %arg16[%add3A_1356], %add3A_1358 masked %le3A_1351 : memref<320xi32, #tpu.memory_space<vmem>>[vector<16xi32>], vector<16xi32>, vector<16xi1>
        %all_reduce_population_count3A_1359 = tpu.all_reduce %le3A_1351 {dim = 0 : i64, kind = #tpu.reduction_kind<sum>} : vector<16xi1> -> vector<16xi32>
        %add3A_1360 = arith.addi %add3A_1327, %all_reduce_population_count3A_1359 : vector<16xi32>
        %add3A_1361 = arith.constant 11 : i32
        %add3A_1362 = arith.addi %while3A_997, %add3A_1361 : i32
        %mul3A_1363 = arith.constant 16 : i32
        %mul3A_1364 = arith.muli %add3A_1362, %mul3A_1363 : i32
        %get3A_1365 = arith.index_cast %mul3A_1364 : i32 to index
        %get3A_1366 = tpu.vector_load %arg8[%get3A_1365] {strides = array<i32>} : memref<16384xf32, #tpu.memory_space<vmem>>, vector<16xf32>,
        %get3A_1367 = arith.index_cast %mul3A_1364 : i32 to index
        %get3A_1368 = tpu.vector_load %arg9[%get3A_1367] {strides = array<i32>} : memref<16384xf32, #tpu.memory_space<vmem>>, vector<16xf32>,
        %get3A_1369 = arith.index_cast %mul3A_1364 : i32 to index
        %get3A_1370 = tpu.vector_load %arg10[%get3A_1369] {strides = array<i32>} : memref<16384xf32, #tpu.memory_space<vmem>>, vector<16xf32>,
        %sub3A_1371 = vector.broadcast %reduce_sum3A_768 : f32 to vector<16xf32>
        %sub3A_1372 = arith.subf %get3A_1366, %sub3A_1371 : vector<16xf32>
        %sub3A_1373 = vector.broadcast %reduce_sum3A_777 : f32 to vector<16xf32>
        %sub3A_1374 = arith.subf %get3A_1368, %sub3A_1373 : vector<16xf32>
        %sub3A_1375 = vector.broadcast %reduce_sum3A_786 : f32 to vector<16xf32>
        %sub3A_1376 = arith.subf %get3A_1370, %sub3A_1375 : vector<16xf32>
        %mul3A_1377 = arith.mulf %sub3A_1372, %sub3A_1372 : vector<16xf32>
        %mul3A_1378 = arith.mulf %sub3A_1374, %sub3A_1374 : vector<16xf32>
        %add3A_1379 = arith.addf %mul3A_1377, %mul3A_1378 : vector<16xf32>
        %mul3A_1380 = arith.mulf %sub3A_1376, %sub3A_1376 : vector<16xf32>
        %add3A_1381 = arith.addf %add3A_1379, %mul3A_1380 : vector<16xf32>
        %le3A_1382 = arith.constant 1.600000e-01 : f32
        %le3A_1383 = vector.broadcast %le3A_1382 : f32 to vector<16xf32>
        %le3A_1384 = arith.cmpf ole, %add3A_1381, %le3A_1383 : vector<16xf32>
        %convert_element_type3A_1385 = arith.extui %le3A_1384 : vector<16xi1> to vector<16xi32>
        %broadcast_in_dim3A_1386 = arith.constant true
        %broadcast_in_dim3A_1387 = vector.broadcast %broadcast_in_dim3A_1386 : i1 to vector<16xi1>
        %masked_cumsum3A_1388 = tpu.scan <sum>, %convert_element_type3A_1385 masked %broadcast_in_dim3A_1387 : vector<16xi32>, vector<16xi1> -> vector<16xi32>
        %add3A_1389 = arith.addi %masked_cumsum3A_1388, %add3A_1360 : vector<16xi32>
        %add3A_1390 = vector.broadcast %mul3A_1364 : i32 to vector<16xi32>
        %add3A_1391 = arith.addi %iota3A, %add3A_1390 : vector<16xi32>
        tpu.vector_store_idx %arg16[%add3A_1389], %add3A_1391 masked %le3A_1384 : memref<320xi32, #tpu.memory_space<vmem>>[vector<16xi32>], vector<16xi32>, vector<16xi1>
        %all_reduce_population_count3A_1392 = tpu.all_reduce %le3A_1384 {dim = 0 : i64, kind = #tpu.reduction_kind<sum>} : vector<16xi1> -> vector<16xi32>
        %add3A_1393 = arith.addi %add3A_1360, %all_reduce_population_count3A_1392 : vector<16xi32>
        %add3A_1394 = arith.constant 12 : i32
        %add3A_1395 = arith.addi %while3A_997, %add3A_1394 : i32
        %mul3A_1396 = arith.constant 16 : i32
        %mul3A_1397 = arith.muli %add3A_1395, %mul3A_1396 : i32
        %get3A_1398 = arith.index_cast %mul3A_1397 : i32 to index
        %get3A_1399 = tpu.vector_load %arg8[%get3A_1398] {strides = array<i32>} : memref<16384xf32, #tpu.memory_space<vmem>>, vector<16xf32>,
        %get3A_1400 = arith.index_cast %mul3A_1397 : i32 to index
        %get3A_1401 = tpu.vector_load %arg9[%get3A_1400] {strides = array<i32>} : memref<16384xf32, #tpu.memory_space<vmem>>, vector<16xf32>,
        %get3A_1402 = arith.index_cast %mul3A_1397 : i32 to index
        %get3A_1403 = tpu.vector_load %arg10[%get3A_1402] {strides = array<i32>} : memref<16384xf32, #tpu.memory_space<vmem>>, vector<16xf32>,
        %sub3A_1404 = vector.broadcast %reduce_sum3A_768 : f32 to vector<16xf32>
        %sub3A_1405 = arith.subf %get3A_1399, %sub3A_1404 : vector<16xf32>
        %sub3A_1406 = vector.broadcast %reduce_sum3A_777 : f32 to vector<16xf32>
        %sub3A_1407 = arith.subf %get3A_1401, %sub3A_1406 : vector<16xf32>
        %sub3A_1408 = vector.broadcast %reduce_sum3A_786 : f32 to vector<16xf32>
        %sub3A_1409 = arith.subf %get3A_1403, %sub3A_1408 : vector<16xf32>
        %mul3A_1410 = arith.mulf %sub3A_1405, %sub3A_1405 : vector<16xf32>
        %mul3A_1411 = arith.mulf %sub3A_1407, %sub3A_1407 : vector<16xf32>
        %add3A_1412 = arith.addf %mul3A_1410, %mul3A_1411 : vector<16xf32>
        %mul3A_1413 = arith.mulf %sub3A_1409, %sub3A_1409 : vector<16xf32>
        %add3A_1414 = arith.addf %add3A_1412, %mul3A_1413 : vector<16xf32>
        %le3A_1415 = arith.constant 1.600000e-01 : f32
        %le3A_1416 = vector.broadcast %le3A_1415 : f32 to vector<16xf32>
        %le3A_1417 = arith.cmpf ole, %add3A_1414, %le3A_1416 : vector<16xf32>
        %convert_element_type3A_1418 = arith.extui %le3A_1417 : vector<16xi1> to vector<16xi32>
        %broadcast_in_dim3A_1419 = arith.constant true
        %broadcast_in_dim3A_1420 = vector.broadcast %broadcast_in_dim3A_1419 : i1 to vector<16xi1>
        %masked_cumsum3A_1421 = tpu.scan <sum>, %convert_element_type3A_1418 masked %broadcast_in_dim3A_1420 : vector<16xi32>, vector<16xi1> -> vector<16xi32>
        %add3A_1422 = arith.addi %masked_cumsum3A_1421, %add3A_1393 : vector<16xi32>
        %add3A_1423 = vector.broadcast %mul3A_1397 : i32 to vector<16xi32>
        %add3A_1424 = arith.addi %iota3A, %add3A_1423 : vector<16xi32>
        tpu.vector_store_idx %arg16[%add3A_1422], %add3A_1424 masked %le3A_1417 : memref<320xi32, #tpu.memory_space<vmem>>[vector<16xi32>], vector<16xi32>, vector<16xi1>
        %all_reduce_population_count3A_1425 = tpu.all_reduce %le3A_1417 {dim = 0 : i64, kind = #tpu.reduction_kind<sum>} : vector<16xi1> -> vector<16xi32>
        %add3A_1426 = arith.addi %add3A_1393, %all_reduce_population_count3A_1425 : vector<16xi32>
        %add3A_1427 = arith.constant 13 : i32
        %add3A_1428 = arith.addi %while3A_997, %add3A_1427 : i32
        %mul3A_1429 = arith.constant 16 : i32
        %mul3A_1430 = arith.muli %add3A_1428, %mul3A_1429 : i32
        %get3A_1431 = arith.index_cast %mul3A_1430 : i32 to index
        %get3A_1432 = tpu.vector_load %arg8[%get3A_1431] {strides = array<i32>} : memref<16384xf32, #tpu.memory_space<vmem>>, vector<16xf32>,
        %get3A_1433 = arith.index_cast %mul3A_1430 : i32 to index
        %get3A_1434 = tpu.vector_load %arg9[%get3A_1433] {strides = array<i32>} : memref<16384xf32, #tpu.memory_space<vmem>>, vector<16xf32>,
        %get3A_1435 = arith.index_cast %mul3A_1430 : i32 to index
        %get3A_1436 = tpu.vector_load %arg10[%get3A_1435] {strides = array<i32>} : memref<16384xf32, #tpu.memory_space<vmem>>, vector<16xf32>,
        %sub3A_1437 = vector.broadcast %reduce_sum3A_768 : f32 to vector<16xf32>
        %sub3A_1438 = arith.subf %get3A_1432, %sub3A_1437 : vector<16xf32>
        %sub3A_1439 = vector.broadcast %reduce_sum3A_777 : f32 to vector<16xf32>
        %sub3A_1440 = arith.subf %get3A_1434, %sub3A_1439 : vector<16xf32>
        %sub3A_1441 = vector.broadcast %reduce_sum3A_786 : f32 to vector<16xf32>
        %sub3A_1442 = arith.subf %get3A_1436, %sub3A_1441 : vector<16xf32>
        %mul3A_1443 = arith.mulf %sub3A_1438, %sub3A_1438 : vector<16xf32>
        %mul3A_1444 = arith.mulf %sub3A_1440, %sub3A_1440 : vector<16xf32>
        %add3A_1445 = arith.addf %mul3A_1443, %mul3A_1444 : vector<16xf32>
        %mul3A_1446 = arith.mulf %sub3A_1442, %sub3A_1442 : vector<16xf32>
        %add3A_1447 = arith.addf %add3A_1445, %mul3A_1446 : vector<16xf32>
        %le3A_1448 = arith.constant 1.600000e-01 : f32
        %le3A_1449 = vector.broadcast %le3A_1448 : f32 to vector<16xf32>
        %le3A_1450 = arith.cmpf ole, %add3A_1447, %le3A_1449 : vector<16xf32>
        %convert_element_type3A_1451 = arith.extui %le3A_1450 : vector<16xi1> to vector<16xi32>
        %broadcast_in_dim3A_1452 = arith.constant true
        %broadcast_in_dim3A_1453 = vector.broadcast %broadcast_in_dim3A_1452 : i1 to vector<16xi1>
        %masked_cumsum3A_1454 = tpu.scan <sum>, %convert_element_type3A_1451 masked %broadcast_in_dim3A_1453 : vector<16xi32>, vector<16xi1> -> vector<16xi32>
        %add3A_1455 = arith.addi %masked_cumsum3A_1454, %add3A_1426 : vector<16xi32>
        %add3A_1456 = vector.broadcast %mul3A_1430 : i32 to vector<16xi32>
        %add3A_1457 = arith.addi %iota3A, %add3A_1456 : vector<16xi32>
        tpu.vector_store_idx %arg16[%add3A_1455], %add3A_1457 masked %le3A_1450 : memref<320xi32, #tpu.memory_space<vmem>>[vector<16xi32>], vector<16xi32>, vector<16xi1>
        %all_reduce_population_count3A_1458 = tpu.all_reduce %le3A_1450 {dim = 0 : i64, kind = #tpu.reduction_kind<sum>} : vector<16xi1> -> vector<16xi32>
        %add3A_1459 = arith.addi %add3A_1426, %all_reduce_population_count3A_1458 : vector<16xi32>
        %add3A_1460 = arith.constant 14 : i32
        %add3A_1461 = arith.addi %while3A_997, %add3A_1460 : i32
        %mul3A_1462 = arith.constant 16 : i32
        %mul3A_1463 = arith.muli %add3A_1461, %mul3A_1462 : i32
        %get3A_1464 = arith.index_cast %mul3A_1463 : i32 to index
        %get3A_1465 = tpu.vector_load %arg8[%get3A_1464] {strides = array<i32>} : memref<16384xf32, #tpu.memory_space<vmem>>, vector<16xf32>,
        %get3A_1466 = arith.index_cast %mul3A_1463 : i32 to index
        %get3A_1467 = tpu.vector_load %arg9[%get3A_1466] {strides = array<i32>} : memref<16384xf32, #tpu.memory_space<vmem>>, vector<16xf32>,
        %get3A_1468 = arith.index_cast %mul3A_1463 : i32 to index
        %get3A_1469 = tpu.vector_load %arg10[%get3A_1468] {strides = array<i32>} : memref<16384xf32, #tpu.memory_space<vmem>>, vector<16xf32>,
        %sub3A_1470 = vector.broadcast %reduce_sum3A_768 : f32 to vector<16xf32>
        %sub3A_1471 = arith.subf %get3A_1465, %sub3A_1470 : vector<16xf32>
        %sub3A_1472 = vector.broadcast %reduce_sum3A_777 : f32 to vector<16xf32>
        %sub3A_1473 = arith.subf %get3A_1467, %sub3A_1472 : vector<16xf32>
        %sub3A_1474 = vector.broadcast %reduce_sum3A_786 : f32 to vector<16xf32>
        %sub3A_1475 = arith.subf %get3A_1469, %sub3A_1474 : vector<16xf32>
        %mul3A_1476 = arith.mulf %sub3A_1471, %sub3A_1471 : vector<16xf32>
        %mul3A_1477 = arith.mulf %sub3A_1473, %sub3A_1473 : vector<16xf32>
        %add3A_1478 = arith.addf %mul3A_1476, %mul3A_1477 : vector<16xf32>
        %mul3A_1479 = arith.mulf %sub3A_1475, %sub3A_1475 : vector<16xf32>
        %add3A_1480 = arith.addf %add3A_1478, %mul3A_1479 : vector<16xf32>
        %le3A_1481 = arith.constant 1.600000e-01 : f32
        %le3A_1482 = vector.broadcast %le3A_1481 : f32 to vector<16xf32>
        %le3A_1483 = arith.cmpf ole, %add3A_1480, %le3A_1482 : vector<16xf32>
        %convert_element_type3A_1484 = arith.extui %le3A_1483 : vector<16xi1> to vector<16xi32>
        %broadcast_in_dim3A_1485 = arith.constant true
        %broadcast_in_dim3A_1486 = vector.broadcast %broadcast_in_dim3A_1485 : i1 to vector<16xi1>
        %masked_cumsum3A_1487 = tpu.scan <sum>, %convert_element_type3A_1484 masked %broadcast_in_dim3A_1486 : vector<16xi32>, vector<16xi1> -> vector<16xi32>
        %add3A_1488 = arith.addi %masked_cumsum3A_1487, %add3A_1459 : vector<16xi32>
        %add3A_1489 = vector.broadcast %mul3A_1463 : i32 to vector<16xi32>
        %add3A_1490 = arith.addi %iota3A, %add3A_1489 : vector<16xi32>
        tpu.vector_store_idx %arg16[%add3A_1488], %add3A_1490 masked %le3A_1483 : memref<320xi32, #tpu.memory_space<vmem>>[vector<16xi32>], vector<16xi32>, vector<16xi1>
        %all_reduce_population_count3A_1491 = tpu.all_reduce %le3A_1483 {dim = 0 : i64, kind = #tpu.reduction_kind<sum>} : vector<16xi1> -> vector<16xi32>
        %add3A_1492 = arith.addi %add3A_1459, %all_reduce_population_count3A_1491 : vector<16xi32>
        %add3A_1493 = arith.constant 15 : i32
        %add3A_1494 = arith.addi %while3A_997, %add3A_1493 : i32
        %mul3A_1495 = arith.constant 16 : i32
        %mul3A_1496 = arith.muli %add3A_1494, %mul3A_1495 : i32
        %get3A_1497 = arith.index_cast %mul3A_1496 : i32 to index
        %get3A_1498 = tpu.vector_load %arg8[%get3A_1497] {strides = array<i32>} : memref<16384xf32, #tpu.memory_space<vmem>>, vector<16xf32>,
        %get3A_1499 = arith.index_cast %mul3A_1496 : i32 to index
        %get3A_1500 = tpu.vector_load %arg9[%get3A_1499] {strides = array<i32>} : memref<16384xf32, #tpu.memory_space<vmem>>, vector<16xf32>,
        %get3A_1501 = arith.index_cast %mul3A_1496 : i32 to index
        %get3A_1502 = tpu.vector_load %arg10[%get3A_1501] {strides = array<i32>} : memref<16384xf32, #tpu.memory_space<vmem>>, vector<16xf32>,
        %sub3A_1503 = vector.broadcast %reduce_sum3A_768 : f32 to vector<16xf32>
        %sub3A_1504 = arith.subf %get3A_1498, %sub3A_1503 : vector<16xf32>
        %sub3A_1505 = vector.broadcast %reduce_sum3A_777 : f32 to vector<16xf32>
        %sub3A_1506 = arith.subf %get3A_1500, %sub3A_1505 : vector<16xf32>
        %sub3A_1507 = vector.broadcast %reduce_sum3A_786 : f32 to vector<16xf32>
        %sub3A_1508 = arith.subf %get3A_1502, %sub3A_1507 : vector<16xf32>
        %mul3A_1509 = arith.mulf %sub3A_1504, %sub3A_1504 : vector<16xf32>
        %mul3A_1510 = arith.mulf %sub3A_1506, %sub3A_1506 : vector<16xf32>
        %add3A_1511 = arith.addf %mul3A_1509, %mul3A_1510 : vector<16xf32>
        %mul3A_1512 = arith.mulf %sub3A_1508, %sub3A_1508 : vector<16xf32>
        %add3A_1513 = arith.addf %add3A_1511, %mul3A_1512 : vector<16xf32>
        %le3A_1514 = arith.constant 1.600000e-01 : f32
        %le3A_1515 = vector.broadcast %le3A_1514 : f32 to vector<16xf32>
        %le3A_1516 = arith.cmpf ole, %add3A_1513, %le3A_1515 : vector<16xf32>
        %convert_element_type3A_1517 = arith.extui %le3A_1516 : vector<16xi1> to vector<16xi32>
        %broadcast_in_dim3A_1518 = arith.constant true
        %broadcast_in_dim3A_1519 = vector.broadcast %broadcast_in_dim3A_1518 : i1 to vector<16xi1>
        %masked_cumsum3A_1520 = tpu.scan <sum>, %convert_element_type3A_1517 masked %broadcast_in_dim3A_1519 : vector<16xi32>, vector<16xi1> -> vector<16xi32>
        %add3A_1521 = arith.addi %masked_cumsum3A_1520, %add3A_1492 : vector<16xi32>
        %add3A_1522 = vector.broadcast %mul3A_1496 : i32 to vector<16xi32>
        %add3A_1523 = arith.addi %iota3A, %add3A_1522 : vector<16xi32>
        tpu.vector_store_idx %arg16[%add3A_1521], %add3A_1523 masked %le3A_1516 : memref<320xi32, #tpu.memory_space<vmem>>[vector<16xi32>], vector<16xi32>, vector<16xi1>
        %all_reduce_population_count3A_1524 = tpu.all_reduce %le3A_1516 {dim = 0 : i64, kind = #tpu.reduction_kind<sum>} : vector<16xi1> -> vector<16xi32>
        %add3A_1525 = arith.addi %add3A_1492, %all_reduce_population_count3A_1524 : vector<16xi32>
        %add3A_1526 = arith.constant 16 : i32
        %add3A_1527 = arith.addi %while3A_997, %add3A_1526 : i32
        %add3A_1528 = arith.constant 1 : i32
        %add3A_1529 = vector.broadcast %add3A_1528 : i32 to vector<16xi32>
        %add3A_1530 = arith.addi %add3A_1525, %add3A_1529 : vector<16xi32>
        scf.yield %add3A_1527, %add3A_1530 : i32, vector<16xi32>
      }
      %reduce_max3A_791 = arith.constant true
      %reduce_max3A_792 = vector.broadcast %reduce_max3A_791 : i1 to vector<16xi1>
      %reduce_max3A_793 = arith.constant -2147483648 : i32
      %reduce_max3A_794 = vector.broadcast %reduce_max3A_793 : i32 to vector<16xi32>
      %reduce_max3A_795 = arith.xori %while3A_790#1, %reduce_max3A_794 : vector<16xi32>
      %reduce_max3A_796 = tpu.scan <max>, %reduce_max3A_795 masked %reduce_max3A_792 : vector<16xi32>, vector<16xi1> -> vector<16xi32>
      %reduce_max3A_797 = arith.xori %reduce_max3A_796, %reduce_max3A_794 : vector<16xi32>
      %reduce_max3A_798 = vector.extract %reduce_max3A_797[15] : i32 from vector<16xi32>
      %get3A_799 = arith.constant 0 : index
      %get3A_800 = tpu.vector_load %arg16[%get3A_799] {strides = array<i32>} : memref<320xi32, #tpu.memory_space<vmem>>, vector<16xi32>,
      %eq3A_801 = arith.constant 0 : i32
      %eq3A_802 = vector.broadcast %eq3A_801 : i32 to vector<16xi32>
      %eq3A_803 = arith.cmpi eq, %iota3A, %eq3A_802 : vector<16xi32>
      %jit3A_804 = arith.constant 0 : i32
      %broadcast_in_dim3A_805 = vector.broadcast %jit3A_804 : i32 to vector<16xi32>
      %select_n3A_806 = arith.select %eq3A_803, %get3A_800, %broadcast_in_dim3A_805 : vector<16xi1>, vector<16xi32>
      %reduce_sum3A_807 = arith.constant true
      %reduce_sum3A_808 = vector.broadcast %reduce_sum3A_807 : i1 to vector<16xi1>
      %reduce_sum3A_809 = tpu.scan <sum>, %select_n3A_806 masked %reduce_sum3A_808 : vector<16xi32>, vector<16xi1> -> vector<16xi32>
      %reduce_sum3A_810 = vector.extract %reduce_sum3A_809[15] : i32 from vector<16xi32>
      %add3A_811 = arith.constant 0 : i32
      %add3A_812 = vector.broadcast %add3A_811 : i32 to vector<16xi32>
      %add3A_813 = arith.addi %iota3A, %add3A_812 : vector<16xi32>
      %get3A_814 = arith.constant 0 : index
      %get3A_815 = tpu.vector_load %arg16[%get3A_814] {strides = array<i32>} : memref<320xi32, #tpu.memory_space<vmem>>, vector<16xi32>,
      %lt3A_816 = vector.broadcast %reduce_max3A_798 : i32 to vector<16xi32>
      %lt3A_817 = arith.cmpi slt, %add3A_813, %lt3A_816 : vector<16xi32>
      %broadcast_in_dim3A_818 = vector.broadcast %reduce_sum3A_810 : i32 to vector<16xi32>
      %select_n3A_819 = arith.select %lt3A_817, %get3A_815, %broadcast_in_dim3A_818 : vector<16xi1>, vector<16xi32>
      %gather3A_820 = tpu.vector_load_idx %arg8[%select_n3A_819] : memref<16384xf32, #tpu.memory_space<vmem>>[vector<16xi32>], vector<16xf32>,
      %gather3A_821 = tpu.vector_load_idx %arg9[%select_n3A_819] : memref<16384xf32, #tpu.memory_space<vmem>>[vector<16xi32>], vector<16xf32>,
      %gather3A_822 = tpu.vector_load_idx %arg10[%select_n3A_819] : memref<16384xf32, #tpu.memory_space<vmem>>[vector<16xi32>], vector<16xf32>,
      %mul3A_823 = arith.constant 3 : i32
      %mul3A_824 = vector.broadcast %mul3A_823 : i32 to vector<16xi32>
      %mul3A_825 = arith.muli %add3A_813, %mul3A_824 : vector<16xi32>
      %add3A_826 = arith.addi %mul3A_825, %broadcast_in_dim3A_56 : vector<16xi32>
      %sub3A_827 = vector.broadcast %reduce_sum3A_768 : f32 to vector<16xf32>
      %sub3A_828 = arith.subf %gather3A_820, %sub3A_827 : vector<16xf32>
      %div3A_829 = arith.constant 4.000000e-01 : f32
      %div3A_830 = vector.broadcast %div3A_829 : f32 to vector<16xf32>
      %div3A_831 = arith.divf %sub3A_828, %div3A_830 : vector<16xf32>
      tpu.vector_store_idx %arg19[%add3A_826], %div3A_831 : memref<192xf32, #tpu.memory_space<vmem>>[vector<16xi32>], vector<16xf32>,
      %add3A_832 = arith.addi %mul3A_825, %broadcast_in_dim3A_58 : vector<16xi32>
      %sub3A_833 = vector.broadcast %reduce_sum3A_777 : f32 to vector<16xf32>
      %sub3A_834 = arith.subf %gather3A_821, %sub3A_833 : vector<16xf32>
      %div3A_835 = arith.constant 4.000000e-01 : f32
      %div3A_836 = vector.broadcast %div3A_835 : f32 to vector<16xf32>
      %div3A_837 = arith.divf %sub3A_834, %div3A_836 : vector<16xf32>
      tpu.vector_store_idx %arg19[%add3A_832], %div3A_837 : memref<192xf32, #tpu.memory_space<vmem>>[vector<16xi32>], vector<16xf32>,
      %add3A_838 = arith.addi %mul3A_825, %broadcast_in_dim3A_60 : vector<16xi32>
      %sub3A_839 = vector.broadcast %reduce_sum3A_786 : f32 to vector<16xf32>
      %sub3A_840 = arith.subf %gather3A_822, %sub3A_839 : vector<16xf32>
      %div3A_841 = arith.constant 4.000000e-01 : f32
      %div3A_842 = vector.broadcast %div3A_841 : f32 to vector<16xf32>
      %div3A_843 = arith.divf %sub3A_840, %div3A_842 : vector<16xf32>
      tpu.vector_store_idx %arg19[%add3A_838], %div3A_843 : memref<192xf32, #tpu.memory_space<vmem>>[vector<16xi32>], vector<16xf32>,
      %add3A_844 = vector.broadcast %mul3A_34 : i32 to vector<16xi32>
      %add3A_845 = arith.addi %select_n3A_819, %add3A_844 : vector<16xi32>
      %swap3A_846 = arith.constant 0 : index
      %swap3A_847 = tpu.vector_load %arg17[%swap3A_846] {strides = array<i32>} : memref<64xi32, #tpu.memory_space<vmem>>, vector<16xi32>,
      tpu.vector_store %arg17[%swap3A_846], %add3A_845 {strides = array<i32>} : memref<64xi32, #tpu.memory_space<vmem>>, vector<16xi32>,
      %add3A_848 = arith.constant 16 : i32
      %add3A_849 = vector.broadcast %add3A_848 : i32 to vector<16xi32>
      %add3A_850 = arith.addi %iota3A, %add3A_849 : vector<16xi32>
      %get3A_851 = arith.constant 16 : index
      %get3A_852 = tpu.vector_load %arg16[%get3A_851] {strides = array<i32>} : memref<320xi32, #tpu.memory_space<vmem>>, vector<16xi32>,
      %lt3A_853 = vector.broadcast %reduce_max3A_798 : i32 to vector<16xi32>
      %lt3A_854 = arith.cmpi slt, %add3A_850, %lt3A_853 : vector<16xi32>
      %broadcast_in_dim3A_855 = vector.broadcast %reduce_sum3A_810 : i32 to vector<16xi32>
      %select_n3A_856 = arith.select %lt3A_854, %get3A_852, %broadcast_in_dim3A_855 : vector<16xi1>, vector<16xi32>
      %gather3A_857 = tpu.vector_load_idx %arg8[%select_n3A_856] : memref<16384xf32, #tpu.memory_space<vmem>>[vector<16xi32>], vector<16xf32>,
      %gather3A_858 = tpu.vector_load_idx %arg9[%select_n3A_856] : memref<16384xf32, #tpu.memory_space<vmem>>[vector<16xi32>], vector<16xf32>,
      %gather3A_859 = tpu.vector_load_idx %arg10[%select_n3A_856] : memref<16384xf32, #tpu.memory_space<vmem>>[vector<16xi32>], vector<16xf32>,
      %mul3A_860 = arith.constant 3 : i32
      %mul3A_861 = vector.broadcast %mul3A_860 : i32 to vector<16xi32>
      %mul3A_862 = arith.muli %add3A_850, %mul3A_861 : vector<16xi32>
      %add3A_863 = arith.addi %mul3A_862, %broadcast_in_dim3A_56 : vector<16xi32>
      %sub3A_864 = vector.broadcast %reduce_sum3A_768 : f32 to vector<16xf32>
      %sub3A_865 = arith.subf %gather3A_857, %sub3A_864 : vector<16xf32>
      %div3A_866 = arith.constant 4.000000e-01 : f32
      %div3A_867 = vector.broadcast %div3A_866 : f32 to vector<16xf32>
      %div3A_868 = arith.divf %sub3A_865, %div3A_867 : vector<16xf32>
      tpu.vector_store_idx %arg19[%add3A_863], %div3A_868 : memref<192xf32, #tpu.memory_space<vmem>>[vector<16xi32>], vector<16xf32>,
      %add3A_869 = arith.addi %mul3A_862, %broadcast_in_dim3A_58 : vector<16xi32>
      %sub3A_870 = vector.broadcast %reduce_sum3A_777 : f32 to vector<16xf32>
      %sub3A_871 = arith.subf %gather3A_858, %sub3A_870 : vector<16xf32>
      %div3A_872 = arith.constant 4.000000e-01 : f32
      %div3A_873 = vector.broadcast %div3A_872 : f32 to vector<16xf32>
      %div3A_874 = arith.divf %sub3A_871, %div3A_873 : vector<16xf32>
      tpu.vector_store_idx %arg19[%add3A_869], %div3A_874 : memref<192xf32, #tpu.memory_space<vmem>>[vector<16xi32>], vector<16xf32>,
      %add3A_875 = arith.addi %mul3A_862, %broadcast_in_dim3A_60 : vector<16xi32>
      %sub3A_876 = vector.broadcast %reduce_sum3A_786 : f32 to vector<16xf32>
      %sub3A_877 = arith.subf %gather3A_859, %sub3A_876 : vector<16xf32>
      %div3A_878 = arith.constant 4.000000e-01 : f32
      %div3A_879 = vector.broadcast %div3A_878 : f32 to vector<16xf32>
      %div3A_880 = arith.divf %sub3A_877, %div3A_879 : vector<16xf32>
      tpu.vector_store_idx %arg19[%add3A_875], %div3A_880 : memref<192xf32, #tpu.memory_space<vmem>>[vector<16xi32>], vector<16xf32>,
      %add3A_881 = vector.broadcast %mul3A_34 : i32 to vector<16xi32>
      %add3A_882 = arith.addi %select_n3A_856, %add3A_881 : vector<16xi32>
      %swap3A_883 = arith.constant 16 : index
      %swap3A_884 = tpu.vector_load %arg17[%swap3A_883] {strides = array<i32>} : memref<64xi32, #tpu.memory_space<vmem>>, vector<16xi32>,
      tpu.vector_store %arg17[%swap3A_883], %add3A_882 {strides = array<i32>} : memref<64xi32, #tpu.memory_space<vmem>>, vector<16xi32>,
      %add3A_885 = arith.constant 32 : i32
      %add3A_886 = vector.broadcast %add3A_885 : i32 to vector<16xi32>
      %add3A_887 = arith.addi %iota3A, %add3A_886 : vector<16xi32>
      %get3A_888 = arith.constant 32 : index
      %get3A_889 = tpu.vector_load %arg16[%get3A_888] {strides = array<i32>} : memref<320xi32, #tpu.memory_space<vmem>>, vector<16xi32>,
      %lt3A_890 = vector.broadcast %reduce_max3A_798 : i32 to vector<16xi32>
      %lt3A_891 = arith.cmpi slt, %add3A_887, %lt3A_890 : vector<16xi32>
      %broadcast_in_dim3A_892 = vector.broadcast %reduce_sum3A_810 : i32 to vector<16xi32>
      %select_n3A_893 = arith.select %lt3A_891, %get3A_889, %broadcast_in_dim3A_892 : vector<16xi1>, vector<16xi32>
      %gather3A_894 = tpu.vector_load_idx %arg8[%select_n3A_893] : memref<16384xf32, #tpu.memory_space<vmem>>[vector<16xi32>], vector<16xf32>,
      %gather3A_895 = tpu.vector_load_idx %arg9[%select_n3A_893] : memref<16384xf32, #tpu.memory_space<vmem>>[vector<16xi32>], vector<16xf32>,
      %gather3A_896 = tpu.vector_load_idx %arg10[%select_n3A_893] : memref<16384xf32, #tpu.memory_space<vmem>>[vector<16xi32>], vector<16xf32>,
      %mul3A_897 = arith.constant 3 : i32
      %mul3A_898 = vector.broadcast %mul3A_897 : i32 to vector<16xi32>
      %mul3A_899 = arith.muli %add3A_887, %mul3A_898 : vector<16xi32>
      %add3A_900 = arith.addi %mul3A_899, %broadcast_in_dim3A_56 : vector<16xi32>
      %sub3A_901 = vector.broadcast %reduce_sum3A_768 : f32 to vector<16xf32>
      %sub3A_902 = arith.subf %gather3A_894, %sub3A_901 : vector<16xf32>
      %div3A_903 = arith.constant 4.000000e-01 : f32
      %div3A_904 = vector.broadcast %div3A_903 : f32 to vector<16xf32>
      %div3A_905 = arith.divf %sub3A_902, %div3A_904 : vector<16xf32>
      tpu.vector_store_idx %arg19[%add3A_900], %div3A_905 : memref<192xf32, #tpu.memory_space<vmem>>[vector<16xi32>], vector<16xf32>,
      %add3A_906 = arith.addi %mul3A_899, %broadcast_in_dim3A_58 : vector<16xi32>
      %sub3A_907 = vector.broadcast %reduce_sum3A_777 : f32 to vector<16xf32>
      %sub3A_908 = arith.subf %gather3A_895, %sub3A_907 : vector<16xf32>
      %div3A_909 = arith.constant 4.000000e-01 : f32
      %div3A_910 = vector.broadcast %div3A_909 : f32 to vector<16xf32>
      %div3A_911 = arith.divf %sub3A_908, %div3A_910 : vector<16xf32>
      tpu.vector_store_idx %arg19[%add3A_906], %div3A_911 : memref<192xf32, #tpu.memory_space<vmem>>[vector<16xi32>], vector<16xf32>,
      %add3A_912 = arith.addi %mul3A_899, %broadcast_in_dim3A_60 : vector<16xi32>
      %sub3A_913 = vector.broadcast %reduce_sum3A_786 : f32 to vector<16xf32>
      %sub3A_914 = arith.subf %gather3A_896, %sub3A_913 : vector<16xf32>
      %div3A_915 = arith.constant 4.000000e-01 : f32
      %div3A_916 = vector.broadcast %div3A_915 : f32 to vector<16xf32>
      %div3A_917 = arith.divf %sub3A_914, %div3A_916 : vector<16xf32>
      tpu.vector_store_idx %arg19[%add3A_912], %div3A_917 : memref<192xf32, #tpu.memory_space<vmem>>[vector<16xi32>], vector<16xf32>,
      %add3A_918 = vector.broadcast %mul3A_34 : i32 to vector<16xi32>
      %add3A_919 = arith.addi %select_n3A_893, %add3A_918 : vector<16xi32>
      %swap3A_920 = arith.constant 32 : index
      %swap3A_921 = tpu.vector_load %arg17[%swap3A_920] {strides = array<i32>} : memref<64xi32, #tpu.memory_space<vmem>>, vector<16xi32>,
      tpu.vector_store %arg17[%swap3A_920], %add3A_919 {strides = array<i32>} : memref<64xi32, #tpu.memory_space<vmem>>, vector<16xi32>,
      %add3A_922 = arith.constant 48 : i32
      %add3A_923 = vector.broadcast %add3A_922 : i32 to vector<16xi32>
      %add3A_924 = arith.addi %iota3A, %add3A_923 : vector<16xi32>
      %get3A_925 = arith.constant 48 : index
      %get3A_926 = tpu.vector_load %arg16[%get3A_925] {strides = array<i32>} : memref<320xi32, #tpu.memory_space<vmem>>, vector<16xi32>,
      %lt3A_927 = vector.broadcast %reduce_max3A_798 : i32 to vector<16xi32>
      %lt3A_928 = arith.cmpi slt, %add3A_924, %lt3A_927 : vector<16xi32>
      %broadcast_in_dim3A_929 = vector.broadcast %reduce_sum3A_810 : i32 to vector<16xi32>
      %select_n3A_930 = arith.select %lt3A_928, %get3A_926, %broadcast_in_dim3A_929 : vector<16xi1>, vector<16xi32>
      %gather3A_931 = tpu.vector_load_idx %arg8[%select_n3A_930] : memref<16384xf32, #tpu.memory_space<vmem>>[vector<16xi32>], vector<16xf32>,
      %gather3A_932 = tpu.vector_load_idx %arg9[%select_n3A_930] : memref<16384xf32, #tpu.memory_space<vmem>>[vector<16xi32>], vector<16xf32>,
      %gather3A_933 = tpu.vector_load_idx %arg10[%select_n3A_930] : memref<16384xf32, #tpu.memory_space<vmem>>[vector<16xi32>], vector<16xf32>,
      %mul3A_934 = arith.constant 3 : i32
      %mul3A_935 = vector.broadcast %mul3A_934 : i32 to vector<16xi32>
      %mul3A_936 = arith.muli %add3A_924, %mul3A_935 : vector<16xi32>
      %add3A_937 = arith.addi %mul3A_936, %broadcast_in_dim3A_56 : vector<16xi32>
      %sub3A_938 = vector.broadcast %reduce_sum3A_768 : f32 to vector<16xf32>
      %sub3A_939 = arith.subf %gather3A_931, %sub3A_938 : vector<16xf32>
      %div3A_940 = arith.constant 4.000000e-01 : f32
      %div3A_941 = vector.broadcast %div3A_940 : f32 to vector<16xf32>
      %div3A_942 = arith.divf %sub3A_939, %div3A_941 : vector<16xf32>
      tpu.vector_store_idx %arg19[%add3A_937], %div3A_942 : memref<192xf32, #tpu.memory_space<vmem>>[vector<16xi32>], vector<16xf32>,
      %add3A_943 = arith.addi %mul3A_936, %broadcast_in_dim3A_58 : vector<16xi32>
      %sub3A_944 = vector.broadcast %reduce_sum3A_777 : f32 to vector<16xf32>
      %sub3A_945 = arith.subf %gather3A_932, %sub3A_944 : vector<16xf32>
      %div3A_946 = arith.constant 4.000000e-01 : f32
      %div3A_947 = vector.broadcast %div3A_946 : f32 to vector<16xf32>
      %div3A_948 = arith.divf %sub3A_945, %div3A_947 : vector<16xf32>
      tpu.vector_store_idx %arg19[%add3A_943], %div3A_948 : memref<192xf32, #tpu.memory_space<vmem>>[vector<16xi32>], vector<16xf32>,
      %add3A_949 = arith.addi %mul3A_936, %broadcast_in_dim3A_60 : vector<16xi32>
      %sub3A_950 = vector.broadcast %reduce_sum3A_786 : f32 to vector<16xf32>
      %sub3A_951 = arith.subf %gather3A_933, %sub3A_950 : vector<16xf32>
      %div3A_952 = arith.constant 4.000000e-01 : f32
      %div3A_953 = vector.broadcast %div3A_952 : f32 to vector<16xf32>
      %div3A_954 = arith.divf %sub3A_951, %div3A_953 : vector<16xf32>
      tpu.vector_store_idx %arg19[%add3A_949], %div3A_954 : memref<192xf32, #tpu.memory_space<vmem>>[vector<16xi32>], vector<16xf32>,
      %add3A_955 = vector.broadcast %mul3A_34 : i32 to vector<16xi32>
      %add3A_956 = arith.addi %select_n3A_930, %add3A_955 : vector<16xi32>
      %swap3A_957 = arith.constant 48 : index
      %swap3A_958 = tpu.vector_load %arg17[%swap3A_957] {strides = array<i32>} : memref<64xi32, #tpu.memory_space<vmem>>, vector<16xi32>,
      tpu.vector_store %arg17[%swap3A_957], %add3A_956 {strides = array<i32>} : memref<64xi32, #tpu.memory_space<vmem>>, vector<16xi32>,
      %dma_wait3A_959 = arith.constant 0 : i32
      %dma_wait3A_960 = arith.constant 0 : i32
      %dma_wait3A_961 = tpu.memref_slice %arg4[%dma_wait3A_959, %dma_wait3A_960] : memref<65536x128xf32, #tpu.memory_space<hbm>> -> memref<65536x128xf32, #tpu.memory_space<hbm>>
      tpu.wait_indirect_dma semaphore(%arg23 : memref<!tpu.dma_semaphore, #tpu.memory_space<semaphore_mem>>) src(%dma_wait3A_961 : memref<65536x128xf32, #tpu.memory_space<hbm>>) dst(%arg22 : memref<64x128xf32, #tpu.memory_space<vmem>>)
      %mul3A_962 = arith.constant 1024 : i32
      %mul3A_963 = arith.muli %select_n3A, %mul3A_962 : i32
      %add3A_964 = arith.addi %mul3A_963, %mul3A_32 : i32
      %add3A_965 = arith.addi %add3A_964, %mul3A_462 : i32
      %mul3A_966 = arith.constant 64 : i32
      %mul3A_967 = arith.muli %add3A_965, %mul3A_966 : i32
      %dma_wait3A_968 = arith.constant 0 : i32
      %dma_wait3A_969 = tpu.memref_slice %arg7[%mul3A_967, %dma_wait3A_968] : memref<262144x128xf32, #tpu.memory_space<hbm>> -> memref<64x128xf32, #tpu.memory_space<hbm>>
      %dma_wait3A_970 = arith.constant 0 : i32
      %dma_wait3A_971 = tpu.memref_slice %arg7[%mul3A_967, %dma_wait3A_970] : memref<262144x128xf32, #tpu.memory_space<hbm>> -> memref<64x128xf32, #tpu.memory_space<hbm>>
      tpu.wait_dma2 semaphore(%arg24 : memref<!tpu.dma_semaphore, #tpu.memory_space<semaphore_mem>>) src(%arg21 : memref<64x128xf32, #tpu.memory_space<vmem>>) dst(%dma_wait3A_971 : memref<64x128xf32, #tpu.memory_space<hbm>>)
      %dma_start3A_972 = arith.constant 0 : i32
      %dma_start3A_973 = arith.constant 0 : i32
      %dma_start3A_974 = tpu.memref_slice %arg4[%dma_start3A_972, %dma_start3A_973] : memref<65536x128xf32, #tpu.memory_space<hbm>> -> memref<65536x128xf32, #tpu.memory_space<hbm>>
      tpu.enqueue_indirect_dma source(%dma_start3A_974 : memref<65536x128xf32, #tpu.memory_space<hbm>>) target(%arg21 : memref<64x128xf32, #tpu.memory_space<vmem>>) offsets(%arg17 : memref<64xi32, #tpu.memory_space<vmem>>) semaphore(%arg23 : memref<!tpu.dma_semaphore, #tpu.memory_space<semaphore_mem>>)
      %add3A_975 = arith.constant 1 : i32
      %add3A_976 = arith.addi %mul3A_462, %add3A_975 : i32
      %mul3A_977 = arith.constant 1024 : i32
      %mul3A_978 = arith.muli %select_n3A, %mul3A_977 : i32
      %add3A_979 = arith.addi %mul3A_978, %mul3A_32 : i32
      %add3A_980 = arith.addi %add3A_979, %add3A_976 : i32
      %mul3A_981 = arith.constant 64 : i32
      %mul3A_982 = arith.muli %add3A_980, %mul3A_981 : i32
      %dma_start3A_983 = arith.constant 0 : i32
      %dma_start3A_984 = tpu.memref_slice %arg7[%mul3A_982, %dma_start3A_983] : memref<262144x128xf32, #tpu.memory_space<hbm>> -> memref<64x128xf32, #tpu.memory_space<hbm>>
      %dma_start3A_985 = arith.constant 0 : i32
      %dma_start3A_986 = tpu.memref_slice %arg7[%mul3A_982, %dma_start3A_985] : memref<262144x128xf32, #tpu.memory_space<hbm>> -> memref<64x128xf32, #tpu.memory_space<hbm>>
      tpu.enqueue_dma source(%arg22 : memref<64x128xf32, #tpu.memory_space<vmem>>) target(%dma_start3A_986 : memref<64x128xf32, #tpu.memory_space<hbm>>) target_semaphore(%arg24 : memref<!tpu.dma_semaphore, #tpu.memory_space<semaphore_mem>>)
      %add3A_987 = arith.constant 1 : i32
      %add3A_988 = arith.addi %mul3A_462, %add3A_987 : i32
      %mul3A_989 = arith.constant 1024 : i32
      %mul3A_990 = arith.muli %select_n3A, %mul3A_989 : i32
      %add3A_991 = arith.addi %mul3A_990, %mul3A_32 : i32
      %add3A_992 = arith.addi %add3A_991, %add3A_988 : i32
      %mul3A_993 = arith.constant 64 : i32
      %mul3A_994 = arith.muli %add3A_992, %mul3A_993 : i32
      %mul3A_995 = arith.constant 3 : i32
      %mul3A_996 = arith.muli %mul3A_994, %mul3A_995 : i32
      "tpu.region"() ({
        %run_scoped3A = tpu.sem_alloc : memref<!tpu.dma_semaphore, #tpu.memory_space<semaphore_mem>>
        %dma_start3A_997 = tpu.memref_slice %arg6[%mul3A_996] : memref<786432xf32, #tpu.memory_space<hbm>> -> memref<192xf32, #tpu.memory_space<hbm>>
        %dma_start3A_998 = tpu.memref_slice %arg6[%mul3A_996] : memref<786432xf32, #tpu.memory_space<hbm>> -> memref<192xf32, #tpu.memory_space<hbm>>
        tpu.enqueue_dma source(%arg20 : memref<192xf32, #tpu.memory_space<vmem>>) target(%dma_start3A_998 : memref<192xf32, #tpu.memory_space<hbm>>) target_semaphore(%run_scoped3A : memref<!tpu.dma_semaphore, #tpu.memory_space<semaphore_mem>>)
        %dma_wait3A_999 = tpu.memref_slice %arg6[%mul3A_996] : memref<786432xf32, #tpu.memory_space<hbm>> -> memref<192xf32, #tpu.memory_space<hbm>>
        %dma_wait3A_1000 = tpu.memref_slice %arg6[%mul3A_996] : memref<786432xf32, #tpu.memory_space<hbm>> -> memref<192xf32, #tpu.memory_space<hbm>>
        tpu.wait_dma2 semaphore(%run_scoped3A : memref<!tpu.dma_semaphore, #tpu.memory_space<semaphore_mem>>) src(%arg20 : memref<192xf32, #tpu.memory_space<vmem>>) dst(%dma_wait3A_1000 : memref<192xf32, #tpu.memory_space<hbm>>)
        tpu.yield
      }) : () -> ()
    }
    %scan3A_446 = arith.constant 64 : i32
    %mul3A_447 = arith.constant 1024 : i32
    %mul3A_448 = arith.muli %select_n3A, %mul3A_447 : i32
    %add3A_449 = arith.addi %mul3A_448, %mul3A_32 : i32
    %add3A_450 = arith.constant 127 : i32
    %add3A_451 = arith.addi %add3A_449, %add3A_450 : i32
    %mul3A_452 = arith.constant 64 : i32
    %mul3A_453 = arith.muli %add3A_451, %mul3A_452 : i32
    %dma_wait3A = arith.constant 0 : i32
    %dma_wait3A_454 = tpu.memref_slice %arg7[%mul3A_453, %dma_wait3A] : memref<262144x128xf32, #tpu.memory_space<hbm>> -> memref<64x128xf32, #tpu.memory_space<hbm>>
    %dma_wait3A_455 = arith.constant 0 : i32
    %dma_wait3A_456 = tpu.memref_slice %arg7[%mul3A_453, %dma_wait3A_455] : memref<262144x128xf32, #tpu.memory_space<hbm>> -> memref<64x128xf32, #tpu.memory_space<hbm>>
    tpu.wait_dma2 semaphore(%arg24 : memref<!tpu.dma_semaphore, #tpu.memory_space<semaphore_mem>>) src(%arg22 : memref<64x128xf32, #tpu.memory_space<vmem>>) dst(%dma_wait3A_456 : memref<64x128xf32, #tpu.memory_space<hbm>>)
    %dma_wait3A_457 = arith.constant 0 : i32
    %dma_wait3A_458 = arith.constant 0 : i32
    %dma_wait3A_459 = tpu.memref_slice %arg4[%dma_wait3A_457, %dma_wait3A_458] : memref<65536x128xf32, #tpu.memory_space<hbm>> -> memref<65536x128xf32, #tpu.memory_space<hbm>>
    tpu.wait_indirect_dma semaphore(%arg23 : memref<!tpu.dma_semaphore, #tpu.memory_space<semaphore_mem>>) src(%dma_wait3A_459 : memref<65536x128xf32, #tpu.memory_space<hbm>>) dst(%arg21 : memref<64x128xf32, #tpu.memory_space<vmem>>)
    return
  }
}

module attributes {stable_mosaic.version = 14 : i64} {
  func.func @_fps_body(%arg0: memref<4x3x128x128xf32, #tpu.memory_space<vmem>>, %arg1: memref<4x1024xi32, #tpu.memory_space<vmem>>, %arg2: memref<4x128x128xf32, #tpu.memory_space<vmem>>) attributes {dimension_semantics = [], scalar_prefetch = 0 : i64, scratch_operands = 1 : i64, tpu.core_type = #tpu.core_type<tc>} {
    %get3A = arith.constant 0 : index
    %get3A_0 = arith.constant 0 : index
    %get3A_1 = arith.constant 0 : index
    %get3A_2 = arith.constant 0 : index
    %get3A_3 = vector.load %arg0[%get3A, %get3A_0, %get3A_1, %get3A_2] : memref<4x3x128x128xf32, #tpu.memory_space<vmem>>, vector<4x1x128x128xf32>
    %get3A_4 = vector.shape_cast %get3A_3 : vector<4x1x128x128xf32> to vector<4x128x128xf32>
    %get3A_5 = arith.constant 0 : index
    %get3A_6 = arith.constant 1 : index
    %get3A_7 = arith.constant 0 : index
    %get3A_8 = arith.constant 0 : index
    %get3A_9 = vector.load %arg0[%get3A_5, %get3A_6, %get3A_7, %get3A_8] : memref<4x3x128x128xf32, #tpu.memory_space<vmem>>, vector<4x1x128x128xf32>
    %get3A_10 = vector.shape_cast %get3A_9 : vector<4x1x128x128xf32> to vector<4x128x128xf32>
    %get3A_11 = arith.constant 0 : index
    %get3A_12 = arith.constant 2 : index
    %get3A_13 = arith.constant 0 : index
    %get3A_14 = arith.constant 0 : index
    %get3A_15 = vector.load %arg0[%get3A_11, %get3A_12, %get3A_13, %get3A_14] : memref<4x3x128x128xf32, #tpu.memory_space<vmem>>, vector<4x1x128x128xf32>
    %get3A_16 = vector.shape_cast %get3A_15 : vector<4x1x128x128xf32> to vector<4x128x128xf32>
    %iota3A = tpu.iota {dimensions = array<i32: 0>} : vector<128x128xi32>
    %iota3A_17 = tpu.iota {dimensions = array<i32: 1>} : vector<128x128xi32>
    %mul3A = arith.constant 128 : i32
    %mul3A_18 = vector.broadcast %mul3A : i32 to vector<128x128xi32>
    %mul3A_19 = arith.muli %iota3A, %mul3A_18 : vector<128x128xi32>
    %add3A = arith.addi %mul3A_19, %iota3A_17 : vector<128x128xi32>
    %broadcast_in_dim3A = vector.shape_cast %add3A : vector<128x128xi32> to vector<1x128x128xi32>
    %iota3A_20 = tpu.iota {dimensions = array<i32: 1>} : vector<1x1024xi32>
    %broadcast_in_dim3A_21 = arith.constant 1.000000e+10 : f32
    %broadcast_in_dim3A_22 = vector.broadcast %broadcast_in_dim3A_21 : f32 to vector<4x128x128xf32>
    %swap3A = arith.constant 0 : index
    %swap3A_23 = arith.constant 0 : index
    %swap3A_24 = arith.constant 0 : index
    %swap3A_25 = vector.load %arg2[%swap3A, %swap3A_23, %swap3A_24] : memref<4x128x128xf32, #tpu.memory_space<vmem>>, vector<4x128x128xf32>
    tpu.vector_store %arg2[%swap3A, %swap3A_23, %swap3A_24], %broadcast_in_dim3A_22 {strides = array<i32>} : memref<4x128x128xf32, #tpu.memory_space<vmem>>, vector<4x128x128xf32>,
    %broadcast_in_dim3A_26 = arith.constant 0 : i32
    %broadcast_in_dim3A_27 = vector.broadcast %broadcast_in_dim3A_26 : i32 to vector<2x1x1xi32>
    %broadcast_in_dim3A_28 = arith.constant 0 : i32
    %broadcast_in_dim3A_29 = vector.broadcast %broadcast_in_dim3A_28 : i32 to vector<4x1024xi32>
    %scan3A = arith.constant 1073741824 : i32
    %scan3A_30 = arith.constant 0 : i32
    %scan3A_31 = arith.constant 1024 : i32
    %scan3A_32 = arith.addi %scan3A_30, %scan3A_31 : i32
    %scan3A_33 = arith.constant 1 : i32
    %scan3A_34:3 = scf.for %scan3A_39 = %scan3A_30 to %scan3A_32 step %scan3A_33 iter_args(%scan3A_40 = %broadcast_in_dim3A_27, %scan3A_41 = %broadcast_in_dim3A_27, %scan3A_42 = %broadcast_in_dim3A_29) -> (vector<2x1x1xi32>, vector<2x1x1xi32>, vector<4x1024xi32>)  : i32 {
      %concatenate3A = tpu.concatenate %scan3A_40, %scan3A_41 in 0 : vector<2x1x1xi32>, vector<2x1x1xi32> -> vector<4x1x1xi32>
      %reshape3A = vector.shape_cast %concatenate3A : vector<4x1x1xi32> to vector<4x1xi32>
      %eq3A = vector.broadcast %scan3A_39 : i32 to vector<1x1024xi32>
      %eq3A_43 = arith.cmpi eq, %iota3A_20, %eq3A : vector<1x1024xi32>
      %jit3A = arith.constant 0 : i32
      %broadcast_in_dim3A_44 = vector.shape_cast %eq3A_43 : vector<1x1024xi1> to vector<1x1024xi1>
      %broadcast_in_dim3A_45 = vector.broadcast %broadcast_in_dim3A_44 : vector<1x1024xi1> to vector<4x1024xi1>
      %broadcast_in_dim3A_46 = vector.shape_cast %reshape3A : vector<4x1xi32> to vector<4x1xi32>
      %broadcast_in_dim3A_47 = vector.broadcast %broadcast_in_dim3A_46 : vector<4x1xi32> to vector<4x1024xi32>
      %broadcast_in_dim3A_48 = vector.broadcast %jit3A : i32 to vector<4x1024xi32>
      %select_n3A = arith.select %broadcast_in_dim3A_45, %broadcast_in_dim3A_47, %broadcast_in_dim3A_48 : vector<4x1024xi1>, vector<4x1024xi32>
      %add3A_49 = arith.addi %scan3A_42, %select_n3A : vector<4x1024xi32>
      %slice3A = vector.extract_strided_slice %get3A_4 {offsets = [0, 0, 0], sizes = [2, 128, 128], strides = [1, 1, 1]} : vector<4x128x128xf32> to vector<2x128x128xf32>
      %slice3A_50 = vector.extract_strided_slice %get3A_10 {offsets = [0, 0, 0], sizes = [2, 128, 128], strides = [1, 1, 1]} : vector<4x128x128xf32> to vector<2x128x128xf32>
      %slice3A_51 = vector.extract_strided_slice %get3A_16 {offsets = [0, 0, 0], sizes = [2, 128, 128], strides = [1, 1, 1]} : vector<4x128x128xf32> to vector<2x128x128xf32>
      %eq3A_52 = vector.broadcast %broadcast_in_dim3A : vector<1x128x128xi32> to vector<2x128x128xi32>
      %eq3A_53 = vector.broadcast %scan3A_40 : vector<2x1x1xi32> to vector<2x128x128xi32>
      %eq3A_54 = arith.cmpi eq, %eq3A_52, %eq3A_53 : vector<2x128x128xi32>
      %broadcast_in_dim3A_55 = vector.shape_cast %eq3A_54 : vector<2x128x128xi1> to vector<2x1x128x128xi1>
      %get3A_56 = arith.constant 0 : index
      %get3A_57 = arith.constant 0 : index
      %get3A_58 = arith.constant 0 : index
      %get3A_59 = arith.constant 0 : index
      %get3A_60 = vector.load %arg0[%get3A_56, %get3A_57, %get3A_58, %get3A_59] : memref<4x3x128x128xf32, #tpu.memory_space<vmem>>, vector<2x3x128x128xf32>
      %jit3A_61 = arith.constant 0.000000e+00 : f32
      %broadcast_in_dim3A_62 = vector.shape_cast %broadcast_in_dim3A_55 : vector<2x1x128x128xi1> to vector<2x1x128x128xi1>
      %broadcast_in_dim3A_63 = vector.broadcast %broadcast_in_dim3A_62 : vector<2x1x128x128xi1> to vector<2x3x128x128xi1>
      %broadcast_in_dim3A_64 = vector.broadcast %jit3A_61 : f32 to vector<2x3x128x128xf32>
      %select_n3A_65 = arith.select %broadcast_in_dim3A_63, %get3A_60, %broadcast_in_dim3A_64 : vector<2x3x128x128xi1>, vector<2x3x128x128xf32>
      %reduce_sum3A = arith.constant dense<0.000000e+00> : vector<2x3xf32>
      %reduce_sum3A_66 = vector.multi_reduction <add>, %select_n3A_65, %reduce_sum3A [2, 3] : vector<2x3x128x128xf32> to vector<2x3xf32>
      %broadcast_in_dim3A_67 = vector.shape_cast %reduce_sum3A_66 : vector<2x3xf32> to vector<2x3x1x1xf32>
      %slice3A_68 = vector.extract_strided_slice %broadcast_in_dim3A_67 {offsets = [0, 0, 0, 0], sizes = [2, 1, 1, 1], strides = [1, 1, 1, 1]} : vector<2x3x1x1xf32> to vector<2x1x1x1xf32>
      %squeeze3A = vector.shape_cast %slice3A_68 : vector<2x1x1x1xf32> to vector<2x1x1xf32>
      %slice3A_69 = vector.extract_strided_slice %broadcast_in_dim3A_67 {offsets = [0, 1, 0, 0], sizes = [2, 1, 1, 1], strides = [1, 1, 1, 1]} : vector<2x3x1x1xf32> to vector<2x1x1x1xf32>
      %squeeze3A_70 = vector.shape_cast %slice3A_69 : vector<2x1x1x1xf32> to vector<2x1x1xf32>
      %slice3A_71 = vector.extract_strided_slice %broadcast_in_dim3A_67 {offsets = [0, 2, 0, 0], sizes = [2, 1, 1, 1], strides = [1, 1, 1, 1]} : vector<2x3x1x1xf32> to vector<2x1x1x1xf32>
      %squeeze3A_72 = vector.shape_cast %slice3A_71 : vector<2x1x1x1xf32> to vector<2x1x1xf32>
      %sub3A = vector.broadcast %squeeze3A : vector<2x1x1xf32> to vector<2x128x128xf32>
      %sub3A_73 = arith.subf %slice3A, %sub3A : vector<2x128x128xf32>
      %sub3A_74 = vector.broadcast %squeeze3A_70 : vector<2x1x1xf32> to vector<2x128x128xf32>
      %sub3A_75 = arith.subf %slice3A_50, %sub3A_74 : vector<2x128x128xf32>
      %sub3A_76 = vector.broadcast %squeeze3A_72 : vector<2x1x1xf32> to vector<2x128x128xf32>
      %sub3A_77 = arith.subf %slice3A_51, %sub3A_76 : vector<2x128x128xf32>
      %mul3A_78 = arith.mulf %sub3A_73, %sub3A_73 : vector<2x128x128xf32>
      %mul3A_79 = arith.mulf %sub3A_75, %sub3A_75 : vector<2x128x128xf32>
      %add3A_80 = arith.addf %mul3A_78, %mul3A_79 : vector<2x128x128xf32>
      %mul3A_81 = arith.mulf %sub3A_77, %sub3A_77 : vector<2x128x128xf32>
      %add3A_82 = arith.addf %add3A_80, %mul3A_81 : vector<2x128x128xf32>
      %get3A_83 = arith.constant 0 : index
      %get3A_84 = arith.constant 0 : index
      %get3A_85 = arith.constant 0 : index
      %get3A_86 = vector.load %arg2[%get3A_83, %get3A_84, %get3A_85] : memref<4x128x128xf32, #tpu.memory_space<vmem>>, vector<2x128x128xf32>
      %min3A = arith.minimumf %get3A_86, %add3A_82 : vector<2x128x128xf32>
      %swap3A_87 = arith.constant 0 : index
      %swap3A_88 = arith.constant 0 : index
      %swap3A_89 = arith.constant 0 : index
      %swap3A_90 = vector.load %arg2[%swap3A_87, %swap3A_88, %swap3A_89] : memref<4x128x128xf32, #tpu.memory_space<vmem>>, vector<2x128x128xf32>
      tpu.vector_store %arg2[%swap3A_87, %swap3A_88, %swap3A_89], %min3A {strides = array<i32>} : memref<4x128x128xf32, #tpu.memory_space<vmem>>, vector<2x128x128xf32>,
      %reduce_max3A = arith.constant dense<0xFF800000> : vector<2xf32>
      %reduce_max3A_91 = vector.multi_reduction <maximumf>, %min3A, %reduce_max3A [1, 2] : vector<2x128x128xf32> to vector<2xf32>
      %broadcast_in_dim3A_92 = vector.shape_cast %reduce_max3A_91 : vector<2xf32> to vector<2x1x1xf32>
      %eq3A_93 = vector.broadcast %broadcast_in_dim3A_92 : vector<2x1x1xf32> to vector<2x128x128xf32>
      %eq3A_94 = arith.cmpf oeq, %min3A, %eq3A_93 : vector<2x128x128xf32>
      %broadcast_in_dim3A_95 = vector.shape_cast %broadcast_in_dim3A : vector<1x128x128xi32> to vector<1x128x128xi32>
      %broadcast_in_dim3A_96 = vector.broadcast %broadcast_in_dim3A_95 : vector<1x128x128xi32> to vector<2x128x128xi32>
      %broadcast_in_dim3A_97 = vector.broadcast %scan3A : i32 to vector<2x128x128xi32>
      %select_n3A_98 = arith.select %eq3A_94, %broadcast_in_dim3A_96, %broadcast_in_dim3A_97 : vector<2x128x128xi1>, vector<2x128x128xi32>
      %reduce_min3A = arith.constant dense<2147483647> : vector<2xi32>
      %reduce_min3A_99 = vector.multi_reduction <minsi>, %select_n3A_98, %reduce_min3A [1, 2] : vector<2x128x128xi32> to vector<2xi32>
      %broadcast_in_dim3A_100 = vector.shape_cast %reduce_min3A_99 : vector<2xi32> to vector<2x1x1xi32>
      %slice3A_101 = vector.extract_strided_slice %get3A_4 {offsets = [2, 0, 0], sizes = [2, 128, 128], strides = [1, 1, 1]} : vector<4x128x128xf32> to vector<2x128x128xf32>
      %slice3A_102 = vector.extract_strided_slice %get3A_10 {offsets = [2, 0, 0], sizes = [2, 128, 128], strides = [1, 1, 1]} : vector<4x128x128xf32> to vector<2x128x128xf32>
      %slice3A_103 = vector.extract_strided_slice %get3A_16 {offsets = [2, 0, 0], sizes = [2, 128, 128], strides = [1, 1, 1]} : vector<4x128x128xf32> to vector<2x128x128xf32>
      %eq3A_104 = vector.broadcast %broadcast_in_dim3A : vector<1x128x128xi32> to vector<2x128x128xi32>
      %eq3A_105 = vector.broadcast %scan3A_41 : vector<2x1x1xi32> to vector<2x128x128xi32>
      %eq3A_106 = arith.cmpi eq, %eq3A_104, %eq3A_105 : vector<2x128x128xi32>
      %broadcast_in_dim3A_107 = vector.shape_cast %eq3A_106 : vector<2x128x128xi1> to vector<2x1x128x128xi1>
      %get3A_108 = arith.constant 2 : index
      %get3A_109 = arith.constant 0 : index
      %get3A_110 = arith.constant 0 : index
      %get3A_111 = arith.constant 0 : index
      %get3A_112 = vector.load %arg0[%get3A_108, %get3A_109, %get3A_110, %get3A_111] : memref<4x3x128x128xf32, #tpu.memory_space<vmem>>, vector<2x3x128x128xf32>
      %jit3A_113 = arith.constant 0.000000e+00 : f32
      %broadcast_in_dim3A_114 = vector.shape_cast %broadcast_in_dim3A_107 : vector<2x1x128x128xi1> to vector<2x1x128x128xi1>
      %broadcast_in_dim3A_115 = vector.broadcast %broadcast_in_dim3A_114 : vector<2x1x128x128xi1> to vector<2x3x128x128xi1>
      %broadcast_in_dim3A_116 = vector.broadcast %jit3A_113 : f32 to vector<2x3x128x128xf32>
      %select_n3A_117 = arith.select %broadcast_in_dim3A_115, %get3A_112, %broadcast_in_dim3A_116 : vector<2x3x128x128xi1>, vector<2x3x128x128xf32>
      %reduce_sum3A_118 = arith.constant dense<0.000000e+00> : vector<2x3xf32>
      %reduce_sum3A_119 = vector.multi_reduction <add>, %select_n3A_117, %reduce_sum3A_118 [2, 3] : vector<2x3x128x128xf32> to vector<2x3xf32>
      %broadcast_in_dim3A_120 = vector.shape_cast %reduce_sum3A_119 : vector<2x3xf32> to vector<2x3x1x1xf32>
      %slice3A_121 = vector.extract_strided_slice %broadcast_in_dim3A_120 {offsets = [0, 0, 0, 0], sizes = [2, 1, 1, 1], strides = [1, 1, 1, 1]} : vector<2x3x1x1xf32> to vector<2x1x1x1xf32>
      %squeeze3A_122 = vector.shape_cast %slice3A_121 : vector<2x1x1x1xf32> to vector<2x1x1xf32>
      %slice3A_123 = vector.extract_strided_slice %broadcast_in_dim3A_120 {offsets = [0, 1, 0, 0], sizes = [2, 1, 1, 1], strides = [1, 1, 1, 1]} : vector<2x3x1x1xf32> to vector<2x1x1x1xf32>
      %squeeze3A_124 = vector.shape_cast %slice3A_123 : vector<2x1x1x1xf32> to vector<2x1x1xf32>
      %slice3A_125 = vector.extract_strided_slice %broadcast_in_dim3A_120 {offsets = [0, 2, 0, 0], sizes = [2, 1, 1, 1], strides = [1, 1, 1, 1]} : vector<2x3x1x1xf32> to vector<2x1x1x1xf32>
      %squeeze3A_126 = vector.shape_cast %slice3A_125 : vector<2x1x1x1xf32> to vector<2x1x1xf32>
      %sub3A_127 = vector.broadcast %squeeze3A_122 : vector<2x1x1xf32> to vector<2x128x128xf32>
      %sub3A_128 = arith.subf %slice3A_101, %sub3A_127 : vector<2x128x128xf32>
      %sub3A_129 = vector.broadcast %squeeze3A_124 : vector<2x1x1xf32> to vector<2x128x128xf32>
      %sub3A_130 = arith.subf %slice3A_102, %sub3A_129 : vector<2x128x128xf32>
      %sub3A_131 = vector.broadcast %squeeze3A_126 : vector<2x1x1xf32> to vector<2x128x128xf32>
      %sub3A_132 = arith.subf %slice3A_103, %sub3A_131 : vector<2x128x128xf32>
      %mul3A_133 = arith.mulf %sub3A_128, %sub3A_128 : vector<2x128x128xf32>
      %mul3A_134 = arith.mulf %sub3A_130, %sub3A_130 : vector<2x128x128xf32>
      %add3A_135 = arith.addf %mul3A_133, %mul3A_134 : vector<2x128x128xf32>
      %mul3A_136 = arith.mulf %sub3A_132, %sub3A_132 : vector<2x128x128xf32>
      %add3A_137 = arith.addf %add3A_135, %mul3A_136 : vector<2x128x128xf32>
      %get3A_138 = arith.constant 2 : index
      %get3A_139 = arith.constant 0 : index
      %get3A_140 = arith.constant 0 : index
      %get3A_141 = vector.load %arg2[%get3A_138, %get3A_139, %get3A_140] : memref<4x128x128xf32, #tpu.memory_space<vmem>>, vector<2x128x128xf32>
      %min3A_142 = arith.minimumf %get3A_141, %add3A_137 : vector<2x128x128xf32>
      %swap3A_143 = arith.constant 2 : index
      %swap3A_144 = arith.constant 0 : index
      %swap3A_145 = arith.constant 0 : index
      %swap3A_146 = vector.load %arg2[%swap3A_143, %swap3A_144, %swap3A_145] : memref<4x128x128xf32, #tpu.memory_space<vmem>>, vector<2x128x128xf32>
      tpu.vector_store %arg2[%swap3A_143, %swap3A_144, %swap3A_145], %min3A_142 {strides = array<i32>} : memref<4x128x128xf32, #tpu.memory_space<vmem>>, vector<2x128x128xf32>,
      %reduce_max3A_147 = arith.constant dense<0xFF800000> : vector<2xf32>
      %reduce_max3A_148 = vector.multi_reduction <maximumf>, %min3A_142, %reduce_max3A_147 [1, 2] : vector<2x128x128xf32> to vector<2xf32>
      %broadcast_in_dim3A_149 = vector.shape_cast %reduce_max3A_148 : vector<2xf32> to vector<2x1x1xf32>
      %eq3A_150 = vector.broadcast %broadcast_in_dim3A_149 : vector<2x1x1xf32> to vector<2x128x128xf32>
      %eq3A_151 = arith.cmpf oeq, %min3A_142, %eq3A_150 : vector<2x128x128xf32>
      %broadcast_in_dim3A_152 = vector.shape_cast %broadcast_in_dim3A : vector<1x128x128xi32> to vector<1x128x128xi32>
      %broadcast_in_dim3A_153 = vector.broadcast %broadcast_in_dim3A_152 : vector<1x128x128xi32> to vector<2x128x128xi32>
      %broadcast_in_dim3A_154 = vector.broadcast %scan3A : i32 to vector<2x128x128xi32>
      %select_n3A_155 = arith.select %eq3A_151, %broadcast_in_dim3A_153, %broadcast_in_dim3A_154 : vector<2x128x128xi1>, vector<2x128x128xi32>
      %reduce_min3A_156 = arith.constant dense<2147483647> : vector<2xi32>
      %reduce_min3A_157 = vector.multi_reduction <minsi>, %select_n3A_155, %reduce_min3A_156 [1, 2] : vector<2x128x128xi32> to vector<2xi32>
      %broadcast_in_dim3A_158 = vector.shape_cast %reduce_min3A_157 : vector<2xi32> to vector<2x1x1xi32>
      scf.yield %broadcast_in_dim3A_100, %broadcast_in_dim3A_158, %add3A_49 : vector<2x1x1xi32>, vector<2x1x1xi32>, vector<4x1024xi32>
    }
    %scan3A_35 = arith.constant 1024 : i32
    %swap3A_36 = arith.constant 0 : index
    %swap3A_37 = arith.constant 0 : index
    %swap3A_38 = vector.load %arg1[%swap3A_36, %swap3A_37] : memref<4x1024xi32, #tpu.memory_space<vmem>>, vector<4x1024xi32>
    tpu.vector_store %arg1[%swap3A_36, %swap3A_37], %scan3A_34#2 {strides = array<i32>} : memref<4x1024xi32, #tpu.memory_space<vmem>>, vector<4x1024xi32>,
    return
  }
}

</mosaic_0001>

<sc_bundles>
// kernel: kernel.4.cloned.1.call-start
scs
__scs_entry_jumppad:
0x0: {  	(pc) =	sbr.rel $0x88, $3  }
0x1: {  	(tag) =	ssettag $0x0;
	lr =	simm.s32 $0x1  }
0x2: {  	[smem:$0x3F9E] =	sst lr;
	_ =	strace $0xD0000000  }
0x3: {  	_ = 	snop  }
0x4: {  	_ = 	snop  }
0x5: {  	_ = 	snop  }
0x6: {  	_ = 	snop  }
0x7: {  	_ = 	snop  }
__scs_overlays_trampoline_lowered:
0x8: {  	[smem:$0x3FAD] =	sst s0  }
0x9: {  	[smem:$0x3FAE] =	sst s1  }
0xa: {  	[smem:$0x3FAF] =	sst s2  }
0xb: {  	[smem:$0x3FB0] =	sst s3  }
0xc: {  	[smem:$0x3FB1] =	sst s4  }
0xd: {  	[smem:$0x3FB2] =	sst s5  }
0xe: {  	[smem:$0x3FB3] =	sst s6  }
0xf: {  	[smem:$0x3FB4] =	sst s7  }
0x10: {  	[smem:$0x3FB5] =	sst s8  }
0x11: {  	[smem:$0x3FB6] =	sst s9;
	s0 =	simm.s32 @!p0 $0x0  }
0x12: {  	s1 =	sld [smem:$0x3F9C];
	s0 =	simm.s32 @p0 $0x1  }
0x13: {  	[smem:$0x3FB7] =	sst s0;
	s0 =	simm.s32 @!p1 $0x0  }
0x14: {  	s2 =	sld [smem:$0x3F9B];
	s0 =	simm.s32 @p1 $0x1  }
0x15: {  	[smem:$0x3FB8] =	sst s0;
	s0 =	simm.s32 @!p2 $0x0  }
0x16: {  	s3 =	sld [smem:$0x3FDB];
	s0 =	simm.s32 @p2 $0x1  }
0x17: {  	s4 =	simm.s32 $0x1BF5;
	[smem:$0x3FBA] =	sst s0  }
0x18: {  	s0 =	sld [smem:$0x3F9D];
	_ =	swait.ge [sflag:s4], $0x0  }
0x19: {  	s7 =	sld [smem:$0x3F9E]  }
0x1a: {  	s8 =	sadd.s32 $0xFFFFE003, lr  }
0x1b: {  	s9 =	sadd.s32 $0xFFFFFEF7, lr;
	s5 =	simm.s32 $0xFFFFFFFF;
	p2 =	slt.u32 s8, $0xFFFFF086  }
0x1c: {  	p1 =	slt.u32 s9, $0xF7A;
	s5 =	simm.s32 @!p2 $0x0  }
0x1d: {  	s5 =	simm.s32 @p1 $0x1;
	p0 =	seq.s32 s7, s2  }
0x1e: {  	s7 =	smul.u32 @!p0 $0xF7A, s2;
	p2 =	seq.s32 @!p0 s5, $0x0  }
0x1f: {  	s9 =	smul.u32 $0xF7A, s1;
	s8 =	simm.s32 @!p0 $0x1BF5;
	p2 =	por !p2, p0  }
0x20: {  	[sflag:s8] =	ssyncset.s32 @!p0 $0xFFFFF086;
	s6 =	sadd.s32 @!p0 s3, s7;
	s7 =	simm.s32 @!p0 $0x108  }
0x21: {  	s3 =	sadd.s32 s3, s9;
	s6 =	sadd.s32 @!p0 $0x88, s6;
	s7 =	simm.s32 @p2 $0x1082  }
0x22: {  	[simem:s7], [sflag:s8] =	dma.local @!p0 [hbm:s6], $0xF7A  }
0x23: {  	s9 =	sor.u32 $0xD0000000, s2;
	s6 =	simm.s32 $0x108;
	_ =	swait.ge @!p0 [sflag:s8], $0x0  }
0x24: {  	s3 =	sadd.s32 $0x88, s3;
	s6 =	simm.s32 @!p1 $0x1082;
	[sflag:s4] =	ssyncset.s32 $0xFFFFF086  }
0x25: {  	[simem:s6], [sflag:s4] =	dma.local [hbm:s3], $0xF7A  }
0x26: {  	[smem:$0x3F9E] =	sst s1;
	(tag) =	ssettag s2;
	_ =	strace s9  }
0x27: {  	s1 =	sld [smem:$0x3FAE]  }
0x28: {  	s2 =	sld [smem:$0x3FAF]  }
0x29: {  	s4 =	sld [smem:$0x3FB1]  }
0x2a: {  	p0 =	seq.s32 s5, $0x0;
	s5 =	sld [smem:$0x3FB2]  }
0x2b: {  	s6 =	sld [smem:$0x3FB3]  }
0x2c: {  	s7 =	sld [smem:$0x3FB4]  }
0x2d: {  	s3 =	simm.s32 $0x108;
	s8 =	sld [smem:$0x3FB5]  }
0x2e: {  	s3 =	simm.s32 @!p0 $0x1082;
	s9 =	sld [smem:$0x3FB6]  }
0x2f: {  	lr =	sadd.s32 s0, s3;
	s0 =	sld [smem:$0x3FAD]  }
0x30: {  	s3 =	sld [smem:$0x3FB0]  }
0x31: {  	[smem:$0x3FB9] =	sst s10  }
0x32: {  	s10 =	sld [smem:$0x3FB7];
	_ =	sdelay $0x3  }
0x33: {  	p0 =	seq.s32 s10, $0x1;
	s10 =	sld [smem:$0x3FB9];
	_ =	sdelay $0x3  }
0x34: {  	[smem:$0x3FB9] =	sst s10  }
0x35: {  	s10 =	sld [smem:$0x3FB8];
	_ =	sdelay $0x3  }
0x36: {  	p1 =	seq.s32 s10, $0x1;
	s10 =	sld [smem:$0x3FB9];
	_ =	sdelay $0x3  }
0x37: {  	[smem:$0x3FB9] =	sst s10  }
0x38: {  	s10 =	sld [smem:$0x3FBA]  }
0x39: {  	_ = 	snop;
	(pc) =	sbr.ind lr, $3  }
0x3a: {  	_ = 	snop  }
0x3b: {  	_ = 	snop  }
0x3c: {  	p2 =	seq.s32 s10, $0x1;
	s10 =	sld [smem:$0x3FB9]  }
0x3d: {  	_ =	shalt  }
0x3e: {  	_ =	shalt  }
0x3f: {  	_ =	shalt  }
0x40: {  	_ =	shalt  }
0x41: {  	_ =	shalt  }
0x42: {  	_ =	shalt  }
0x43: {  	_ =	shalt  }
0x44: {  	_ =	shalt  }
0x45: {  	_ =	shalt  }
0x46: {  	_ =	shalt  }
0x47: {  	_ =	shalt  }
0x48: {  	_ =	shalt  }
0x49: {  	_ =	shalt  }
0x4a: {  	_ =	shalt  }
0x4b: {  	_ =	shalt  }
0x4c: {  	_ =	shalt  }
0x4d: {  	_ =	shalt  }
0x4e: {  	_ =	shalt  }
0x4f: {  	_ =	shalt  }
0x50: {  	_ =	shalt  }
0x51: {  	_ =	shalt  }
0x52: {  	_ =	shalt  }
0x53: {  	_ =	shalt  }
0x54: {  	_ =	shalt  }
0x55: {  	_ =	shalt  }
0x56: {  	_ =	shalt  }
0x57: {  	_ =	shalt  }
0x58: {  	_ =	shalt  }
0x59: {  	_ =	shalt  }
0x5a: {  	_ =	shalt  }
0x5b: {  	_ =	shalt  }
0x5c: {  	_ =	shalt  }
0x5d: {  	_ =	shalt  }
0x5e: {  	_ =	shalt  }
0x5f: {  	_ =	shalt  }
0x60: {  	_ =	shalt  }
0x61: {  	_ =	shalt  }
0x62: {  	_ =	shalt  }
0x63: {  	_ =	shalt  }
0x64: {  	_ =	shalt  }
0x65: {  	_ =	shalt  }
0x66: {  	_ =	shalt  }
0x67: {  	_ =	shalt  }
0x68: {  	_ =	shalt  }
0x69: {  	_ =	shalt  }
0x6a: {  	_ =	shalt  }
0x6b: {  	_ =	shalt  }
0x6c: {  	_ =	shalt  }
0x6d: {  	_ =	shalt  }
0x6e: {  	_ =	shalt  }
0x6f: {  	_ =	shalt  }
0x70: {  	_ =	shalt  }
0x71: {  	_ =	shalt  }
0x72: {  	_ =	shalt  }
0x73: {  	_ =	shalt  }
0x74: {  	_ =	shalt  }
0x75: {  	_ =	shalt  }
0x76: {  	_ =	shalt  }
0x77: {  	_ =	shalt  }
0x78: {  	_ =	shalt  }
0x79: {  	_ =	shalt  }
0x7a: {  	_ =	shalt  }
0x7b: {  	_ =	shalt  }
0x7c: {  	_ =	shalt  }
0x7d: {  	_ =	shalt  }
0x7e: {  	_ =	shalt  }
0x7f: {  	_ =	shalt  }
0x80: {  	_ =	shalt  }
0x81: {  	_ =	shalt  }
0x82: {  	_ =	shalt  }
0x83: {  	_ =	shalt  }
0x84: {  	_ =	shalt  }
0x85: {  	_ =	shalt  }
0x86: {  	_ =	shalt  }
0x87: {  	_ =	shalt  }
.Lfunc_end0:
.L_simem_size_0:
called_computation.1_lowered:
.L_overlay_start_0:
0x88: {  	s2 =	sld [smem:$0x3FD9]  }
0x89: {  	s3 =	sld [smem:$0x3FFE];
	_ =	sdelay $0x1  }
0x8a: {  	s1 =	srdreg.scid  }
0x8b: {  	s0 =	sand.u32 $0x1, s1  }
0x8c: {  	s14 =	sshll.u32 s0, $0xA;
	s2 =	sadd.s32 s3, s2  }
0x8d: {  	s2 =	sadd.s32 s2, s14  }
0x8e: {  	[smem:$0x3FC5] =	sst s2  }
0x8f: {  	_ = 	snop  }
0x90: {  	s2 =	sld [smem:$0x3FD0];
	_ =	sdelay $0x2  }
0x91: {  	s4 =	simm.s32 $0xA;
	s5 =	simm.s32 $0x10;
	s15 =	sld [smem:$0x3FC7]  }
0x92: {  	[smem:s5], [sflag:s4] =	dma.local [hbm:s2], $0x1  }
0x93: {  	_ =	swait.eq [sflag:s4], $0x1  }
0x94: {  	s16 =	sld [smem:$0x10];
	[sflag:s4] =	ssyncset.done $0x0  }
0x95: {  	s17 =	sld [smem:$0x12];
	[sflag:s4] =	ssyncadd.s32 $0xFFFFFFFF  }
0x96: {  	s18 =	sld [smem:$0x13];
	(tm) =	ssettm $0x1  }
0x97: {  	s6 =	sld [smem:$0x3FFB];
	_ =	sdelay $0x3  }
0x98: {  	_ =	strace s6  }
0x99: {  	s6 =	sld [smem:$0x3FFC];
	_ =	sdelay $0x3  }
0x9a: {  	_ =	strace s6  }
0x9b: {  	s6 =	sld [smem:$0x3FFD];
	_ =	sdelay $0x3  }
0x9c: {  	_ =	strace s6  }
0x9d: {  	_ =	strace $0x8FFFFFFF  }
0x9e: {  	s19 =	sld [smem:$0x3FDB];
	_ =	sdelay $0x1  }
0x9f: {  	s7 =	simm.s32 $_scs_section_size  }
0xa0: {  	s8 =	simm.s32 $_size__tile_overlayer_lowered;
	s9 =	simm.s32 $_tile_overlayer_lowered  }
0xa1: {  	s22 =	simm.s32 $0x1BFF;
	s21 =	sshll.u32 s9, $0x1;
	s6 =	sadd.s32 s7, s19  }
0xa2: {  	s10 =	simm.s32 $0x0;
	s20 =	sshll.u32 s8, $0x1;
	s8 =	sadd.s32 s21, s6  }
0xa3: {  	[timem:s10], [sflag:s22] =	dma.local [hbm:s8], s20  }
0xa4: {  	_ =	swait.ge [sflag:s22], s20  }
0xa5: {  	s7 =	ssub.s32 $0x0, s20;
	[sflag:s22] =	ssyncset.done $0x0  }
0xa6: {  	[sflag:s22] =	ssyncadd.s32 s7;
	_ =	sdelay $0x1  }
0xa7: {  	s23 =	simm.s32 $0x1B8B  }
0xa8: {  	_ =	swait.ge [sflag:s23], $0x1  }
0xa9: {  	[sflag:s23] =	ssyncset.done $0x0  }
0xaa: {  	s25 =	simm.s32 $0x1B8E;
	s24 =	sld [smem:$0x3FFE];
	[sflag:s23] =	ssyncadd.s32 $0xFFFFFFFF  }
0xab: {  	s26 =	simm.s32 $execute0_lowered;
	[smem:$0x3FD2] =	sst s25  }
0xac: {  	s8 =	sshll.u32 s26, $0x1;
	_ =	strace $0x80000046;
	[dreg:$0x1] =	wrdreg $0xFFFFFFFF  }
0xad: {  	s28 =	simm.s32 $_size_execute0_lowered;
	s6 =	sadd.s32 s6, s8;
	[dreg:$0x0] =	wrdreg $0x0  }
0xae: {  	s8 =	sshll.u32 s28, $0x1;
	[dreg:$0x2] =	wrdreg s6  }
0xaf: {  	[dreg:$0x3] =	wrdreg s8  }
0xb0: {  	[dreg:$0x4] =	wrdreg $0xC0  }
0xb1: {  	_ =	task [dreg:s10], $0x5FFFF  }
0xb2: {  	[dreg:$0x1] =	wrdreg $0xFFFFFFFF  }
0xb3: {  	[dreg:$0x0] =	wrdreg $0x60  }
0xb4: {  	[dreg:$0x2] =	wrdreg s24  }
0xb5: {  	[dreg:$0x3] =	wrdreg s18  }
0xb6: {  	[dreg:$0x4] =	wrdreg s15  }
0xb7: {  	[dreg:$0x5] =	wrdreg s16  }
0xb8: {  	[dreg:$0x6] =	wrdreg s17  }
0xb9: {  	[dreg:$0x7] =	wrdreg $0x9  }
0xba: {  	_ =	task.clear_ibuf [dreg:s10], $0x8FFFF;
	_ =	strace $0x90000046  }
0xbb: {  	s29 =	simm.s32 $0x9;
	_ =	strace $0x80000048  }
0xbc: {  	_ =	swait.ge [sflag:s29], $0x1  }
0xbd: {  	[sflag:s29] =	ssyncadd.s32 $0xFFFFFFFF  }
0xbe: {  	_ =	strace $0x90000048  }
0xbf: {  	_ =	sfence  }
0xc0: {  	s30 =	sld [smem:$0x0];
	_ =	sdelay $0x2  }
0xc1: {  	s31 =	sshll.u32 s1, $0xD;
	s1 =	sshrl.u32 s1, $0x2  }
0xc2: {  	s3 =	sand.u32 $0x4000, s31;
	s1 =	sadd.s32 s1, s30  }
0xc3: {  	s0 =	sor.u32 s3, s0;
	s1 =	sshll.u32 s1, $0x11  }
0xc4: {  	s0 =	sor.u32 s1, s0  }
0xc5: {  	s0 =	sadd.s32 $0x8F2B, s0  }
0xc6: {  	[sflag:s0] =	ssyncadd.remote.s32 $0x1  }
0xc7: {  	_ =	sfence.sel $0xFFFF  }
0xc8: {  	[dreg:$0x0] =	wrdreg $0xFFFFFFFF;
	(pc) =	sbr.abs _section_cstart, $3  }
0xc9: {  	[dreg:$0x1] =	wrdreg $0xFFFFFFFF  }
0xca: {  	_ =	task.clear_ibuf [dreg:s10], $0x2FFFF;
	_ =	strace $0x9FFFFFFF  }
0xcb: {  	(tm) =	ssettm $0x7FFFFFFF  }
tec
execute0_lowered:
.L_overlay_start_1:
0x0: {  	(tag) =	ssettag $0x1  }
0x1: {  	s0 =	rddreg [dreg:$0x0]  }
0x2: {  	s4 =	rddreg [dreg:$0x1]  }
0x3: {  	s1 =	rddreg [dreg:$0x2]  }
0x4: {  	s7 =	rddreg [dreg:$0x3];
	s3 =	simm.s32 $0x0  }
0x5: {  	[smem:$0x7FF] =	sst s3  }
0x6: {  	s2 =	rddreg [dreg:$0x4];
	v0 =	vimm.f32 $1.000000000e+00;
	_ =	strace $0x80000047  }
0x7: {  	(xrf0) =	vmin.scan.msk.f32 $0xffff, v0;
	_ =	sdelay $0x5  }
0x8: {  	v0, _, _ =	vpop (xrf0)  }
0x9: {  	s9 =	stileid.u32;
	s19 =	srdreg.scid;
	s15 =	simm.s32 $0x8000;
	(v2sf) =	vpush v0, $0xF  }
0xa: {  	s17 =	simm.s32 $0xC380;
	s18 =	simm.s32 $0xC500;
	s28 =	simm.s32 $0xC700  }
0xb: {  	s29 =	simm.s32 $0x0;
	s8 =	sadd.s32 $0x1200, s0;
	s5 =	sadd.s32 $0x7200, s0  }
0xc: {  	s6 =	sshll.u32 s9, $0x1;
	s0 =	sand.u32 $0x1, s19;
	s9 =	sshrl.u32 s9, $0x2  }
0xd: {  	s19 =	simm.s32 $0xC780;
	s6 =	sand.u32 $0x6, s6;
	s20 =	smul.u32 $0xC000, s9  }
0xe: {  	s10 =	ssub.s32 $0x2, s0;
	s12 =	sshll.u32 s9, $0xA;
	s13 =	smul.u32 $0x1800, s9  }
0xf: {  	v2 =	vimm.f32 $4.000000060e-01;
	s21 =	sshll.u32 s9, $0xE;
	s0 =	sor.u32 s0, s6;
	s11 =	sshrl.u32 s10, $0x1;
	v0 =	vlaneseq.u32  }
0x10: {  	(erf) = vrcp.f32 v2;
	v2 =	vmov s21;
	s21 =	simm.s32 $0xC680;
	s0 =	sshll.u32 s0, $0x7;
	s14 =	sshrl.u32 s20, $0x3;
	v1 =	vmul.u32 $0x3, v0  }
0x11: {  	v3 =	vimm.f32 $0.0e+00;
	vm0 =	vmmov $0x1;
	s23 =	ssub.s32 s10, s11;
	s20 =	simm.s32 $0x40;
	s6 =	sor.u32 s12, s0  }
0x12: {  	v28 =	vimm.s32 $0x0;
	s22 =	sadd.s32 s8, s14;
	s8 =	sadd.s32 s8, s13;
	s13 =	simm.s32 $0x3;
	v4 =	vadd.s32 $0x1, v1;
	v5 =	vadd.s32 $0x2, v1  }
0x13: {  	s14 =	simm.s32 $0x4000;
	s12 =	smul.u32 $0x3, s6;
	[dreg:$0x6] =	wrdreg s8;
	v6 =	vadd.s32 $0x30, v1;
	v7 =	vadd.s32 $0x31, v1;
	v8 =	vadd.s32 $0x32, v1  }
0x14: {  	s24 =	sadd.s32 $0x800, s22;
	s25 =	sadd.s32 $0x1000, s22;
	s26 =	sshrl.u32 s6, $0x3;
	v9 =	vadd.s32 $0x60, v1;
	v10 =	vadd.s32 $0x61, v1;
	v11 =	vadd.s32 $0x62, v1  }
.Ltmp0:
0x15: {  	s22 =	simm.s32 $0xC980;
	[dreg:$0x7] =	wrdreg s24;
	v12 =	vadd.s32 $0x90, v1;
	v13 =	vadd.s32 $0x91, v1;
	v14 =	vadd.s32 $0x92, v1;
	(pc) =	sbr.rel .LBB2_1-.Ltmp0, $4  }
0x16: {  	[dreg:$0x8] =	wrdreg s25;
	s0 =	sadd.s32 s4, s26;
	s24 =	simm.s32 $0xC880;
	v15 =	vor.u32 $0xC0, v1;
	v16 =	vadd.s32 $0xC1, v1;
	v17 =	vadd.s32 $0xC2, v1  }
0x17: {  	s25 =	simm.s32 $0x1;
	s26 =	simm.s32 $0x2;
	s30 =	sshrl.u32 s12, $0x3;
	v18 =	vadd.s32 $0xF0, v1;
	v19 =	vadd.s32 $0xF1, v1;
	v20 =	vadd.s32 $0xF2, v1  }
0x18: {  	[dreg:$0x9] =	wrdreg s0;
	s12 =	smax.u32 s23, $0x1;
	v21 =	vadd.s32 $0x120, v1;
	v22 =	vadd.s32 $0x121, v1;
	v23 =	vadd.s32 $0x122, v1;
	s31 =	spop (v2sf)  }
0x19: {  	s23 =	simm.s32 $0xE980;
	s11 =	sadd.s32 s7, s30;
	v26 =	vpop (erf);
	v24 =	vadd.s32 $0x150, v1;
	v25 =	vadd.s32 $0x151, v1;
	v27 =	vadd.s32 $0x152, v1;
	p0 =	sgt.f32 s31, $0.0e+00  }
.LBB2_15:
0x1a: {  	s29 =	sadd.s32 $0x1, s29  }
0x1b: {  	_ =	swait.ge [sflag:s26], $0x2000;
	p1 =	sne.s32 s29, s12  }
.Ltmp1:
0x1c: {  	[sflag:s26] =	ssyncset.done $0x0;
	(pc) =	sbr.rel @!p1 .LBB2_16-.Ltmp1, $4  }
0x1d: {  	[sflag:s26] =	ssyncadd.s32 $0xFFFFE000  }
0x1e: {  	_ =	swait.ge [sflag:s25], $0x2000  }
0x1f: {  	[sflag:s25] =	ssyncset.done $0x0  }
0x20: {  	[sflag:s25] =	ssyncadd.s32 $0xFFFFE000  }
.LBB2_1:
0x21: {  	s0 =	rddreg [dreg:$0x6]  }
0x22: {  	[tilespmem:s3], [sflag:$0x3] =	stream.linear.gather [hbm4b:s0+s3], $0x4000, $0x38;
	[tilespmem:$0x10980] =	vst v63  }
0x23: {  	_ =	swait.ge [sflag:s13], $0x4000  }
0x24: {  	[sflag:s13] =	ssyncset.done $0x0  }
0x25: {  	s16 =	rddreg [dreg:$0x7];
	[sflag:s13] =	ssyncadd.s32 $0xFFFFC000  }
0x26: {  	[tilespmem:s14], [sflag:$0x3] =	stream.linear.gather [hbm4b:s16+s3], $0x4000, $0x38;
	[tilespmem:$0x10980] =	vst v63  }
0x27: {  	_ =	swait.ge [sflag:s13], $0x4000  }
0x28: {  	[sflag:s13] =	ssyncset.done $0x0  }
0x29: {  	s30 =	rddreg [dreg:$0x8];
	[sflag:s13] =	ssyncadd.s32 $0xFFFFC000  }
0x2a: {  	[tilespmem:s15], [sflag:$0x3] =	stream.linear.gather [hbm4b:s30+s3], $0x4000, $0x38;
	[tilespmem:$0x10980] =	vst v63  }
0x2b: {  	_ =	swait.ge [sflag:s13], $0x4000  }
0x2c: {  	[sflag:s13] =	ssyncset.done $0x0  }
0x2d: {  	s4 =	simm.s32 $0xC000;
	s31 =	rddreg [dreg:$0x9];
	[sflag:s13] =	ssyncadd.s32 $0xFFFFC000  }
0x2e: {  	[tilespmem:s4], [sflag:$0x3] =	stream.linear.gather [hbm4b:s31+s3], $0x80, $0x38;
	[tilespmem:$0x10980] =	vst v63  }
0x2f: {  	_ =	swait.ge [sflag:s13], $0x80  }
0x30: {  	[sflag:s13] =	ssyncset.done $0x0  }
0x31: {  	[sflag:s13] =	ssyncadd.s32 $0xFFFFFF80  }
0x32: {  	v29 =	vld [tilespmem:$0xC000];
	_ =	sdelay $0x4  }
0x33: {  	[tilespmem:$0xC100] =	vst v3  }
0x34: {  	[tilespmem:$0xC200] =	vst v3  }
0x35: {  	[tilespmem:$0xC300] =	vst v3  }
0x36: {  	v30 =	vld.idx.msk [tilespmem:v29+s3+$0x0], $0xffff  }
0x37: {  	v31 =	vld.idx.msk [tilespmem:v29+s14+$0x0], $0xffff  }
0x38: {  	v29 =	vld.idx.msk [tilespmem:v29+s15+$0x0], $0xffff;
	_ =	sdelay $0x2  }
0x39: {  	[tilespmem:$0xC080] =	vst v30  }
0x3a: {  	[tilespmem:$0xC180] =	vst v31  }
0x3b: {  	[tilespmem:$0xC280] =	vst v29  }
0x3c: {  	[tilespmem:v1+s17+$0x0] =	vst.idx.msk $0xffff, v30  }
0x3d: {  	[tilespmem:v4+s17+$0x0] =	vst.idx.msk $0xffff, v31  }
0x3e: {  	[tilespmem:v5+s17+$0x0] =	vst.idx.msk $0xffff, v29  }
0x3f: {  	v29 =	vld [tilespmem:$0xC010];
	_ =	sdelay $0x7  }
0x40: {  	v30 =	vld.idx.msk [tilespmem:v29+s3+$0x0], $0xffff  }
0x41: {  	v31 =	vld.idx.msk [tilespmem:v29+s14+$0x0], $0xffff  }
0x42: {  	v29 =	vld.idx.msk [tilespmem:v29+s15+$0x0], $0xffff;
	_ =	sdelay $0x2  }
0x43: {  	[tilespmem:$0xC090] =	vst v30  }
0x44: {  	[tilespmem:$0xC190] =	vst v31  }
0x45: {  	[tilespmem:$0xC290] =	vst v29  }
0x46: {  	[tilespmem:v6+s17+$0x0] =	vst.idx.msk $0xffff, v30  }
0x47: {  	[tilespmem:v7+s17+$0x0] =	vst.idx.msk $0xffff, v31  }
0x48: {  	[tilespmem:v8+s17+$0x0] =	vst.idx.msk $0xffff, v29  }
0x49: {  	v29 =	vld [tilespmem:$0xC020];
	_ =	sdelay $0x7  }
0x4a: {  	v30 =	vld.idx.msk [tilespmem:v29+s3+$0x0], $0xffff  }
0x4b: {  	v31 =	vld.idx.msk [tilespmem:v29+s14+$0x0], $0xffff  }
0x4c: {  	v29 =	vld.idx.msk [tilespmem:v29+s15+$0x0], $0xffff;
	_ =	sdelay $0x2  }
0x4d: {  	[tilespmem:$0xC0A0] =	vst v30  }
0x4e: {  	[tilespmem:$0xC1A0] =	vst v31  }
0x4f: {  	[tilespmem:$0xC2A0] =	vst v29  }
0x50: {  	[tilespmem:v9+s17+$0x0] =	vst.idx.msk $0xffff, v30  }
0x51: {  	[tilespmem:v10+s17+$0x0] =	vst.idx.msk $0xffff, v31  }
0x52: {  	[tilespmem:v11+s17+$0x0] =	vst.idx.msk $0xffff, v29  }
0x53: {  	v29 =	vld [tilespmem:$0xC030];
	_ =	sdelay $0x7  }
0x54: {  	v30 =	vld.idx.msk [tilespmem:v29+s3+$0x0], $0xffff  }
0x55: {  	v31 =	vld.idx.msk [tilespmem:v29+s14+$0x0], $0xffff  }
0x56: {  	v29 =	vld.idx.msk [tilespmem:v29+s15+$0x0], $0xffff;
	_ =	sdelay $0x2  }
0x57: {  	[tilespmem:$0xC0B0] =	vst v30  }
0x58: {  	[tilespmem:$0xC1B0] =	vst v31  }
0x59: {  	[tilespmem:$0xC2B0] =	vst v29  }
0x5a: {  	[tilespmem:v12+s17+$0x0] =	vst.idx.msk $0xffff, v30  }
0x5b: {  	[tilespmem:v13+s17+$0x0] =	vst.idx.msk $0xffff, v31  }
0x5c: {  	[tilespmem:v14+s17+$0x0] =	vst.idx.msk $0xffff, v29  }
0x5d: {  	v29 =	vld [tilespmem:$0xC040];
	_ =	sdelay $0x7  }
0x5e: {  	v30 =	vld.idx.msk [tilespmem:v29+s3+$0x0], $0xffff  }
0x5f: {  	v31 =	vld.idx.msk [tilespmem:v29+s14+$0x0], $0xffff  }
0x60: {  	v29 =	vld.idx.msk [tilespmem:v29+s15+$0x0], $0xffff;
	_ =	sdelay $0x2  }
0x61: {  	[tilespmem:$0xC0C0] =	vst v30  }
0x62: {  	[tilespmem:$0xC1C0] =	vst v31  }
0x63: {  	[tilespmem:$0xC2C0] =	vst v29  }
0x64: {  	[tilespmem:v15+s17+$0x0] =	vst.idx.msk $0xffff, v30  }
0x65: {  	[tilespmem:v16+s17+$0x0] =	vst.idx.msk $0xffff, v31  }
0x66: {  	[tilespmem:v17+s17+$0x0] =	vst.idx.msk $0xffff, v29  }
0x67: {  	v29 =	vld [tilespmem:$0xC050];
	_ =	sdelay $0x7  }
0x68: {  	v30 =	vld.idx.msk [tilespmem:v29+s3+$0x0], $0xffff  }
0x69: {  	v31 =	vld.idx.msk [tilespmem:v29+s14+$0x0], $0xffff  }
0x6a: {  	v29 =	vld.idx.msk [tilespmem:v29+s15+$0x0], $0xffff;
	_ =	sdelay $0x2  }
0x6b: {  	[tilespmem:$0xC0D0] =	vst v30  }
0x6c: {  	[tilespmem:$0xC1D0] =	vst v31  }
0x6d: {  	[tilespmem:$0xC2D0] =	vst v29  }
0x6e: {  	[tilespmem:v18+s17+$0x0] =	vst.idx.msk $0xffff, v30  }
0x6f: {  	[tilespmem:v19+s17+$0x0] =	vst.idx.msk $0xffff, v31  }
0x70: {  	[tilespmem:v20+s17+$0x0] =	vst.idx.msk $0xffff, v29  }
0x71: {  	v29 =	vld [tilespmem:$0xC060];
	_ =	sdelay $0x7  }
0x72: {  	v30 =	vld.idx.msk [tilespmem:v29+s3+$0x0], $0xffff  }
0x73: {  	v31 =	vld.idx.msk [tilespmem:v29+s14+$0x0], $0xffff  }
0x74: {  	v29 =	vld.idx.msk [tilespmem:v29+s15+$0x0], $0xffff;
	_ =	sdelay $0x2  }
0x75: {  	[tilespmem:$0xC0E0] =	vst v30  }
0x76: {  	[tilespmem:$0xC1E0] =	vst v31  }
0x77: {  	[tilespmem:$0xC2E0] =	vst v29  }
0x78: {  	[tilespmem:v21+s17+$0x0] =	vst.idx.msk $0xffff, v30  }
0x79: {  	[tilespmem:v22+s17+$0x0] =	vst.idx.msk $0xffff, v31  }
0x7a: {  	[tilespmem:v23+s17+$0x0] =	vst.idx.msk $0xffff, v29  }
0x7b: {  	v29 =	vld [tilespmem:$0xC070];
	_ =	sdelay $0x7  }
0x7c: {  	v30 =	vld.idx.msk [tilespmem:v29+s3+$0x0], $0xffff  }
0x7d: {  	v31 =	vld.idx.msk [tilespmem:v29+s14+$0x0], $0xffff  }
0x7e: {  	v29 =	vld.idx.msk [tilespmem:v29+s15+$0x0], $0xffff;
	_ =	sdelay $0x2  }
0x7f: {  	[tilespmem:$0xC0F0] =	vst v30  }
0x80: {  	[tilespmem:$0xC1F0] =	vst v31  }
0x81: {  	[tilespmem:$0xC2F0] =	vst v29  }
0x82: {  	[tilespmem:v24+s17+$0x0] =	vst.idx.msk $0xffff, v30  }
0x83: {  	[tilespmem:v25+s17+$0x0] =	vst.idx.msk $0xffff, v31  }
0x84: {  	[tilespmem:v27+s17+$0x0] =	vst.idx.msk $0xffff, v29  }
0x85: {  	[hbm4b:s11+s3] =	stream.linear.scatter [tilespmem:s17], [sflag:$0x3], $0x180, $0x38;
	[tilespmem:$0x10980] =	vst v63  }
0x86: {  	_ =	swait.ge [sflag:s13], $0x180  }
0x87: {  	[sflag:s13] =	ssyncset.done $0x0  }
0x88: {  	[sflag:s13] =	ssyncadd.s32 $0xFFFFFE80  }
0x89: {  	v29 =	vld [tilespmem:$0xC080]  }
0x8a: {  	v30 =	vld [tilespmem:$0xC180]  }
0x8b: {  	v31 =	vld [tilespmem:$0xC280];
	_ =	sdelay $0x2  }
0x8c: {  	v29 =	vnsel vm0, $0x0, v29  }
0x8d: {  	(xrf2) =	vadd.scan.msk.f32 $0xffff, v29;
	v29 =	vnsel vm0, $0x0, v30  }
0x8e: {  	(xrf2) =	vadd.scan.msk.f32 $0xffff, v29;
	v29 =	vnsel vm0, $0x0, v31  }
0x8f: {  	(xrf2) =	vadd.scan.msk.f32 $0xffff, v29;
	_ =	sdelay $0x6  }
.Ltmp2:
0x90: {  	_ = 	snop;
	(pc) =	sbr.rel @!p0 .LBB2_5-.Ltmp2, $4  }
0x91: {  	v29, _, _ =	vpop (xrf2)  }
0x92: {  	v30, _, _ =	vpop (xrf2)  }
0x93: {  	v33 =	vbroadcast v29, $0xF;
	v31, _, _ =	vpop (xrf2)  }
0x94: {  	v29 =	vimm.s32 $0x80000000;
	v34 =	vbroadcast v30, $0xF;
	v32 =	vbroadcast v31, $0xF  }
0x95: {  	s0 =	simm.s32 $0xF0;
	s4 =	simm.s32 $0x8080  }
0x96: {  	s16 =	simm.s32 $0x4080;
	s30 =	simm.s32 $0x80;
	v29 =	vimm.s32 $0x0;
	s7 =	simm.s32 $0x0  }
.LBB2_3:
0x97: {  	v30 =	vld [tilespmem:s30+$0xFFFFFF80]  }
0x98: {  	v31 =	vld [tilespmem:s16+$0xFFFFFF80];
	_ =	sdelay $0x1  }
0x99: {  	v35 =	vld [tilespmem:s4+$0xFFFFFF80];
	_ =	sdelay $0x2  }
0x9a: {  	v30 =	vsub.f32 v30, v33;
	v31 =	vsub.f32 v31, v34;
	_ =	sdelay $0x1  }
0x9b: {  	v35 =	vsub.f32 v35, v32;
	v30 =	vmul.f32 v30, v30;
	v31 =	vmul.f32 v31, v31;
	_ =	sdelay $0x1  }
0x9c: {  	v30 =	vadd.f32 v31, v30;
	v31 =	vmul.f32 v35, v35;
	_ =	sdelay $0x1  }
0x9d: {  	v30 =	vadd.f32 v31, v30;
	_ =	sdelay $0x1  }
0x9e: {  	vm1 =	vle.f32 v30, $1.599999960e-01  }
0x9f: {  	v30 =	vsel vm1, $0x1, v28  }
0xa0: {  	(xrf0) =	vadd.scan.msk.s32 $0xffff, v30;
	_ =	sdelay $0x5  }
0xa1: {  	v29 =	vadd.s32 $0xFFFFFFFF, v29;
	v30, _, _ =	vpop (xrf0)  }
0xa2: {  	v30 =	vadd.s32 v29, v30;
	_ =	sdelay $0x2  }
0xa3: {  	s8 =	sadd.s32 $0xFFFFFF10, s0  }
0xa4: {  	v31 =	vor.u32 s8, v0  }
0xa5: {  	[tilespmem:v30+s18+$0x0] =	vst.idx.msk vm1, v31  }
0xa6: {  	v30 =	vld [tilespmem:s30+$0xFFFFFF90]  }
0xa7: {  	v31 =	vld [tilespmem:s16+$0xFFFFFF90];
	_ =	sdelay $0x1  }
0xa8: {  	v48 =	vld [tilespmem:s4+$0xFFFFFF90];
	_ =	sdelay $0x2  }
0xa9: {  	v30 =	vsub.f32 v30, v33;
	v31 =	vsub.f32 v31, v34;
	_ =	sdelay $0x1  }
0xaa: {  	v35 =	vsub.f32 v48, v32;
	v30 =	vmul.f32 v30, v30;
	v31 =	vmul.f32 v31, v31;
	_ =	sdelay $0x1  }
0xab: {  	v30 =	vadd.f32 v31, v30;
	v31 =	vmul.f32 v35, v35;
	_ =	sdelay $0x1  }
0xac: {  	v30 =	vadd.f32 v31, v30;
	_ =	sdelay $0x1  }
0xad: {  	vm2 =	vle.f32 v30, $1.599999960e-01  }
0xae: {  	v30 =	vsel vm2, $0x1, v28  }
0xaf: {  	(xrf0) =	vadd.scan.msk.s32 $0xffff, v30;
	_ =	sdelay $0x1  }
0xb0: {  	v30 =	vmpcnt.ones.xlane vm1;
	_ =	sdelay $0x3  }
0xb1: {  	v29 =	vadd.s32 v29, v30;
	v30, _, _ =	vpop (xrf0)  }
0xb2: {  	v30 =	vadd.s32 v29, v30;
	_ =	sdelay $0x2  }
0xb3: {  	s10 =	sadd.s32 $0xFFFFFF20, s0  }
0xb4: {  	v31 =	vor.u32 s10, v0  }
0xb5: {  	[tilespmem:v30+s18+$0x0] =	vst.idx.msk vm2, v31  }
0xb6: {  	v30 =	vld [tilespmem:s30+$0xFFFFFFA0]  }
0xb7: {  	v31 =	vld [tilespmem:s16+$0xFFFFFFA0];
	_ =	sdelay $0x1  }
0xb8: {  	v49 =	vld [tilespmem:s4+$0xFFFFFFA0];
	_ =	sdelay $0x2  }
0xb9: {  	v30 =	vsub.f32 v30, v33;
	v31 =	vsub.f32 v31, v34;
	_ =	sdelay $0x1  }
0xba: {  	v35 =	vsub.f32 v49, v32;
	v30 =	vmul.f32 v30, v30;
	v31 =	vmul.f32 v31, v31;
	_ =	sdelay $0x1  }
0xbb: {  	v30 =	vadd.f32 v31, v30;
	v31 =	vmul.f32 v35, v35;
	_ =	sdelay $0x1  }
0xbc: {  	v30 =	vadd.f32 v31, v30;
	_ =	sdelay $0x1  }
0xbd: {  	vm1 =	vle.f32 v30, $1.599999960e-01  }
0xbe: {  	v30 =	vsel vm1, $0x1, v28  }
0xbf: {  	(xrf0) =	vadd.scan.msk.s32 $0xffff, v30;
	_ =	sdelay $0x1  }
0xc0: {  	v30 =	vmpcnt.ones.xlane vm2;
	_ =	sdelay $0x3  }
0xc1: {  	v29 =	vadd.s32 v29, v30;
	v30, _, _ =	vpop (xrf0)  }
0xc2: {  	v30 =	vadd.s32 v29, v30;
	_ =	sdelay $0x2  }
0xc3: {  	s31 =	sadd.s32 $0xFFFFFF30, s0  }
0xc4: {  	v31 =	vor.u32 s31, v0  }
0xc5: {  	[tilespmem:v30+s18+$0x0] =	vst.idx.msk vm1, v31  }
0xc6: {  	v30 =	vld [tilespmem:s30+$0xFFFFFFB0]  }
0xc7: {  	v31 =	vld [tilespmem:s16+$0xFFFFFFB0];
	_ =	sdelay $0x1  }
0xc8: {  	v50 =	vld [tilespmem:s4+$0xFFFFFFB0];
	_ =	sdelay $0x2  }
0xc9: {  	v30 =	vsub.f32 v30, v33;
	v31 =	vsub.f32 v31, v34;
	_ =	sdelay $0x1  }
0xca: {  	v35 =	vsub.f32 v50, v32;
	v30 =	vmul.f32 v30, v30;
	v31 =	vmul.f32 v31, v31;
	_ =	sdelay $0x1  }
0xcb: {  	v30 =	vadd.f32 v31, v30;
	v31 =	vmul.f32 v35, v35;
	_ =	sdelay $0x1  }
0xcc: {  	v30 =	vadd.f32 v31, v30;
	_ =	sdelay $0x1  }
0xcd: {  	vm2 =	vle.f32 v30, $1.599999960e-01  }
0xce: {  	v30 =	vsel vm2, $0x1, v28  }
0xcf: {  	(xrf0) =	vadd.scan.msk.s32 $0xffff, v30;
	_ =	sdelay $0x1  }
0xd0: {  	v30 =	vmpcnt.ones.xlane vm1;
	_ =	sdelay $0x3  }
0xd1: {  	v29 =	vadd.s32 v29, v30;
	v30, _, _ =	vpop (xrf0)  }
0xd2: {  	v30 =	vadd.s32 v29, v30;
	_ =	sdelay $0x2  }
0xd3: {  	s9 =	sadd.s32 $0xFFFFFF40, s0  }
0xd4: {  	v31 =	vor.u32 s9, v0  }
0xd5: {  	[tilespmem:v30+s18+$0x0] =	vst.idx.msk vm2, v31  }
0xd6: {  	v30 =	vld [tilespmem:s30+$0xFFFFFFC0]  }
0xd7: {  	v31 =	vld [tilespmem:s16+$0xFFFFFFC0];
	_ =	sdelay $0x1  }
0xd8: {  	v51 =	vld [tilespmem:s4+$0xFFFFFFC0];
	_ =	sdelay $0x2  }
0xd9: {  	v30 =	vsub.f32 v30, v33;
	v31 =	vsub.f32 v31, v34;
	_ =	sdelay $0x1  }
0xda: {  	v35 =	vsub.f32 v51, v32;
	v30 =	vmul.f32 v30, v30;
	v31 =	vmul.f32 v31, v31;
	_ =	sdelay $0x1  }
0xdb: {  	v30 =	vadd.f32 v31, v30;
	v31 =	vmul.f32 v35, v35;
	_ =	sdelay $0x1  }
0xdc: {  	v30 =	vadd.f32 v31, v30;
	_ =	sdelay $0x1  }
0xdd: {  	vm1 =	vle.f32 v30, $1.599999960e-01  }
0xde: {  	v30 =	vsel vm1, $0x1, v28  }
0xdf: {  	(xrf0) =	vadd.scan.msk.s32 $0xffff, v30;
	_ =	sdelay $0x1  }
0xe0: {  	v30 =	vmpcnt.ones.xlane vm2;
	_ =	sdelay $0x3  }
0xe1: {  	v29 =	vadd.s32 v29, v30;
	v30, _, _ =	vpop (xrf0)  }
0xe2: {  	v30 =	vadd.s32 v29, v30;
	_ =	sdelay $0x2  }
0xe3: {  	s10 =	sadd.s32 $0xFFFFFF50, s0  }
0xe4: {  	v31 =	vor.u32 s10, v0  }
0xe5: {  	[tilespmem:v30+s18+$0x0] =	vst.idx.msk vm1, v31  }
0xe6: {  	v30 =	vld [tilespmem:s30+$0xFFFFFFD0]  }
0xe7: {  	v31 =	vld [tilespmem:s16+$0xFFFFFFD0];
	_ =	sdelay $0x1  }
0xe8: {  	v52 =	vld [tilespmem:s4+$0xFFFFFFD0];
	_ =	sdelay $0x2  }
0xe9: {  	v30 =	vsub.f32 v30, v33;
	v31 =	vsub.f32 v31, v34;
	_ =	sdelay $0x1  }
0xea: {  	v35 =	vsub.f32 v52, v32;
	v30 =	vmul.f32 v30, v30;
	v31 =	vmul.f32 v31, v31;
	_ =	sdelay $0x1  }
0xeb: {  	v30 =	vadd.f32 v31, v30;
	v31 =	vmul.f32 v35, v35;
	_ =	sdelay $0x1  }
0xec: {  	v30 =	vadd.f32 v31, v30;
	_ =	sdelay $0x1  }
0xed: {  	vm2 =	vle.f32 v30, $1.599999960e-01  }
0xee: {  	v30 =	vsel vm2, $0x1, v28  }
0xef: {  	(xrf0) =	vadd.scan.msk.s32 $0xffff, v30;
	_ =	sdelay $0x1  }
0xf0: {  	v30 =	vmpcnt.ones.xlane vm1;
	_ =	sdelay $0x3  }
0xf1: {  	v29 =	vadd.s32 v29, v30;
	v30, _, _ =	vpop (xrf0)  }
0xf2: {  	v30 =	vadd.s32 v29, v30;
	_ =	sdelay $0x2  }
0xf3: {  	s31 =	sadd.s32 $0xFFFFFF60, s0  }
0xf4: {  	v31 =	vor.u32 s31, v0  }
0xf5: {  	[tilespmem:v30+s18+$0x0] =	vst.idx.msk vm2, v31  }
0xf6: {  	v30 =	vld [tilespmem:s30+$0xFFFFFFE0]  }
0xf7: {  	v31 =	vld [tilespmem:s16+$0xFFFFFFE0];
	_ =	sdelay $0x1  }
0xf8: {  	v53 =	vld [tilespmem:s4+$0xFFFFFFE0];
	_ =	sdelay $0x2  }
0xf9: {  	v30 =	vsub.f32 v30, v33;
	v31 =	vsub.f32 v31, v34;
	_ =	sdelay $0x1  }
0xfa: {  	v35 =	vsub.f32 v53, v32;
	v30 =	vmul.f32 v30, v30;
	v31 =	vmul.f32 v31, v31;
	_ =	sdelay $0x1  }
0xfb: {  	v30 =	vadd.f32 v31, v30;
	v31 =	vmul.f32 v35, v35;
	_ =	sdelay $0x1  }
0xfc: {  	v30 =	vadd.f32 v31, v30;
	_ =	sdelay $0x1  }
0xfd: {  	vm1 =	vle.f32 v30, $1.599999960e-01  }
0xfe: {  	v30 =	vsel vm1, $0x1, v28  }
0xff: {  	(xrf0) =	vadd.scan.msk.s32 $0xffff, v30;
	_ =	sdelay $0x1  }
0x100: {  	v30 =	vmpcnt.ones.xlane vm2;
	_ =	sdelay $0x3  }
0x101: {  	v29 =	vadd.s32 v29, v30;
	v30, _, _ =	vpop (xrf0)  }
0x102: {  	v30 =	vadd.s32 v29, v30;
	_ =	sdelay $0x2  }
0x103: {  	s9 =	sadd.s32 $0xFFFFFF70, s0  }
0x104: {  	v31 =	vor.u32 s9, v0  }
0x105: {  	[tilespmem:v30+s18+$0x0] =	vst.idx.msk vm1, v31  }
0x106: {  	v30 =	vld [tilespmem:s30+$0xFFFFFFF0]  }
0x107: {  	v31 =	vld [tilespmem:s16+$0xFFFFFFF0];
	_ =	sdelay $0x1  }
0x108: {  	v54 =	vld [tilespmem:s4+$0xFFFFFFF0];
	_ =	sdelay $0x2  }
0x109: {  	v30 =	vsub.f32 v30, v33;
	v31 =	vsub.f32 v31, v34;
	_ =	sdelay $0x1  }
0x10a: {  	v35 =	vsub.f32 v54, v32;
	v30 =	vmul.f32 v30, v30;
	v31 =	vmul.f32 v31, v31;
	_ =	sdelay $0x1  }
0x10b: {  	v30 =	vadd.f32 v31, v30;
	v31 =	vmul.f32 v35, v35;
	_ =	sdelay $0x1  }
0x10c: {  	v30 =	vadd.f32 v31, v30;
	_ =	sdelay $0x1  }
0x10d: {  	vm2 =	vle.f32 v30, $1.599999960e-01  }
0x10e: {  	v30 =	vsel vm2, $0x1, v28  }
0x10f: {  	(xrf0) =	vadd.scan.msk.s32 $0xffff, v30;
	_ =	sdelay $0x1  }
0x110: {  	v30 =	vmpcnt.ones.xlane vm1;
	_ =	sdelay $0x3  }
0x111: {  	v29 =	vadd.s32 v29, v30;
	v30, _, _ =	vpop (xrf0)  }
0x112: {  	v30 =	vadd.s32 v29, v30;
	_ =	sdelay $0x2  }
0x113: {  	s10 =	sadd.s32 $0xFFFFFF80, s0  }
0x114: {  	v31 =	vor.u32 s10, v0  }
0x115: {  	[tilespmem:v30+s18+$0x0] =	vst.idx.msk vm2, v31  }
0x116: {  	v30 =	vld [tilespmem:s30+$0x0]  }
0x117: {  	v31 =	vld [tilespmem:s16+$0x0];
	_ =	sdelay $0x1  }
0x118: {  	v55 =	vld [tilespmem:s4+$0x0];
	_ =	sdelay $0x2  }
0x119: {  	v30 =	vsub.f32 v30, v33;
	v31 =	vsub.f32 v31, v34;
	_ =	sdelay $0x1  }
0x11a: {  	v35 =	vsub.f32 v55, v32;
	v30 =	vmul.f32 v30, v30;
	v31 =	vmul.f32 v31, v31;
	_ =	sdelay $0x1  }
0x11b: {  	v30 =	vadd.f32 v31, v30;
	v31 =	vmul.f32 v35, v35;
	_ =	sdelay $0x1  }
0x11c: {  	v30 =	vadd.f32 v31, v30;
	_ =	sdelay $0x1  }
0x11d: {  	vm1 =	vle.f32 v30, $1.599999960e-01  }
0x11e: {  	v30 =	vsel vm1, $0x1, v28  }
0x11f: {  	(xrf0) =	vadd.scan.msk.s32 $0xffff, v30;
	_ =	sdelay $0x1  }
0x120: {  	v30 =	vmpcnt.ones.xlane vm2;
	_ =	sdelay $0x3  }
0x121: {  	v29 =	vadd.s32 v29, v30;
	v30, _, _ =	vpop (xrf0)  }
0x122: {  	v30 =	vadd.s32 v29, v30;
	_ =	sdelay $0x2  }
0x123: {  	s31 =	sadd.s32 $0xFFFFFF90, s0  }
0x124: {  	v31 =	vor.u32 s31, v0  }
0x125: {  	[tilespmem:v30+s18+$0x0] =	vst.idx.msk vm1, v31  }
0x126: {  	v30 =	vld [tilespmem:s30+$0x10]  }
0x127: {  	v31 =	vld [tilespmem:s16+$0x10];
	_ =	sdelay $0x1  }
0x128: {  	v56 =	vld [tilespmem:s4+$0x10];
	_ =	sdelay $0x2  }
0x129: {  	v30 =	vsub.f32 v30, v33;
	v31 =	vsub.f32 v31, v34;
	_ =	sdelay $0x1  }
0x12a: {  	v35 =	vsub.f32 v56, v32;
	v30 =	vmul.f32 v30, v30;
	v31 =	vmul.f32 v31, v31;
	_ =	sdelay $0x1  }
0x12b: {  	v30 =	vadd.f32 v31, v30;
	v31 =	vmul.f32 v35, v35;
	_ =	sdelay $0x1  }
0x12c: {  	v30 =	vadd.f32 v31, v30;
	_ =	sdelay $0x1  }
0x12d: {  	vm2 =	vle.f32 v30, $1.599999960e-01  }
0x12e: {  	v30 =	vsel vm2, $0x1, v28  }
0x12f: {  	(xrf0) =	vadd.scan.msk.s32 $0xffff, v30;
	_ =	sdelay $0x1  }
0x130: {  	v30 =	vmpcnt.ones.xlane vm1;
	_ =	sdelay $0x3  }
0x131: {  	v29 =	vadd.s32 v29, v30;
	v30, _, _ =	vpop (xrf0)  }
0x132: {  	v30 =	vadd.s32 v29, v30;
	_ =	sdelay $0x2  }
0x133: {  	s9 =	sadd.s32 $0xFFFFFFA0, s0  }
0x134: {  	v31 =	vor.u32 s9, v0  }
0x135: {  	[tilespmem:v30+s18+$0x0] =	vst.idx.msk vm2, v31  }
0x136: {  	v30 =	vld [tilespmem:s30+$0x20]  }
0x137: {  	v31 =	vld [tilespmem:s16+$0x20];
	_ =	sdelay $0x1  }
0x138: {  	v57 =	vld [tilespmem:s4+$0x20];
	_ =	sdelay $0x2  }
0x139: {  	v30 =	vsub.f32 v30, v33;
	v31 =	vsub.f32 v31, v34;
	_ =	sdelay $0x1  }
0x13a: {  	v35 =	vsub.f32 v57, v32;
	v30 =	vmul.f32 v30, v30;
	v31 =	vmul.f32 v31, v31;
	_ =	sdelay $0x1  }
0x13b: {  	v30 =	vadd.f32 v31, v30;
	v31 =	vmul.f32 v35, v35;
	_ =	sdelay $0x1  }
0x13c: {  	v30 =	vadd.f32 v31, v30;
	_ =	sdelay $0x1  }
0x13d: {  	vm1 =	vle.f32 v30, $1.599999960e-01  }
0x13e: {  	v30 =	vsel vm1, $0x1, v28  }
0x13f: {  	(xrf0) =	vadd.scan.msk.s32 $0xffff, v30;
	_ =	sdelay $0x1  }
0x140: {  	v30 =	vmpcnt.ones.xlane vm2;
	_ =	sdelay $0x3  }
0x141: {  	v29 =	vadd.s32 v29, v30;
	v30, _, _ =	vpop (xrf0)  }
0x142: {  	v30 =	vadd.s32 v29, v30;
	_ =	sdelay $0x2  }
0x143: {  	s10 =	sadd.s32 $0xFFFFFFB0, s0  }
0x144: {  	v31 =	vor.u32 s10, v0  }
0x145: {  	[tilespmem:v30+s18+$0x0] =	vst.idx.msk vm1, v31  }
0x146: {  	v30 =	vld [tilespmem:s30+$0x30]  }
0x147: {  	v31 =	vld [tilespmem:s16+$0x30];
	_ =	sdelay $0x1  }
0x148: {  	v58 =	vld [tilespmem:s4+$0x30];
	_ =	sdelay $0x2  }
0x149: {  	v30 =	vsub.f32 v30, v33;
	v31 =	vsub.f32 v31, v34;
	_ =	sdelay $0x1  }
0x14a: {  	v35 =	vsub.f32 v58, v32;
	v30 =	vmul.f32 v30, v30;
	v31 =	vmul.f32 v31, v31;
	_ =	sdelay $0x1  }
0x14b: {  	v30 =	vadd.f32 v31, v30;
	v31 =	vmul.f32 v35, v35;
	_ =	sdelay $0x1  }
0x14c: {  	v30 =	vadd.f32 v31, v30;
	_ =	sdelay $0x1  }
0x14d: {  	vm2 =	vle.f32 v30, $1.599999960e-01  }
0x14e: {  	v30 =	vsel vm2, $0x1, v28  }
0x14f: {  	(xrf0) =	vadd.scan.msk.s32 $0xffff, v30;
	_ =	sdelay $0x1  }
0x150: {  	v30 =	vmpcnt.ones.xlane vm1;
	_ =	sdelay $0x3  }
0x151: {  	v29 =	vadd.s32 v29, v30;
	v30, _, _ =	vpop (xrf0)  }
0x152: {  	v30 =	vadd.s32 v29, v30;
	_ =	sdelay $0x2  }
0x153: {  	s31 =	sadd.s32 $0xFFFFFFC0, s0  }
0x154: {  	v31 =	vor.u32 s31, v0  }
0x155: {  	[tilespmem:v30+s18+$0x0] =	vst.idx.msk vm2, v31  }
0x156: {  	v30 =	vld [tilespmem:s30+$0x40]  }
0x157: {  	v31 =	vld [tilespmem:s16+$0x40];
	_ =	sdelay $0x1  }
0x158: {  	v59 =	vld [tilespmem:s4+$0x40];
	_ =	sdelay $0x2  }
0x159: {  	v30 =	vsub.f32 v30, v33;
	v31 =	vsub.f32 v31, v34;
	_ =	sdelay $0x1  }
0x15a: {  	v35 =	vsub.f32 v59, v32;
	v30 =	vmul.f32 v30, v30;
	v31 =	vmul.f32 v31, v31;
	_ =	sdelay $0x1  }
0x15b: {  	v30 =	vadd.f32 v31, v30;
	v31 =	vmul.f32 v35, v35;
	_ =	sdelay $0x1  }
0x15c: {  	v30 =	vadd.f32 v31, v30;
	_ =	sdelay $0x1  }
0x15d: {  	vm1 =	vle.f32 v30, $1.599999960e-01  }
0x15e: {  	v30 =	vsel vm1, $0x1, v28  }
0x15f: {  	(xrf0) =	vadd.scan.msk.s32 $0xffff, v30;
	_ =	sdelay $0x1  }
0x160: {  	v30 =	vmpcnt.ones.xlane vm2;
	_ =	sdelay $0x3  }
0x161: {  	v29 =	vadd.s32 v29, v30;
	v30, _, _ =	vpop (xrf0)  }
0x162: {  	v30 =	vadd.s32 v29, v30;
	_ =	sdelay $0x2  }
0x163: {  	s9 =	sadd.s32 $0xFFFFFFD0, s0  }
0x164: {  	v31 =	vor.u32 s9, v0  }
0x165: {  	[tilespmem:v30+s18+$0x0] =	vst.idx.msk vm1, v31  }
0x166: {  	v30 =	vld [tilespmem:s30+$0x50]  }
0x167: {  	v31 =	vld [tilespmem:s16+$0x50];
	_ =	sdelay $0x1  }
0x168: {  	v60 =	vld [tilespmem:s4+$0x50];
	_ =	sdelay $0x2  }
0x169: {  	v30 =	vsub.f32 v30, v33;
	v31 =	vsub.f32 v31, v34;
	_ =	sdelay $0x1  }
0x16a: {  	v35 =	vsub.f32 v60, v32;
	v30 =	vmul.f32 v30, v30;
	v31 =	vmul.f32 v31, v31;
	_ =	sdelay $0x1  }
0x16b: {  	v30 =	vadd.f32 v31, v30;
	v31 =	vmul.f32 v35, v35;
	_ =	sdelay $0x1  }
0x16c: {  	v30 =	vadd.f32 v31, v30;
	_ =	sdelay $0x1  }
0x16d: {  	vm2 =	vle.f32 v30, $1.599999960e-01  }
0x16e: {  	v30 =	vsel vm2, $0x1, v28  }
0x16f: {  	(xrf0) =	vadd.scan.msk.s32 $0xffff, v30;
	_ =	sdelay $0x1  }
0x170: {  	v30 =	vmpcnt.ones.xlane vm1;
	_ =	sdelay $0x3  }
0x171: {  	v29 =	vadd.s32 v29, v30;
	v30, _, _ =	vpop (xrf0)  }
0x172: {  	v30 =	vadd.s32 v29, v30;
	_ =	sdelay $0x2  }
0x173: {  	s10 =	sadd.s32 $0xFFFFFFE0, s0  }
0x174: {  	v31 =	vor.u32 s10, v0  }
0x175: {  	[tilespmem:v30+s18+$0x0] =	vst.idx.msk vm2, v31  }
0x176: {  	v30 =	vld [tilespmem:s30+$0x60]  }
0x177: {  	v31 =	vld [tilespmem:s16+$0x60];
	_ =	sdelay $0x1  }
0x178: {  	v61 =	vld [tilespmem:s4+$0x60];
	_ =	sdelay $0x2  }
0x179: {  	v30 =	vsub.f32 v30, v33;
	v31 =	vsub.f32 v31, v34;
	_ =	sdelay $0x1  }
0x17a: {  	v35 =	vsub.f32 v61, v32;
	v30 =	vmul.f32 v30, v30;
	v31 =	vmul.f32 v31, v31;
	_ =	sdelay $0x1  }
0x17b: {  	v30 =	vadd.f32 v31, v30;
	v31 =	vmul.f32 v35, v35;
	_ =	sdelay $0x1  }
0x17c: {  	v30 =	vadd.f32 v31, v30;
	_ =	sdelay $0x1  }
0x17d: {  	vm1 =	vle.f32 v30, $1.599999960e-01  }
0x17e: {  	v30 =	vsel vm1, $0x1, v28  }
0x17f: {  	(xrf0) =	vadd.scan.msk.s32 $0xffff, v30;
	_ =	sdelay $0x1  }
0x180: {  	v30 =	vmpcnt.ones.xlane vm2;
	_ =	sdelay $0x3  }
0x181: {  	v29 =	vadd.s32 v29, v30;
	v30, _, _ =	vpop (xrf0)  }
0x182: {  	v30 =	vadd.s32 v29, v30;
	_ =	sdelay $0x2  }
0x183: {  	s31 =	sadd.s32 $0xFFFFFFF0, s0  }
0x184: {  	v31 =	vor.u32 s31, v0  }
0x185: {  	[tilespmem:v30+s18+$0x0] =	vst.idx.msk vm1, v31  }
0x186: {  	v30 =	vld [tilespmem:s30+$0x70]  }
0x187: {  	v31 =	vld [tilespmem:s16+$0x70];
	_ =	sdelay $0x1  }
0x188: {  	v62 =	vld [tilespmem:s4+$0x70];
	_ =	sdelay $0x2  }
0x189: {  	v30 =	vsub.f32 v30, v33;
	v31 =	vsub.f32 v31, v34;
	_ =	sdelay $0x1  }
0x18a: {  	v35 =	vsub.f32 v62, v32;
	v30 =	vmul.f32 v30, v30;
	v31 =	vmul.f32 v31, v31;
	_ =	sdelay $0x1  }
0x18b: {  	v30 =	vadd.f32 v31, v30;
	v31 =	vmul.f32 v35, v35;
	_ =	sdelay $0x1  }
0x18c: {  	v30 =	vadd.f32 v31, v30;
	_ =	sdelay $0x1  }
0x18d: {  	v31 =	vmpcnt.ones.xlane vm1;
	vm1 =	vle.f32 v30, $1.599999960e-01  }
0x18e: {  	v30 =	vmpcnt.ones.xlane vm1  }
0x18f: {  	v31 =	vadd.s32 v29, v31  }
0x190: {  	v29 =	vadd.s32 v30, v31  }
0x191: {  	v29 =	vadd.s32 $0x1, v29  }
0x192: {  	v30 =	vsel vm1, $0x1, v28;
	vm2 =	vlt.s32 v29, $0x40  }
0x193: {  	(xrf0) =	vadd.scan.msk.s32 $0xffff, v30;
	v63 =	vsel vm2, $0x3F800000, v3  }
0x194: {  	(xrf0) =	vmin.scan.msk.f32 $0xffff, v63;
	_ =	sdelay $0x4  }
0x195: {  	v30, _, _ =	vpop (xrf0)  }
0x196: {  	v35, _, _ =	vpop (xrf0)  }
0x197: {  	(v2sf) =	vpush v35, $0xF;
	_ =	sdelay $0xe  }
0x198: {  	p1 =	sgt.u32 s7, $0x3EF;
	s8 =	spop (v2sf)  }
0x199: {  	p2 =	sgt.f32 @!p1 s8, $0.0e+00;
	_ =	sdelay $0x1  }
0x19a: {  	v30 =	vadd.s32 v31, v30;
	p1 =	por p1, !p2  }
.Ltmp3:
0x19b: {  	_ = 	snop;
	(pc) =	sbr.rel @!p1 .LBB2_3-.Ltmp3, $3  }
0x19c: {  	_ =	sdelay $0x1  }
0x19d: {  	s7 =	sadd.s32 $0x10, s7;
	s4 =	sadd.s32 $0x100, s4;
	v31 =	vor.u32 s0, v0  }
0x19e: {  	s16 =	sadd.s32 $0x100, s16;
	s30 =	sadd.s32 $0x100, s30;
	s0 =	sadd.s32 $0x100, s0;
	[tilespmem:v30+s18+$0x0] =	vst.idx.msk vm1, v31  }
0x19f: {  	v29 =	vxor.u32 $0x80000000, v29  }
.LBB2_5:
0x1a0: {  	(xrf0) =	vmax.scan.msk.u32 $0xffff, v29;
	_ =	sdelay $0x5  }
0x1a1: {  	v29, _, _ =	vpop (xrf0)  }
0x1a2: {  	(v2sf) =	vpush v29, $0xF;
	_ =	sdelay $0x3  }
0x1a3: {  	v29 =	vld [tilespmem:$0xC500];
	_ =	sdelay $0x4  }
0x1a4: {  	v30 =	vnsel vm0, $0x0, v29  }
0x1a5: {  	(xrf0) =	vadd.scan.msk.s32 $0xffff, v30;
	_ =	sdelay $0x4  }
0x1a6: {  	s0 =	spop (v2sf)  }
0x1a7: {  	v30, _, _ =	vpop (xrf0);
	s0 =	sxor.u32 $0x80000000, s0  }
0x1a8: {  	v36 =	vbroadcast v30, $0xF;
	v35 =	vmov s0  }
0x1a9: {  	vm1 =	vgt.s32 v35, v0  }
0x1aa: {  	v30 =	vsel vm1, v29, v36;
	_ =	sdelay $0x3  }
0x1ab: {  	s30 =	simm.s32 $0x0  }
0x1ac: {  	v29 =	vld.idx.msk [tilespmem:v30+s30+$0x0], $0xffff  }
0x1ad: {  	v31 =	vld.idx.msk [tilespmem:v30+s14+$0x0], $0xffff  }
0x1ae: {  	v37 =	vld.idx.msk [tilespmem:v30+s15+$0x0], $0xffff;
	_ =	sdelay $0x2  }
0x1af: {  	v29 =	vsub.f32 v29, v33  }
0x1b0: {  	v31 =	vsub.f32 v31, v34  }
0x1b1: {  	v37 =	vsub.f32 v37, v32;
	v29 =	vmul.f32 v29, v26  }
0x1b2: {  	v31 =	vmul.f32 v31, v26  }
0x1b3: {  	[tilespmem:v1+s19+$0x0] =	vst.idx.msk $0xffff, v29;
	v29 =	vmul.f32 v37, v26  }
0x1b4: {  	[tilespmem:v4+s19+$0x0] =	vst.idx.msk $0xffff, v31  }
0x1b5: {  	[tilespmem:v5+s19+$0x0] =	vst.idx.msk $0xffff, v29  }
0x1b6: {  	v31 =	vld [tilespmem:$0xC510];
	_ =	sdelay $0x2  }
0x1b7: {  	v29 =	vor.u32 $0x10, v0  }
0x1b8: {  	vm1 =	vgt.s32 v35, v29  }
0x1b9: {  	v31 =	vsel vm1, v31, v36;
	_ =	sdelay $0x2  }
0x1ba: {  	v30 =	vadd.s32 v2, v30  }
0x1bb: {  	[tilespmem:$0xC680] =	vst v30  }
0x1bc: {  	v30 =	vld.idx.msk [tilespmem:v31+s30+$0x0], $0xffff  }
0x1bd: {  	v56 =	vld.idx.msk [tilespmem:v31+s14+$0x0], $0xffff  }
0x1be: {  	v38 =	vld.idx.msk [tilespmem:v31+s15+$0x0], $0xffff;
	_ =	sdelay $0x2  }
0x1bf: {  	v30 =	vsub.f32 v30, v33  }
0x1c0: {  	v37 =	vsub.f32 v56, v34  }
0x1c1: {  	v38 =	vsub.f32 v38, v32;
	v30 =	vmul.f32 v30, v26  }
0x1c2: {  	v37 =	vmul.f32 v37, v26  }
0x1c3: {  	[tilespmem:v6+s19+$0x0] =	vst.idx.msk $0xffff, v30;
	v30 =	vmul.f32 v38, v26  }
0x1c4: {  	[tilespmem:v7+s19+$0x0] =	vst.idx.msk $0xffff, v37  }
0x1c5: {  	[tilespmem:v8+s19+$0x0] =	vst.idx.msk $0xffff, v30  }
0x1c6: {  	v37 =	vld [tilespmem:$0xC520];
	_ =	sdelay $0x2  }
0x1c7: {  	v30 =	vor.u32 $0x20, v0  }
0x1c8: {  	vm1 =	vgt.s32 v35, v30  }
0x1c9: {  	v37 =	vsel vm1, v37, v36;
	_ =	sdelay $0x2  }
0x1ca: {  	v31 =	vadd.s32 v2, v31  }
0x1cb: {  	[tilespmem:$0xC690] =	vst v31  }
0x1cc: {  	v31 =	vld.idx.msk [tilespmem:v37+s30+$0x0], $0xffff  }
0x1cd: {  	v57 =	vld.idx.msk [tilespmem:v37+s14+$0x0], $0xffff  }
0x1ce: {  	v39 =	vld.idx.msk [tilespmem:v37+s15+$0x0], $0xffff;
	_ =	sdelay $0x2  }
0x1cf: {  	v31 =	vsub.f32 v31, v33  }
0x1d0: {  	v38 =	vsub.f32 v57, v34  }
0x1d1: {  	v39 =	vsub.f32 v39, v32;
	v31 =	vmul.f32 v31, v26  }
0x1d2: {  	v38 =	vmul.f32 v38, v26  }
0x1d3: {  	[tilespmem:v9+s19+$0x0] =	vst.idx.msk $0xffff, v31;
	v31 =	vmul.f32 v39, v26  }
0x1d4: {  	[tilespmem:v10+s19+$0x0] =	vst.idx.msk $0xffff, v38  }
0x1d5: {  	[tilespmem:v11+s19+$0x0] =	vst.idx.msk $0xffff, v31  }
0x1d6: {  	v38 =	vld [tilespmem:$0xC530];
	_ =	sdelay $0x2  }
0x1d7: {  	v31 =	vor.u32 $0x30, v0  }
0x1d8: {  	vm1 =	vgt.s32 v35, v31  }
0x1d9: {  	v35 =	vsel vm1, v38, v36;
	_ =	sdelay $0x2  }
0x1da: {  	v58 =	vadd.s32 v2, v37  }
0x1db: {  	[tilespmem:$0xC6A0] =	vst v58  }
0x1dc: {  	v36 =	vld.idx.msk [tilespmem:v35+s30+$0x0], $0xffff  }
0x1dd: {  	v59 =	vld.idx.msk [tilespmem:v35+s14+$0x0], $0xffff  }
0x1de: {  	v38 =	vld.idx.msk [tilespmem:v35+s15+$0x0], $0xffff;
	_ =	sdelay $0x2  }
0x1df: {  	v60 =	vsub.f32 v36, v33  }
0x1e0: {  	v61 =	vsub.f32 v59, v34  }
0x1e1: {  	v62 =	vsub.f32 v38, v32;
	v33 =	vmul.f32 v60, v26  }
0x1e2: {  	v34 =	vmul.f32 v61, v26  }
0x1e3: {  	v32 =	vmul.f32 v62, v26;
	[tilespmem:v12+s19+$0x0] =	vst.idx.msk $0xffff, v33  }
0x1e4: {  	[tilespmem:v13+s19+$0x0] =	vst.idx.msk $0xffff, v34  }
.Ltmp4:
0x1e5: {  	v63 =	vadd.s32 v2, v35;
	[tilespmem:v14+s19+$0x0] =	vst.idx.msk $0xffff, v32;
	(pc) =	sbr.rel .LBB2_6-.Ltmp4, $4  }
0x1e6: {  	[tilespmem:$0xC6B0] =	vst v63  }
0x1e7: {  	[tilespmem:s22], [sflag:$0x1] =	stream.indirect.gather [hbm4b:s1+s20], $0x80, s21, s20, $0xb8;
	[tilespmem:$0x10980] =	vst v63  }
0x1e8: {  	_ = 	snop  }
0x1e9: {  	[tilespmem:s23], [sflag:$0x2] =	stream.linear.gather [hbm4b:s1+s30], $0x2000, $0x38;
	[tilespmem:$0x10980] =	vst v63  }
.LBB2_13:
0x1ea: {  	v32 =	vxor.u32 $0x80000000, v32  }
.LBB2_14:
0x1eb: {  	(xrf0) =	vmax.scan.msk.u32 $0xffff, v32;
	_ =	sdelay $0x5  }
0x1ec: {  	v32, _, _ =	vpop (xrf0)  }
0x1ed: {  	(v2sf) =	vpush v32, $0xF;
	_ =	sdelay $0x3  }
0x1ee: {  	v53 =	vld [tilespmem:$0xC500];
	_ =	sdelay $0x4  }
0x1ef: {  	v36 =	vnsel vm0, $0x0, v53  }
0x1f0: {  	(xrf0) =	vadd.scan.msk.s32 $0xffff, v36;
	_ =	sdelay $0x4  }
0x1f1: {  	s0 =	spop (v2sf)  }
0x1f2: {  	v36, _, _ =	vpop (xrf0);
	s0 =	sxor.u32 $0x80000000, s0  }
0x1f3: {  	v36 =	vbroadcast v36, $0xF;
	v37 =	vmov s0  }
0x1f4: {  	vm1 =	vgt.s32 v37, v0  }
0x1f5: {  	v32 =	vsel vm1, v53, v36;
	_ =	sdelay $0x4  }
0x1f6: {  	v38 =	vld.idx.msk [tilespmem:v32+s3+$0x0], $0xffff  }
0x1f7: {  	v39 =	vld.idx.msk [tilespmem:v32+s14+$0x0], $0xffff  }
0x1f8: {  	v40 =	vld.idx.msk [tilespmem:v32+s15+$0x0], $0xffff;
	_ =	sdelay $0x2  }
0x1f9: {  	v38 =	vsub.f32 v38, v34  }
0x1fa: {  	v39 =	vsub.f32 v39, v35  }
0x1fb: {  	v40 =	vsub.f32 v40, v33;
	v38 =	vmul.f32 v38, v26  }
0x1fc: {  	v39 =	vmul.f32 v39, v26  }
0x1fd: {  	v54 =	vmul.f32 v40, v26;
	[tilespmem:v1+s19+$0x0] =	vst.idx.msk $0xffff, v38  }
0x1fe: {  	[tilespmem:v4+s19+$0x0] =	vst.idx.msk $0xffff, v39  }
0x1ff: {  	[tilespmem:v5+s19+$0x0] =	vst.idx.msk $0xffff, v54  }
0x200: {  	v38 =	vld [tilespmem:$0xC510];
	_ =	sdelay $0x3  }
0x201: {  	vm1 =	vgt.s32 v37, v29  }
0x202: {  	v38 =	vsel vm1, v38, v36;
	_ =	sdelay $0x2  }
0x203: {  	v32 =	vadd.s32 v2, v32  }
0x204: {  	[tilespmem:$0xC680] =	vst v32  }
0x205: {  	v32 =	vld.idx.msk [tilespmem:v38+s3+$0x0], $0xffff  }
0x206: {  	v39 =	vld.idx.msk [tilespmem:v38+s14+$0x0], $0xffff  }
0x207: {  	v55 =	vld.idx.msk [tilespmem:v38+s15+$0x0], $0xffff;
	_ =	sdelay $0x2  }
0x208: {  	v32 =	vsub.f32 v32, v34  }
0x209: {  	v39 =	vsub.f32 v39, v35  }
0x20a: {  	v40 =	vsub.f32 v55, v33;
	v32 =	vmul.f32 v32, v26  }
0x20b: {  	v39 =	vmul.f32 v39, v26  }
0x20c: {  	v56 =	vmul.f32 v40, v26;
	[tilespmem:v6+s19+$0x0] =	vst.idx.msk $0xffff, v32  }
0x20d: {  	[tilespmem:v7+s19+$0x0] =	vst.idx.msk $0xffff, v39  }
0x20e: {  	[tilespmem:v8+s19+$0x0] =	vst.idx.msk $0xffff, v56  }
0x20f: {  	v32 =	vld [tilespmem:$0xC520];
	_ =	sdelay $0x3  }
0x210: {  	vm1 =	vgt.s32 v37, v30  }
0x211: {  	v32 =	vsel vm1, v32, v36;
	_ =	sdelay $0x2  }
0x212: {  	v38 =	vadd.s32 v2, v38  }
0x213: {  	[tilespmem:$0xC690] =	vst v38  }
0x214: {  	v38 =	vld.idx.msk [tilespmem:v32+s3+$0x0], $0xffff  }
0x215: {  	v39 =	vld.idx.msk [tilespmem:v32+s14+$0x0], $0xffff  }
0x216: {  	v57 =	vld.idx.msk [tilespmem:v32+s15+$0x0], $0xffff;
	_ =	sdelay $0x2  }
0x217: {  	v38 =	vsub.f32 v38, v34  }
0x218: {  	v39 =	vsub.f32 v39, v35  }
0x219: {  	v40 =	vsub.f32 v57, v33;
	v38 =	vmul.f32 v38, v26  }
0x21a: {  	v39 =	vmul.f32 v39, v26  }
0x21b: {  	v58 =	vmul.f32 v40, v26;
	[tilespmem:v9+s19+$0x0] =	vst.idx.msk $0xffff, v38  }
0x21c: {  	[tilespmem:v10+s19+$0x0] =	vst.idx.msk $0xffff, v39  }
0x21d: {  	[tilespmem:v11+s19+$0x0] =	vst.idx.msk $0xffff, v58  }
0x21e: {  	v38 =	vld [tilespmem:$0xC530];
	_ =	sdelay $0x3  }
0x21f: {  	vm1 =	vgt.s32 v37, v31  }
0x220: {  	v36 =	vsel vm1, v38, v36;
	_ =	sdelay $0x2  }
0x221: {  	v32 =	vadd.s32 v2, v32  }
0x222: {  	[tilespmem:$0xC6A0] =	vst v32  }
0x223: {  	v32 =	vld.idx.msk [tilespmem:v36+s3+$0x0], $0xffff  }
0x224: {  	v59 =	vld.idx.msk [tilespmem:v36+s14+$0x0], $0xffff  }
0x225: {  	v38 =	vld.idx.msk [tilespmem:v36+s15+$0x0], $0xffff;
	_ =	sdelay $0x2  }
0x226: {  	v32 =	vsub.f32 v32, v34  }
0x227: {  	v60 =	vsub.f32 v59, v35  }
0x228: {  	v61 =	vsub.f32 v38, v33;
	v32 =	vmul.f32 v32, v26  }
0x229: {  	v34 =	vmul.f32 v60, v26  }
0x22a: {  	v62 =	vmul.f32 v61, v26;
	[tilespmem:v12+s19+$0x0] =	vst.idx.msk $0xffff, v32  }
0x22b: {  	[tilespmem:v13+s19+$0x0] =	vst.idx.msk $0xffff, v34  }
0x22c: {  	v63 =	vadd.s32 v2, v36;
	[tilespmem:v14+s19+$0x0] =	vst.idx.msk $0xffff, v62  }
0x22d: {  	[tilespmem:$0xC6B0] =	vst v63  }
0x22e: {  	_ =	swait.ge [sflag:s25], $0x2000  }
0x22f: {  	[sflag:s25] =	ssyncset.done $0x0  }
0x230: {  	[sflag:s25] =	ssyncadd.s32 $0xFFFFE000  }
0x231: {  	s31 =	sor.u32 s6, s31;
	_ =	swait.ge [sflag:s26], $0x2000  }
0x232: {  	s4 =	sshll.u32 s31, $0xA;
	[sflag:s26] =	ssyncset.done $0x0  }
0x233: {  	s30 =	sadd.s32 $0x1, s30;
	s4 =	sand.u32 $0x1FFFFC00, s4;
	[sflag:s26] =	ssyncadd.s32 $0xFFFFE000  }
0x234: {  	[tilespmem:s22], [sflag:$0x1] =	stream.indirect.gather [hbm4b:s1+s20], $0x80, s21, s20, $0xb8;
	[tilespmem:$0x10980] =	vst v63  }
0x235: {  	p1 =	sne.s32 s30, $0x40;
	s4 =	sadd.s32 s5, s4;
	s0 =	smul.u32 $0x18, s31  }
0x236: {  	[hbm4b:s4+s3] =	stream.linear.scatter [tilespmem:s23], [sflag:$0x2], $0x2000, $0x38;
	[tilespmem:$0x10980] =	vst v63  }
.Ltmp5:
0x237: {  	s0 =	sadd.s32 s2, s0;
	(pc) =	sbr.rel @!p1 .LBB2_15-.Ltmp5, $4  }
0x238: {  	[hbm4b:s0+s3] =	stream.linear.scatter [tilespmem:s24], [sflag:$0x3], $0xC0, $0x38;
	[tilespmem:$0x10980] =	vst v63  }
0x239: {  	_ =	swait.ge [sflag:s13], $0xC0  }
0x23a: {  	[sflag:s13] =	ssyncset.done $0x0  }
0x23b: {  	[sflag:s13] =	ssyncadd.s32 $0xFFFFFF40  }
.LBB2_6:
0x23c: {  	s0 =	sshll.u32 s30, $0x1  }
0x23d: {  	s4 =	sand.u32 $0x70, s0  }
0x23e: {  	v32 =	vld [tilespmem:s4+$0xC080]  }
0x23f: {  	s31 =	sshllo.u32 s30, $0x1;
	v33 =	vld [tilespmem:s4+$0xC180]  }
0x240: {  	s7 =	ssub.s32 s31, s4;
	v34 =	vld [tilespmem:s4+$0xC280]  }
0x241: {  	v35 =	vmov s7  }
0x242: {  	vm1 =	veq.s32 v35, v0  }
0x243: {  	v32 =	vnsel vm1, $0x0, v32  }
0x244: {  	v60 =	vnsel vm1, $0x0, v33;
	(xrf2) =	vadd.scan.msk.f32 $0xffff, v32  }
0x245: {  	v61 =	vnsel vm1, $0x0, v34;
	(xrf2) =	vadd.scan.msk.f32 $0xffff, v60  }
0x246: {  	(xrf2) =	vadd.scan.msk.f32 $0xffff, v61;
	_ =	sdelay $0x6  }
.Ltmp6:
0x247: {  	_ = 	snop;
	(pc) =	sbr.rel @!p0 .LBB2_10-.Ltmp6, $4  }
0x248: {  	v62, _, _ =	vpop (xrf2)  }
0x249: {  	v63, _, _ =	vpop (xrf2)  }
0x24a: {  	v32 =	vimm.s32 $0x80000000;
	v34 =	vbroadcast v62, $0xF;
	v36, _, _ =	vpop (xrf2)  }
0x24b: {  	v35 =	vbroadcast v63, $0xF;
	v33 =	vbroadcast v36, $0xF;
	v36 =	vimm.s32 $0x80000000  }
0x24c: {  	s4 =	simm.s32 $0xF0;
	s16 =	simm.s32 $0x8080  }
0x24d: {  	v36 =	vimm.s32 $0x0;
	s7 =	simm.s32 $0x4080;
	s8 =	simm.s32 $0x80;
	s9 =	simm.s32 $0x0  }
.LBB2_8:
0x24e: {  	v37 =	vld [tilespmem:s8+$0xFFFFFF80]  }
0x24f: {  	v38 =	vld [tilespmem:s7+$0xFFFFFF80];
	_ =	sdelay $0x1  }
0x250: {  	v39 =	vld [tilespmem:s16+$0xFFFFFF80];
	_ =	sdelay $0x2  }
0x251: {  	v37 =	vsub.f32 v37, v34;
	v38 =	vsub.f32 v38, v35;
	_ =	sdelay $0x1  }
0x252: {  	v39 =	vsub.f32 v39, v33;
	v37 =	vmul.f32 v37, v37;
	v38 =	vmul.f32 v38, v38;
	_ =	sdelay $0x1  }
0x253: {  	v56 =	vmul.f32 v39, v39;
	v37 =	vadd.f32 v38, v37;
	_ =	sdelay $0x1  }
0x254: {  	v37 =	vadd.f32 v56, v37;
	_ =	sdelay $0x1  }
0x255: {  	vm1 =	vle.f32 v37, $1.599999960e-01  }
0x256: {  	v37 =	vsel vm1, $0x1, v28  }
0x257: {  	(xrf0) =	vadd.scan.msk.s32 $0xffff, v37;
	_ =	sdelay $0x5  }
0x258: {  	v36 =	vadd.s32 $0xFFFFFFFF, v36;
	v37, _, _ =	vpop (xrf0)  }
0x259: {  	v37 =	vadd.s32 v36, v37;
	_ =	sdelay $0x2  }
0x25a: {  	s10 =	sadd.s32 $0xFFFFFF10, s4  }
0x25b: {  	v57 =	vor.u32 s10, v0  }
0x25c: {  	[tilespmem:v37+s18+$0x0] =	vst.idx.msk vm1, v57  }
0x25d: {  	v37 =	vld [tilespmem:s8+$0xFFFFFF90]  }
0x25e: {  	v38 =	vld [tilespmem:s7+$0xFFFFFF90];
	_ =	sdelay $0x1  }
0x25f: {  	v58 =	vld [tilespmem:s16+$0xFFFFFF90];
	_ =	sdelay $0x2  }
0x260: {  	v37 =	vsub.f32 v37, v34;
	v38 =	vsub.f32 v38, v35;
	_ =	sdelay $0x1  }
0x261: {  	v39 =	vsub.f32 v58, v33;
	v37 =	vmul.f32 v37, v37;
	v38 =	vmul.f32 v38, v38;
	_ =	sdelay $0x1  }
0x262: {  	v59 =	vmul.f32 v39, v39;
	v37 =	vadd.f32 v38, v37;
	_ =	sdelay $0x1  }
0x263: {  	v37 =	vadd.f32 v59, v37;
	_ =	sdelay $0x1  }
0x264: {  	vm2 =	vle.f32 v37, $1.599999960e-01  }
0x265: {  	v37 =	vsel vm2, $0x1, v28  }
0x266: {  	(xrf0) =	vadd.scan.msk.s32 $0xffff, v37;
	_ =	sdelay $0x3  }
0x267: {  	v60 =	vmpcnt.ones.xlane vm1;
	_ =	sdelay $0x1  }
0x268: {  	v36 =	vadd.s32 v36, v60;
	v61, _, _ =	vpop (xrf0)  }
0x269: {  	v37 =	vadd.s32 v36, v61;
	_ =	sdelay $0x2  }
0x26a: {  	s10 =	sadd.s32 $0xFFFFFF20, s4  }
0x26b: {  	v62 =	vor.u32 s10, v0  }
0x26c: {  	[tilespmem:v37+s18+$0x0] =	vst.idx.msk vm2, v62  }
0x26d: {  	v37 =	vld [tilespmem:s8+$0xFFFFFFA0]  }
0x26e: {  	v38 =	vld [tilespmem:s7+$0xFFFFFFA0];
	_ =	sdelay $0x1  }
0x26f: {  	v63 =	vld [tilespmem:s16+$0xFFFFFFA0];
	_ =	sdelay $0x2  }
0x270: {  	v37 =	vsub.f32 v37, v34;
	v38 =	vsub.f32 v38, v35;
	_ =	sdelay $0x1  }
0x271: {  	v39 =	vsub.f32 v63, v33;
	v37 =	vmul.f32 v37, v37;
	v38 =	vmul.f32 v38, v38;
	_ =	sdelay $0x1  }
0x272: {  	v42 =	vmul.f32 v39, v39;
	v37 =	vadd.f32 v38, v37;
	_ =	sdelay $0x1  }
0x273: {  	v37 =	vadd.f32 v42, v37;
	_ =	sdelay $0x1  }
0x274: {  	vm1 =	vle.f32 v37, $1.599999960e-01  }
0x275: {  	v37 =	vsel vm1, $0x1, v28  }
0x276: {  	(xrf0) =	vadd.scan.msk.s32 $0xffff, v37;
	_ =	sdelay $0x3  }
0x277: {  	v43 =	vmpcnt.ones.xlane vm2;
	_ =	sdelay $0x1  }
0x278: {  	v36 =	vadd.s32 v36, v43;
	v44, _, _ =	vpop (xrf0)  }
0x279: {  	v37 =	vadd.s32 v36, v44;
	_ =	sdelay $0x2  }
0x27a: {  	s10 =	sadd.s32 $0xFFFFFF30, s4  }
0x27b: {  	v45 =	vor.u32 s10, v0  }
0x27c: {  	[tilespmem:v37+s18+$0x0] =	vst.idx.msk vm1, v45  }
0x27d: {  	v37 =	vld [tilespmem:s8+$0xFFFFFFB0]  }
0x27e: {  	v38 =	vld [tilespmem:s7+$0xFFFFFFB0];
	_ =	sdelay $0x1  }
0x27f: {  	v46 =	vld [tilespmem:s16+$0xFFFFFFB0];
	_ =	sdelay $0x2  }
0x280: {  	v37 =	vsub.f32 v37, v34;
	v38 =	vsub.f32 v38, v35;
	_ =	sdelay $0x1  }
0x281: {  	v39 =	vsub.f32 v46, v33;
	v37 =	vmul.f32 v37, v37;
	v38 =	vmul.f32 v38, v38;
	_ =	sdelay $0x1  }
0x282: {  	v47 =	vmul.f32 v39, v39;
	v37 =	vadd.f32 v38, v37;
	_ =	sdelay $0x1  }
0x283: {  	v37 =	vadd.f32 v47, v37;
	_ =	sdelay $0x1  }
0x284: {  	vm2 =	vle.f32 v37, $1.599999960e-01  }
0x285: {  	v37 =	vsel vm2, $0x1, v28  }
0x286: {  	(xrf0) =	vadd.scan.msk.s32 $0xffff, v37;
	_ =	sdelay $0x3  }
0x287: {  	v48 =	vmpcnt.ones.xlane vm1;
	_ =	sdelay $0x1  }
0x288: {  	v36 =	vadd.s32 v36, v48;
	v49, _, _ =	vpop (xrf0)  }
0x289: {  	v37 =	vadd.s32 v36, v49;
	_ =	sdelay $0x2  }
0x28a: {  	s10 =	sadd.s32 $0xFFFFFF40, s4  }
0x28b: {  	v50 =	vor.u32 s10, v0  }
0x28c: {  	[tilespmem:v37+s18+$0x0] =	vst.idx.msk vm2, v50  }
0x28d: {  	v37 =	vld [tilespmem:s8+$0xFFFFFFC0]  }
0x28e: {  	v38 =	vld [tilespmem:s7+$0xFFFFFFC0];
	_ =	sdelay $0x1  }
0x28f: {  	v51 =	vld [tilespmem:s16+$0xFFFFFFC0];
	_ =	sdelay $0x2  }
0x290: {  	v37 =	vsub.f32 v37, v34;
	v38 =	vsub.f32 v38, v35;
	_ =	sdelay $0x1  }
0x291: {  	v39 =	vsub.f32 v51, v33;
	v37 =	vmul.f32 v37, v37;
	v38 =	vmul.f32 v38, v38;
	_ =	sdelay $0x1  }
0x292: {  	v52 =	vmul.f32 v39, v39;
	v37 =	vadd.f32 v38, v37;
	_ =	sdelay $0x1  }
0x293: {  	v37 =	vadd.f32 v52, v37;
	_ =	sdelay $0x1  }
0x294: {  	vm1 =	vle.f32 v37, $1.599999960e-01  }
0x295: {  	v37 =	vsel vm1, $0x1, v28  }
0x296: {  	(xrf0) =	vadd.scan.msk.s32 $0xffff, v37;
	_ =	sdelay $0x3  }
0x297: {  	v53 =	vmpcnt.ones.xlane vm2;
	_ =	sdelay $0x1  }
0x298: {  	v36 =	vadd.s32 v36, v53;
	v54, _, _ =	vpop (xrf0)  }
0x299: {  	v37 =	vadd.s32 v36, v54;
	_ =	sdelay $0x2  }
0x29a: {  	s10 =	sadd.s32 $0xFFFFFF50, s4  }
0x29b: {  	v55 =	vor.u32 s10, v0  }
0x29c: {  	[tilespmem:v37+s18+$0x0] =	vst.idx.msk vm1, v55  }
0x29d: {  	v37 =	vld [tilespmem:s8+$0xFFFFFFD0]  }
0x29e: {  	v38 =	vld [tilespmem:s7+$0xFFFFFFD0];
	_ =	sdelay $0x1  }
0x29f: {  	v56 =	vld [tilespmem:s16+$0xFFFFFFD0];
	_ =	sdelay $0x2  }
0x2a0: {  	v37 =	vsub.f32 v37, v34;
	v38 =	vsub.f32 v38, v35;
	_ =	sdelay $0x1  }
0x2a1: {  	v39 =	vsub.f32 v56, v33;
	v37 =	vmul.f32 v37, v37;
	v38 =	vmul.f32 v38, v38;
	_ =	sdelay $0x1  }
0x2a2: {  	v57 =	vmul.f32 v39, v39;
	v37 =	vadd.f32 v38, v37;
	_ =	sdelay $0x1  }
0x2a3: {  	v37 =	vadd.f32 v57, v37;
	_ =	sdelay $0x1  }
0x2a4: {  	vm2 =	vle.f32 v37, $1.599999960e-01  }
0x2a5: {  	v37 =	vsel vm2, $0x1, v28  }
0x2a6: {  	(xrf0) =	vadd.scan.msk.s32 $0xffff, v37;
	_ =	sdelay $0x3  }
0x2a7: {  	v58 =	vmpcnt.ones.xlane vm1;
	_ =	sdelay $0x1  }
0x2a8: {  	v36 =	vadd.s32 v36, v58;
	v59, _, _ =	vpop (xrf0)  }
0x2a9: {  	v37 =	vadd.s32 v36, v59;
	_ =	sdelay $0x2  }
0x2aa: {  	s10 =	sadd.s32 $0xFFFFFF60, s4  }
0x2ab: {  	v60 =	vor.u32 s10, v0  }
0x2ac: {  	[tilespmem:v37+s18+$0x0] =	vst.idx.msk vm2, v60  }
0x2ad: {  	v37 =	vld [tilespmem:s8+$0xFFFFFFE0]  }
0x2ae: {  	v38 =	vld [tilespmem:s7+$0xFFFFFFE0];
	_ =	sdelay $0x1  }
0x2af: {  	v61 =	vld [tilespmem:s16+$0xFFFFFFE0];
	_ =	sdelay $0x2  }
0x2b0: {  	v37 =	vsub.f32 v37, v34;
	v38 =	vsub.f32 v38, v35;
	_ =	sdelay $0x1  }
0x2b1: {  	v39 =	vsub.f32 v61, v33;
	v37 =	vmul.f32 v37, v37;
	v38 =	vmul.f32 v38, v38;
	_ =	sdelay $0x1  }
0x2b2: {  	v62 =	vmul.f32 v39, v39;
	v37 =	vadd.f32 v38, v37;
	_ =	sdelay $0x1  }
0x2b3: {  	v37 =	vadd.f32 v62, v37;
	_ =	sdelay $0x1  }
0x2b4: {  	vm1 =	vle.f32 v37, $1.599999960e-01  }
0x2b5: {  	v37 =	vsel vm1, $0x1, v28  }
0x2b6: {  	(xrf0) =	vadd.scan.msk.s32 $0xffff, v37;
	_ =	sdelay $0x3  }
0x2b7: {  	v63 =	vmpcnt.ones.xlane vm2;
	_ =	sdelay $0x1  }
0x2b8: {  	v36 =	vadd.s32 v36, v63;
	v40, _, _ =	vpop (xrf0)  }
0x2b9: {  	v37 =	vadd.s32 v36, v40;
	_ =	sdelay $0x2  }
0x2ba: {  	s10 =	sadd.s32 $0xFFFFFF70, s4  }
0x2bb: {  	v41 =	vor.u32 s10, v0  }
0x2bc: {  	[tilespmem:v37+s18+$0x0] =	vst.idx.msk vm1, v41  }
0x2bd: {  	v37 =	vld [tilespmem:s8+$0xFFFFFFF0]  }
0x2be: {  	v38 =	vld [tilespmem:s7+$0xFFFFFFF0];
	_ =	sdelay $0x1  }
0x2bf: {  	v42 =	vld [tilespmem:s16+$0xFFFFFFF0];
	_ =	sdelay $0x2  }
0x2c0: {  	v37 =	vsub.f32 v37, v34;
	v38 =	vsub.f32 v38, v35;
	_ =	sdelay $0x1  }
0x2c1: {  	v39 =	vsub.f32 v42, v33;
	v37 =	vmul.f32 v37, v37;
	v38 =	vmul.f32 v38, v38;
	_ =	sdelay $0x1  }
0x2c2: {  	v43 =	vmul.f32 v39, v39;
	v37 =	vadd.f32 v38, v37;
	_ =	sdelay $0x1  }
0x2c3: {  	v37 =	vadd.f32 v43, v37;
	_ =	sdelay $0x1  }
0x2c4: {  	vm2 =	vle.f32 v37, $1.599999960e-01  }
0x2c5: {  	v37 =	vsel vm2, $0x1, v28  }
0x2c6: {  	(xrf0) =	vadd.scan.msk.s32 $0xffff, v37;
	_ =	sdelay $0x3  }
0x2c7: {  	v44 =	vmpcnt.ones.xlane vm1;
	_ =	sdelay $0x1  }
0x2c8: {  	v36 =	vadd.s32 v36, v44;
	v45, _, _ =	vpop (xrf0)  }
0x2c9: {  	v37 =	vadd.s32 v36, v45;
	_ =	sdelay $0x2  }
0x2ca: {  	s10 =	sadd.s32 $0xFFFFFF80, s4  }
0x2cb: {  	v46 =	vor.u32 s10, v0  }
0x2cc: {  	[tilespmem:v37+s18+$0x0] =	vst.idx.msk vm2, v46  }
0x2cd: {  	v37 =	vld [tilespmem:s8+$0x0]  }
0x2ce: {  	v38 =	vld [tilespmem:s7+$0x0];
	_ =	sdelay $0x1  }
0x2cf: {  	v47 =	vld [tilespmem:s16+$0x0];
	_ =	sdelay $0x2  }
0x2d0: {  	v37 =	vsub.f32 v37, v34;
	v38 =	vsub.f32 v38, v35;
	_ =	sdelay $0x1  }
0x2d1: {  	v39 =	vsub.f32 v47, v33;
	v37 =	vmul.f32 v37, v37;
	v38 =	vmul.f32 v38, v38;
	_ =	sdelay $0x1  }
0x2d2: {  	v48 =	vmul.f32 v39, v39;
	v37 =	vadd.f32 v38, v37;
	_ =	sdelay $0x1  }
0x2d3: {  	v37 =	vadd.f32 v48, v37;
	_ =	sdelay $0x1  }
0x2d4: {  	vm1 =	vle.f32 v37, $1.599999960e-01  }
0x2d5: {  	v37 =	vsel vm1, $0x1, v28  }
0x2d6: {  	(xrf0) =	vadd.scan.msk.s32 $0xffff, v37;
	_ =	sdelay $0x3  }
0x2d7: {  	v49 =	vmpcnt.ones.xlane vm2;
	_ =	sdelay $0x1  }
0x2d8: {  	v36 =	vadd.s32 v36, v49;
	v50, _, _ =	vpop (xrf0)  }
0x2d9: {  	v37 =	vadd.s32 v36, v50;
	_ =	sdelay $0x2  }
0x2da: {  	s10 =	sadd.s32 $0xFFFFFF90, s4  }
0x2db: {  	v51 =	vor.u32 s10, v0  }
0x2dc: {  	[tilespmem:v37+s18+$0x0] =	vst.idx.msk vm1, v51  }
0x2dd: {  	v37 =	vld [tilespmem:s8+$0x10]  }
0x2de: {  	v38 =	vld [tilespmem:s7+$0x10];
	_ =	sdelay $0x1  }
0x2df: {  	v52 =	vld [tilespmem:s16+$0x10];
	_ =	sdelay $0x2  }
0x2e0: {  	v37 =	vsub.f32 v37, v34;
	v38 =	vsub.f32 v38, v35;
	_ =	sdelay $0x1  }
0x2e1: {  	v39 =	vsub.f32 v52, v33;
	v37 =	vmul.f32 v37, v37;
	v38 =	vmul.f32 v38, v38;
	_ =	sdelay $0x1  }
0x2e2: {  	v53 =	vmul.f32 v39, v39;
	v37 =	vadd.f32 v38, v37;
	_ =	sdelay $0x1  }
0x2e3: {  	v37 =	vadd.f32 v53, v37;
	_ =	sdelay $0x1  }
0x2e4: {  	vm2 =	vle.f32 v37, $1.599999960e-01  }
0x2e5: {  	v37 =	vsel vm2, $0x1, v28  }
0x2e6: {  	(xrf0) =	vadd.scan.msk.s32 $0xffff, v37;
	_ =	sdelay $0x3  }
0x2e7: {  	v54 =	vmpcnt.ones.xlane vm1;
	_ =	sdelay $0x1  }
0x2e8: {  	v36 =	vadd.s32 v36, v54;
	v55, _, _ =	vpop (xrf0)  }
0x2e9: {  	v37 =	vadd.s32 v36, v55;
	_ =	sdelay $0x2  }
0x2ea: {  	s10 =	sadd.s32 $0xFFFFFFA0, s4  }
0x2eb: {  	v56 =	vor.u32 s10, v0  }
0x2ec: {  	[tilespmem:v37+s18+$0x0] =	vst.idx.msk vm2, v56  }
0x2ed: {  	v37 =	vld [tilespmem:s8+$0x20]  }
0x2ee: {  	v38 =	vld [tilespmem:s7+$0x20];
	_ =	sdelay $0x1  }
0x2ef: {  	v57 =	vld [tilespmem:s16+$0x20];
	_ =	sdelay $0x2  }
0x2f0: {  	v37 =	vsub.f32 v37, v34;
	v38 =	vsub.f32 v38, v35;
	_ =	sdelay $0x1  }
0x2f1: {  	v39 =	vsub.f32 v57, v33;
	v37 =	vmul.f32 v37, v37;
	v38 =	vmul.f32 v38, v38;
	_ =	sdelay $0x1  }
0x2f2: {  	v58 =	vmul.f32 v39, v39;
	v37 =	vadd.f32 v38, v37;
	_ =	sdelay $0x1  }
0x2f3: {  	v37 =	vadd.f32 v58, v37;
	_ =	sdelay $0x1  }
0x2f4: {  	vm1 =	vle.f32 v37, $1.599999960e-01  }
0x2f5: {  	v37 =	vsel vm1, $0x1, v28  }
0x2f6: {  	(xrf0) =	vadd.scan.msk.s32 $0xffff, v37;
	_ =	sdelay $0x3  }
0x2f7: {  	v59 =	vmpcnt.ones.xlane vm2;
	_ =	sdelay $0x1  }
0x2f8: {  	v36 =	vadd.s32 v36, v59;
	v60, _, _ =	vpop (xrf0)  }
0x2f9: {  	v37 =	vadd.s32 v36, v60;
	_ =	sdelay $0x2  }
0x2fa: {  	s10 =	sadd.s32 $0xFFFFFFB0, s4  }
0x2fb: {  	v61 =	vor.u32 s10, v0  }
0x2fc: {  	[tilespmem:v37+s18+$0x0] =	vst.idx.msk vm1, v61  }
0x2fd: {  	v37 =	vld [tilespmem:s8+$0x30]  }
0x2fe: {  	v38 =	vld [tilespmem:s7+$0x30];
	_ =	sdelay $0x1  }
0x2ff: {  	v62 =	vld [tilespmem:s16+$0x30];
	_ =	sdelay $0x2  }
0x300: {  	v37 =	vsub.f32 v37, v34;
	v38 =	vsub.f32 v38, v35;
	_ =	sdelay $0x1  }
0x301: {  	v39 =	vsub.f32 v62, v33;
	v37 =	vmul.f32 v37, v37;
	v38 =	vmul.f32 v38, v38;
	_ =	sdelay $0x1  }
0x302: {  	v63 =	vmul.f32 v39, v39;
	v37 =	vadd.f32 v38, v37;
	_ =	sdelay $0x1  }
0x303: {  	v37 =	vadd.f32 v63, v37;
	_ =	sdelay $0x1  }
0x304: {  	vm2 =	vle.f32 v37, $1.599999960e-01  }
0x305: {  	v37 =	vsel vm2, $0x1, v28  }
0x306: {  	(xrf0) =	vadd.scan.msk.s32 $0xffff, v37;
	_ =	sdelay $0x3  }
0x307: {  	v40 =	vmpcnt.ones.xlane vm1;
	_ =	sdelay $0x1  }
0x308: {  	v36 =	vadd.s32 v36, v40;
	v41, _, _ =	vpop (xrf0)  }
0x309: {  	v37 =	vadd.s32 v36, v41;
	_ =	sdelay $0x2  }
0x30a: {  	s10 =	sadd.s32 $0xFFFFFFC0, s4  }
0x30b: {  	v42 =	vor.u32 s10, v0  }
0x30c: {  	[tilespmem:v37+s18+$0x0] =	vst.idx.msk vm2, v42  }
0x30d: {  	v37 =	vld [tilespmem:s8+$0x40]  }
0x30e: {  	v38 =	vld [tilespmem:s7+$0x40];
	_ =	sdelay $0x1  }
0x30f: {  	v43 =	vld [tilespmem:s16+$0x40];
	_ =	sdelay $0x2  }
0x310: {  	v37 =	vsub.f32 v37, v34;
	v38 =	vsub.f32 v38, v35;
	_ =	sdelay $0x1  }
0x311: {  	v39 =	vsub.f32 v43, v33;
	v37 =	vmul.f32 v37, v37;
	v38 =	vmul.f32 v38, v38;
	_ =	sdelay $0x1  }
0x312: {  	v44 =	vmul.f32 v39, v39;
	v37 =	vadd.f32 v38, v37;
	_ =	sdelay $0x1  }
0x313: {  	v37 =	vadd.f32 v44, v37;
	_ =	sdelay $0x1  }
0x314: {  	vm1 =	vle.f32 v37, $1.599999960e-01  }
0x315: {  	v37 =	vsel vm1, $0x1, v28  }
0x316: {  	(xrf0) =	vadd.scan.msk.s32 $0xffff, v37;
	_ =	sdelay $0x3  }
0x317: {  	v45 =	vmpcnt.ones.xlane vm2;
	_ =	sdelay $0x1  }
0x318: {  	v36 =	vadd.s32 v36, v45;
	v46, _, _ =	vpop (xrf0)  }
0x319: {  	v37 =	vadd.s32 v36, v46;
	_ =	sdelay $0x2  }
0x31a: {  	s10 =	sadd.s32 $0xFFFFFFD0, s4  }
0x31b: {  	v47 =	vor.u32 s10, v0  }
0x31c: {  	[tilespmem:v37+s18+$0x0] =	vst.idx.msk vm1, v47  }
0x31d: {  	v37 =	vld [tilespmem:s8+$0x50]  }
0x31e: {  	v38 =	vld [tilespmem:s7+$0x50];
	_ =	sdelay $0x1  }
0x31f: {  	v48 =	vld [tilespmem:s16+$0x50];
	_ =	sdelay $0x2  }
0x320: {  	v37 =	vsub.f32 v37, v34;
	v38 =	vsub.f32 v38, v35;
	_ =	sdelay $0x1  }
0x321: {  	v39 =	vsub.f32 v48, v33;
	v37 =	vmul.f32 v37, v37;
	v38 =	vmul.f32 v38, v38;
	_ =	sdelay $0x1  }
0x322: {  	v49 =	vmul.f32 v39, v39;
	v37 =	vadd.f32 v38, v37;
	_ =	sdelay $0x1  }
0x323: {  	v37 =	vadd.f32 v49, v37;
	_ =	sdelay $0x1  }
0x324: {  	vm2 =	vle.f32 v37, $1.599999960e-01  }
0x325: {  	v37 =	vsel vm2, $0x1, v28  }
0x326: {  	(xrf0) =	vadd.scan.msk.s32 $0xffff, v37;
	_ =	sdelay $0x3  }
0x327: {  	v50 =	vmpcnt.ones.xlane vm1;
	_ =	sdelay $0x1  }
0x328: {  	v36 =	vadd.s32 v36, v50;
	v51, _, _ =	vpop (xrf0)  }
0x329: {  	v37 =	vadd.s32 v36, v51;
	_ =	sdelay $0x2  }
0x32a: {  	s10 =	sadd.s32 $0xFFFFFFE0, s4  }
0x32b: {  	v52 =	vor.u32 s10, v0  }
0x32c: {  	[tilespmem:v37+s18+$0x0] =	vst.idx.msk vm2, v52  }
0x32d: {  	v37 =	vld [tilespmem:s8+$0x60]  }
0x32e: {  	v38 =	vld [tilespmem:s7+$0x60];
	_ =	sdelay $0x1  }
0x32f: {  	v53 =	vld [tilespmem:s16+$0x60];
	_ =	sdelay $0x2  }
0x330: {  	v37 =	vsub.f32 v37, v34;
	v38 =	vsub.f32 v38, v35;
	_ =	sdelay $0x1  }
0x331: {  	v39 =	vsub.f32 v53, v33;
	v37 =	vmul.f32 v37, v37;
	v38 =	vmul.f32 v38, v38;
	_ =	sdelay $0x1  }
0x332: {  	v54 =	vmul.f32 v39, v39;
	v37 =	vadd.f32 v38, v37;
	_ =	sdelay $0x1  }
0x333: {  	v37 =	vadd.f32 v54, v37;
	_ =	sdelay $0x1  }
0x334: {  	vm1 =	vle.f32 v37, $1.599999960e-01  }
0x335: {  	v37 =	vsel vm1, $0x1, v28  }
0x336: {  	(xrf0) =	vadd.scan.msk.s32 $0xffff, v37;
	_ =	sdelay $0x3  }
0x337: {  	v55 =	vmpcnt.ones.xlane vm2;
	_ =	sdelay $0x1  }
0x338: {  	v36 =	vadd.s32 v36, v55;
	v56, _, _ =	vpop (xrf0)  }
0x339: {  	v37 =	vadd.s32 v36, v56;
	_ =	sdelay $0x2  }
0x33a: {  	s10 =	sadd.s32 $0xFFFFFFF0, s4  }
0x33b: {  	v57 =	vor.u32 s10, v0  }
0x33c: {  	[tilespmem:v37+s18+$0x0] =	vst.idx.msk vm1, v57  }
0x33d: {  	v37 =	vld [tilespmem:s8+$0x70]  }
0x33e: {  	v38 =	vld [tilespmem:s7+$0x70];
	_ =	sdelay $0x1  }
0x33f: {  	v58 =	vld [tilespmem:s16+$0x70];
	_ =	sdelay $0x2  }
0x340: {  	v37 =	vsub.f32 v37, v34;
	v38 =	vsub.f32 v38, v35;
	_ =	sdelay $0x1  }
0x341: {  	v39 =	vsub.f32 v58, v33;
	v37 =	vmul.f32 v37, v37;
	v38 =	vmul.f32 v38, v38;
	_ =	sdelay $0x1  }
0x342: {  	v59 =	vmul.f32 v39, v39;
	v37 =	vadd.f32 v38, v37;
	_ =	sdelay $0x1  }
0x343: {  	v37 =	vadd.f32 v59, v37;
	_ =	sdelay $0x1  }
0x344: {  	v60 =	vmpcnt.ones.xlane vm1;
	vm1 =	vle.f32 v37, $1.599999960e-01  }
0x345: {  	v37 =	vmpcnt.ones.xlane vm1  }
0x346: {  	v38 =	vadd.s32 v36, v60  }
0x347: {  	v36 =	vadd.s32 v37, v38  }
0x348: {  	v36 =	vadd.s32 $0x1, v36  }
0x349: {  	v61 =	vsel vm1, $0x1, v28;
	vm2 =	vlt.s32 v36, $0x40  }
0x34a: {  	(xrf0) =	vadd.scan.msk.s32 $0xffff, v61;
	v62 =	vsel vm2, $0x3F800000, v3  }
0x34b: {  	(xrf0) =	vmin.scan.msk.f32 $0xffff, v62;
	_ =	sdelay $0x4  }
0x34c: {  	v37, _, _ =	vpop (xrf0)  }
0x34d: {  	v39, _, _ =	vpop (xrf0)  }
0x34e: {  	(v2sf) =	vpush v39, $0xF;
	_ =	sdelay $0xe  }
0x34f: {  	p1 =	sgt.u32 s9, $0x3EF;
	s10 =	spop (v2sf)  }
0x350: {  	p2 =	sgt.f32 @!p1 s10, $0.0e+00;
	_ =	sdelay $0x1  }
0x351: {  	v37 =	vadd.s32 v38, v37;
	p1 =	por p1, !p2  }
.Ltmp7:
0x352: {  	_ = 	snop;
	(pc) =	sbr.rel @!p1 .LBB2_8-.Ltmp7, $3  }
0x353: {  	_ =	sdelay $0x1  }
0x354: {  	s9 =	sadd.s32 $0x10, s9;
	v63 =	vor.u32 s4, v0;
	s4 =	sadd.s32 $0x100, s4  }
0x355: {  	s16 =	sadd.s32 $0x100, s16;
	s7 =	sadd.s32 $0x100, s7;
	s8 =	sadd.s32 $0x100, s8;
	[tilespmem:v37+s18+$0x0] =	vst.idx.msk vm1, v63  }
0x356: {  	v36 =	vxor.u32 $0x80000000, v36  }
.LBB2_10:
0x357: {  	(xrf0) =	vmax.scan.msk.u32 $0xffff, v36;
	_ =	sdelay $0x5  }
0x358: {  	v36, _, _ =	vpop (xrf0)  }
0x359: {  	(v2sf) =	vpush v36, $0xF;
	_ =	sdelay $0x3  }
0x35a: {  	v44 =	vld [tilespmem:$0xC500];
	_ =	sdelay $0x4  }
0x35b: {  	v37 =	vnsel vm0, $0x0, v44  }
0x35c: {  	(xrf0) =	vadd.scan.msk.s32 $0xffff, v37;
	_ =	sdelay $0x4  }
0x35d: {  	s4 =	spop (v2sf)  }
0x35e: {  	v37, _, _ =	vpop (xrf0);
	s4 =	sxor.u32 $0x80000000, s4  }
0x35f: {  	v37 =	vbroadcast v37, $0xF;
	v38 =	vmov s4  }
0x360: {  	vm1 =	vgt.s32 v38, v0  }
0x361: {  	v36 =	vsel vm1, v44, v37;
	_ =	sdelay $0x3  }
0x362: {  	s4 =	simm.s32 $0x0  }
0x363: {  	v39 =	vld.idx.msk [tilespmem:v36+s4+$0x0], $0xffff  }
0x364: {  	v40 =	vld.idx.msk [tilespmem:v36+s14+$0x0], $0xffff  }
0x365: {  	v41 =	vld.idx.msk [tilespmem:v36+s15+$0x0], $0xffff;
	_ =	sdelay $0x2  }
0x366: {  	v39 =	vsub.f32 v39, v34  }
0x367: {  	v40 =	vsub.f32 v40, v35  }
0x368: {  	v41 =	vsub.f32 v41, v33;
	v39 =	vmul.f32 v39, v26  }
0x369: {  	v40 =	vmul.f32 v40, v26  }
0x36a: {  	v45 =	vmul.f32 v41, v26;
	[tilespmem:v1+s24+$0x0] =	vst.idx.msk $0xffff, v39  }
0x36b: {  	[tilespmem:v4+s24+$0x0] =	vst.idx.msk $0xffff, v40  }
0x36c: {  	[tilespmem:v5+s24+$0x0] =	vst.idx.msk $0xffff, v45  }
0x36d: {  	v39 =	vld [tilespmem:$0xC510];
	_ =	sdelay $0x3  }
0x36e: {  	vm1 =	vgt.s32 v38, v29  }
0x36f: {  	v39 =	vsel vm1, v39, v37;
	_ =	sdelay $0x2  }
0x370: {  	v36 =	vadd.s32 v2, v36  }
0x371: {  	[tilespmem:$0xC700] =	vst v36  }
0x372: {  	v36 =	vld.idx.msk [tilespmem:v39+s4+$0x0], $0xffff  }
0x373: {  	v40 =	vld.idx.msk [tilespmem:v39+s14+$0x0], $0xffff  }
0x374: {  	v46 =	vld.idx.msk [tilespmem:v39+s15+$0x0], $0xffff;
	_ =	sdelay $0x2  }
0x375: {  	v36 =	vsub.f32 v36, v34  }
0x376: {  	v40 =	vsub.f32 v40, v35  }
0x377: {  	v41 =	vsub.f32 v46, v33;
	v36 =	vmul.f32 v36, v26  }
0x378: {  	v40 =	vmul.f32 v40, v26  }
0x379: {  	v47 =	vmul.f32 v41, v26;
	[tilespmem:v6+s24+$0x0] =	vst.idx.msk $0xffff, v36  }
0x37a: {  	[tilespmem:v7+s24+$0x0] =	vst.idx.msk $0xffff, v40  }
0x37b: {  	[tilespmem:v8+s24+$0x0] =	vst.idx.msk $0xffff, v47  }
0x37c: {  	v36 =	vld [tilespmem:$0xC520];
	_ =	sdelay $0x3  }
0x37d: {  	vm1 =	vgt.s32 v38, v30  }
0x37e: {  	v36 =	vsel vm1, v36, v37;
	_ =	sdelay $0x2  }
0x37f: {  	v39 =	vadd.s32 v2, v39  }
0x380: {  	[tilespmem:$0xC710] =	vst v39  }
0x381: {  	v39 =	vld.idx.msk [tilespmem:v36+s4+$0x0], $0xffff  }
0x382: {  	v40 =	vld.idx.msk [tilespmem:v36+s14+$0x0], $0xffff  }
0x383: {  	v48 =	vld.idx.msk [tilespmem:v36+s15+$0x0], $0xffff;
	_ =	sdelay $0x2  }
0x384: {  	v39 =	vsub.f32 v39, v34  }
0x385: {  	v40 =	vsub.f32 v40, v35  }
0x386: {  	v41 =	vsub.f32 v48, v33;
	v39 =	vmul.f32 v39, v26  }
0x387: {  	v40 =	vmul.f32 v40, v26  }
0x388: {  	v49 =	vmul.f32 v41, v26;
	[tilespmem:v9+s24+$0x0] =	vst.idx.msk $0xffff, v39  }
0x389: {  	[tilespmem:v10+s24+$0x0] =	vst.idx.msk $0xffff, v40  }
0x38a: {  	[tilespmem:v11+s24+$0x0] =	vst.idx.msk $0xffff, v49  }
0x38b: {  	v39 =	vld [tilespmem:$0xC530];
	_ =	sdelay $0x3  }
0x38c: {  	vm1 =	vgt.s32 v38, v31  }
0x38d: {  	v37 =	vsel vm1, v39, v37;
	_ =	sdelay $0x2  }
0x38e: {  	v36 =	vadd.s32 v2, v36  }
0x38f: {  	[tilespmem:$0xC720] =	vst v36  }
0x390: {  	v36 =	vld.idx.msk [tilespmem:v37+s4+$0x0], $0xffff  }
0x391: {  	v50 =	vld.idx.msk [tilespmem:v37+s14+$0x0], $0xffff  }
0x392: {  	v39 =	vld.idx.msk [tilespmem:v37+s15+$0x0], $0xffff;
	_ =	sdelay $0x2  }
0x393: {  	v51 =	vsub.f32 v36, v34  }
0x394: {  	v52 =	vsub.f32 v50, v35  }
0x395: {  	v53 =	vsub.f32 v39, v33;
	v34 =	vmul.f32 v51, v26  }
0x396: {  	v35 =	vmul.f32 v52, v26  }
0x397: {  	v33 =	vmul.f32 v53, v26;
	[tilespmem:v12+s24+$0x0] =	vst.idx.msk $0xffff, v34  }
0x398: {  	[tilespmem:v13+s24+$0x0] =	vst.idx.msk $0xffff, v35  }
0x399: {  	v54 =	vadd.s32 v2, v37;
	[tilespmem:v14+s24+$0x0] =	vst.idx.msk $0xffff, v33  }
0x39a: {  	[tilespmem:$0xC730] =	vst v54  }
0x39b: {  	_ =	swait.ge [sflag:s25], $0x2000  }
0x39c: {  	[sflag:s25] =	ssyncset.done $0x0  }
0x39d: {  	[sflag:s25] =	ssyncadd.s32 $0xFFFFE000  }
0x39e: {  	s7 =	sor.u32 s6, s0;
	_ =	swait.ge [sflag:s26], $0x2000  }
0x39f: {  	s8 =	sshll.u32 s7, $0xA;
	[sflag:s26] =	ssyncset.done $0x0  }
0x3a0: {  	s8 =	sand.u32 $0x1FFFF800, s8;
	[sflag:s26] =	ssyncadd.s32 $0xFFFFE000  }
0x3a1: {  	[tilespmem:s23], [sflag:$0x1] =	stream.indirect.gather [hbm4b:s1+s20], $0x80, s28, s20, $0xb8;
	[tilespmem:$0x10980] =	vst v63  }
0x3a2: {  	s7 =	smul.u32 $0x18, s7;
	s8 =	sadd.s32 s5, s8  }
0x3a3: {  	[hbm4b:s8+s4] =	stream.linear.scatter [tilespmem:s22], [sflag:$0x2], $0x2000, $0x38;
	[tilespmem:$0x10980] =	vst v63  }
0x3a4: {  	s7 =	sadd.s32 s2, s7  }
0x3a5: {  	[hbm4b:s7+s4] =	stream.linear.scatter [tilespmem:s19], [sflag:$0x3], $0xC0, $0x38;
	[tilespmem:$0x10980] =	vst v63  }
0x3a6: {  	_ =	swait.ge [sflag:s13], $0xC0  }
0x3a7: {  	s10 =	sadd.s32 $0x2, s0;
	[sflag:s13] =	ssyncset.done $0x0  }
0x3a8: {  	s16 =	sand.u32 $0xF0, s10;
	[sflag:s13] =	ssyncadd.s32 $0xFFFFFF40  }
0x3a9: {  	v55 =	vld [tilespmem:s16+$0xC080]  }
0x3aa: {  	v56 =	vld [tilespmem:s16+$0xC180]  }
0x3ab: {  	s0 =	sand.u32 $0xE, s10;
	v57 =	vld [tilespmem:s16+$0xC280]  }
0x3ac: {  	v58 =	vmov s0  }
0x3ad: {  	vm1 =	veq.s32 v58, v0  }
0x3ae: {  	v33 =	vnsel vm1, $0x0, v55  }
0x3af: {  	v59 =	vnsel vm1, $0x0, v56;
	(xrf2) =	vadd.scan.msk.f32 $0xffff, v33  }
0x3b0: {  	v60 =	vnsel vm1, $0x0, v57;
	(xrf2) =	vadd.scan.msk.f32 $0xffff, v59  }
0x3b1: {  	(xrf2) =	vadd.scan.msk.f32 $0xffff, v60;
	_ =	sdelay $0x6  }
.Ltmp8:
0x3b2: {  	_ = 	snop;
	(pc) =	sbr.rel @!p0 .LBB2_14-.Ltmp8, $4  }
0x3b3: {  	v61, _, _ =	vpop (xrf2)  }
0x3b4: {  	v62, _, _ =	vpop (xrf2)  }
0x3b5: {  	v34 =	vbroadcast v61, $0xF;
	v63, _, _ =	vpop (xrf2)  }
0x3b6: {  	v35 =	vbroadcast v62, $0xF;
	v33 =	vbroadcast v63, $0xF  }
0x3b7: {  	s0 =	simm.s32 $0xF0  }
0x3b8: {  	v32 =	vimm.s32 $0x0;
	s7 =	simm.s32 $0x8080;
	s8 =	simm.s32 $0x4080;
	s16 =	simm.s32 $0x80  }
.LBB2_12:
0x3b9: {  	v36 =	vld [tilespmem:s16+$0xFFFFFF80]  }
0x3ba: {  	v37 =	vld [tilespmem:s8+$0xFFFFFF80];
	_ =	sdelay $0x1  }
0x3bb: {  	v38 =	vld [tilespmem:s7+$0xFFFFFF80];
	_ =	sdelay $0x2  }
0x3bc: {  	v36 =	vsub.f32 v36, v34;
	v37 =	vsub.f32 v37, v35;
	_ =	sdelay $0x1  }
0x3bd: {  	v38 =	vsub.f32 v38, v33;
	v36 =	vmul.f32 v36, v36;
	v37 =	vmul.f32 v37, v37;
	_ =	sdelay $0x1  }
0x3be: {  	v58 =	vmul.f32 v38, v38;
	v36 =	vadd.f32 v37, v36;
	_ =	sdelay $0x1  }
0x3bf: {  	v36 =	vadd.f32 v58, v36;
	_ =	sdelay $0x1  }
0x3c0: {  	vm1 =	vle.f32 v36, $1.599999960e-01  }
0x3c1: {  	v36 =	vsel vm1, $0x1, v28  }
0x3c2: {  	(xrf0) =	vadd.scan.msk.s32 $0xffff, v36;
	_ =	sdelay $0x5  }
0x3c3: {  	v32 =	vadd.s32 $0xFFFFFFFF, v32;
	v36, _, _ =	vpop (xrf0)  }
0x3c4: {  	v36 =	vadd.s32 v32, v36;
	_ =	sdelay $0x2  }
0x3c5: {  	s9 =	sadd.s32 $0xFFFFFF10, s0  }
0x3c6: {  	v59 =	vor.u32 s9, v0  }
0x3c7: {  	[tilespmem:v36+s18+$0x0] =	vst.idx.msk vm1, v59  }
0x3c8: {  	v36 =	vld [tilespmem:s16+$0xFFFFFF90]  }
0x3c9: {  	v37 =	vld [tilespmem:s8+$0xFFFFFF90];
	_ =	sdelay $0x1  }
0x3ca: {  	v60 =	vld [tilespmem:s7+$0xFFFFFF90];
	_ =	sdelay $0x2  }
0x3cb: {  	v36 =	vsub.f32 v36, v34;
	v37 =	vsub.f32 v37, v35;
	_ =	sdelay $0x1  }
0x3cc: {  	v38 =	vsub.f32 v60, v33;
	v36 =	vmul.f32 v36, v36;
	v37 =	vmul.f32 v37, v37;
	_ =	sdelay $0x1  }
0x3cd: {  	v61 =	vmul.f32 v38, v38;
	v36 =	vadd.f32 v37, v36;
	_ =	sdelay $0x1  }
0x3ce: {  	v36 =	vadd.f32 v61, v36;
	_ =	sdelay $0x1  }
0x3cf: {  	vm2 =	vle.f32 v36, $1.599999960e-01  }
0x3d0: {  	v36 =	vsel vm2, $0x1, v28  }
0x3d1: {  	(xrf0) =	vadd.scan.msk.s32 $0xffff, v36;
	_ =	sdelay $0x3  }
0x3d2: {  	v62 =	vmpcnt.ones.xlane vm1;
	_ =	sdelay $0x1  }
0x3d3: {  	v32 =	vadd.s32 v32, v62;
	v63, _, _ =	vpop (xrf0)  }
0x3d4: {  	v36 =	vadd.s32 v32, v63;
	_ =	sdelay $0x2  }
0x3d5: {  	s10 =	sadd.s32 $0xFFFFFF20, s0  }
0x3d6: {  	v40 =	vor.u32 s10, v0  }
0x3d7: {  	[tilespmem:v36+s18+$0x0] =	vst.idx.msk vm2, v40  }
0x3d8: {  	v36 =	vld [tilespmem:s16+$0xFFFFFFA0]  }
0x3d9: {  	v37 =	vld [tilespmem:s8+$0xFFFFFFA0];
	_ =	sdelay $0x1  }
0x3da: {  	v41 =	vld [tilespmem:s7+$0xFFFFFFA0];
	_ =	sdelay $0x2  }
0x3db: {  	v36 =	vsub.f32 v36, v34;
	v37 =	vsub.f32 v37, v35;
	_ =	sdelay $0x1  }
0x3dc: {  	v38 =	vsub.f32 v41, v33;
	v36 =	vmul.f32 v36, v36;
	v37 =	vmul.f32 v37, v37;
	_ =	sdelay $0x1  }
0x3dd: {  	v42 =	vmul.f32 v38, v38;
	v36 =	vadd.f32 v37, v36;
	_ =	sdelay $0x1  }
0x3de: {  	v36 =	vadd.f32 v42, v36;
	_ =	sdelay $0x1  }
0x3df: {  	vm1 =	vle.f32 v36, $1.599999960e-01  }
0x3e0: {  	v36 =	vsel vm1, $0x1, v28  }
0x3e1: {  	(xrf0) =	vadd.scan.msk.s32 $0xffff, v36;
	_ =	sdelay $0x3  }
0x3e2: {  	v43 =	vmpcnt.ones.xlane vm2;
	_ =	sdelay $0x1  }
0x3e3: {  	v32 =	vadd.s32 v32, v43;
	v44, _, _ =	vpop (xrf0)  }
0x3e4: {  	v36 =	vadd.s32 v32, v44;
	_ =	sdelay $0x2  }
0x3e5: {  	s10 =	sadd.s32 $0xFFFFFF30, s0  }
0x3e6: {  	v45 =	vor.u32 s10, v0  }
0x3e7: {  	[tilespmem:v36+s18+$0x0] =	vst.idx.msk vm1, v45  }
0x3e8: {  	v36 =	vld [tilespmem:s16+$0xFFFFFFB0]  }
0x3e9: {  	v37 =	vld [tilespmem:s8+$0xFFFFFFB0];
	_ =	sdelay $0x1  }
0x3ea: {  	v46 =	vld [tilespmem:s7+$0xFFFFFFB0];
	_ =	sdelay $0x2  }
0x3eb: {  	v36 =	vsub.f32 v36, v34;
	v37 =	vsub.f32 v37, v35;
	_ =	sdelay $0x1  }
0x3ec: {  	v38 =	vsub.f32 v46, v33;
	v36 =	vmul.f32 v36, v36;
	v37 =	vmul.f32 v37, v37;
	_ =	sdelay $0x1  }
0x3ed: {  	v47 =	vmul.f32 v38, v38;
	v36 =	vadd.f32 v37, v36;
	_ =	sdelay $0x1  }
0x3ee: {  	v36 =	vadd.f32 v47, v36;
	_ =	sdelay $0x1  }
0x3ef: {  	vm2 =	vle.f32 v36, $1.599999960e-01  }
0x3f0: {  	v36 =	vsel vm2, $0x1, v28  }
0x3f1: {  	(xrf0) =	vadd.scan.msk.s32 $0xffff, v36;
	_ =	sdelay $0x3  }
0x3f2: {  	v48 =	vmpcnt.ones.xlane vm1;
	_ =	sdelay $0x1  }
0x3f3: {  	v32 =	vadd.s32 v32, v48;
	v49, _, _ =	vpop (xrf0)  }
0x3f4: {  	v36 =	vadd.s32 v32, v49;
	_ =	sdelay $0x2  }
0x3f5: {  	s10 =	sadd.s32 $0xFFFFFF40, s0  }
0x3f6: {  	v50 =	vor.u32 s10, v0  }
0x3f7: {  	[tilespmem:v36+s18+$0x0] =	vst.idx.msk vm2, v50  }
0x3f8: {  	v36 =	vld [tilespmem:s16+$0xFFFFFFC0]  }
0x3f9: {  	v37 =	vld [tilespmem:s8+$0xFFFFFFC0];
	_ =	sdelay $0x1  }
0x3fa: {  	v51 =	vld [tilespmem:s7+$0xFFFFFFC0];
	_ =	sdelay $0x2  }
0x3fb: {  	v36 =	vsub.f32 v36, v34;
	v37 =	vsub.f32 v37, v35;
	_ =	sdelay $0x1  }
0x3fc: {  	v38 =	vsub.f32 v51, v33;
	v36 =	vmul.f32 v36, v36;
	v37 =	vmul.f32 v37, v37;
	_ =	sdelay $0x1  }
0x3fd: {  	v52 =	vmul.f32 v38, v38;
	v36 =	vadd.f32 v37, v36;
	_ =	sdelay $0x1  }
0x3fe: {  	v36 =	vadd.f32 v52, v36;
	_ =	sdelay $0x1  }
0x3ff: {  	vm1 =	vle.f32 v36, $1.599999960e-01  }
0x400: {  	v36 =	vsel vm1, $0x1, v28  }
0x401: {  	(xrf0) =	vadd.scan.msk.s32 $0xffff, v36;
	_ =	sdelay $0x3  }
0x402: {  	v53 =	vmpcnt.ones.xlane vm2;
	_ =	sdelay $0x1  }
0x403: {  	v32 =	vadd.s32 v32, v53;
	v54, _, _ =	vpop (xrf0)  }
0x404: {  	v36 =	vadd.s32 v32, v54;
	_ =	sdelay $0x2  }
0x405: {  	s10 =	sadd.s32 $0xFFFFFF50, s0  }
0x406: {  	v55 =	vor.u32 s10, v0  }
0x407: {  	[tilespmem:v36+s18+$0x0] =	vst.idx.msk vm1, v55  }
0x408: {  	v36 =	vld [tilespmem:s16+$0xFFFFFFD0]  }
0x409: {  	v37 =	vld [tilespmem:s8+$0xFFFFFFD0];
	_ =	sdelay $0x1  }
0x40a: {  	v56 =	vld [tilespmem:s7+$0xFFFFFFD0];
	_ =	sdelay $0x2  }
0x40b: {  	v36 =	vsub.f32 v36, v34;
	v37 =	vsub.f32 v37, v35;
	_ =	sdelay $0x1  }
0x40c: {  	v38 =	vsub.f32 v56, v33;
	v36 =	vmul.f32 v36, v36;
	v37 =	vmul.f32 v37, v37;
	_ =	sdelay $0x1  }
0x40d: {  	v57 =	vmul.f32 v38, v38;
	v36 =	vadd.f32 v37, v36;
	_ =	sdelay $0x1  }
0x40e: {  	v36 =	vadd.f32 v57, v36;
	_ =	sdelay $0x1  }
0x40f: {  	vm2 =	vle.f32 v36, $1.599999960e-01  }
0x410: {  	v36 =	vsel vm2, $0x1, v28  }
0x411: {  	(xrf0) =	vadd.scan.msk.s32 $0xffff, v36;
	_ =	sdelay $0x3  }
0x412: {  	v58 =	vmpcnt.ones.xlane vm1;
	_ =	sdelay $0x1  }
0x413: {  	v32 =	vadd.s32 v32, v58;
	v59, _, _ =	vpop (xrf0)  }
0x414: {  	v36 =	vadd.s32 v32, v59;
	_ =	sdelay $0x2  }
0x415: {  	s10 =	sadd.s32 $0xFFFFFF60, s0  }
0x416: {  	v60 =	vor.u32 s10, v0  }
0x417: {  	[tilespmem:v36+s18+$0x0] =	vst.idx.msk vm2, v60  }
0x418: {  	v36 =	vld [tilespmem:s16+$0xFFFFFFE0]  }
0x419: {  	v37 =	vld [tilespmem:s8+$0xFFFFFFE0];
	_ =	sdelay $0x1  }
0x41a: {  	v61 =	vld [tilespmem:s7+$0xFFFFFFE0];
	_ =	sdelay $0x2  }
0x41b: {  	v36 =	vsub.f32 v36, v34;
	v37 =	vsub.f32 v37, v35;
	_ =	sdelay $0x1  }
0x41c: {  	v38 =	vsub.f32 v61, v33;
	v36 =	vmul.f32 v36, v36;
	v37 =	vmul.f32 v37, v37;
	_ =	sdelay $0x1  }
0x41d: {  	v62 =	vmul.f32 v38, v38;
	v36 =	vadd.f32 v37, v36;
	_ =	sdelay $0x1  }
0x41e: {  	v36 =	vadd.f32 v62, v36;
	_ =	sdelay $0x1  }
0x41f: {  	vm1 =	vle.f32 v36, $1.599999960e-01  }
0x420: {  	v36 =	vsel vm1, $0x1, v28  }
0x421: {  	(xrf0) =	vadd.scan.msk.s32 $0xffff, v36;
	_ =	sdelay $0x3  }
0x422: {  	v63 =	vmpcnt.ones.xlane vm2;
	_ =	sdelay $0x1  }
0x423: {  	v32 =	vadd.s32 v32, v63;
	v40, _, _ =	vpop (xrf0)  }
0x424: {  	v36 =	vadd.s32 v32, v40;
	_ =	sdelay $0x2  }
0x425: {  	s10 =	sadd.s32 $0xFFFFFF70, s0  }
0x426: {  	v41 =	vor.u32 s10, v0  }
0x427: {  	[tilespmem:v36+s18+$0x0] =	vst.idx.msk vm1, v41  }
0x428: {  	v36 =	vld [tilespmem:s16+$0xFFFFFFF0]  }
0x429: {  	v37 =	vld [tilespmem:s8+$0xFFFFFFF0];
	_ =	sdelay $0x1  }
0x42a: {  	v42 =	vld [tilespmem:s7+$0xFFFFFFF0];
	_ =	sdelay $0x2  }
0x42b: {  	v36 =	vsub.f32 v36, v34;
	v37 =	vsub.f32 v37, v35;
	_ =	sdelay $0x1  }
0x42c: {  	v38 =	vsub.f32 v42, v33;
	v36 =	vmul.f32 v36, v36;
	v37 =	vmul.f32 v37, v37;
	_ =	sdelay $0x1  }
0x42d: {  	v43 =	vmul.f32 v38, v38;
	v36 =	vadd.f32 v37, v36;
	_ =	sdelay $0x1  }
0x42e: {  	v36 =	vadd.f32 v43, v36;
	_ =	sdelay $0x1  }
0x42f: {  	vm2 =	vle.f32 v36, $1.599999960e-01  }
0x430: {  	v36 =	vsel vm2, $0x1, v28  }
0x431: {  	(xrf0) =	vadd.scan.msk.s32 $0xffff, v36;
	_ =	sdelay $0x3  }
0x432: {  	v44 =	vmpcnt.ones.xlane vm1;
	_ =	sdelay $0x1  }
0x433: {  	v32 =	vadd.s32 v32, v44;
	v45, _, _ =	vpop (xrf0)  }
0x434: {  	v36 =	vadd.s32 v32, v45;
	_ =	sdelay $0x2  }
0x435: {  	s10 =	sadd.s32 $0xFFFFFF80, s0  }
0x436: {  	v46 =	vor.u32 s10, v0  }
0x437: {  	[tilespmem:v36+s18+$0x0] =	vst.idx.msk vm2, v46  }
0x438: {  	v36 =	vld [tilespmem:s16+$0x0]  }
0x439: {  	v37 =	vld [tilespmem:s8+$0x0];
	_ =	sdelay $0x1  }
0x43a: {  	v47 =	vld [tilespmem:s7+$0x0];
	_ =	sdelay $0x2  }
0x43b: {  	v36 =	vsub.f32 v36, v34;
	v37 =	vsub.f32 v37, v35;
	_ =	sdelay $0x1  }
0x43c: {  	v38 =	vsub.f32 v47, v33;
	v36 =	vmul.f32 v36, v36;
	v37 =	vmul.f32 v37, v37;
	_ =	sdelay $0x1  }
0x43d: {  	v48 =	vmul.f32 v38, v38;
	v36 =	vadd.f32 v37, v36;
	_ =	sdelay $0x1  }
0x43e: {  	v36 =	vadd.f32 v48, v36;
	_ =	sdelay $0x1  }
0x43f: {  	vm1 =	vle.f32 v36, $1.599999960e-01  }
0x440: {  	v36 =	vsel vm1, $0x1, v28  }
0x441: {  	(xrf0) =	vadd.scan.msk.s32 $0xffff, v36;
	_ =	sdelay $0x3  }
0x442: {  	v49 =	vmpcnt.ones.xlane vm2;
	_ =	sdelay $0x1  }
0x443: {  	v32 =	vadd.s32 v32, v49;
	v50, _, _ =	vpop (xrf0)  }
0x444: {  	v36 =	vadd.s32 v32, v50;
	_ =	sdelay $0x2  }
0x445: {  	s10 =	sadd.s32 $0xFFFFFF90, s0  }
0x446: {  	v51 =	vor.u32 s10, v0  }
0x447: {  	[tilespmem:v36+s18+$0x0] =	vst.idx.msk vm1, v51  }
0x448: {  	v36 =	vld [tilespmem:s16+$0x10]  }
0x449: {  	v37 =	vld [tilespmem:s8+$0x10];
	_ =	sdelay $0x1  }
0x44a: {  	v52 =	vld [tilespmem:s7+$0x10];
	_ =	sdelay $0x2  }
0x44b: {  	v36 =	vsub.f32 v36, v34;
	v37 =	vsub.f32 v37, v35;
	_ =	sdelay $0x1  }
0x44c: {  	v38 =	vsub.f32 v52, v33;
	v36 =	vmul.f32 v36, v36;
	v37 =	vmul.f32 v37, v37;
	_ =	sdelay $0x1  }
0x44d: {  	v53 =	vmul.f32 v38, v38;
	v36 =	vadd.f32 v37, v36;
	_ =	sdelay $0x1  }
0x44e: {  	v36 =	vadd.f32 v53, v36;
	_ =	sdelay $0x1  }
0x44f: {  	vm2 =	vle.f32 v36, $1.599999960e-01  }
0x450: {  	v36 =	vsel vm2, $0x1, v28  }
0x451: {  	(xrf0) =	vadd.scan.msk.s32 $0xffff, v36;
	_ =	sdelay $0x3  }
0x452: {  	v54 =	vmpcnt.ones.xlane vm1;
	_ =	sdelay $0x1  }
0x453: {  	v32 =	vadd.s32 v32, v54;
	v55, _, _ =	vpop (xrf0)  }
0x454: {  	v36 =	vadd.s32 v32, v55;
	_ =	sdelay $0x2  }
0x455: {  	s10 =	sadd.s32 $0xFFFFFFA0, s0  }
0x456: {  	v56 =	vor.u32 s10, v0  }
0x457: {  	[tilespmem:v36+s18+$0x0] =	vst.idx.msk vm2, v56  }
0x458: {  	v36 =	vld [tilespmem:s16+$0x20]  }
0x459: {  	v37 =	vld [tilespmem:s8+$0x20];
	_ =	sdelay $0x1  }
0x45a: {  	v57 =	vld [tilespmem:s7+$0x20];
	_ =	sdelay $0x2  }
0x45b: {  	v36 =	vsub.f32 v36, v34;
	v37 =	vsub.f32 v37, v35;
	_ =	sdelay $0x1  }
0x45c: {  	v38 =	vsub.f32 v57, v33;
	v36 =	vmul.f32 v36, v36;
	v37 =	vmul.f32 v37, v37;
	_ =	sdelay $0x1  }
0x45d: {  	v58 =	vmul.f32 v38, v38;
	v36 =	vadd.f32 v37, v36;
	_ =	sdelay $0x1  }
0x45e: {  	v36 =	vadd.f32 v58, v36;
	_ =	sdelay $0x1  }
0x45f: {  	vm1 =	vle.f32 v36, $1.599999960e-01  }
0x460: {  	v36 =	vsel vm1, $0x1, v28  }
0x461: {  	(xrf0) =	vadd.scan.msk.s32 $0xffff, v36;
	_ =	sdelay $0x3  }
0x462: {  	v59 =	vmpcnt.ones.xlane vm2;
	_ =	sdelay $0x1  }
0x463: {  	v32 =	vadd.s32 v32, v59;
	v60, _, _ =	vpop (xrf0)  }
0x464: {  	v36 =	vadd.s32 v32, v60;
	_ =	sdelay $0x2  }
0x465: {  	s10 =	sadd.s32 $0xFFFFFFB0, s0  }
0x466: {  	v61 =	vor.u32 s10, v0  }
0x467: {  	[tilespmem:v36+s18+$0x0] =	vst.idx.msk vm1, v61  }
0x468: {  	v36 =	vld [tilespmem:s16+$0x30]  }
0x469: {  	v37 =	vld [tilespmem:s8+$0x30];
	_ =	sdelay $0x1  }
0x46a: {  	v62 =	vld [tilespmem:s7+$0x30];
	_ =	sdelay $0x2  }
0x46b: {  	v36 =	vsub.f32 v36, v34;
	v37 =	vsub.f32 v37, v35;
	_ =	sdelay $0x1  }
0x46c: {  	v38 =	vsub.f32 v62, v33;
	v36 =	vmul.f32 v36, v36;
	v37 =	vmul.f32 v37, v37;
	_ =	sdelay $0x1  }
0x46d: {  	v63 =	vmul.f32 v38, v38;
	v36 =	vadd.f32 v37, v36;
	_ =	sdelay $0x1  }
0x46e: {  	v36 =	vadd.f32 v63, v36;
	_ =	sdelay $0x1  }
0x46f: {  	vm2 =	vle.f32 v36, $1.599999960e-01  }
0x470: {  	v36 =	vsel vm2, $0x1, v28  }
0x471: {  	(xrf0) =	vadd.scan.msk.s32 $0xffff, v36;
	_ =	sdelay $0x3  }
0x472: {  	v40 =	vmpcnt.ones.xlane vm1;
	_ =	sdelay $0x1  }
0x473: {  	v32 =	vadd.s32 v32, v40;
	v41, _, _ =	vpop (xrf0)  }
0x474: {  	v36 =	vadd.s32 v32, v41;
	_ =	sdelay $0x2  }
0x475: {  	s10 =	sadd.s32 $0xFFFFFFC0, s0  }
0x476: {  	v42 =	vor.u32 s10, v0  }
0x477: {  	[tilespmem:v36+s18+$0x0] =	vst.idx.msk vm2, v42  }
0x478: {  	v36 =	vld [tilespmem:s16+$0x40]  }
0x479: {  	v37 =	vld [tilespmem:s8+$0x40];
	_ =	sdelay $0x1  }
0x47a: {  	v43 =	vld [tilespmem:s7+$0x40];
	_ =	sdelay $0x2  }
0x47b: {  	v36 =	vsub.f32 v36, v34;
	v37 =	vsub.f32 v37, v35;
	_ =	sdelay $0x1  }
0x47c: {  	v38 =	vsub.f32 v43, v33;
	v36 =	vmul.f32 v36, v36;
	v37 =	vmul.f32 v37, v37;
	_ =	sdelay $0x1  }
0x47d: {  	v44 =	vmul.f32 v38, v38;
	v36 =	vadd.f32 v37, v36;
	_ =	sdelay $0x1  }
0x47e: {  	v36 =	vadd.f32 v44, v36;
	_ =	sdelay $0x1  }
0x47f: {  	vm1 =	vle.f32 v36, $1.599999960e-01  }
0x480: {  	v36 =	vsel vm1, $0x1, v28  }
0x481: {  	(xrf0) =	vadd.scan.msk.s32 $0xffff, v36;
	_ =	sdelay $0x3  }
0x482: {  	v45 =	vmpcnt.ones.xlane vm2;
	_ =	sdelay $0x1  }
0x483: {  	v32 =	vadd.s32 v32, v45;
	v46, _, _ =	vpop (xrf0)  }
0x484: {  	v36 =	vadd.s32 v32, v46;
	_ =	sdelay $0x2  }
0x485: {  	s10 =	sadd.s32 $0xFFFFFFD0, s0  }
0x486: {  	v47 =	vor.u32 s10, v0  }
0x487: {  	[tilespmem:v36+s18+$0x0] =	vst.idx.msk vm1, v47  }
0x488: {  	v36 =	vld [tilespmem:s16+$0x50]  }
0x489: {  	v37 =	vld [tilespmem:s8+$0x50];
	_ =	sdelay $0x1  }
0x48a: {  	v48 =	vld [tilespmem:s7+$0x50];
	_ =	sdelay $0x2  }
0x48b: {  	v36 =	vsub.f32 v36, v34;
	v37 =	vsub.f32 v37, v35;
	_ =	sdelay $0x1  }
0x48c: {  	v38 =	vsub.f32 v48, v33;
	v36 =	vmul.f32 v36, v36;
	v37 =	vmul.f32 v37, v37;
	_ =	sdelay $0x1  }
0x48d: {  	v49 =	vmul.f32 v38, v38;
	v36 =	vadd.f32 v37, v36;
	_ =	sdelay $0x1  }
0x48e: {  	v36 =	vadd.f32 v49, v36;
	_ =	sdelay $0x1  }
0x48f: {  	vm2 =	vle.f32 v36, $1.599999960e-01  }
0x490: {  	v36 =	vsel vm2, $0x1, v28  }
0x491: {  	(xrf0) =	vadd.scan.msk.s32 $0xffff, v36;
	_ =	sdelay $0x3  }
0x492: {  	v50 =	vmpcnt.ones.xlane vm1;
	_ =	sdelay $0x1  }
0x493: {  	v32 =	vadd.s32 v32, v50;
	v51, _, _ =	vpop (xrf0)  }
0x494: {  	v36 =	vadd.s32 v32, v51;
	_ =	sdelay $0x2  }
0x495: {  	s10 =	sadd.s32 $0xFFFFFFE0, s0  }
0x496: {  	v52 =	vor.u32 s10, v0  }
0x497: {  	[tilespmem:v36+s18+$0x0] =	vst.idx.msk vm2, v52  }
0x498: {  	v36 =	vld [tilespmem:s16+$0x60]  }
0x499: {  	v37 =	vld [tilespmem:s8+$0x60];
	_ =	sdelay $0x1  }
0x49a: {  	v53 =	vld [tilespmem:s7+$0x60];
	_ =	sdelay $0x2  }
0x49b: {  	v36 =	vsub.f32 v36, v34;
	v37 =	vsub.f32 v37, v35;
	_ =	sdelay $0x1  }
0x49c: {  	v38 =	vsub.f32 v53, v33;
	v36 =	vmul.f32 v36, v36;
	v37 =	vmul.f32 v37, v37;
	_ =	sdelay $0x1  }
0x49d: {  	v54 =	vmul.f32 v38, v38;
	v36 =	vadd.f32 v37, v36;
	_ =	sdelay $0x1  }
0x49e: {  	v36 =	vadd.f32 v54, v36;
	_ =	sdelay $0x1  }
0x49f: {  	vm1 =	vle.f32 v36, $1.599999960e-01  }
0x4a0: {  	v36 =	vsel vm1, $0x1, v28  }
0x4a1: {  	(xrf0) =	vadd.scan.msk.s32 $0xffff, v36;
	_ =	sdelay $0x3  }
0x4a2: {  	v55 =	vmpcnt.ones.xlane vm2;
	_ =	sdelay $0x1  }
0x4a3: {  	v32 =	vadd.s32 v32, v55;
	v56, _, _ =	vpop (xrf0)  }
0x4a4: {  	v36 =	vadd.s32 v32, v56;
	_ =	sdelay $0x2  }
0x4a5: {  	s10 =	sadd.s32 $0xFFFFFFF0, s0  }
0x4a6: {  	v57 =	vor.u32 s10, v0  }
0x4a7: {  	[tilespmem:v36+s18+$0x0] =	vst.idx.msk vm1, v57  }
0x4a8: {  	v36 =	vld [tilespmem:s16+$0x70]  }
0x4a9: {  	v37 =	vld [tilespmem:s8+$0x70];
	_ =	sdelay $0x1  }
0x4aa: {  	v58 =	vld [tilespmem:s7+$0x70];
	_ =	sdelay $0x2  }
0x4ab: {  	v36 =	vsub.f32 v36, v34;
	v37 =	vsub.f32 v37, v35;
	_ =	sdelay $0x1  }
0x4ac: {  	v38 =	vsub.f32 v58, v33;
	v36 =	vmul.f32 v36, v36;
	v37 =	vmul.f32 v37, v37;
	_ =	sdelay $0x1  }
0x4ad: {  	v59 =	vmul.f32 v38, v38;
	v36 =	vadd.f32 v37, v36;
	_ =	sdelay $0x1  }
0x4ae: {  	v36 =	vadd.f32 v59, v36;
	_ =	sdelay $0x1  }
0x4af: {  	v60 =	vmpcnt.ones.xlane vm1;
	vm1 =	vle.f32 v36, $1.599999960e-01  }
0x4b0: {  	v36 =	vmpcnt.ones.xlane vm1  }
0x4b1: {  	v37 =	vadd.s32 v32, v60  }
0x4b2: {  	v32 =	vadd.s32 v36, v37  }
0x4b3: {  	v32 =	vadd.s32 $0x1, v32  }
0x4b4: {  	v61 =	vsel vm1, $0x1, v28;
	vm2 =	vlt.s32 v32, $0x40  }
0x4b5: {  	(xrf0) =	vadd.scan.msk.s32 $0xffff, v61;
	v62 =	vsel vm2, $0x3F800000, v3  }
0x4b6: {  	(xrf0) =	vmin.scan.msk.f32 $0xffff, v62;
	_ =	sdelay $0x4  }
0x4b7: {  	v36, _, _ =	vpop (xrf0)  }
0x4b8: {  	v38, _, _ =	vpop (xrf0)  }
0x4b9: {  	(v2sf) =	vpush v38, $0xF;
	_ =	sdelay $0xe  }
0x4ba: {  	p1 =	sgt.u32 s4, $0x3EF;
	s9 =	spop (v2sf)  }
0x4bb: {  	p2 =	sgt.f32 @!p1 s9, $0.0e+00;
	_ =	sdelay $0x1  }
0x4bc: {  	v36 =	vadd.s32 v37, v36;
	p1 =	por p1, !p2  }
.Ltmp9:
0x4bd: {  	_ = 	snop;
	(pc) =	sbr.rel @!p1 .LBB2_12-.Ltmp9, $3  }
0x4be: {  	_ =	sdelay $0x1  }
0x4bf: {  	s4 =	sadd.s32 $0x10, s4;
	v63 =	vor.u32 s0, v0;
	s0 =	sadd.s32 $0x100, s0  }
0x4c0: {  	s7 =	sadd.s32 $0x100, s7;
	s8 =	sadd.s32 $0x100, s8;
	s16 =	sadd.s32 $0x100, s16;
	[tilespmem:v36+s18+$0x0] =	vst.idx.msk vm1, v63  }
.Ltmp10:
0x4c1: {  	_ = 	snop;
	(pc) =	sbr.rel .LBB2_13-.Ltmp10, $1  }
0x4c2: {  	_ =	sdelay $0x3  }
.LBB2_16:
0x4c3: {  	_ =	sfence.sel $0x180000  }
0x4c4: {  	[bflag:$0x0] =	sbarrier.arrive $0xFFFF  }
0x4c5: {  	_ =	strace $0x90000047  }
0x4c6: {  	s0 =	stileid.u32;
	[bflag:$0x2] =	sbarrier.arrive $0xFFFF  }
0x4c7: {  	p0 =	sne.s32 s0, $0x0;
	s0 =	rddreg [dreg:$0x5]  }
0x4c8: {  	s0 =	sadd.s32 @!p0 $0x100000, s0  }
0x4c9: {  	[sflag:s0] =	ssyncadd.tile.s32 @!p0 $0x1;
	_ =	shalt  }
.Lfunc_end2:
_tile_overlayer_lowered:
.L_overlay_start_2:
0x4ca: {  	(tag) =	ssettag $0x2  }
0x4cb: {  	s0 =	rddreg [dreg:$0x0];
	s2 =	stileid.u32  }
0x4cc: {  	s1 =	rddreg [dreg:$0x1];
	p0 =	sne.s32 s2, $0x0  }
0x4cd: {  	s3 =	rddreg [dreg:$0x2];
	[bflag:$0x3] =	sbarrier.arrive $0xFFFF;
	s2 =	simm.s32 @!p0 $0x1C03  }
0x4ce: {  	[timem:s3], [sflag:s2] =	dma.local @!p0 [hbm:s0], s1  }
0x4cf: {  	s0 =	simm.s32 @!p0 $0x3  }
0x4d0: {  	_ =	swait.ge @!p0 [sflag:s0], s1  }
0x4d1: {  	s1 =	ssub.s32 @!p0 $0x0, s1;
	[sflag:s0] =	ssyncset.done @!p0 $0x0  }
0x4d2: {  	[sflag:s0] =	ssyncadd.s32 @!p0 s1  }
0x4d3: {  	[bflag:$0x3] =	sbarrier.arrive $0xFFFF  }
0x4d4: {  	_ =	shalt  }

// kernel: sparse-core-data-format-call.cloned.1.call-start
scs
called_computation_lowered:
.L_overlay_start_0:
0x0: {  	s1 =	sld [smem:$0x3FD9]  }
0x1: {  	s2 =	sld [smem:$0x3FFE];
	_ =	sdelay $0x1  }
0x2: {  	s3 =	srdreg.scid  }
0x3: {  	s0 =	sand.u32 $0x1, s3  }
0x4: {  	s17 =	sshll.u32 s0, $0xA;
	s1 =	sadd.s32 s2, s1  }
0x5: {  	s1 =	sadd.s32 s1, s17  }
0x6: {  	[smem:$0x3FC5] =	sst s1  }
0x7: {  	_ = 	snop  }
0x8: {  	(tm) =	ssettm $0x1  }
0x9: {  	s18 =	sld [smem:$0x3FFB];
	_ =	sdelay $0x3  }
0xa: {  	_ =	strace s18  }
0xb: {  	s1 =	sld [smem:$0x3FFC];
	_ =	sdelay $0x3  }
0xc: {  	_ =	strace s1  }
0xd: {  	s1 =	sld [smem:$0x3FFD];
	_ =	sdelay $0x3  }
0xe: {  	_ =	strace s1  }
0xf: {  	_ =	strace $0x8FFFFFFF  }
0x10: {  	s19 =	sld [smem:$0x3FDB];
	_ =	sdelay $0x1  }
0x11: {  	s20 =	simm.s32 $_scs_section_size  }
0x12: {  	s4 =	simm.s32 $_size__tile_overlayer_lowered;
	s5 =	simm.s32 $_tile_overlayer_lowered  }
0x13: {  	s23 =	simm.s32 $0x1BFF;
	s22 =	sshll.u32 s5, $0x1;
	s1 =	sadd.s32 s20, s19  }
0x14: {  	s6 =	simm.s32 $0x0;
	s21 =	sshll.u32 s4, $0x1;
	s4 =	sadd.s32 s22, s1  }
0x15: {  	[timem:s6], [sflag:s23] =	dma.local [hbm:s4], s21  }
0x16: {  	_ =	swait.ge [sflag:s23], s21  }
0x17: {  	s2 =	ssub.s32 $0x0, s21;
	[sflag:s23] =	ssyncset.done $0x0  }
0x18: {  	[sflag:s23] =	ssyncadd.s32 s2;
	_ =	sdelay $0x1  }
0x19: {  	s24 =	simm.s32 $0x1B8B  }
0x1a: {  	_ =	swait.ge [sflag:s24], $0x1  }
0x1b: {  	[sflag:s24] =	ssyncset.done $0x0  }
0x1c: {  	s26 =	simm.s32 $0x1B8E;
	s25 =	sld [smem:$0x3FFE];
	[sflag:s24] =	ssyncadd.s32 $0xFFFFFFFF  }
0x1d: {  	s27 =	simm.s32 $execute0_lowered;
	[smem:$0x3FD2] =	sst s26  }
0x1e: {  	s4 =	sshll.u32 s27, $0x1;
	_ =	strace $0x80000049;
	[dreg:$0x1] =	wrdreg $0xFFFFFFFF  }
0x1f: {  	s28 =	simm.s32 $_size_execute0_lowered;
	s1 =	sadd.s32 s1, s4;
	[dreg:$0x0] =	wrdreg $0x0  }
0x20: {  	s4 =	sshll.u32 s28, $0x1;
	[dreg:$0x2] =	wrdreg s1  }
0x21: {  	[dreg:$0x3] =	wrdreg s4  }
0x22: {  	[dreg:$0x4] =	wrdreg $0xC0  }
0x23: {  	_ =	task [dreg:s6], $0x5FFFF  }
0x24: {  	[dreg:$0x1] =	wrdreg $0xFFFFFFFF  }
0x25: {  	[dreg:$0x0] =	wrdreg $0x60  }
0x26: {  	[dreg:$0x2] =	wrdreg s25  }
0x27: {  	[dreg:$0x3] =	wrdreg $0x9  }
0x28: {  	_ =	task.clear_ibuf [dreg:s6], $0x4FFFF;
	_ =	strace $0x90000049  }
0x29: {  	s29 =	simm.s32 $0x9;
	_ =	strace $0x8000004B  }
0x2a: {  	_ =	swait.ge [sflag:s29], $0x1  }
0x2b: {  	[sflag:s29] =	ssyncadd.s32 $0xFFFFFFFF  }
0x2c: {  	_ =	strace $0x9000004B  }
0x2d: {  	_ =	sfence  }
0x2e: {  	s30 =	sld [smem:$0x0];
	_ =	sdelay $0x2  }
0x2f: {  	s31 =	sshll.u32 s3, $0xD;
	s3 =	sshrl.u32 s3, $0x2  }
0x30: {  	s2 =	sand.u32 $0x4000, s31;
	s1 =	sadd.s32 s3, s30  }
0x31: {  	s0 =	sor.u32 s2, s0;
	s1 =	sshll.u32 s1, $0x11  }
0x32: {  	s0 =	sor.u32 s1, s0  }
0x33: {  	s0 =	sadd.s32 $0x8F2B, s0  }
0x34: {  	[sflag:s0] =	ssyncadd.remote.s32 $0x1  }
0x35: {  	_ =	sfence.sel $0xFFFF  }
0x36: {  	[dreg:$0x0] =	wrdreg $0xFFFFFFFF;
	(pc) =	sbr.abs _section_cstart, $3  }
0x37: {  	[dreg:$0x1] =	wrdreg $0xFFFFFFFF  }
0x38: {  	_ =	task.clear_ibuf [dreg:s6], $0x2FFFF;
	_ =	strace $0x9FFFFFFF  }
0x39: {  	(tm) =	ssettm $0x7FFFFFFF  }
tec
execute0_lowered:
.L_overlay_start_1:
0x0: {  	(tag) =	ssettag $0x1  }
0x1: {  	s0 =	stileid.u32;
	s1 =	srdreg.scid  }
0x2: {  	s4 =	rddreg [dreg:$0x0];
	s7 =	simm.s32 $0x1;
	s31 =	simm.s32 $0x2  }
0x3: {  	s16 =	simm.s32 $0x0;
	s2 =	sshll.u32 s0, $0x5;
	s1 =	sshll.u32 s1, $0x9  }
0x4: {  	s9 =	simm.s32 $0x10000;
	s14 =	simm.s32 $0x0;
	s1 =	sor.u32 s2, s1  }
0x5: {  	s15 =	simm.s32 $0x0;
	s10 =	simm.s32 $0x0;
	s2 =	sand.u32 $0x380, s1  }
0x6: {  	s13 =	simm.s32 $0x0;
	s3 =	sadd.s32 $0x7200, s4;
	s5 =	ssub.s32 $0x400, s2  }
0x7: {  	s4 =	sadd.s32 $0x407200, s4;
	s1 =	rddreg [dreg:$0x1];
	s6 =	sand.u32 $0x380, s5  }
.Ltmp0:
0x8: {  	_ =	strace $0x8000004A;
	p0 =	sne.s32 s6, $0x0;
	(pc) =	sbr.rel .LBB1_1-.Ltmp0, $4  }
0x9: {  	s11 =	smov.u32 s2;
	s8 =	sshrl.u32 s5, $0xA;
	s7 =	simm.s32 @!p0 $0x0  }
0xa: {  	s5 =	sand.u32 $0x3, s0;
	s6 =	simm.s32 $0x1;
	s7 =	sadd.s32 s7, s8  }
0xb: {  	s12 =	smov.u32 s5;
	[sflag:s6] =	ssyncpa.u1 $0x0;
	s7 =	sshll.u32 s7, $0x6  }
0xc: {  	p0 =	por $0x0, $0x0;
	[sflag:s31] =	ssyncpa.u1 $0x0;
	s8 =	sor.u32 $0x1, s7  }
.LBB1_4:
0xd: {  	v5 =	vld [tilespmem:s20+$0xFFFFFFD0];
	[tilespmem:s19+$0x2040 ss:$0x81] =	vst.msk $0xffff, v1  }
0xe: {  	v58 =	vld [tilespmem:s20+$0xFFFFFFE0];
	[tilespmem:s19+$0x2850 ss:$0x81] =	vst.msk $0xffff, v2  }
0xf: {  	s21 =	sshra.s32 s21, $0x2;
	v59 =	vld [tilespmem:s20+$0xFFFFFFF0];
	[tilespmem:s19+$0x3060 ss:$0x81] =	vst.msk $0xffff, v3  }
0x10: {  	v60 =	vld [tilespmem:s20+$0x0];
	[tilespmem:s19+$0x0 ss:$0x81] =	vst.msk $0xffff, v0;
	s18 =	sadd.s32 s21, s18  }
0x11: {  	v61 =	vld [tilespmem:s20+$0x10];
	[tilespmem:s18+$0x3870 ss:$0x81] =	vst.msk $0xffff, v4  }
0x12: {  	v62 =	vld [tilespmem:s20+$0x20];
	s26 =	sshll.u32 s16, $0xA;
	s27 =	sshll.u32 s14, $0x3;
	[tilespmem:s18+$0x810 ss:$0x81] =	vst.msk $0xffff, v5  }
0x13: {  	v63 =	vld [tilespmem:s20+$0xFFFFFFC0];
	s29 =	sshll.u32 s16, $0x7;
	s30 =	sand.u32 $0x78, s14;
	s15 =	sshll.u32 s15, $0x14;
	[tilespmem:s18+$0x1020 ss:$0x81] =	vst.msk $0xffff, v58  }
0x14: {  	s19 =	sand.u32 $0xE000, s26;
	s28 =	sand.u32 $0xFC00, s27;
	s16 =	sand.u32 $0x380, s29;
	[tilespmem:s18+$0x1830 ss:$0x81] =	vst.msk $0xffff, v59  }
0x15: {  	s31 =	sand.u32 $0x7, s14;
	s19 =	sadd.s32 s28, s19;
	s16 =	sor.u32 s30, s16;
	[tilespmem:s18+$0x2040 ss:$0x81] =	vst.msk $0xffff, v60  }
0x16: {  	s15 =	sadd.s32 s4, s15;
	s19 =	sshrl.u32 s19, $0x3;
	s16 =	sshrl.u32 s16, $0x3;
	[tilespmem:s18+$0x2850 ss:$0x81] =	vst.msk $0xffff, v61  }
0x17: {  	s14 =	sshll.u32 s31, $0x12;
	s19 =	sand.u32 $0x1F80, s19;
	s15 =	sadd.s32 s16, s15;
	[tilespmem:s18+$0x3060 ss:$0x81] =	vst.msk $0xffff, v62  }
0x18: {  	s14 =	sor.u32 $0x80, s14;
	[tilespmem:s18+$0x0 ss:$0x81] =	vst.msk $0xffff, v63;
	s15 =	sadd.s32 s19, s15  }
0x19: {  	[hbm4b:s15+s14] =	stream.strided.scatter [tilespmem:s17], [sflag:$0x2], $0x4000, s9, s14, $0x20;
	[tilespmem:$0x10100] =	vst v63  }
.LBB1_5:
0x1a: {  	s17 =	sadd.s32 $0x1, s10  }
0x1b: {  	s14 =	sadd.s32 $0x400, s11;
	s18 =	smov.u32 s11;
	p2 =	sgt.s32 s17, $0x3F  }
0x1c: {  	s18 =	smov.u32 @p2 s14  }
0x1d: {  	s20 =	smov.u32 s12;
	s14 =	sadd.s32 $0x4, s12;
	p3 =	sgt.s32 s18, $0x3FF  }
0x1e: {  	s20 =	smov.u32 @p3 s14  }
0x1f: {  	s17 =	simm.s32 @p2 $0x0;
	p2 =	sgt.s32 s20, $0x3  }
0x20: {  	p1 =	slt.u32 s13, $0x2;
	s20 =	smov.u32 @p2 s5;
	p2 =	sne.s32 s13, s8  }
.Ltmp1:
0x21: {  	s19 =	simm.s32 @!p1 $0x2;
	(pc) =	sbr.rel @!p2 .LBB1_6-.Ltmp1, $4  }
0x22: {  	s16 =	smov.u32 s10;
	s15 =	smov.u32 s12;
	_ =	swait.ge @!p1 [sflag:s19], $0x4000  }
0x23: {  	p0 =	por !p0, !p0;
	[sflag:s19] =	ssyncset.done @!p1 $0x0;
	s10 =	smov.u32 s17  }
0x24: {  	s18 =	smov.u32 @p3 s2;
	s14 =	smov.u32 s11;
	[sflag:s19] =	ssyncadd.s32 @!p1 $0xFFFFC000  }
0x25: {  	s11 =	smov.u32 s18;
	s13 =	sadd.s32 $0x1, s13;
	s12 =	smov.u32 s20  }
.LBB1_1:
0x26: {  	p1 =	sge.u32 s13, s7;
	s31 =	sadd.s32 $0xFFFFFFFF, s13  }
0x27: {  	s17 =	sxor.u32 @!p1 $0xFFFFFFFF, s13;
	s18 =	sshll.u32 @!p1 s12, $0x14;
	s19 =	sshll.u32 @!p1 s11, $0xA  }
0x28: {  	s20 =	sshll.u32 @!p1 s10, $0x4;
	s17 =	sshll.u32 @!p1 s17, $0xE;
	s18 =	sadd.s32 @!p1 s3, s18  }
0x29: {  	s20 =	sand.u32 @!p1 $0x3F0, s20;
	s17 =	sand.u32 @!p1 $0x4000, s17;
	s18 =	sadd.s32 @!p1 s19, s18  }
0x2a: {  	s19 =	simm.s32 @!p1 $0x80;
	s18 =	sadd.s32 @!p1 s20, s18;
	s20 =	simm.s32 @!p1 $0x2000  }
0x2b: {  	[tilespmem:s17], [sflag:$0x1] =	stream.strided.gather @!p1 [hbm4b:s18+s19], $0x4000, s20, s19, $0x38;
	[tilespmem:$0x10100] =	vst v63  }
0x2c: {  	p1 =	sge.u32 s31, s7  }
.Ltmp2:
0x2d: {  	_ = 	snop;
	(pc) =	sbr.rel @p1 .LBB1_5-.Ltmp2, $1  }
0x2e: {  	_ =	sdelay $0x3  }
0x2f: {  	s17 =	simm.s32 $0x1  }
0x30: {  	_ =	swait.ge [sflag:s6], $0x4000;
	s17 =	simm.s32 @!p0 $0x0  }
0x31: {  	[sflag:s6] =	ssyncset.done $0x0;
	s18 =	sshll.u32 s17, $0xE  }
0x32: {  	[sflag:s6] =	ssyncadd.s32 $0xFFFFC000;
	s20 =	sor.u32 $0x40, s18  }
0x33: {  	s17 =	smul.u32 $0x10200, s17;
	v0 =	vld [tilespmem:s20+$0x30]  }
0x34: {  	v3 =	vld [tilespmem:s20+$0xFFFFFFD0]  }
0x35: {  	s17 =	sshrl.u32 s17, $0x2;
	v4 =	vld [tilespmem:s20+$0xFFFFFFE0]  }
0x36: {  	v5 =	vld [tilespmem:s20+$0xFFFFFFF0];
	s18 =	sor.u32 $0x8000, s17  }
0x37: {  	s31 =	sand.u32 $0x1, s13;
	v1 =	vld [tilespmem:s20+$0x0];
	s19 =	sadd.s32 $0x0, s18  }
0x38: {  	v2 =	vld [tilespmem:s20+$0x10];
	s17 =	smul.u32 $0x10200, s31;
	[tilespmem:s19+$0x3870 ss:$0x81] =	vst.msk $0xffff, v0  }
0x39: {  	[tilespmem:s19+$0x810 ss:$0x81] =	vst.msk $0xffff, v3;
	v3 =	vld [tilespmem:s20+$0x20]  }
0x3a: {  	s17 =	sshrl.u32 s17, $0x2;
	v0 =	vld [tilespmem:s20+$0xFFFFFFC0];
	[tilespmem:s19+$0x1020 ss:$0x81] =	vst.msk $0xffff, v4;
	s20 =	sadd.s32 $0x80, s20  }
0x3b: {  	s21 =	simm.s32 $0x4;
	s22 =	simm.s32 $0x8;
	s17 =	sor.u32 $0x8000, s17;
	[tilespmem:s19+$0x1830 ss:$0x81] =	vst.msk $0xffff, v5;
	v4 =	vld [tilespmem:s20+$0x30]  }
.LBB1_3:
0x3c: {  	p1 =	sne.s32 s22, $0x1FC;
	v5 =	vld [tilespmem:s20+$0xFFFFFFD0];
	[tilespmem:s19+$0x2040 ss:$0x81] =	vst.msk $0xffff, v1  }
0x3d: {  	v6 =	vld [tilespmem:s20+$0xFFFFFFE0];
	[tilespmem:s19+$0x2850 ss:$0x81] =	vst.msk $0xffff, v2  }
0x3e: {  	s23 =	sshra.s32 s21, $0x2;
	s21 =	smov.u32 s22;
	v7 =	vld [tilespmem:s20+$0xFFFFFFF0];
	[tilespmem:s19+$0x3060 ss:$0x81] =	vst.msk $0xffff, v3  }
.Ltmp3:
0x3f: {  	v1 =	vld [tilespmem:s20+$0x0];
	[tilespmem:s19+$0x0 ss:$0x81] =	vst.msk $0xffff, v0;
	s19 =	sadd.s32 s23, s18;
	(pc) =	sbr.rel @p1 .LBB1_3-.Ltmp3, $4  }
0x40: {  	v2 =	vld [tilespmem:s20+$0x10];
	[tilespmem:s19+$0x3870 ss:$0x81] =	vst.msk $0xffff, v4  }
0x41: {  	[tilespmem:s19+$0x810 ss:$0x81] =	vst.msk $0xffff, v5;
	v3 =	vld [tilespmem:s20+$0x20]  }
0x42: {  	v0 =	vld [tilespmem:s20+$0xFFFFFFC0];
	[tilespmem:s19+$0x1020 ss:$0x81] =	vst.msk $0xffff, v6;
	s20 =	sadd.s32 $0x80, s20  }
0x43: {  	s22 =	sadd.s32 $0x4, s22;
	v4 =	vld [tilespmem:s20+$0x30];
	[tilespmem:s19+$0x1830 ss:$0x81] =	vst.msk $0xffff, v7  }
.Ltmp4:
0x44: {  	_ = 	snop;
	(pc) =	sbr.rel .LBB1_4-.Ltmp4, $1  }
0x45: {  	_ =	sdelay $0x3  }
.LBB1_6:
0x46: {  	_ =	sfence.sel $0x180000  }
0x47: {  	s2 =	simm.s32 $0x1;
	[bflag:$0x0] =	sbarrier.arrive $0xFFFF  }
0x48: {  	s31 =	simm.s32 $0x2;
	[sflag:s2] =	ssyncpa.u1 $0x1  }
0x49: {  	[sflag:s31] =	ssyncpa.u1 $0x1  }
0x4a: {  	p0 =	sne.s32 s0, $0x0;
	_ =	strace $0x9000004A  }
0x4b: {  	s0 =	sadd.s32 @!p0 $0x100000, s1;
	[bflag:$0x2] =	sbarrier.arrive $0xFFFF  }
0x4c: {  	[sflag:s0] =	ssyncadd.tile.s32 @!p0 $0x1;
	_ =	shalt  }
.Lfunc_end1:
_tile_overlayer_lowered:
.L_overlay_start_2:
0x4d: {  	(tag) =	ssettag $0x2  }
0x4e: {  	s0 =	rddreg [dreg:$0x0];
	s2 =	stileid.u32  }
0x4f: {  	s1 =	rddreg [dreg:$0x1];
	p0 =	sne.s32 s2, $0x0  }
0x50: {  	s3 =	rddreg [dreg:$0x2];
	[bflag:$0x3] =	sbarrier.arrive $0xFFFF;
	s2 =	simm.s32 @!p0 $0x1C01  }
0x51: {  	[timem:s3], [sflag:s2] =	dma.local @!p0 [hbm:s0], s1  }
0x52: {  	s0 =	simm.s32 @!p0 $0x1  }
0x53: {  	_ =	swait.ge @!p0 [sflag:s0], s1  }
0x54: {  	s1 =	ssub.s32 @!p0 $0x0, s1;
	[sflag:s0] =	ssyncset.done @!p0 $0x0  }
0x55: {  	[sflag:s0] =	ssyncadd.s32 @!p0 s1  }
0x56: {  	[bflag:$0x3] =	sbarrier.arrive $0xFFFF  }
0x57: {  	_ =	shalt  }

</sc_bundles>
